<compile_context>
chip_gen: v7x
topology: tpu7x:2x2x1
jax: 0.10.2.dev20260603
libtpu: 0.0.44.dev20260713+nightly
codegen_flags: <defaults>
</compile_context>

<pallas_src>
import functools

import jax
import jax.numpy as jnp
from jax import lax
from jax.experimental import pallas as pl
from jax.experimental.pallas import tpu as pltpu
from jax.experimental.pallas import tpu_sc as plsc

NC = 2
NS = 16
NW = NC * NS

G = 125
RPL = 8


def _sc_aggregate(h, edges3d, eflat, zeros_gd, with_deg):
  n_nodes, d = h.shape
  n_edges = eflat.shape[0] // 2
  n_rows = edges3d.shape[1]
  rows_per_tile = n_rows // NW
  n_loads = rows_per_tile // RPL
  n_pairs = n_loads // 2
  epl = RPL * G
  npt = (n_nodes // NS) // 8 * 8
  rem = n_nodes - npt * NS
  assert rows_per_tile % RPL == 0 and n_loads % 2 == 0
  assert rem % 8 == 0

  mesh = plsc.VectorSubcoreMesh(core_axis_name="c", subcore_axis_name="s")

  out_type = [jax.ShapeDtypeStruct((NC, n_nodes, d), jnp.float32)]
  if with_deg:
    out_type.append(jax.ShapeDtypeStruct((NW, 1, n_nodes), jnp.float32))

  scratch = [
      pltpu.VMEM((RPL, G), jnp.int32),
      pltpu.VMEM((RPL, G), jnp.int32),
      pltpu.VMEM((RPL, G), jnp.int32),
      pltpu.VMEM((RPL, G), jnp.int32),
      pltpu.VMEM((G, d), jnp.float32),
      pltpu.VMEM((G, d), jnp.float32),
      pltpu.VMEM_SHARED((n_nodes, d), jnp.float32),
      pltpu.SemaphoreType.DMA,
      pltpu.SemaphoreType.DMA,
      pltpu.SemaphoreType.DMA,
  ]
  if with_deg:
    scratch += [
        pltpu.VMEM((epl,), jnp.int32),
        pltpu.VMEM((epl,), jnp.int32),
        pltpu.VMEM((n_nodes,), jnp.float32),
    ]

  @functools.partial(
      pl.kernel, mesh=mesh, out_type=out_type, scratch_types=scratch,
      compiler_params=pltpu.CompilerParams(needs_layout_passes=False))
  def agg_kernel(h_hbm, edg_hbm, dstf_hbm, zgd_hbm, *rest):
    if with_deg:
      agg_out, deg_out = rest[0], rest[1]
      (src_a, src_b, dst_a, dst_b, rows_a, rows_b, acc_sh,
       sem_a, sem_b, sem_i, dstf_a, dstf_b, deg_v) = rest[2:]
    else:
      agg_out = rest[0]
      (src_a, src_b, dst_a, dst_b, rows_a, rows_b, acc_sh,
       sem_a, sem_b, sem_i) = rest[1:]
      dstf_a = dstf_b = deg_v = None

    cid = lax.axis_index("c")
    sid = lax.axis_index("s")
    wid = sid * NC + cid
    row0 = wid * rows_per_tile

    bufs = (rows_a, rows_b)
    sems = (sem_a, sem_b)
    srcs = (src_a, src_b)
    dsts = (dst_a, dst_b)
    dstfs = (dstf_a, dstf_b)

    def idx_start(half, load):
      pltpu.async_copy(edg_hbm.at[0, pl.ds(row0 + load * RPL, RPL)],
                       srcs[half], sem_i)
      pltpu.async_copy(edg_hbm.at[1, pl.ds(row0 + load * RPL, RPL)],
                       dsts[half], sem_i)
      if with_deg:
        pltpu.async_copy(
            dstf_hbm.at[pl.ds(n_edges + (row0 + load * RPL) * G, epl)],
            dstfs[half], sem_i)

    def idx_wait(half):
      pltpu.make_async_copy(edg_hbm.at[0, pl.ds(0, RPL)], srcs[half],
                            sem_i).wait()
      pltpu.make_async_copy(edg_hbm.at[1, pl.ds(0, RPL)], dsts[half],
                            sem_i).wait()
      if with_deg:
        pltpu.make_async_copy(dstf_hbm.at[pl.ds(0, epl)], dstfs[half],
                              sem_i).wait()

    def gather_start(half, j, buf):
      pltpu.async_copy(h_hbm.at[srcs[half].at[j]], bufs[buf], sems[buf])

    def gather_wait(half, j, buf):
      pltpu.make_async_copy(h_hbm.at[srcs[half].at[j]], bufs[buf],
                            sems[buf]).wait()

    ones16 = jnp.ones((16,), jnp.float32)
    tail = epl % 16
    tail_mask = lax.iota(jnp.int32, 16) >= (16 - tail)
    n_degv = epl // 16
    degv_per_j = -(-n_degv // RPL)

    def deg_chunk(half, j):
      dstf = dstfs[half]
      for k in range(j * degv_per_j, min((j + 1) * degv_per_j, n_degv)):
        plsc.addupdate_scatter(deg_v, [dstf[pl.ds(k * 16, 16)]], ones16)
      if tail and j == RPL - 1:
        plsc.addupdate_scatter(deg_v, [dstf[pl.ds(epl - 16, 16)]], ones16,
                               mask=tail_mask)

    def process(half, cross_issue):
      for j in range(RPL):
        if j + 1 < RPL:
          gather_start(half, j + 1, (j + 1) % 2)
        else:
          cross_issue()
        if with_deg:
          deg_chunk(half, j)
        gather_wait(half, j, j % 2)
        pltpu.sync_copy(bufs[j % 2], acc_sh.at[dsts[half].at[j]],
                        add=True)

    idx_start(0, 0)

    @pl.when(sid < NS - 1)
    def _zero_main():
      pltpu.sync_copy(zgd_hbm.at[pl.ds(0, npt)],
                      acc_sh.at[pl.ds(sid * npt, npt)])

    @pl.when(sid == NS - 1)
    def _zero_tail():
      pltpu.sync_copy(zgd_hbm.at[pl.ds(0, npt + rem)],
                      acc_sh.at[pl.ds(sid * npt, npt + rem)])

    if with_deg:
      def zfill(i, _):
        deg_v[pl.ds(i * 16, 16)] = jnp.zeros((16,), jnp.float32)
        return 0
      lax.fori_loop(0, n_nodes // 16, zfill, 0, unroll=False)

    idx_wait(0)
    gather_start(0, 0, 0)
    plsc.subcore_barrier()

    def body(k, _):
      idx_start(1, 2 * k + 1)

      def cross_ab():
        idx_wait(1)
        gather_start(1, 0, 0)
      process(0, cross_ab)

      @pl.when(k < n_pairs - 1)
      def _prefetch_a():
        idx_start(0, 2 * k + 2)

      def cross_ba():
        @pl.when(k < n_pairs - 1)
        def _():
          idx_wait(0)
          gather_start(0, 0, 0)
      process(1, cross_ba)
      return 0
    lax.fori_loop(0, n_pairs, body, 0, unroll=False)

    plsc.subcore_barrier()

    pltpu.sync_copy(acc_sh.at[pl.ds(sid * npt, npt)],
                    agg_out.at[cid, pl.ds(sid * npt, npt)])

    @pl.when(sid == NS - 1)
    def _dump_tail():
      pltpu.sync_copy(acc_sh.at[pl.ds(NS * npt, rem)],
                      agg_out.at[cid, pl.ds(NS * npt, rem)])

    if with_deg:
      pltpu.sync_copy(deg_v, deg_out.at[wid, 0])

  return agg_kernel(h, edges3d, eflat, zeros_gd)


def _split_matmul(x, nh, w, wb, d):
  z = (lax.dot_general(x, w[pl.ds(0, d), :], (((1,), (0,)), ((), ())),
                       preferred_element_type=jnp.float32)
       + lax.dot_general(nh, w[pl.ds(d, d), :], (((1,), (0,)), ((), ())),
                         preferred_element_type=jnp.float32)
       + wb[...])
  return jnp.maximum(z, 0.0)


def _pinconv_block(aggp_ref, degp_ref, x_ref, q_ref, qb_ref, w_ref, wb_ref,
                   d):
  agg = aggp_ref[0] + aggp_ref[1]
  deg = jnp.sum(degp_ref[:, 0, 0, :], axis=0)
  deg = jnp.maximum(deg, 1.0)[:, None]
  agg = agg / deg
  nh = jnp.maximum(
      lax.dot_general(agg, q_ref[...], (((1,), (0,)), ((), ())),
                      preferred_element_type=jnp.float32) + qb_ref[...],
      0.0)
  z = _split_matmul(x_ref[...], nh, w_ref, wb_ref, d)
  nrm = jnp.sqrt(jnp.sum(z * z, axis=1, keepdims=True))
  return z / jnp.maximum(nrm, 1e-8)


def _tc_layer(aggp, degp, h, q, qb, w, wb):
  n_nodes, d = h.shape
  bn = 1000
  grid = n_nodes // bn

  def body(aggp_ref, degp_ref, h_ref, q_ref, qb_ref, w_ref, wb_ref, o_ref):
    o_ref[...] = _pinconv_block(aggp_ref, degp_ref, h_ref, q_ref, qb_ref,
                                w_ref, wb_ref, d)

  return pl.pallas_call(
      body,
      grid=(grid,),
      in_specs=[
          pl.BlockSpec((NC, bn, d), lambda i: (0, i, 0)),
          pl.BlockSpec((NW, 1, 1, bn), lambda i: (0, i, 0, 0)),
          pl.BlockSpec((bn, d), lambda i: (i, 0)),
          pl.BlockSpec((d, d), lambda i: (0, 0)),
          pl.BlockSpec((d,), lambda i: (0,)),
          pl.BlockSpec((2 * d, d), lambda i: (0, 0)),
          pl.BlockSpec((d,), lambda i: (0,)),
      ],
      out_specs=pl.BlockSpec((bn, d), lambda i: (i, 0)),
      out_shape=jax.ShapeDtypeStruct((n_nodes, d), jnp.float32),
  )(aggp, degp.reshape(NW, grid, 1, bn), h, q, qb, w, wb)


def _tc_layer2_head(aggp, degp, h1, q, qb, w, wb, g_mat, gb,
                    gam1, bet1, gam2, bet2):
  n_nodes, d = h1.shape
  bn = 1000
  grid = n_nodes // bn

  def body(aggp_ref, degp_ref, h1_ref, q_ref, qb_ref, w_ref, wb_ref,
           gm_ref, gb_ref, g1_ref, b1_ref, g2_ref, b2_ref, o_ref, zs_ref):
    i = pl.program_id(0)
    h2 = _pinconv_block(aggp_ref, degp_ref, h1_ref, q_ref, qb_ref,
                        w_ref, wb_ref, d)
    z = jnp.maximum(
        lax.dot_general(h2, gm_ref[...], (((1,), (0,)), ((), ())),
                        preferred_element_type=jnp.float32) + gb_ref[...],
        0.0)
    zs_ref[pl.ds(i * bn, bn), :] = z

    @pl.when(i == grid - 1)
    def _():
      zz = zs_ref[...]
      inv_n = 1.0 / n_nodes
      mu = jnp.sum(zz, axis=0) * inv_n
      c = zz - mu
      var = jnp.sum(c * c, axis=0) * inv_n
      a1 = g1_ref[...] / jnp.sqrt(var + 1e-5)
      a2 = g2_ref[...] / jnp.sqrt(a1 * a1 * var + 1e-5)
      o_ref[...] = (a2 * a1) * c + b2_ref[...]

  vec = pl.BlockSpec((d,), lambda i: (0,))
  return pl.pallas_call(
      body,
      grid=(grid,),
      in_specs=[
          pl.BlockSpec((NC, bn, d), lambda i: (0, i, 0)),
          pl.BlockSpec((NW, 1, 1, bn), lambda i: (0, i, 0, 0)),
          pl.BlockSpec((bn, d), lambda i: (i, 0)),
          pl.BlockSpec((d, d), lambda i: (0, 0)),
          vec,
          pl.BlockSpec((2 * d, d), lambda i: (0, 0)),
          vec,
          pl.BlockSpec((d, d), lambda i: (0, 0)),
          vec, vec, vec, vec, vec,
      ],
      out_specs=pl.BlockSpec((n_nodes, d), lambda i: (0, 0)),
      out_shape=jax.ShapeDtypeStruct((n_nodes, d), jnp.float32),
      scratch_shapes=[pltpu.VMEM((n_nodes, d), jnp.float32)],
  )(aggp, degp.reshape(NW, grid, 1, bn), h1, q, qb, w, wb, g_mat, gb,
    gam1, bet1, gam2, bet2)


def kernel(h, edge_index, Q0, qb0, W0, wb0, Q1, qb1, W1, wb1, G_mat, Gb, g,
           bn_out_gamma, bn_out_beta, bn_gamma, bn_beta):
  e = edge_index.shape[1]
  d = h.shape[1]
  edges3d = edge_index.reshape(2, e // G, G)
  eflat = edge_index.reshape(2 * e)
  zeros_gd = jnp.zeros((640, d), jnp.float32)

  agg1p, degp = _sc_aggregate(h, edges3d, eflat, zeros_gd, with_deg=True)
  h1 = _tc_layer(agg1p, degp, h, Q0, qb0, W0, wb0)
  (agg2p,) = _sc_aggregate(h1, edges3d, eflat, zeros_gd, with_deg=False)
  gam1 = g * bn_out_gamma
  bet1 = g * bn_out_beta
  return _tc_layer2_head(agg2p, degp, h1, Q1, qb1, W1, wb1, G_mat, Gb,
                         gam1, bet1, bn_gamma, bn_beta)

# --- scband reference (transcript-rebuilt; emitter-appended) ---
"""Pipeline reference for scband-gnet-54202487275762 (READ-ONLY COPY).

The authoritative reference and input builder live on the scoring server;
editing this copy changes nothing except your own understanding.
"""

import jax, jax.numpy as jnp
import numpy as np

N = 10000
E = 320000
D = 128

def _glorot(key, shape):
    lim = float(np.sqrt(6.0 / (shape[0] + shape[1])))
    return jax.random.uniform(key, shape, minval=-lim, maxval=lim, dtype=jnp.float32)

def setup_inputs(seed: int = 0):
    key = jax.random.key(seed)
    ks = jax.random.split(key, 8)
    inp = {}
    inp['h'] = jax.random.normal(ks[0], (N, D), dtype=jnp.float32)
    inp['edge_index'] = jax.random.randint(ks[1], (2, E), 0, N, dtype=jnp.int32)
    inp['Q0'] = _glorot(ks[2], (D, D))
    inp['qb0'] = jnp.zeros((D,), jnp.float32)
    inp['W0'] = _glorot(ks[3], (2 * D, D))
    inp['wb0'] = jnp.zeros((D,), jnp.float32)
    inp['Q1'] = _glorot(ks[4], (D, D))
    inp['qb1'] = jnp.zeros((D,), jnp.float32)
    inp['W1'] = _glorot(ks[5], (2 * D, D))
    inp['wb1'] = jnp.zeros((D,), jnp.float32)
    inp['G'] = _glorot(ks[6], (D, D))
    inp['Gb'] = jnp.zeros((D,), jnp.float32)
    inp['g'] = jnp.ones((1,), jnp.float32)
    inp['bn_out_gamma'] = jnp.ones((D,), jnp.float32)
    inp['bn_out_beta'] = jnp.zeros((D,), jnp.float32)
    inp['bn_gamma'] = jnp.ones((D,), jnp.float32)
    inp['bn_beta'] = jnp.zeros((D,), jnp.float32)
    return inp

def _pinconv(h, src, dst, Q, qb, W, wb):
    deg = jax.ops.segment_sum(jnp.ones((E,), jnp.float32), dst, num_segments=N)
    deg = jnp.maximum(deg, 1.0)
    agg = jax.ops.segment_sum(jnp.take(h, src, axis=0), dst, num_segments=N) / deg[:, None]
    nh = jax.nn.relu(agg @ Q + qb)
    z = jax.nn.relu(jnp.concatenate([h, nh], axis=1) @ W + wb)
    nrm = jnp.linalg.norm(z, axis=1, keepdims=True)
    return z / jnp.maximum(nrm, 1e-8)

def _batchnorm(x, gamma, beta):
    mu = jnp.mean(x, axis=0)
    var = jnp.var(x, axis=0)
    return gamma * (x - mu) / jnp.sqrt(var + 1e-5) + beta

def reference(h, edge_index, Q0, qb0, W0, wb0, Q1, qb1, W1, wb1, G, Gb, g, bn_out_gamma, bn_out_beta, bn_gamma, bn_beta):
    src = edge_index[0]
    dst = edge_index[1]
    h1 = _pinconv(h, src, dst, Q0, qb0, W0, wb0)
    h2 = _pinconv(h1, src, dst, Q1, qb1, W1, wb1)
    z = jax.nn.relu(h2 @ G + Gb)
    z = _batchnorm(z, bn_out_gamma, bn_out_beta)
    z = g * z
    z = _batchnorm(z, bn_gamma, bn_beta)
    return z

if __name__ == "__main__":
    import jax
    _d = setup_inputs()
    print(jax.jit(kernel)(*tuple(_d.values())))

</pallas_src>

<mosaic_0001>
#map = affine_map<(d0, d1) -> (0, 0)>
#map1 = affine_map<(d0, d1) -> (0, 0, 0)>
#map2 = affine_map<(d0, d1) -> (0)>
module attributes {stable_mosaic.version = 14 : i64} {
  func.func @agg_kernel(%arg0: i32, %arg1: i32, %arg2: memref<10000x128xf32, #tpu.memory_space<hbm>>, %arg3: memref<2x2560x125xi32, #tpu.memory_space<hbm>>, %arg4: memref<640000xi32, #tpu.memory_space<hbm>>, %arg5: memref<640x128xf32, #tpu.memory_space<hbm>>, %arg6: memref<2x10000x128xf32, #tpu.memory_space<hbm>>, %arg7: memref<32x1x10000xf32, #tpu.memory_space<hbm>>, %arg8: memref<8x125xi32, #tpu.memory_space<vmem>>, %arg9: memref<8x125xi32, #tpu.memory_space<vmem>>, %arg10: memref<8x125xi32, #tpu.memory_space<vmem>>, %arg11: memref<8x125xi32, #tpu.memory_space<vmem>>, %arg12: memref<125x128xf32, #tpu.memory_space<vmem>>, %arg13: memref<125x128xf32, #tpu.memory_space<vmem>>, %arg14: memref<10000x128xf32, #tpu.memory_space<vmem_shared>>, %arg15: memref<!tpu.dma_semaphore, #tpu.memory_space<semaphore_mem>>, %arg16: memref<!tpu.dma_semaphore, #tpu.memory_space<semaphore_mem>>, %arg17: memref<!tpu.dma_semaphore, #tpu.memory_space<semaphore_mem>>, %arg18: memref<1000xi32, #tpu.memory_space<vmem>>, %arg19: memref<1000xi32, #tpu.memory_space<vmem>>, %arg20: memref<10000xf32, #tpu.memory_space<vmem>>) attributes {dimension_semantics = [#tpu.dimension_semantics<core_parallel>, #tpu.dimension_semantics<subcore_parallel>], iteration_bounds = array<i64: 2, 16>, scalar_prefetch = 0 : i64, scratch_operands = 13 : i64, tpu.core_type = #tpu.core_type<sc_vector_subcore>, window_params = [{transform_indices = #map}, {transform_indices = #map1}, {transform_indices = #map2}, {transform_indices = #map}, {transform_indices = #map1}, {transform_indices = #map1}]} {
    %mul3A = arith.constant 2 : i32
    %mul3A_0 = arith.muli %arg1, %mul3A : i32
    %add3A = arith.addi %mul3A_0, %arg0 : i32
    %mul3A_1 = arith.constant 80 : i32
    %mul3A_2 = arith.muli %add3A, %mul3A_1 : i32
    %broadcast_in_dim3A = arith.constant 1.000000e+00 : f32
    %broadcast_in_dim3A_3 = vector.broadcast %broadcast_in_dim3A : f32 to vector<16xf32>
    %iota3A = tpu.iota {dimensions = array<i32: 0>} : vector<16xi32>
    %ge3A = arith.constant 8 : i32
    %ge3A_4 = vector.broadcast %ge3A : i32 to vector<16xi32>
    %ge3A_5 = arith.cmpi sge, %iota3A, %ge3A_4 : vector<16xi32>
    %add3A_6 = arith.constant 0 : i32
    %add3A_7 = arith.addi %mul3A_2, %add3A_6 : i32
    %dma_start3A = arith.constant 0 : i32
    %dma_start3A_8 = arith.constant 0 : i32
    %dma_start3A_9 = tpu.memref_slice %arg3[%dma_start3A, %add3A_7, %dma_start3A_8] : memref<2x2560x125xi32, #tpu.memory_space<hbm>> -> memref<1x8x125xi32, #tpu.memory_space<hbm>>
    %dma_start3A_10 = tpu.memref_squeeze %dma_start3A_9 : memref<1x8x125xi32, #tpu.memory_space<hbm>> -> memref<8x125xi32, #tpu.memory_space<hbm>>
    %dma_start3A_11 = arith.constant 0 : i32
    %dma_start3A_12 = tpu.memref_slice %arg3[%dma_start3A, %add3A_7, %dma_start3A_11] : memref<2x2560x125xi32, #tpu.memory_space<hbm>> -> memref<1x8x125xi32, #tpu.memory_space<hbm>>
    %dma_start3A_13 = tpu.memref_squeeze %dma_start3A_12 : memref<1x8x125xi32, #tpu.memory_space<hbm>> -> memref<8x125xi32, #tpu.memory_space<hbm>>
    tpu.enqueue_dma source(%dma_start3A_13 : memref<8x125xi32, #tpu.memory_space<hbm>>) target(%arg8 : memref<8x125xi32, #tpu.memory_space<vmem>>) target_semaphore(%arg17 : memref<!tpu.dma_semaphore, #tpu.memory_space<semaphore_mem>>)
    %add3A_14 = arith.constant 0 : i32
    %add3A_15 = arith.addi %mul3A_2, %add3A_14 : i32
    %dma_start3A_16 = arith.constant 1 : i32
    %dma_start3A_17 = arith.constant 0 : i32
    %dma_start3A_18 = tpu.memref_slice %arg3[%dma_start3A_16, %add3A_15, %dma_start3A_17] : memref<2x2560x125xi32, #tpu.memory_space<hbm>> -> memref<1x8x125xi32, #tpu.memory_space<hbm>>
    %dma_start3A_19 = tpu.memref_squeeze %dma_start3A_18 : memref<1x8x125xi32, #tpu.memory_space<hbm>> -> memref<8x125xi32, #tpu.memory_space<hbm>>
    %dma_start3A_20 = arith.constant 0 : i32
    %dma_start3A_21 = tpu.memref_slice %arg3[%dma_start3A_16, %add3A_15, %dma_start3A_20] : memref<2x2560x125xi32, #tpu.memory_space<hbm>> -> memref<1x8x125xi32, #tpu.memory_space<hbm>>
    %dma_start3A_22 = tpu.memref_squeeze %dma_start3A_21 : memref<1x8x125xi32, #tpu.memory_space<hbm>> -> memref<8x125xi32, #tpu.memory_space<hbm>>
    tpu.enqueue_dma source(%dma_start3A_22 : memref<8x125xi32, #tpu.memory_space<hbm>>) target(%arg10 : memref<8x125xi32, #tpu.memory_space<vmem>>) target_semaphore(%arg17 : memref<!tpu.dma_semaphore, #tpu.memory_space<semaphore_mem>>)
    %add3A_23 = arith.constant 0 : i32
    %add3A_24 = arith.addi %mul3A_2, %add3A_23 : i32
    %mul3A_25 = arith.constant 125 : i32
    %mul3A_26 = arith.muli %add3A_24, %mul3A_25 : i32
    %add3A_27 = arith.constant 320000 : i32
    %add3A_28 = arith.addi %add3A_27, %mul3A_26 : i32
    %dma_start3A_29 = tpu.memref_slice %arg4[%add3A_28] : memref<640000xi32, #tpu.memory_space<hbm>> -> memref<1000xi32, #tpu.memory_space<hbm>>
    %dma_start3A_30 = tpu.memref_slice %arg4[%add3A_28] : memref<640000xi32, #tpu.memory_space<hbm>> -> memref<1000xi32, #tpu.memory_space<hbm>>
    tpu.enqueue_dma source(%dma_start3A_30 : memref<1000xi32, #tpu.memory_space<hbm>>) target(%arg18 : memref<1000xi32, #tpu.memory_space<vmem>>) target_semaphore(%arg17 : memref<!tpu.dma_semaphore, #tpu.memory_space<semaphore_mem>>)
    %lt3A = arith.constant 15 : i32
    %lt3A_31 = arith.cmpi slt, %arg1, %lt3A : i32
    %convert_element_type3A = arith.extui %lt3A_31 : i1 to i32
    %cond3A = arith.constant 0 : i32
    %cond3A_32 = arith.cmpi ne, %convert_element_type3A, %cond3A : i32
    scf.if %cond3A_32 {
      %mul3A_88 = arith.constant 624 : i32
      %mul3A_89 = arith.muli %arg1, %mul3A_88 : i32
      "tpu.region"() ({
        %run_scoped3A_90 = tpu.sem_alloc : memref<!tpu.dma_semaphore, #tpu.memory_space<semaphore_mem>>
        %dma_start3A_91 = arith.constant 0 : i32
        %dma_start3A_92 = tpu.memref_slice %arg14[%mul3A_89, %dma_start3A_91] : memref<10000x128xf32, #tpu.memory_space<vmem_shared>> -> memref<624x128xf32, #tpu.memory_space<vmem_shared>>
        %dma_start3A_93 = arith.constant 0 : i32
        %dma_start3A_94 = arith.constant 0 : i32
        %dma_start3A_95 = tpu.memref_slice %arg5[%dma_start3A_93, %dma_start3A_94] : memref<640x128xf32, #tpu.memory_space<hbm>> -> memref<624x128xf32, #tpu.memory_space<hbm>>
        tpu.enqueue_dma source(%dma_start3A_95 : memref<624x128xf32, #tpu.memory_space<hbm>>) target(%dma_start3A_92 : memref<624x128xf32, #tpu.memory_space<vmem_shared>>) target_semaphore(%run_scoped3A_90 : memref<!tpu.dma_semaphore, #tpu.memory_space<semaphore_mem>>)
        %dma_wait3A_96 = arith.constant 0 : i32
        %dma_wait3A_97 = tpu.memref_slice %arg14[%mul3A_89, %dma_wait3A_96] : memref<10000x128xf32, #tpu.memory_space<vmem_shared>> -> memref<624x128xf32, #tpu.memory_space<vmem_shared>>
        %dma_wait3A_98 = arith.constant 0 : i32
        %dma_wait3A_99 = arith.constant 0 : i32
        %dma_wait3A_100 = tpu.memref_slice %arg5[%dma_wait3A_98, %dma_wait3A_99] : memref<640x128xf32, #tpu.memory_space<hbm>> -> memref<624x128xf32, #tpu.memory_space<hbm>>
        tpu.wait_dma2 semaphore(%run_scoped3A_90 : memref<!tpu.dma_semaphore, #tpu.memory_space<semaphore_mem>>) src(%dma_wait3A_100 : memref<624x128xf32, #tpu.memory_space<hbm>>) dst(%dma_wait3A_97 : memref<624x128xf32, #tpu.memory_space<vmem_shared>>)
        tpu.yield
      }) : () -> ()
    } else {
    }
    %eq3A = arith.constant 15 : i32
    %eq3A_33 = arith.cmpi eq, %arg1, %eq3A : i32
    %convert_element_type3A_34 = arith.extui %eq3A_33 : i1 to i32
    %cond3A_35 = arith.constant 0 : i32
    %cond3A_36 = arith.cmpi ne, %convert_element_type3A_34, %cond3A_35 : i32
    scf.if %cond3A_36 {
      %mul3A_88 = arith.constant 624 : i32
      %mul3A_89 = arith.muli %arg1, %mul3A_88 : i32
      "tpu.region"() ({
        %run_scoped3A_90 = tpu.sem_alloc : memref<!tpu.dma_semaphore, #tpu.memory_space<semaphore_mem>>
        %dma_start3A_91 = arith.constant 0 : i32
        %dma_start3A_92 = tpu.memref_slice %arg14[%mul3A_89, %dma_start3A_91] : memref<10000x128xf32, #tpu.memory_space<vmem_shared>> -> memref<640x128xf32, #tpu.memory_space<vmem_shared>>
        %dma_start3A_93 = arith.constant 0 : i32
        %dma_start3A_94 = arith.constant 0 : i32
        %dma_start3A_95 = tpu.memref_slice %arg5[%dma_start3A_93, %dma_start3A_94] : memref<640x128xf32, #tpu.memory_space<hbm>> -> memref<640x128xf32, #tpu.memory_space<hbm>>
        tpu.enqueue_dma source(%dma_start3A_95 : memref<640x128xf32, #tpu.memory_space<hbm>>) target(%dma_start3A_92 : memref<640x128xf32, #tpu.memory_space<vmem_shared>>) target_semaphore(%run_scoped3A_90 : memref<!tpu.dma_semaphore, #tpu.memory_space<semaphore_mem>>)
        %dma_wait3A_96 = arith.constant 0 : i32
        %dma_wait3A_97 = tpu.memref_slice %arg14[%mul3A_89, %dma_wait3A_96] : memref<10000x128xf32, #tpu.memory_space<vmem_shared>> -> memref<640x128xf32, #tpu.memory_space<vmem_shared>>
        %dma_wait3A_98 = arith.constant 0 : i32
        %dma_wait3A_99 = arith.constant 0 : i32
        %dma_wait3A_100 = tpu.memref_slice %arg5[%dma_wait3A_98, %dma_wait3A_99] : memref<640x128xf32, #tpu.memory_space<hbm>> -> memref<640x128xf32, #tpu.memory_space<hbm>>
        tpu.wait_dma2 semaphore(%run_scoped3A_90 : memref<!tpu.dma_semaphore, #tpu.memory_space<semaphore_mem>>) src(%dma_wait3A_100 : memref<640x128xf32, #tpu.memory_space<hbm>>) dst(%dma_wait3A_97 : memref<640x128xf32, #tpu.memory_space<vmem_shared>>)
        tpu.yield
      }) : () -> ()
    } else {
    }
    %scan3A = arith.constant 0 : i32
    %scan3A_37 = arith.constant 0 : i32
    %scan3A_38 = arith.constant 625 : i32
    %scan3A_39 = arith.addi %scan3A_37, %scan3A_38 : i32
    %scan3A_40 = arith.constant 1 : i32
    %scan3A_41 = scf.for %scan3A_88 = %scan3A_37 to %scan3A_39 step %scan3A_40 iter_args(%scan3A_89 = %scan3A) -> (i32)  : i32 {
      %broadcast_in_dim3A_90 = arith.constant 0.000000e+00 : f32
      %broadcast_in_dim3A_91 = vector.broadcast %broadcast_in_dim3A_90 : f32 to vector<16xf32>
      %mul3A_92 = arith.constant 16 : i32
      %mul3A_93 = arith.muli %scan3A_88, %mul3A_92 : i32
      %swap3A = arith.index_cast %mul3A_93 : i32 to index
      %swap3A_94 = tpu.vector_load %arg20[%swap3A] {strides = array<i32>} : memref<10000xf32, #tpu.memory_space<vmem>>, vector<16xf32>,
      tpu.vector_store %arg20[%swap3A], %broadcast_in_dim3A_91 {strides = array<i32>} : memref<10000xf32, #tpu.memory_space<vmem>>, vector<16xf32>,
      %scan3A_95 = arith.constant 0 : i32
      scf.yield %scan3A_95 : i32
    }
    %scan3A_42 = arith.constant 625 : i32
    %dma_wait3A = arith.constant 0 : i32
    %dma_wait3A_43 = arith.constant 0 : i32
    %dma_wait3A_44 = arith.constant 0 : i32
    %dma_wait3A_45 = tpu.memref_slice %arg3[%dma_wait3A, %dma_wait3A_43, %dma_wait3A_44] : memref<2x2560x125xi32, #tpu.memory_space<hbm>> -> memref<1x8x125xi32, #tpu.memory_space<hbm>>
    %dma_wait3A_46 = tpu.memref_squeeze %dma_wait3A_45 : memref<1x8x125xi32, #tpu.memory_space<hbm>> -> memref<8x125xi32, #tpu.memory_space<hbm>>
    %dma_wait3A_47 = arith.constant 0 : i32
    %dma_wait3A_48 = arith.constant 0 : i32
    %dma_wait3A_49 = tpu.memref_slice %arg3[%dma_wait3A, %dma_wait3A_47, %dma_wait3A_48] : memref<2x2560x125xi32, #tpu.memory_space<hbm>> -> memref<1x8x125xi32, #tpu.memory_space<hbm>>
    %dma_wait3A_50 = tpu.memref_squeeze %dma_wait3A_49 : memref<1x8x125xi32, #tpu.memory_space<hbm>> -> memref<8x125xi32, #tpu.memory_space<hbm>>
    tpu.wait_dma2 semaphore(%arg17 : memref<!tpu.dma_semaphore, #tpu.memory_space<semaphore_mem>>) src(%dma_wait3A_50 : memref<8x125xi32, #tpu.memory_space<hbm>>) dst(%arg8 : memref<8x125xi32, #tpu.memory_space<vmem>>)
    %dma_wait3A_51 = arith.constant 1 : i32
    %dma_wait3A_52 = arith.constant 0 : i32
    %dma_wait3A_53 = arith.constant 0 : i32
    %dma_wait3A_54 = tpu.memref_slice %arg3[%dma_wait3A_51, %dma_wait3A_52, %dma_wait3A_53] : memref<2x2560x125xi32, #tpu.memory_space<hbm>> -> memref<1x8x125xi32, #tpu.memory_space<hbm>>
    %dma_wait3A_55 = tpu.memref_squeeze %dma_wait3A_54 : memref<1x8x125xi32, #tpu.memory_space<hbm>> -> memref<8x125xi32, #tpu.memory_space<hbm>>
    %dma_wait3A_56 = arith.constant 0 : i32
    %dma_wait3A_57 = arith.constant 0 : i32
    %dma_wait3A_58 = tpu.memref_slice %arg3[%dma_wait3A_51, %dma_wait3A_56, %dma_wait3A_57] : memref<2x2560x125xi32, #tpu.memory_space<hbm>> -> memref<1x8x125xi32, #tpu.memory_space<hbm>>
    %dma_wait3A_59 = tpu.memref_squeeze %dma_wait3A_58 : memref<1x8x125xi32, #tpu.memory_space<hbm>> -> memref<8x125xi32, #tpu.memory_space<hbm>>
    tpu.wait_dma2 semaphore(%arg17 : memref<!tpu.dma_semaphore, #tpu.memory_space<semaphore_mem>>) src(%dma_wait3A_59 : memref<8x125xi32, #tpu.memory_space<hbm>>) dst(%arg10 : memref<8x125xi32, #tpu.memory_space<vmem>>)
    %dma_wait3A_60 = arith.constant 0 : i32
    %dma_wait3A_61 = tpu.memref_slice %arg4[%dma_wait3A_60] : memref<640000xi32, #tpu.memory_space<hbm>> -> memref<1000xi32, #tpu.memory_space<hbm>>
    %dma_wait3A_62 = arith.constant 0 : i32
    %dma_wait3A_63 = tpu.memref_slice %arg4[%dma_wait3A_62] : memref<640000xi32, #tpu.memory_space<hbm>> -> memref<1000xi32, #tpu.memory_space<hbm>>
    tpu.wait_dma2 semaphore(%arg17 : memref<!tpu.dma_semaphore, #tpu.memory_space<semaphore_mem>>) src(%dma_wait3A_63 : memref<1000xi32, #tpu.memory_space<hbm>>) dst(%arg18 : memref<1000xi32, #tpu.memory_space<vmem>>)
    %dma_start3A_64 = arith.constant 0 : i32
    %dma_start3A_65 = arith.constant 0 : i32
    %dma_start3A_66 = tpu.memref_slice %arg8[%dma_start3A_64, %dma_start3A_65] : memref<8x125xi32, #tpu.memory_space<vmem>> -> memref<1x125xi32, #tpu.memory_space<vmem>>
    %dma_start3A_67 = tpu.memref_squeeze %dma_start3A_66 : memref<1x125xi32, #tpu.memory_space<vmem>> -> memref<125xi32, #tpu.memory_space<vmem>>
    %dma_start3A_68 = arith.constant 0 : i32
    %dma_start3A_69 = arith.constant 0 : i32
    %dma_start3A_70 = tpu.memref_slice %arg2[%dma_start3A_68, %dma_start3A_69] : memref<10000x128xf32, #tpu.memory_space<hbm>> -> memref<10000x128xf32, #tpu.memory_space<hbm>>
    tpu.enqueue_indirect_dma source(%dma_start3A_70 : memref<10000x128xf32, #tpu.memory_space<hbm>>) target(%arg12 : memref<125x128xf32, #tpu.memory_space<vmem>>) offsets(%dma_start3A_67 : memref<125xi32, #tpu.memory_space<vmem>>) semaphore(%arg15 : memref<!tpu.dma_semaphore, #tpu.memory_space<semaphore_mem>>)
    %barrier3A = arith.constant 0 : index
    tpu.barrier barrier_id(%barrier3A)
    %scan3A_71 = arith.constant 0 : i32
    %scan3A_72 = arith.constant 0 : i32
    %scan3A_73 = arith.constant 5 : i32
    %scan3A_74 = arith.addi %scan3A_72, %scan3A_73 : i32
    %scan3A_75 = arith.constant 1 : i32
    %scan3A_76 = scf.for %scan3A_88 = %scan3A_72 to %scan3A_74 step %scan3A_75 iter_args(%scan3A_89 = %scan3A_71) -> (i32)  : i32 {
      %mul3A_90 = arith.constant 2 : i32
      %mul3A_91 = arith.muli %mul3A_90, %scan3A_88 : i32
      %add3A_92 = arith.constant 1 : i32
      %add3A_93 = arith.addi %mul3A_91, %add3A_92 : i32
      %mul3A_94 = arith.constant 8 : i32
      %mul3A_95 = arith.muli %add3A_93, %mul3A_94 : i32
      %add3A_96 = arith.addi %mul3A_2, %mul3A_95 : i32
      %dma_start3A_97 = arith.constant 0 : i32
      %dma_start3A_98 = arith.constant 0 : i32
      %dma_start3A_99 = tpu.memref_slice %arg3[%dma_start3A_97, %add3A_96, %dma_start3A_98] : memref<2x2560x125xi32, #tpu.memory_space<hbm>> -> memref<1x8x125xi32, #tpu.memory_space<hbm>>
      %dma_start3A_100 = tpu.memref_squeeze %dma_start3A_99 : memref<1x8x125xi32, #tpu.memory_space<hbm>> -> memref<8x125xi32, #tpu.memory_space<hbm>>
      %dma_start3A_101 = arith.constant 0 : i32
      %dma_start3A_102 = tpu.memref_slice %arg3[%dma_start3A_97, %add3A_96, %dma_start3A_101] : memref<2x2560x125xi32, #tpu.memory_space<hbm>> -> memref<1x8x125xi32, #tpu.memory_space<hbm>>
      %dma_start3A_103 = tpu.memref_squeeze %dma_start3A_102 : memref<1x8x125xi32, #tpu.memory_space<hbm>> -> memref<8x125xi32, #tpu.memory_space<hbm>>
      tpu.enqueue_dma source(%dma_start3A_103 : memref<8x125xi32, #tpu.memory_space<hbm>>) target(%arg9 : memref<8x125xi32, #tpu.memory_space<vmem>>) target_semaphore(%arg17 : memref<!tpu.dma_semaphore, #tpu.memory_space<semaphore_mem>>)
      %mul3A_104 = arith.constant 8 : i32
      %mul3A_105 = arith.muli %add3A_93, %mul3A_104 : i32
      %add3A_106 = arith.addi %mul3A_2, %mul3A_105 : i32
      %dma_start3A_107 = arith.constant 1 : i32
      %dma_start3A_108 = arith.constant 0 : i32
      %dma_start3A_109 = tpu.memref_slice %arg3[%dma_start3A_107, %add3A_106, %dma_start3A_108] : memref<2x2560x125xi32, #tpu.memory_space<hbm>> -> memref<1x8x125xi32, #tpu.memory_space<hbm>>
      %dma_start3A_110 = tpu.memref_squeeze %dma_start3A_109 : memref<1x8x125xi32, #tpu.memory_space<hbm>> -> memref<8x125xi32, #tpu.memory_space<hbm>>
      %dma_start3A_111 = arith.constant 0 : i32
      %dma_start3A_112 = tpu.memref_slice %arg3[%dma_start3A_107, %add3A_106, %dma_start3A_111] : memref<2x2560x125xi32, #tpu.memory_space<hbm>> -> memref<1x8x125xi32, #tpu.memory_space<hbm>>
      %dma_start3A_113 = tpu.memref_squeeze %dma_start3A_112 : memref<1x8x125xi32, #tpu.memory_space<hbm>> -> memref<8x125xi32, #tpu.memory_space<hbm>>
      tpu.enqueue_dma source(%dma_start3A_113 : memref<8x125xi32, #tpu.memory_space<hbm>>) target(%arg11 : memref<8x125xi32, #tpu.memory_space<vmem>>) target_semaphore(%arg17 : memref<!tpu.dma_semaphore, #tpu.memory_space<semaphore_mem>>)
      %mul3A_114 = arith.constant 8 : i32
      %mul3A_115 = arith.muli %add3A_93, %mul3A_114 : i32
      %add3A_116 = arith.addi %mul3A_2, %mul3A_115 : i32
      %mul3A_117 = arith.constant 125 : i32
      %mul3A_118 = arith.muli %add3A_116, %mul3A_117 : i32
      %add3A_119 = arith.constant 320000 : i32
      %add3A_120 = arith.addi %add3A_119, %mul3A_118 : i32
      %dma_start3A_121 = tpu.memref_slice %arg4[%add3A_120] : memref<640000xi32, #tpu.memory_space<hbm>> -> memref<1000xi32, #tpu.memory_space<hbm>>
      %dma_start3A_122 = tpu.memref_slice %arg4[%add3A_120] : memref<640000xi32, #tpu.memory_space<hbm>> -> memref<1000xi32, #tpu.memory_space<hbm>>
      tpu.enqueue_dma source(%dma_start3A_122 : memref<1000xi32, #tpu.memory_space<hbm>>) target(%arg19 : memref<1000xi32, #tpu.memory_space<vmem>>) target_semaphore(%arg17 : memref<!tpu.dma_semaphore, #tpu.memory_space<semaphore_mem>>)
      %dma_start3A_123 = arith.constant 1 : i32
      %dma_start3A_124 = arith.constant 0 : i32
      %dma_start3A_125 = tpu.memref_slice %arg8[%dma_start3A_123, %dma_start3A_124] : memref<8x125xi32, #tpu.memory_space<vmem>> -> memref<1x125xi32, #tpu.memory_space<vmem>>
      %dma_start3A_126 = tpu.memref_squeeze %dma_start3A_125 : memref<1x125xi32, #tpu.memory_space<vmem>> -> memref<125xi32, #tpu.memory_space<vmem>>
      %dma_start3A_127 = arith.constant 0 : i32
      %dma_start3A_128 = arith.constant 0 : i32
      %dma_start3A_129 = tpu.memref_slice %arg2[%dma_start3A_127, %dma_start3A_128] : memref<10000x128xf32, #tpu.memory_space<hbm>> -> memref<10000x128xf32, #tpu.memory_space<hbm>>
      tpu.enqueue_indirect_dma source(%dma_start3A_129 : memref<10000x128xf32, #tpu.memory_space<hbm>>) target(%arg13 : memref<125x128xf32, #tpu.memory_space<vmem>>) offsets(%dma_start3A_126 : memref<125xi32, #tpu.memory_space<vmem>>) semaphore(%arg16 : memref<!tpu.dma_semaphore, #tpu.memory_space<semaphore_mem>>)
      %get3A = arith.constant 0 : index
      %get3A_130 = tpu.vector_load %arg18[%get3A] {strides = array<i32>} : memref<1000xi32, #tpu.memory_space<vmem>>, vector<16xi32>,
      tpu.vector_store_idx %arg20[%get3A_130], %broadcast_in_dim3A_3 {add = true} : memref<10000xf32, #tpu.memory_space<vmem>>[vector<16xi32>], vector<16xf32>,
      %get3A_131 = arith.constant 16 : index
      %get3A_132 = tpu.vector_load %arg18[%get3A_131] {strides = array<i32>} : memref<1000xi32, #tpu.memory_space<vmem>>, vector<16xi32>,
      tpu.vector_store_idx %arg20[%get3A_132], %broadcast_in_dim3A_3 {add = true} : memref<10000xf32, #tpu.memory_space<vmem>>[vector<16xi32>], vector<16xf32>,
      %get3A_133 = arith.constant 32 : index
      %get3A_134 = tpu.vector_load %arg18[%get3A_133] {strides = array<i32>} : memref<1000xi32, #tpu.memory_space<vmem>>, vector<16xi32>,
      tpu.vector_store_idx %arg20[%get3A_134], %broadcast_in_dim3A_3 {add = true} : memref<10000xf32, #tpu.memory_space<vmem>>[vector<16xi32>], vector<16xf32>,
      %get3A_135 = arith.constant 48 : index
      %get3A_136 = tpu.vector_load %arg18[%get3A_135] {strides = array<i32>} : memref<1000xi32, #tpu.memory_space<vmem>>, vector<16xi32>,
      tpu.vector_store_idx %arg20[%get3A_136], %broadcast_in_dim3A_3 {add = true} : memref<10000xf32, #tpu.memory_space<vmem>>[vector<16xi32>], vector<16xf32>,
      %get3A_137 = arith.constant 64 : index
      %get3A_138 = tpu.vector_load %arg18[%get3A_137] {strides = array<i32>} : memref<1000xi32, #tpu.memory_space<vmem>>, vector<16xi32>,
      tpu.vector_store_idx %arg20[%get3A_138], %broadcast_in_dim3A_3 {add = true} : memref<10000xf32, #tpu.memory_space<vmem>>[vector<16xi32>], vector<16xf32>,
      %get3A_139 = arith.constant 80 : index
      %get3A_140 = tpu.vector_load %arg18[%get3A_139] {strides = array<i32>} : memref<1000xi32, #tpu.memory_space<vmem>>, vector<16xi32>,
      tpu.vector_store_idx %arg20[%get3A_140], %broadcast_in_dim3A_3 {add = true} : memref<10000xf32, #tpu.memory_space<vmem>>[vector<16xi32>], vector<16xf32>,
      %get3A_141 = arith.constant 96 : index
      %get3A_142 = tpu.vector_load %arg18[%get3A_141] {strides = array<i32>} : memref<1000xi32, #tpu.memory_space<vmem>>, vector<16xi32>,
      tpu.vector_store_idx %arg20[%get3A_142], %broadcast_in_dim3A_3 {add = true} : memref<10000xf32, #tpu.memory_space<vmem>>[vector<16xi32>], vector<16xf32>,
      %get3A_143 = arith.constant 112 : index
      %get3A_144 = tpu.vector_load %arg18[%get3A_143] {strides = array<i32>} : memref<1000xi32, #tpu.memory_space<vmem>>, vector<16xi32>,
      tpu.vector_store_idx %arg20[%get3A_144], %broadcast_in_dim3A_3 {add = true} : memref<10000xf32, #tpu.memory_space<vmem>>[vector<16xi32>], vector<16xf32>,
      %dma_wait3A_145 = arith.constant 0 : i32
      %dma_wait3A_146 = arith.constant 0 : i32
      %dma_wait3A_147 = tpu.memref_slice %arg8[%dma_wait3A_145, %dma_wait3A_146] : memref<8x125xi32, #tpu.memory_space<vmem>> -> memref<1x125xi32, #tpu.memory_space<vmem>>
      %dma_wait3A_148 = tpu.memref_squeeze %dma_wait3A_147 : memref<1x125xi32, #tpu.memory_space<vmem>> -> memref<125xi32, #tpu.memory_space<vmem>>
      %dma_wait3A_149 = arith.constant 0 : i32
      %dma_wait3A_150 = arith.constant 0 : i32
      %dma_wait3A_151 = tpu.memref_slice %arg2[%dma_wait3A_149, %dma_wait3A_150] : memref<10000x128xf32, #tpu.memory_space<hbm>> -> memref<10000x128xf32, #tpu.memory_space<hbm>>
      tpu.wait_indirect_dma semaphore(%arg15 : memref<!tpu.dma_semaphore, #tpu.memory_space<semaphore_mem>>) src(%dma_wait3A_151 : memref<10000x128xf32, #tpu.memory_space<hbm>>) dst(%arg12 : memref<125x128xf32, #tpu.memory_space<vmem>>)
      %run_scoped3A_152 = arith.constant 0 : i32
      "tpu.region"() ({
        %run_scoped3A_640 = tpu.sem_alloc : memref<!tpu.dma_semaphore, #tpu.memory_space<semaphore_mem>>
        %dma_start3A_641 = arith.constant 0 : i32
        %dma_start3A_642 = tpu.memref_slice %arg10[%run_scoped3A_152, %dma_start3A_641] : memref<8x125xi32, #tpu.memory_space<vmem>> -> memref<1x125xi32, #tpu.memory_space<vmem>>
        %dma_start3A_643 = tpu.memref_squeeze %dma_start3A_642 : memref<1x125xi32, #tpu.memory_space<vmem>> -> memref<125xi32, #tpu.memory_space<vmem>>
        %dma_start3A_644 = arith.constant 0 : i32
        %dma_start3A_645 = arith.constant 0 : i32
        %dma_start3A_646 = tpu.memref_slice %arg14[%dma_start3A_644, %dma_start3A_645] : memref<10000x128xf32, #tpu.memory_space<vmem_shared>> -> memref<10000x128xf32, #tpu.memory_space<vmem_shared>>
        tpu.enqueue_indirect_dma source(%arg12 : memref<125x128xf32, #tpu.memory_space<vmem>>) target(%dma_start3A_646 : memref<10000x128xf32, #tpu.memory_space<vmem_shared>>) offsets(%dma_start3A_643 : memref<125xi32, #tpu.memory_space<vmem>>) semaphore(%run_scoped3A_640 : memref<!tpu.dma_semaphore, #tpu.memory_space<semaphore_mem>>) {add = true}
        %dma_wait3A_647 = arith.constant 0 : i32
        %dma_wait3A_648 = tpu.memref_slice %arg10[%run_scoped3A_152, %dma_wait3A_647] : memref<8x125xi32, #tpu.memory_space<vmem>> -> memref<1x125xi32, #tpu.memory_space<vmem>>
        %dma_wait3A_649 = tpu.memref_squeeze %dma_wait3A_648 : memref<1x125xi32, #tpu.memory_space<vmem>> -> memref<125xi32, #tpu.memory_space<vmem>>
        %dma_wait3A_650 = arith.constant 0 : i32
        %dma_wait3A_651 = arith.constant 0 : i32
        %dma_wait3A_652 = tpu.memref_slice %arg14[%dma_wait3A_650, %dma_wait3A_651] : memref<10000x128xf32, #tpu.memory_space<vmem_shared>> -> memref<10000x128xf32, #tpu.memory_space<vmem_shared>>
        tpu.wait_indirect_dma semaphore(%run_scoped3A_640 : memref<!tpu.dma_semaphore, #tpu.memory_space<semaphore_mem>>) src(%arg12 : memref<125x128xf32, #tpu.memory_space<vmem>>) dst(%dma_wait3A_652 : memref<10000x128xf32, #tpu.memory_space<vmem_shared>>)
        tpu.yield
      }) : () -> ()
      %dma_start3A_153 = arith.constant 2 : i32
      %dma_start3A_154 = arith.constant 0 : i32
      %dma_start3A_155 = tpu.memref_slice %arg8[%dma_start3A_153, %dma_start3A_154] : memref<8x125xi32, #tpu.memory_space<vmem>> -> memref<1x125xi32, #tpu.memory_space<vmem>>
      %dma_start3A_156 = tpu.memref_squeeze %dma_start3A_155 : memref<1x125xi32, #tpu.memory_space<vmem>> -> memref<125xi32, #tpu.memory_space<vmem>>
      %dma_start3A_157 = arith.constant 0 : i32
      %dma_start3A_158 = arith.constant 0 : i32
      %dma_start3A_159 = tpu.memref_slice %arg2[%dma_start3A_157, %dma_start3A_158] : memref<10000x128xf32, #tpu.memory_space<hbm>> -> memref<10000x128xf32, #tpu.memory_space<hbm>>
      tpu.enqueue_indirect_dma source(%dma_start3A_159 : memref<10000x128xf32, #tpu.memory_space<hbm>>) target(%arg12 : memref<125x128xf32, #tpu.memory_space<vmem>>) offsets(%dma_start3A_156 : memref<125xi32, #tpu.memory_space<vmem>>) semaphore(%arg15 : memref<!tpu.dma_semaphore, #tpu.memory_space<semaphore_mem>>)
      %get3A_160 = arith.constant 128 : index
      %get3A_161 = tpu.vector_load %arg18[%get3A_160] {strides = array<i32>} : memref<1000xi32, #tpu.memory_space<vmem>>, vector<16xi32>,
      tpu.vector_store_idx %arg20[%get3A_161], %broadcast_in_dim3A_3 {add = true} : memref<10000xf32, #tpu.memory_space<vmem>>[vector<16xi32>], vector<16xf32>,
      %get3A_162 = arith.constant 144 : index
      %get3A_163 = tpu.vector_load %arg18[%get3A_162] {strides = array<i32>} : memref<1000xi32, #tpu.memory_space<vmem>>, vector<16xi32>,
      tpu.vector_store_idx %arg20[%get3A_163], %broadcast_in_dim3A_3 {add = true} : memref<10000xf32, #tpu.memory_space<vmem>>[vector<16xi32>], vector<16xf32>,
      %get3A_164 = arith.constant 160 : index
      %get3A_165 = tpu.vector_load %arg18[%get3A_164] {strides = array<i32>} : memref<1000xi32, #tpu.memory_space<vmem>>, vector<16xi32>,
      tpu.vector_store_idx %arg20[%get3A_165], %broadcast_in_dim3A_3 {add = true} : memref<10000xf32, #tpu.memory_space<vmem>>[vector<16xi32>], vector<16xf32>,
      %get3A_166 = arith.constant 176 : index
      %get3A_167 = tpu.vector_load %arg18[%get3A_166] {strides = array<i32>} : memref<1000xi32, #tpu.memory_space<vmem>>, vector<16xi32>,
      tpu.vector_store_idx %arg20[%get3A_167], %broadcast_in_dim3A_3 {add = true} : memref<10000xf32, #tpu.memory_space<vmem>>[vector<16xi32>], vector<16xf32>,
      %get3A_168 = arith.constant 192 : index
      %get3A_169 = tpu.vector_load %arg18[%get3A_168] {strides = array<i32>} : memref<1000xi32, #tpu.memory_space<vmem>>, vector<16xi32>,
      tpu.vector_store_idx %arg20[%get3A_169], %broadcast_in_dim3A_3 {add = true} : memref<10000xf32, #tpu.memory_space<vmem>>[vector<16xi32>], vector<16xf32>,
      %get3A_170 = arith.constant 208 : index
      %get3A_171 = tpu.vector_load %arg18[%get3A_170] {strides = array<i32>} : memref<1000xi32, #tpu.memory_space<vmem>>, vector<16xi32>,
      tpu.vector_store_idx %arg20[%get3A_171], %broadcast_in_dim3A_3 {add = true} : memref<10000xf32, #tpu.memory_space<vmem>>[vector<16xi32>], vector<16xf32>,
      %get3A_172 = arith.constant 224 : index
      %get3A_173 = tpu.vector_load %arg18[%get3A_172] {strides = array<i32>} : memref<1000xi32, #tpu.memory_space<vmem>>, vector<16xi32>,
      tpu.vector_store_idx %arg20[%get3A_173], %broadcast_in_dim3A_3 {add = true} : memref<10000xf32, #tpu.memory_space<vmem>>[vector<16xi32>], vector<16xf32>,
      %get3A_174 = arith.constant 240 : index
      %get3A_175 = tpu.vector_load %arg18[%get3A_174] {strides = array<i32>} : memref<1000xi32, #tpu.memory_space<vmem>>, vector<16xi32>,
      tpu.vector_store_idx %arg20[%get3A_175], %broadcast_in_dim3A_3 {add = true} : memref<10000xf32, #tpu.memory_space<vmem>>[vector<16xi32>], vector<16xf32>,
      %dma_wait3A_176 = arith.constant 1 : i32
      %dma_wait3A_177 = arith.constant 0 : i32
      %dma_wait3A_178 = tpu.memref_slice %arg8[%dma_wait3A_176, %dma_wait3A_177] : memref<8x125xi32, #tpu.memory_space<vmem>> -> memref<1x125xi32, #tpu.memory_space<vmem>>
      %dma_wait3A_179 = tpu.memref_squeeze %dma_wait3A_178 : memref<1x125xi32, #tpu.memory_space<vmem>> -> memref<125xi32, #tpu.memory_space<vmem>>
      %dma_wait3A_180 = arith.constant 0 : i32
      %dma_wait3A_181 = arith.constant 0 : i32
      %dma_wait3A_182 = tpu.memref_slice %arg2[%dma_wait3A_180, %dma_wait3A_181] : memref<10000x128xf32, #tpu.memory_space<hbm>> -> memref<10000x128xf32, #tpu.memory_space<hbm>>
      tpu.wait_indirect_dma semaphore(%arg16 : memref<!tpu.dma_semaphore, #tpu.memory_space<semaphore_mem>>) src(%dma_wait3A_182 : memref<10000x128xf32, #tpu.memory_space<hbm>>) dst(%arg13 : memref<125x128xf32, #tpu.memory_space<vmem>>)
      %run_scoped3A_183 = arith.constant 1 : i32
      "tpu.region"() ({
        %run_scoped3A_640 = tpu.sem_alloc : memref<!tpu.dma_semaphore, #tpu.memory_space<semaphore_mem>>
        %dma_start3A_641 = arith.constant 0 : i32
        %dma_start3A_642 = tpu.memref_slice %arg10[%run_scoped3A_183, %dma_start3A_641] : memref<8x125xi32, #tpu.memory_space<vmem>> -> memref<1x125xi32, #tpu.memory_space<vmem>>
        %dma_start3A_643 = tpu.memref_squeeze %dma_start3A_642 : memref<1x125xi32, #tpu.memory_space<vmem>> -> memref<125xi32, #tpu.memory_space<vmem>>
        %dma_start3A_644 = arith.constant 0 : i32
        %dma_start3A_645 = arith.constant 0 : i32
        %dma_start3A_646 = tpu.memref_slice %arg14[%dma_start3A_644, %dma_start3A_645] : memref<10000x128xf32, #tpu.memory_space<vmem_shared>> -> memref<10000x128xf32, #tpu.memory_space<vmem_shared>>
        tpu.enqueue_indirect_dma source(%arg13 : memref<125x128xf32, #tpu.memory_space<vmem>>) target(%dma_start3A_646 : memref<10000x128xf32, #tpu.memory_space<vmem_shared>>) offsets(%dma_start3A_643 : memref<125xi32, #tpu.memory_space<vmem>>) semaphore(%run_scoped3A_640 : memref<!tpu.dma_semaphore, #tpu.memory_space<semaphore_mem>>) {add = true}
        %dma_wait3A_647 = arith.constant 0 : i32
        %dma_wait3A_648 = tpu.memref_slice %arg10[%run_scoped3A_183, %dma_wait3A_647] : memref<8x125xi32, #tpu.memory_space<vmem>> -> memref<1x125xi32, #tpu.memory_space<vmem>>
        %dma_wait3A_649 = tpu.memref_squeeze %dma_wait3A_648 : memref<1x125xi32, #tpu.memory_space<vmem>> -> memref<125xi32, #tpu.memory_space<vmem>>
        %dma_wait3A_650 = arith.constant 0 : i32
        %dma_wait3A_651 = arith.constant 0 : i32
        %dma_wait3A_652 = tpu.memref_slice %arg14[%dma_wait3A_650, %dma_wait3A_651] : memref<10000x128xf32, #tpu.memory_space<vmem_shared>> -> memref<10000x128xf32, #tpu.memory_space<vmem_shared>>
        tpu.wait_indirect_dma semaphore(%run_scoped3A_640 : memref<!tpu.dma_semaphore, #tpu.memory_space<semaphore_mem>>) src(%arg13 : memref<125x128xf32, #tpu.memory_space<vmem>>) dst(%dma_wait3A_652 : memref<10000x128xf32, #tpu.memory_space<vmem_shared>>)
        tpu.yield
      }) : () -> ()
      %dma_start3A_184 = arith.constant 3 : i32
      %dma_start3A_185 = arith.constant 0 : i32
      %dma_start3A_186 = tpu.memref_slice %arg8[%dma_start3A_184, %dma_start3A_185] : memref<8x125xi32, #tpu.memory_space<vmem>> -> memref<1x125xi32, #tpu.memory_space<vmem>>
      %dma_start3A_187 = tpu.memref_squeeze %dma_start3A_186 : memref<1x125xi32, #tpu.memory_space<vmem>> -> memref<125xi32, #tpu.memory_space<vmem>>
      %dma_start3A_188 = arith.constant 0 : i32
      %dma_start3A_189 = arith.constant 0 : i32
      %dma_start3A_190 = tpu.memref_slice %arg2[%dma_start3A_188, %dma_start3A_189] : memref<10000x128xf32, #tpu.memory_space<hbm>> -> memref<10000x128xf32, #tpu.memory_space<hbm>>
      tpu.enqueue_indirect_dma source(%dma_start3A_190 : memref<10000x128xf32, #tpu.memory_space<hbm>>) target(%arg13 : memref<125x128xf32, #tpu.memory_space<vmem>>) offsets(%dma_start3A_187 : memref<125xi32, #tpu.memory_space<vmem>>) semaphore(%arg16 : memref<!tpu.dma_semaphore, #tpu.memory_space<semaphore_mem>>)
      %get3A_191 = arith.constant 256 : index
      %get3A_192 = tpu.vector_load %arg18[%get3A_191] {strides = array<i32>} : memref<1000xi32, #tpu.memory_space<vmem>>, vector<16xi32>,
      tpu.vector_store_idx %arg20[%get3A_192], %broadcast_in_dim3A_3 {add = true} : memref<10000xf32, #tpu.memory_space<vmem>>[vector<16xi32>], vector<16xf32>,
      %get3A_193 = arith.constant 272 : index
      %get3A_194 = tpu.vector_load %arg18[%get3A_193] {strides = array<i32>} : memref<1000xi32, #tpu.memory_space<vmem>>, vector<16xi32>,
      tpu.vector_store_idx %arg20[%get3A_194], %broadcast_in_dim3A_3 {add = true} : memref<10000xf32, #tpu.memory_space<vmem>>[vector<16xi32>], vector<16xf32>,
      %get3A_195 = arith.constant 288 : index
      %get3A_196 = tpu.vector_load %arg18[%get3A_195] {strides = array<i32>} : memref<1000xi32, #tpu.memory_space<vmem>>, vector<16xi32>,
      tpu.vector_store_idx %arg20[%get3A_196], %broadcast_in_dim3A_3 {add = true} : memref<10000xf32, #tpu.memory_space<vmem>>[vector<16xi32>], vector<16xf32>,
      %get3A_197 = arith.constant 304 : index
      %get3A_198 = tpu.vector_load %arg18[%get3A_197] {strides = array<i32>} : memref<1000xi32, #tpu.memory_space<vmem>>, vector<16xi32>,
      tpu.vector_store_idx %arg20[%get3A_198], %broadcast_in_dim3A_3 {add = true} : memref<10000xf32, #tpu.memory_space<vmem>>[vector<16xi32>], vector<16xf32>,
      %get3A_199 = arith.constant 320 : index
      %get3A_200 = tpu.vector_load %arg18[%get3A_199] {strides = array<i32>} : memref<1000xi32, #tpu.memory_space<vmem>>, vector<16xi32>,
      tpu.vector_store_idx %arg20[%get3A_200], %broadcast_in_dim3A_3 {add = true} : memref<10000xf32, #tpu.memory_space<vmem>>[vector<16xi32>], vector<16xf32>,
      %get3A_201 = arith.constant 336 : index
      %get3A_202 = tpu.vector_load %arg18[%get3A_201] {strides = array<i32>} : memref<1000xi32, #tpu.memory_space<vmem>>, vector<16xi32>,
      tpu.vector_store_idx %arg20[%get3A_202], %broadcast_in_dim3A_3 {add = true} : memref<10000xf32, #tpu.memory_space<vmem>>[vector<16xi32>], vector<16xf32>,
      %get3A_203 = arith.constant 352 : index
      %get3A_204 = tpu.vector_load %arg18[%get3A_203] {strides = array<i32>} : memref<1000xi32, #tpu.memory_space<vmem>>, vector<16xi32>,
      tpu.vector_store_idx %arg20[%get3A_204], %broadcast_in_dim3A_3 {add = true} : memref<10000xf32, #tpu.memory_space<vmem>>[vector<16xi32>], vector<16xf32>,
      %get3A_205 = arith.constant 368 : index
      %get3A_206 = tpu.vector_load %arg18[%get3A_205] {strides = array<i32>} : memref<1000xi32, #tpu.memory_space<vmem>>, vector<16xi32>,
      tpu.vector_store_idx %arg20[%get3A_206], %broadcast_in_dim3A_3 {add = true} : memref<10000xf32, #tpu.memory_space<vmem>>[vector<16xi32>], vector<16xf32>,
      %dma_wait3A_207 = arith.constant 2 : i32
      %dma_wait3A_208 = arith.constant 0 : i32
      %dma_wait3A_209 = tpu.memref_slice %arg8[%dma_wait3A_207, %dma_wait3A_208] : memref<8x125xi32, #tpu.memory_space<vmem>> -> memref<1x125xi32, #tpu.memory_space<vmem>>
      %dma_wait3A_210 = tpu.memref_squeeze %dma_wait3A_209 : memref<1x125xi32, #tpu.memory_space<vmem>> -> memref<125xi32, #tpu.memory_space<vmem>>
      %dma_wait3A_211 = arith.constant 0 : i32
      %dma_wait3A_212 = arith.constant 0 : i32
      %dma_wait3A_213 = tpu.memref_slice %arg2[%dma_wait3A_211, %dma_wait3A_212] : memref<10000x128xf32, #tpu.memory_space<hbm>> -> memref<10000x128xf32, #tpu.memory_space<hbm>>
      tpu.wait_indirect_dma semaphore(%arg15 : memref<!tpu.dma_semaphore, #tpu.memory_space<semaphore_mem>>) src(%dma_wait3A_213 : memref<10000x128xf32, #tpu.memory_space<hbm>>) dst(%arg12 : memref<125x128xf32, #tpu.memory_space<vmem>>)
      %run_scoped3A_214 = arith.constant 2 : i32
      "tpu.region"() ({
        %run_scoped3A_640 = tpu.sem_alloc : memref<!tpu.dma_semaphore, #tpu.memory_space<semaphore_mem>>
        %dma_start3A_641 = arith.constant 0 : i32
        %dma_start3A_642 = tpu.memref_slice %arg10[%run_scoped3A_214, %dma_start3A_641] : memref<8x125xi32, #tpu.memory_space<vmem>> -> memref<1x125xi32, #tpu.memory_space<vmem>>
        %dma_start3A_643 = tpu.memref_squeeze %dma_start3A_642 : memref<1x125xi32, #tpu.memory_space<vmem>> -> memref<125xi32, #tpu.memory_space<vmem>>
        %dma_start3A_644 = arith.constant 0 : i32
        %dma_start3A_645 = arith.constant 0 : i32
        %dma_start3A_646 = tpu.memref_slice %arg14[%dma_start3A_644, %dma_start3A_645] : memref<10000x128xf32, #tpu.memory_space<vmem_shared>> -> memref<10000x128xf32, #tpu.memory_space<vmem_shared>>
        tpu.enqueue_indirect_dma source(%arg12 : memref<125x128xf32, #tpu.memory_space<vmem>>) target(%dma_start3A_646 : memref<10000x128xf32, #tpu.memory_space<vmem_shared>>) offsets(%dma_start3A_643 : memref<125xi32, #tpu.memory_space<vmem>>) semaphore(%run_scoped3A_640 : memref<!tpu.dma_semaphore, #tpu.memory_space<semaphore_mem>>) {add = true}
        %dma_wait3A_647 = arith.constant 0 : i32
        %dma_wait3A_648 = tpu.memref_slice %arg10[%run_scoped3A_214, %dma_wait3A_647] : memref<8x125xi32, #tpu.memory_space<vmem>> -> memref<1x125xi32, #tpu.memory_space<vmem>>
        %dma_wait3A_649 = tpu.memref_squeeze %dma_wait3A_648 : memref<1x125xi32, #tpu.memory_space<vmem>> -> memref<125xi32, #tpu.memory_space<vmem>>
        %dma_wait3A_650 = arith.constant 0 : i32
        %dma_wait3A_651 = arith.constant 0 : i32
        %dma_wait3A_652 = tpu.memref_slice %arg14[%dma_wait3A_650, %dma_wait3A_651] : memref<10000x128xf32, #tpu.memory_space<vmem_shared>> -> memref<10000x128xf32, #tpu.memory_space<vmem_shared>>
        tpu.wait_indirect_dma semaphore(%run_scoped3A_640 : memref<!tpu.dma_semaphore, #tpu.memory_space<semaphore_mem>>) src(%arg12 : memref<125x128xf32, #tpu.memory_space<vmem>>) dst(%dma_wait3A_652 : memref<10000x128xf32, #tpu.memory_space<vmem_shared>>)
        tpu.yield
      }) : () -> ()
      %dma_start3A_215 = arith.constant 4 : i32
      %dma_start3A_216 = arith.constant 0 : i32
      %dma_start3A_217 = tpu.memref_slice %arg8[%dma_start3A_215, %dma_start3A_216] : memref<8x125xi32, #tpu.memory_space<vmem>> -> memref<1x125xi32, #tpu.memory_space<vmem>>
      %dma_start3A_218 = tpu.memref_squeeze %dma_start3A_217 : memref<1x125xi32, #tpu.memory_space<vmem>> -> memref<125xi32, #tpu.memory_space<vmem>>
      %dma_start3A_219 = arith.constant 0 : i32
      %dma_start3A_220 = arith.constant 0 : i32
      %dma_start3A_221 = tpu.memref_slice %arg2[%dma_start3A_219, %dma_start3A_220] : memref<10000x128xf32, #tpu.memory_space<hbm>> -> memref<10000x128xf32, #tpu.memory_space<hbm>>
      tpu.enqueue_indirect_dma source(%dma_start3A_221 : memref<10000x128xf32, #tpu.memory_space<hbm>>) target(%arg12 : memref<125x128xf32, #tpu.memory_space<vmem>>) offsets(%dma_start3A_218 : memref<125xi32, #tpu.memory_space<vmem>>) semaphore(%arg15 : memref<!tpu.dma_semaphore, #tpu.memory_space<semaphore_mem>>)
      %get3A_222 = arith.constant 384 : index
      %get3A_223 = tpu.vector_load %arg18[%get3A_222] {strides = array<i32>} : memref<1000xi32, #tpu.memory_space<vmem>>, vector<16xi32>,
      tpu.vector_store_idx %arg20[%get3A_223], %broadcast_in_dim3A_3 {add = true} : memref<10000xf32, #tpu.memory_space<vmem>>[vector<16xi32>], vector<16xf32>,
      %get3A_224 = arith.constant 400 : index
      %get3A_225 = tpu.vector_load %arg18[%get3A_224] {strides = array<i32>} : memref<1000xi32, #tpu.memory_space<vmem>>, vector<16xi32>,
      tpu.vector_store_idx %arg20[%get3A_225], %broadcast_in_dim3A_3 {add = true} : memref<10000xf32, #tpu.memory_space<vmem>>[vector<16xi32>], vector<16xf32>,
      %get3A_226 = arith.constant 416 : index
      %get3A_227 = tpu.vector_load %arg18[%get3A_226] {strides = array<i32>} : memref<1000xi32, #tpu.memory_space<vmem>>, vector<16xi32>,
      tpu.vector_store_idx %arg20[%get3A_227], %broadcast_in_dim3A_3 {add = true} : memref<10000xf32, #tpu.memory_space<vmem>>[vector<16xi32>], vector<16xf32>,
      %get3A_228 = arith.constant 432 : index
      %get3A_229 = tpu.vector_load %arg18[%get3A_228] {strides = array<i32>} : memref<1000xi32, #tpu.memory_space<vmem>>, vector<16xi32>,
      tpu.vector_store_idx %arg20[%get3A_229], %broadcast_in_dim3A_3 {add = true} : memref<10000xf32, #tpu.memory_space<vmem>>[vector<16xi32>], vector<16xf32>,
      %get3A_230 = arith.constant 448 : index
      %get3A_231 = tpu.vector_load %arg18[%get3A_230] {strides = array<i32>} : memref<1000xi32, #tpu.memory_space<vmem>>, vector<16xi32>,
      tpu.vector_store_idx %arg20[%get3A_231], %broadcast_in_dim3A_3 {add = true} : memref<10000xf32, #tpu.memory_space<vmem>>[vector<16xi32>], vector<16xf32>,
      %get3A_232 = arith.constant 464 : index
      %get3A_233 = tpu.vector_load %arg18[%get3A_232] {strides = array<i32>} : memref<1000xi32, #tpu.memory_space<vmem>>, vector<16xi32>,
      tpu.vector_store_idx %arg20[%get3A_233], %broadcast_in_dim3A_3 {add = true} : memref<10000xf32, #tpu.memory_space<vmem>>[vector<16xi32>], vector<16xf32>,
      %get3A_234 = arith.constant 480 : index
      %get3A_235 = tpu.vector_load %arg18[%get3A_234] {strides = array<i32>} : memref<1000xi32, #tpu.memory_space<vmem>>, vector<16xi32>,
      tpu.vector_store_idx %arg20[%get3A_235], %broadcast_in_dim3A_3 {add = true} : memref<10000xf32, #tpu.memory_space<vmem>>[vector<16xi32>], vector<16xf32>,
      %get3A_236 = arith.constant 496 : index
      %get3A_237 = tpu.vector_load %arg18[%get3A_236] {strides = array<i32>} : memref<1000xi32, #tpu.memory_space<vmem>>, vector<16xi32>,
      tpu.vector_store_idx %arg20[%get3A_237], %broadcast_in_dim3A_3 {add = true} : memref<10000xf32, #tpu.memory_space<vmem>>[vector<16xi32>], vector<16xf32>,
      %dma_wait3A_238 = arith.constant 3 : i32
      %dma_wait3A_239 = arith.constant 0 : i32
      %dma_wait3A_240 = tpu.memref_slice %arg8[%dma_wait3A_238, %dma_wait3A_239] : memref<8x125xi32, #tpu.memory_space<vmem>> -> memref<1x125xi32, #tpu.memory_space<vmem>>
      %dma_wait3A_241 = tpu.memref_squeeze %dma_wait3A_240 : memref<1x125xi32, #tpu.memory_space<vmem>> -> memref<125xi32, #tpu.memory_space<vmem>>
      %dma_wait3A_242 = arith.constant 0 : i32
      %dma_wait3A_243 = arith.constant 0 : i32
      %dma_wait3A_244 = tpu.memref_slice %arg2[%dma_wait3A_242, %dma_wait3A_243] : memref<10000x128xf32, #tpu.memory_space<hbm>> -> memref<10000x128xf32, #tpu.memory_space<hbm>>
      tpu.wait_indirect_dma semaphore(%arg16 : memref<!tpu.dma_semaphore, #tpu.memory_space<semaphore_mem>>) src(%dma_wait3A_244 : memref<10000x128xf32, #tpu.memory_space<hbm>>) dst(%arg13 : memref<125x128xf32, #tpu.memory_space<vmem>>)
      %run_scoped3A_245 = arith.constant 3 : i32
      "tpu.region"() ({
        %run_scoped3A_640 = tpu.sem_alloc : memref<!tpu.dma_semaphore, #tpu.memory_space<semaphore_mem>>
        %dma_start3A_641 = arith.constant 0 : i32
        %dma_start3A_642 = tpu.memref_slice %arg10[%run_scoped3A_245, %dma_start3A_641] : memref<8x125xi32, #tpu.memory_space<vmem>> -> memref<1x125xi32, #tpu.memory_space<vmem>>
        %dma_start3A_643 = tpu.memref_squeeze %dma_start3A_642 : memref<1x125xi32, #tpu.memory_space<vmem>> -> memref<125xi32, #tpu.memory_space<vmem>>
        %dma_start3A_644 = arith.constant 0 : i32
        %dma_start3A_645 = arith.constant 0 : i32
        %dma_start3A_646 = tpu.memref_slice %arg14[%dma_start3A_644, %dma_start3A_645] : memref<10000x128xf32, #tpu.memory_space<vmem_shared>> -> memref<10000x128xf32, #tpu.memory_space<vmem_shared>>
        tpu.enqueue_indirect_dma source(%arg13 : memref<125x128xf32, #tpu.memory_space<vmem>>) target(%dma_start3A_646 : memref<10000x128xf32, #tpu.memory_space<vmem_shared>>) offsets(%dma_start3A_643 : memref<125xi32, #tpu.memory_space<vmem>>) semaphore(%run_scoped3A_640 : memref<!tpu.dma_semaphore, #tpu.memory_space<semaphore_mem>>) {add = true}
        %dma_wait3A_647 = arith.constant 0 : i32
        %dma_wait3A_648 = tpu.memref_slice %arg10[%run_scoped3A_245, %dma_wait3A_647] : memref<8x125xi32, #tpu.memory_space<vmem>> -> memref<1x125xi32, #tpu.memory_space<vmem>>
        %dma_wait3A_649 = tpu.memref_squeeze %dma_wait3A_648 : memref<1x125xi32, #tpu.memory_space<vmem>> -> memref<125xi32, #tpu.memory_space<vmem>>
        %dma_wait3A_650 = arith.constant 0 : i32
        %dma_wait3A_651 = arith.constant 0 : i32
        %dma_wait3A_652 = tpu.memref_slice %arg14[%dma_wait3A_650, %dma_wait3A_651] : memref<10000x128xf32, #tpu.memory_space<vmem_shared>> -> memref<10000x128xf32, #tpu.memory_space<vmem_shared>>
        tpu.wait_indirect_dma semaphore(%run_scoped3A_640 : memref<!tpu.dma_semaphore, #tpu.memory_space<semaphore_mem>>) src(%arg13 : memref<125x128xf32, #tpu.memory_space<vmem>>) dst(%dma_wait3A_652 : memref<10000x128xf32, #tpu.memory_space<vmem_shared>>)
        tpu.yield
      }) : () -> ()
      %dma_start3A_246 = arith.constant 5 : i32
      %dma_start3A_247 = arith.constant 0 : i32
      %dma_start3A_248 = tpu.memref_slice %arg8[%dma_start3A_246, %dma_start3A_247] : memref<8x125xi32, #tpu.memory_space<vmem>> -> memref<1x125xi32, #tpu.memory_space<vmem>>
      %dma_start3A_249 = tpu.memref_squeeze %dma_start3A_248 : memref<1x125xi32, #tpu.memory_space<vmem>> -> memref<125xi32, #tpu.memory_space<vmem>>
      %dma_start3A_250 = arith.constant 0 : i32
      %dma_start3A_251 = arith.constant 0 : i32
      %dma_start3A_252 = tpu.memref_slice %arg2[%dma_start3A_250, %dma_start3A_251] : memref<10000x128xf32, #tpu.memory_space<hbm>> -> memref<10000x128xf32, #tpu.memory_space<hbm>>
      tpu.enqueue_indirect_dma source(%dma_start3A_252 : memref<10000x128xf32, #tpu.memory_space<hbm>>) target(%arg13 : memref<125x128xf32, #tpu.memory_space<vmem>>) offsets(%dma_start3A_249 : memref<125xi32, #tpu.memory_space<vmem>>) semaphore(%arg16 : memref<!tpu.dma_semaphore, #tpu.memory_space<semaphore_mem>>)
      %get3A_253 = arith.constant 512 : index
      %get3A_254 = tpu.vector_load %arg18[%get3A_253] {strides = array<i32>} : memref<1000xi32, #tpu.memory_space<vmem>>, vector<16xi32>,
      tpu.vector_store_idx %arg20[%get3A_254], %broadcast_in_dim3A_3 {add = true} : memref<10000xf32, #tpu.memory_space<vmem>>[vector<16xi32>], vector<16xf32>,
      %get3A_255 = arith.constant 528 : index
      %get3A_256 = tpu.vector_load %arg18[%get3A_255] {strides = array<i32>} : memref<1000xi32, #tpu.memory_space<vmem>>, vector<16xi32>,
      tpu.vector_store_idx %arg20[%get3A_256], %broadcast_in_dim3A_3 {add = true} : memref<10000xf32, #tpu.memory_space<vmem>>[vector<16xi32>], vector<16xf32>,
      %get3A_257 = arith.constant 544 : index
      %get3A_258 = tpu.vector_load %arg18[%get3A_257] {strides = array<i32>} : memref<1000xi32, #tpu.memory_space<vmem>>, vector<16xi32>,
      tpu.vector_store_idx %arg20[%get3A_258], %broadcast_in_dim3A_3 {add = true} : memref<10000xf32, #tpu.memory_space<vmem>>[vector<16xi32>], vector<16xf32>,
      %get3A_259 = arith.constant 560 : index
      %get3A_260 = tpu.vector_load %arg18[%get3A_259] {strides = array<i32>} : memref<1000xi32, #tpu.memory_space<vmem>>, vector<16xi32>,
      tpu.vector_store_idx %arg20[%get3A_260], %broadcast_in_dim3A_3 {add = true} : memref<10000xf32, #tpu.memory_space<vmem>>[vector<16xi32>], vector<16xf32>,
      %get3A_261 = arith.constant 576 : index
      %get3A_262 = tpu.vector_load %arg18[%get3A_261] {strides = array<i32>} : memref<1000xi32, #tpu.memory_space<vmem>>, vector<16xi32>,
      tpu.vector_store_idx %arg20[%get3A_262], %broadcast_in_dim3A_3 {add = true} : memref<10000xf32, #tpu.memory_space<vmem>>[vector<16xi32>], vector<16xf32>,
      %get3A_263 = arith.constant 592 : index
      %get3A_264 = tpu.vector_load %arg18[%get3A_263] {strides = array<i32>} : memref<1000xi32, #tpu.memory_space<vmem>>, vector<16xi32>,
      tpu.vector_store_idx %arg20[%get3A_264], %broadcast_in_dim3A_3 {add = true} : memref<10000xf32, #tpu.memory_space<vmem>>[vector<16xi32>], vector<16xf32>,
      %get3A_265 = arith.constant 608 : index
      %get3A_266 = tpu.vector_load %arg18[%get3A_265] {strides = array<i32>} : memref<1000xi32, #tpu.memory_space<vmem>>, vector<16xi32>,
      tpu.vector_store_idx %arg20[%get3A_266], %broadcast_in_dim3A_3 {add = true} : memref<10000xf32, #tpu.memory_space<vmem>>[vector<16xi32>], vector<16xf32>,
      %get3A_267 = arith.constant 624 : index
      %get3A_268 = tpu.vector_load %arg18[%get3A_267] {strides = array<i32>} : memref<1000xi32, #tpu.memory_space<vmem>>, vector<16xi32>,
      tpu.vector_store_idx %arg20[%get3A_268], %broadcast_in_dim3A_3 {add = true} : memref<10000xf32, #tpu.memory_space<vmem>>[vector<16xi32>], vector<16xf32>,
      %dma_wait3A_269 = arith.constant 4 : i32
      %dma_wait3A_270 = arith.constant 0 : i32
      %dma_wait3A_271 = tpu.memref_slice %arg8[%dma_wait3A_269, %dma_wait3A_270] : memref<8x125xi32, #tpu.memory_space<vmem>> -> memref<1x125xi32, #tpu.memory_space<vmem>>
      %dma_wait3A_272 = tpu.memref_squeeze %dma_wait3A_271 : memref<1x125xi32, #tpu.memory_space<vmem>> -> memref<125xi32, #tpu.memory_space<vmem>>
      %dma_wait3A_273 = arith.constant 0 : i32
      %dma_wait3A_274 = arith.constant 0 : i32
      %dma_wait3A_275 = tpu.memref_slice %arg2[%dma_wait3A_273, %dma_wait3A_274] : memref<10000x128xf32, #tpu.memory_space<hbm>> -> memref<10000x128xf32, #tpu.memory_space<hbm>>
      tpu.wait_indirect_dma semaphore(%arg15 : memref<!tpu.dma_semaphore, #tpu.memory_space<semaphore_mem>>) src(%dma_wait3A_275 : memref<10000x128xf32, #tpu.memory_space<hbm>>) dst(%arg12 : memref<125x128xf32, #tpu.memory_space<vmem>>)
      %run_scoped3A_276 = arith.constant 4 : i32
      "tpu.region"() ({
        %run_scoped3A_640 = tpu.sem_alloc : memref<!tpu.dma_semaphore, #tpu.memory_space<semaphore_mem>>
        %dma_start3A_641 = arith.constant 0 : i32
        %dma_start3A_642 = tpu.memref_slice %arg10[%run_scoped3A_276, %dma_start3A_641] : memref<8x125xi32, #tpu.memory_space<vmem>> -> memref<1x125xi32, #tpu.memory_space<vmem>>
        %dma_start3A_643 = tpu.memref_squeeze %dma_start3A_642 : memref<1x125xi32, #tpu.memory_space<vmem>> -> memref<125xi32, #tpu.memory_space<vmem>>
        %dma_start3A_644 = arith.constant 0 : i32
        %dma_start3A_645 = arith.constant 0 : i32
        %dma_start3A_646 = tpu.memref_slice %arg14[%dma_start3A_644, %dma_start3A_645] : memref<10000x128xf32, #tpu.memory_space<vmem_shared>> -> memref<10000x128xf32, #tpu.memory_space<vmem_shared>>
        tpu.enqueue_indirect_dma source(%arg12 : memref<125x128xf32, #tpu.memory_space<vmem>>) target(%dma_start3A_646 : memref<10000x128xf32, #tpu.memory_space<vmem_shared>>) offsets(%dma_start3A_643 : memref<125xi32, #tpu.memory_space<vmem>>) semaphore(%run_scoped3A_640 : memref<!tpu.dma_semaphore, #tpu.memory_space<semaphore_mem>>) {add = true}
        %dma_wait3A_647 = arith.constant 0 : i32
        %dma_wait3A_648 = tpu.memref_slice %arg10[%run_scoped3A_276, %dma_wait3A_647] : memref<8x125xi32, #tpu.memory_space<vmem>> -> memref<1x125xi32, #tpu.memory_space<vmem>>
        %dma_wait3A_649 = tpu.memref_squeeze %dma_wait3A_648 : memref<1x125xi32, #tpu.memory_space<vmem>> -> memref<125xi32, #tpu.memory_space<vmem>>
        %dma_wait3A_650 = arith.constant 0 : i32
        %dma_wait3A_651 = arith.constant 0 : i32
        %dma_wait3A_652 = tpu.memref_slice %arg14[%dma_wait3A_650, %dma_wait3A_651] : memref<10000x128xf32, #tpu.memory_space<vmem_shared>> -> memref<10000x128xf32, #tpu.memory_space<vmem_shared>>
        tpu.wait_indirect_dma semaphore(%run_scoped3A_640 : memref<!tpu.dma_semaphore, #tpu.memory_space<semaphore_mem>>) src(%arg12 : memref<125x128xf32, #tpu.memory_space<vmem>>) dst(%dma_wait3A_652 : memref<10000x128xf32, #tpu.memory_space<vmem_shared>>)
        tpu.yield
      }) : () -> ()
      %dma_start3A_277 = arith.constant 6 : i32
      %dma_start3A_278 = arith.constant 0 : i32
      %dma_start3A_279 = tpu.memref_slice %arg8[%dma_start3A_277, %dma_start3A_278] : memref<8x125xi32, #tpu.memory_space<vmem>> -> memref<1x125xi32, #tpu.memory_space<vmem>>
      %dma_start3A_280 = tpu.memref_squeeze %dma_start3A_279 : memref<1x125xi32, #tpu.memory_space<vmem>> -> memref<125xi32, #tpu.memory_space<vmem>>
      %dma_start3A_281 = arith.constant 0 : i32
      %dma_start3A_282 = arith.constant 0 : i32
      %dma_start3A_283 = tpu.memref_slice %arg2[%dma_start3A_281, %dma_start3A_282] : memref<10000x128xf32, #tpu.memory_space<hbm>> -> memref<10000x128xf32, #tpu.memory_space<hbm>>
      tpu.enqueue_indirect_dma source(%dma_start3A_283 : memref<10000x128xf32, #tpu.memory_space<hbm>>) target(%arg12 : memref<125x128xf32, #tpu.memory_space<vmem>>) offsets(%dma_start3A_280 : memref<125xi32, #tpu.memory_space<vmem>>) semaphore(%arg15 : memref<!tpu.dma_semaphore, #tpu.memory_space<semaphore_mem>>)
      %get3A_284 = arith.constant 640 : index
      %get3A_285 = tpu.vector_load %arg18[%get3A_284] {strides = array<i32>} : memref<1000xi32, #tpu.memory_space<vmem>>, vector<16xi32>,
      tpu.vector_store_idx %arg20[%get3A_285], %broadcast_in_dim3A_3 {add = true} : memref<10000xf32, #tpu.memory_space<vmem>>[vector<16xi32>], vector<16xf32>,
      %get3A_286 = arith.constant 656 : index
      %get3A_287 = tpu.vector_load %arg18[%get3A_286] {strides = array<i32>} : memref<1000xi32, #tpu.memory_space<vmem>>, vector<16xi32>,
      tpu.vector_store_idx %arg20[%get3A_287], %broadcast_in_dim3A_3 {add = true} : memref<10000xf32, #tpu.memory_space<vmem>>[vector<16xi32>], vector<16xf32>,
      %get3A_288 = arith.constant 672 : index
      %get3A_289 = tpu.vector_load %arg18[%get3A_288] {strides = array<i32>} : memref<1000xi32, #tpu.memory_space<vmem>>, vector<16xi32>,
      tpu.vector_store_idx %arg20[%get3A_289], %broadcast_in_dim3A_3 {add = true} : memref<10000xf32, #tpu.memory_space<vmem>>[vector<16xi32>], vector<16xf32>,
      %get3A_290 = arith.constant 688 : index
      %get3A_291 = tpu.vector_load %arg18[%get3A_290] {strides = array<i32>} : memref<1000xi32, #tpu.memory_space<vmem>>, vector<16xi32>,
      tpu.vector_store_idx %arg20[%get3A_291], %broadcast_in_dim3A_3 {add = true} : memref<10000xf32, #tpu.memory_space<vmem>>[vector<16xi32>], vector<16xf32>,
      %get3A_292 = arith.constant 704 : index
      %get3A_293 = tpu.vector_load %arg18[%get3A_292] {strides = array<i32>} : memref<1000xi32, #tpu.memory_space<vmem>>, vector<16xi32>,
      tpu.vector_store_idx %arg20[%get3A_293], %broadcast_in_dim3A_3 {add = true} : memref<10000xf32, #tpu.memory_space<vmem>>[vector<16xi32>], vector<16xf32>,
      %get3A_294 = arith.constant 720 : index
      %get3A_295 = tpu.vector_load %arg18[%get3A_294] {strides = array<i32>} : memref<1000xi32, #tpu.memory_space<vmem>>, vector<16xi32>,
      tpu.vector_store_idx %arg20[%get3A_295], %broadcast_in_dim3A_3 {add = true} : memref<10000xf32, #tpu.memory_space<vmem>>[vector<16xi32>], vector<16xf32>,
      %get3A_296 = arith.constant 736 : index
      %get3A_297 = tpu.vector_load %arg18[%get3A_296] {strides = array<i32>} : memref<1000xi32, #tpu.memory_space<vmem>>, vector<16xi32>,
      tpu.vector_store_idx %arg20[%get3A_297], %broadcast_in_dim3A_3 {add = true} : memref<10000xf32, #tpu.memory_space<vmem>>[vector<16xi32>], vector<16xf32>,
      %get3A_298 = arith.constant 752 : index
      %get3A_299 = tpu.vector_load %arg18[%get3A_298] {strides = array<i32>} : memref<1000xi32, #tpu.memory_space<vmem>>, vector<16xi32>,
      tpu.vector_store_idx %arg20[%get3A_299], %broadcast_in_dim3A_3 {add = true} : memref<10000xf32, #tpu.memory_space<vmem>>[vector<16xi32>], vector<16xf32>,
      %dma_wait3A_300 = arith.constant 5 : i32
      %dma_wait3A_301 = arith.constant 0 : i32
      %dma_wait3A_302 = tpu.memref_slice %arg8[%dma_wait3A_300, %dma_wait3A_301] : memref<8x125xi32, #tpu.memory_space<vmem>> -> memref<1x125xi32, #tpu.memory_space<vmem>>
      %dma_wait3A_303 = tpu.memref_squeeze %dma_wait3A_302 : memref<1x125xi32, #tpu.memory_space<vmem>> -> memref<125xi32, #tpu.memory_space<vmem>>
      %dma_wait3A_304 = arith.constant 0 : i32
      %dma_wait3A_305 = arith.constant 0 : i32
      %dma_wait3A_306 = tpu.memref_slice %arg2[%dma_wait3A_304, %dma_wait3A_305] : memref<10000x128xf32, #tpu.memory_space<hbm>> -> memref<10000x128xf32, #tpu.memory_space<hbm>>
      tpu.wait_indirect_dma semaphore(%arg16 : memref<!tpu.dma_semaphore, #tpu.memory_space<semaphore_mem>>) src(%dma_wait3A_306 : memref<10000x128xf32, #tpu.memory_space<hbm>>) dst(%arg13 : memref<125x128xf32, #tpu.memory_space<vmem>>)
      %run_scoped3A_307 = arith.constant 5 : i32
      "tpu.region"() ({
        %run_scoped3A_640 = tpu.sem_alloc : memref<!tpu.dma_semaphore, #tpu.memory_space<semaphore_mem>>
        %dma_start3A_641 = arith.constant 0 : i32
        %dma_start3A_642 = tpu.memref_slice %arg10[%run_scoped3A_307, %dma_start3A_641] : memref<8x125xi32, #tpu.memory_space<vmem>> -> memref<1x125xi32, #tpu.memory_space<vmem>>
        %dma_start3A_643 = tpu.memref_squeeze %dma_start3A_642 : memref<1x125xi32, #tpu.memory_space<vmem>> -> memref<125xi32, #tpu.memory_space<vmem>>
        %dma_start3A_644 = arith.constant 0 : i32
        %dma_start3A_645 = arith.constant 0 : i32
        %dma_start3A_646 = tpu.memref_slice %arg14[%dma_start3A_644, %dma_start3A_645] : memref<10000x128xf32, #tpu.memory_space<vmem_shared>> -> memref<10000x128xf32, #tpu.memory_space<vmem_shared>>
        tpu.enqueue_indirect_dma source(%arg13 : memref<125x128xf32, #tpu.memory_space<vmem>>) target(%dma_start3A_646 : memref<10000x128xf32, #tpu.memory_space<vmem_shared>>) offsets(%dma_start3A_643 : memref<125xi32, #tpu.memory_space<vmem>>) semaphore(%run_scoped3A_640 : memref<!tpu.dma_semaphore, #tpu.memory_space<semaphore_mem>>) {add = true}
        %dma_wait3A_647 = arith.constant 0 : i32
        %dma_wait3A_648 = tpu.memref_slice %arg10[%run_scoped3A_307, %dma_wait3A_647] : memref<8x125xi32, #tpu.memory_space<vmem>> -> memref<1x125xi32, #tpu.memory_space<vmem>>
        %dma_wait3A_649 = tpu.memref_squeeze %dma_wait3A_648 : memref<1x125xi32, #tpu.memory_space<vmem>> -> memref<125xi32, #tpu.memory_space<vmem>>
        %dma_wait3A_650 = arith.constant 0 : i32
        %dma_wait3A_651 = arith.constant 0 : i32
        %dma_wait3A_652 = tpu.memref_slice %arg14[%dma_wait3A_650, %dma_wait3A_651] : memref<10000x128xf32, #tpu.memory_space<vmem_shared>> -> memref<10000x128xf32, #tpu.memory_space<vmem_shared>>
        tpu.wait_indirect_dma semaphore(%run_scoped3A_640 : memref<!tpu.dma_semaphore, #tpu.memory_space<semaphore_mem>>) src(%arg13 : memref<125x128xf32, #tpu.memory_space<vmem>>) dst(%dma_wait3A_652 : memref<10000x128xf32, #tpu.memory_space<vmem_shared>>)
        tpu.yield
      }) : () -> ()
      %dma_start3A_308 = arith.constant 7 : i32
      %dma_start3A_309 = arith.constant 0 : i32
      %dma_start3A_310 = tpu.memref_slice %arg8[%dma_start3A_308, %dma_start3A_309] : memref<8x125xi32, #tpu.memory_space<vmem>> -> memref<1x125xi32, #tpu.memory_space<vmem>>
      %dma_start3A_311 = tpu.memref_squeeze %dma_start3A_310 : memref<1x125xi32, #tpu.memory_space<vmem>> -> memref<125xi32, #tpu.memory_space<vmem>>
      %dma_start3A_312 = arith.constant 0 : i32
      %dma_start3A_313 = arith.constant 0 : i32
      %dma_start3A_314 = tpu.memref_slice %arg2[%dma_start3A_312, %dma_start3A_313] : memref<10000x128xf32, #tpu.memory_space<hbm>> -> memref<10000x128xf32, #tpu.memory_space<hbm>>
      tpu.enqueue_indirect_dma source(%dma_start3A_314 : memref<10000x128xf32, #tpu.memory_space<hbm>>) target(%arg13 : memref<125x128xf32, #tpu.memory_space<vmem>>) offsets(%dma_start3A_311 : memref<125xi32, #tpu.memory_space<vmem>>) semaphore(%arg16 : memref<!tpu.dma_semaphore, #tpu.memory_space<semaphore_mem>>)
      %get3A_315 = arith.constant 768 : index
      %get3A_316 = tpu.vector_load %arg18[%get3A_315] {strides = array<i32>} : memref<1000xi32, #tpu.memory_space<vmem>>, vector<16xi32>,
      tpu.vector_store_idx %arg20[%get3A_316], %broadcast_in_dim3A_3 {add = true} : memref<10000xf32, #tpu.memory_space<vmem>>[vector<16xi32>], vector<16xf32>,
      %get3A_317 = arith.constant 784 : index
      %get3A_318 = tpu.vector_load %arg18[%get3A_317] {strides = array<i32>} : memref<1000xi32, #tpu.memory_space<vmem>>, vector<16xi32>,
      tpu.vector_store_idx %arg20[%get3A_318], %broadcast_in_dim3A_3 {add = true} : memref<10000xf32, #tpu.memory_space<vmem>>[vector<16xi32>], vector<16xf32>,
      %get3A_319 = arith.constant 800 : index
      %get3A_320 = tpu.vector_load %arg18[%get3A_319] {strides = array<i32>} : memref<1000xi32, #tpu.memory_space<vmem>>, vector<16xi32>,
      tpu.vector_store_idx %arg20[%get3A_320], %broadcast_in_dim3A_3 {add = true} : memref<10000xf32, #tpu.memory_space<vmem>>[vector<16xi32>], vector<16xf32>,
      %get3A_321 = arith.constant 816 : index
      %get3A_322 = tpu.vector_load %arg18[%get3A_321] {strides = array<i32>} : memref<1000xi32, #tpu.memory_space<vmem>>, vector<16xi32>,
      tpu.vector_store_idx %arg20[%get3A_322], %broadcast_in_dim3A_3 {add = true} : memref<10000xf32, #tpu.memory_space<vmem>>[vector<16xi32>], vector<16xf32>,
      %get3A_323 = arith.constant 832 : index
      %get3A_324 = tpu.vector_load %arg18[%get3A_323] {strides = array<i32>} : memref<1000xi32, #tpu.memory_space<vmem>>, vector<16xi32>,
      tpu.vector_store_idx %arg20[%get3A_324], %broadcast_in_dim3A_3 {add = true} : memref<10000xf32, #tpu.memory_space<vmem>>[vector<16xi32>], vector<16xf32>,
      %get3A_325 = arith.constant 848 : index
      %get3A_326 = tpu.vector_load %arg18[%get3A_325] {strides = array<i32>} : memref<1000xi32, #tpu.memory_space<vmem>>, vector<16xi32>,
      tpu.vector_store_idx %arg20[%get3A_326], %broadcast_in_dim3A_3 {add = true} : memref<10000xf32, #tpu.memory_space<vmem>>[vector<16xi32>], vector<16xf32>,
      %get3A_327 = arith.constant 864 : index
      %get3A_328 = tpu.vector_load %arg18[%get3A_327] {strides = array<i32>} : memref<1000xi32, #tpu.memory_space<vmem>>, vector<16xi32>,
      tpu.vector_store_idx %arg20[%get3A_328], %broadcast_in_dim3A_3 {add = true} : memref<10000xf32, #tpu.memory_space<vmem>>[vector<16xi32>], vector<16xf32>,
      %get3A_329 = arith.constant 880 : index
      %get3A_330 = tpu.vector_load %arg18[%get3A_329] {strides = array<i32>} : memref<1000xi32, #tpu.memory_space<vmem>>, vector<16xi32>,
      tpu.vector_store_idx %arg20[%get3A_330], %broadcast_in_dim3A_3 {add = true} : memref<10000xf32, #tpu.memory_space<vmem>>[vector<16xi32>], vector<16xf32>,
      %dma_wait3A_331 = arith.constant 6 : i32
      %dma_wait3A_332 = arith.constant 0 : i32
      %dma_wait3A_333 = tpu.memref_slice %arg8[%dma_wait3A_331, %dma_wait3A_332] : memref<8x125xi32, #tpu.memory_space<vmem>> -> memref<1x125xi32, #tpu.memory_space<vmem>>
      %dma_wait3A_334 = tpu.memref_squeeze %dma_wait3A_333 : memref<1x125xi32, #tpu.memory_space<vmem>> -> memref<125xi32, #tpu.memory_space<vmem>>
      %dma_wait3A_335 = arith.constant 0 : i32
      %dma_wait3A_336 = arith.constant 0 : i32
      %dma_wait3A_337 = tpu.memref_slice %arg2[%dma_wait3A_335, %dma_wait3A_336] : memref<10000x128xf32, #tpu.memory_space<hbm>> -> memref<10000x128xf32, #tpu.memory_space<hbm>>
      tpu.wait_indirect_dma semaphore(%arg15 : memref<!tpu.dma_semaphore, #tpu.memory_space<semaphore_mem>>) src(%dma_wait3A_337 : memref<10000x128xf32, #tpu.memory_space<hbm>>) dst(%arg12 : memref<125x128xf32, #tpu.memory_space<vmem>>)
      %run_scoped3A_338 = arith.constant 6 : i32
      "tpu.region"() ({
        %run_scoped3A_640 = tpu.sem_alloc : memref<!tpu.dma_semaphore, #tpu.memory_space<semaphore_mem>>
        %dma_start3A_641 = arith.constant 0 : i32
        %dma_start3A_642 = tpu.memref_slice %arg10[%run_scoped3A_338, %dma_start3A_641] : memref<8x125xi32, #tpu.memory_space<vmem>> -> memref<1x125xi32, #tpu.memory_space<vmem>>
        %dma_start3A_643 = tpu.memref_squeeze %dma_start3A_642 : memref<1x125xi32, #tpu.memory_space<vmem>> -> memref<125xi32, #tpu.memory_space<vmem>>
        %dma_start3A_644 = arith.constant 0 : i32
        %dma_start3A_645 = arith.constant 0 : i32
        %dma_start3A_646 = tpu.memref_slice %arg14[%dma_start3A_644, %dma_start3A_645] : memref<10000x128xf32, #tpu.memory_space<vmem_shared>> -> memref<10000x128xf32, #tpu.memory_space<vmem_shared>>
        tpu.enqueue_indirect_dma source(%arg12 : memref<125x128xf32, #tpu.memory_space<vmem>>) target(%dma_start3A_646 : memref<10000x128xf32, #tpu.memory_space<vmem_shared>>) offsets(%dma_start3A_643 : memref<125xi32, #tpu.memory_space<vmem>>) semaphore(%run_scoped3A_640 : memref<!tpu.dma_semaphore, #tpu.memory_space<semaphore_mem>>) {add = true}
        %dma_wait3A_647 = arith.constant 0 : i32
        %dma_wait3A_648 = tpu.memref_slice %arg10[%run_scoped3A_338, %dma_wait3A_647] : memref<8x125xi32, #tpu.memory_space<vmem>> -> memref<1x125xi32, #tpu.memory_space<vmem>>
        %dma_wait3A_649 = tpu.memref_squeeze %dma_wait3A_648 : memref<1x125xi32, #tpu.memory_space<vmem>> -> memref<125xi32, #tpu.memory_space<vmem>>
        %dma_wait3A_650 = arith.constant 0 : i32
        %dma_wait3A_651 = arith.constant 0 : i32
        %dma_wait3A_652 = tpu.memref_slice %arg14[%dma_wait3A_650, %dma_wait3A_651] : memref<10000x128xf32, #tpu.memory_space<vmem_shared>> -> memref<10000x128xf32, #tpu.memory_space<vmem_shared>>
        tpu.wait_indirect_dma semaphore(%run_scoped3A_640 : memref<!tpu.dma_semaphore, #tpu.memory_space<semaphore_mem>>) src(%arg12 : memref<125x128xf32, #tpu.memory_space<vmem>>) dst(%dma_wait3A_652 : memref<10000x128xf32, #tpu.memory_space<vmem_shared>>)
        tpu.yield
      }) : () -> ()
      %dma_wait3A_339 = arith.constant 0 : i32
      %dma_wait3A_340 = arith.constant 0 : i32
      %dma_wait3A_341 = arith.constant 0 : i32
      %dma_wait3A_342 = tpu.memref_slice %arg3[%dma_wait3A_339, %dma_wait3A_340, %dma_wait3A_341] : memref<2x2560x125xi32, #tpu.memory_space<hbm>> -> memref<1x8x125xi32, #tpu.memory_space<hbm>>
      %dma_wait3A_343 = tpu.memref_squeeze %dma_wait3A_342 : memref<1x8x125xi32, #tpu.memory_space<hbm>> -> memref<8x125xi32, #tpu.memory_space<hbm>>
      %dma_wait3A_344 = arith.constant 0 : i32
      %dma_wait3A_345 = arith.constant 0 : i32
      %dma_wait3A_346 = tpu.memref_slice %arg3[%dma_wait3A_339, %dma_wait3A_344, %dma_wait3A_345] : memref<2x2560x125xi32, #tpu.memory_space<hbm>> -> memref<1x8x125xi32, #tpu.memory_space<hbm>>
      %dma_wait3A_347 = tpu.memref_squeeze %dma_wait3A_346 : memref<1x8x125xi32, #tpu.memory_space<hbm>> -> memref<8x125xi32, #tpu.memory_space<hbm>>
      tpu.wait_dma2 semaphore(%arg17 : memref<!tpu.dma_semaphore, #tpu.memory_space<semaphore_mem>>) src(%dma_wait3A_347 : memref<8x125xi32, #tpu.memory_space<hbm>>) dst(%arg9 : memref<8x125xi32, #tpu.memory_space<vmem>>)
      %dma_wait3A_348 = arith.constant 1 : i32
      %dma_wait3A_349 = arith.constant 0 : i32
      %dma_wait3A_350 = arith.constant 0 : i32
      %dma_wait3A_351 = tpu.memref_slice %arg3[%dma_wait3A_348, %dma_wait3A_349, %dma_wait3A_350] : memref<2x2560x125xi32, #tpu.memory_space<hbm>> -> memref<1x8x125xi32, #tpu.memory_space<hbm>>
      %dma_wait3A_352 = tpu.memref_squeeze %dma_wait3A_351 : memref<1x8x125xi32, #tpu.memory_space<hbm>> -> memref<8x125xi32, #tpu.memory_space<hbm>>
      %dma_wait3A_353 = arith.constant 0 : i32
      %dma_wait3A_354 = arith.constant 0 : i32
      %dma_wait3A_355 = tpu.memref_slice %arg3[%dma_wait3A_348, %dma_wait3A_353, %dma_wait3A_354] : memref<2x2560x125xi32, #tpu.memory_space<hbm>> -> memref<1x8x125xi32, #tpu.memory_space<hbm>>
      %dma_wait3A_356 = tpu.memref_squeeze %dma_wait3A_355 : memref<1x8x125xi32, #tpu.memory_space<hbm>> -> memref<8x125xi32, #tpu.memory_space<hbm>>
      tpu.wait_dma2 semaphore(%arg17 : memref<!tpu.dma_semaphore, #tpu.memory_space<semaphore_mem>>) src(%dma_wait3A_356 : memref<8x125xi32, #tpu.memory_space<hbm>>) dst(%arg11 : memref<8x125xi32, #tpu.memory_space<vmem>>)
      %dma_wait3A_357 = arith.constant 0 : i32
      %dma_wait3A_358 = tpu.memref_slice %arg4[%dma_wait3A_357] : memref<640000xi32, #tpu.memory_space<hbm>> -> memref<1000xi32, #tpu.memory_space<hbm>>
      %dma_wait3A_359 = arith.constant 0 : i32
      %dma_wait3A_360 = tpu.memref_slice %arg4[%dma_wait3A_359] : memref<640000xi32, #tpu.memory_space<hbm>> -> memref<1000xi32, #tpu.memory_space<hbm>>
      tpu.wait_dma2 semaphore(%arg17 : memref<!tpu.dma_semaphore, #tpu.memory_space<semaphore_mem>>) src(%dma_wait3A_360 : memref<1000xi32, #tpu.memory_space<hbm>>) dst(%arg19 : memref<1000xi32, #tpu.memory_space<vmem>>)
      %dma_start3A_361 = arith.constant 0 : i32
      %dma_start3A_362 = arith.constant 0 : i32
      %dma_start3A_363 = tpu.memref_slice %arg9[%dma_start3A_361, %dma_start3A_362] : memref<8x125xi32, #tpu.memory_space<vmem>> -> memref<1x125xi32, #tpu.memory_space<vmem>>
      %dma_start3A_364 = tpu.memref_squeeze %dma_start3A_363 : memref<1x125xi32, #tpu.memory_space<vmem>> -> memref<125xi32, #tpu.memory_space<vmem>>
      %dma_start3A_365 = arith.constant 0 : i32
      %dma_start3A_366 = arith.constant 0 : i32
      %dma_start3A_367 = tpu.memref_slice %arg2[%dma_start3A_365, %dma_start3A_366] : memref<10000x128xf32, #tpu.memory_space<hbm>> -> memref<10000x128xf32, #tpu.memory_space<hbm>>
      tpu.enqueue_indirect_dma source(%dma_start3A_367 : memref<10000x128xf32, #tpu.memory_space<hbm>>) target(%arg12 : memref<125x128xf32, #tpu.memory_space<vmem>>) offsets(%dma_start3A_364 : memref<125xi32, #tpu.memory_space<vmem>>) semaphore(%arg15 : memref<!tpu.dma_semaphore, #tpu.memory_space<semaphore_mem>>)
      %get3A_368 = arith.constant 896 : index
      %get3A_369 = tpu.vector_load %arg18[%get3A_368] {strides = array<i32>} : memref<1000xi32, #tpu.memory_space<vmem>>, vector<16xi32>,
      tpu.vector_store_idx %arg20[%get3A_369], %broadcast_in_dim3A_3 {add = true} : memref<10000xf32, #tpu.memory_space<vmem>>[vector<16xi32>], vector<16xf32>,
      %get3A_370 = arith.constant 912 : index
      %get3A_371 = tpu.vector_load %arg18[%get3A_370] {strides = array<i32>} : memref<1000xi32, #tpu.memory_space<vmem>>, vector<16xi32>,
      tpu.vector_store_idx %arg20[%get3A_371], %broadcast_in_dim3A_3 {add = true} : memref<10000xf32, #tpu.memory_space<vmem>>[vector<16xi32>], vector<16xf32>,
      %get3A_372 = arith.constant 928 : index
      %get3A_373 = tpu.vector_load %arg18[%get3A_372] {strides = array<i32>} : memref<1000xi32, #tpu.memory_space<vmem>>, vector<16xi32>,
      tpu.vector_store_idx %arg20[%get3A_373], %broadcast_in_dim3A_3 {add = true} : memref<10000xf32, #tpu.memory_space<vmem>>[vector<16xi32>], vector<16xf32>,
      %get3A_374 = arith.constant 944 : index
      %get3A_375 = tpu.vector_load %arg18[%get3A_374] {strides = array<i32>} : memref<1000xi32, #tpu.memory_space<vmem>>, vector<16xi32>,
      tpu.vector_store_idx %arg20[%get3A_375], %broadcast_in_dim3A_3 {add = true} : memref<10000xf32, #tpu.memory_space<vmem>>[vector<16xi32>], vector<16xf32>,
      %get3A_376 = arith.constant 960 : index
      %get3A_377 = tpu.vector_load %arg18[%get3A_376] {strides = array<i32>} : memref<1000xi32, #tpu.memory_space<vmem>>, vector<16xi32>,
      tpu.vector_store_idx %arg20[%get3A_377], %broadcast_in_dim3A_3 {add = true} : memref<10000xf32, #tpu.memory_space<vmem>>[vector<16xi32>], vector<16xf32>,
      %get3A_378 = arith.constant 976 : index
      %get3A_379 = tpu.vector_load %arg18[%get3A_378] {strides = array<i32>} : memref<1000xi32, #tpu.memory_space<vmem>>, vector<16xi32>,
      tpu.vector_store_idx %arg20[%get3A_379], %broadcast_in_dim3A_3 {add = true} : memref<10000xf32, #tpu.memory_space<vmem>>[vector<16xi32>], vector<16xf32>,
      %get3A_380 = arith.constant 984 : index
      %get3A_381 = tpu.vector_load %arg18[%get3A_380] {strides = array<i32>} : memref<1000xi32, #tpu.memory_space<vmem>>, vector<16xi32>,
      tpu.vector_store_idx %arg20[%get3A_381], %broadcast_in_dim3A_3 masked %ge3A_5 {add = true} : memref<10000xf32, #tpu.memory_space<vmem>>[vector<16xi32>], vector<16xf32>, vector<16xi1>
      %dma_wait3A_382 = arith.constant 7 : i32
      %dma_wait3A_383 = arith.constant 0 : i32
      %dma_wait3A_384 = tpu.memref_slice %arg8[%dma_wait3A_382, %dma_wait3A_383] : memref<8x125xi32, #tpu.memory_space<vmem>> -> memref<1x125xi32, #tpu.memory_space<vmem>>
      %dma_wait3A_385 = tpu.memref_squeeze %dma_wait3A_384 : memref<1x125xi32, #tpu.memory_space<vmem>> -> memref<125xi32, #tpu.memory_space<vmem>>
      %dma_wait3A_386 = arith.constant 0 : i32
      %dma_wait3A_387 = arith.constant 0 : i32
      %dma_wait3A_388 = tpu.memref_slice %arg2[%dma_wait3A_386, %dma_wait3A_387] : memref<10000x128xf32, #tpu.memory_space<hbm>> -> memref<10000x128xf32, #tpu.memory_space<hbm>>
      tpu.wait_indirect_dma semaphore(%arg16 : memref<!tpu.dma_semaphore, #tpu.memory_space<semaphore_mem>>) src(%dma_wait3A_388 : memref<10000x128xf32, #tpu.memory_space<hbm>>) dst(%arg13 : memref<125x128xf32, #tpu.memory_space<vmem>>)
      %run_scoped3A_389 = arith.constant 7 : i32
      "tpu.region"() ({
        %run_scoped3A_640 = tpu.sem_alloc : memref<!tpu.dma_semaphore, #tpu.memory_space<semaphore_mem>>
        %dma_start3A_641 = arith.constant 0 : i32
        %dma_start3A_642 = tpu.memref_slice %arg10[%run_scoped3A_389, %dma_start3A_641] : memref<8x125xi32, #tpu.memory_space<vmem>> -> memref<1x125xi32, #tpu.memory_space<vmem>>
        %dma_start3A_643 = tpu.memref_squeeze %dma_start3A_642 : memref<1x125xi32, #tpu.memory_space<vmem>> -> memref<125xi32, #tpu.memory_space<vmem>>
        %dma_start3A_644 = arith.constant 0 : i32
        %dma_start3A_645 = arith.constant 0 : i32
        %dma_start3A_646 = tpu.memref_slice %arg14[%dma_start3A_644, %dma_start3A_645] : memref<10000x128xf32, #tpu.memory_space<vmem_shared>> -> memref<10000x128xf32, #tpu.memory_space<vmem_shared>>
        tpu.enqueue_indirect_dma source(%arg13 : memref<125x128xf32, #tpu.memory_space<vmem>>) target(%dma_start3A_646 : memref<10000x128xf32, #tpu.memory_space<vmem_shared>>) offsets(%dma_start3A_643 : memref<125xi32, #tpu.memory_space<vmem>>) semaphore(%run_scoped3A_640 : memref<!tpu.dma_semaphore, #tpu.memory_space<semaphore_mem>>) {add = true}
        %dma_wait3A_647 = arith.constant 0 : i32
        %dma_wait3A_648 = tpu.memref_slice %arg10[%run_scoped3A_389, %dma_wait3A_647] : memref<8x125xi32, #tpu.memory_space<vmem>> -> memref<1x125xi32, #tpu.memory_space<vmem>>
        %dma_wait3A_649 = tpu.memref_squeeze %dma_wait3A_648 : memref<1x125xi32, #tpu.memory_space<vmem>> -> memref<125xi32, #tpu.memory_space<vmem>>
        %dma_wait3A_650 = arith.constant 0 : i32
        %dma_wait3A_651 = arith.constant 0 : i32
        %dma_wait3A_652 = tpu.memref_slice %arg14[%dma_wait3A_650, %dma_wait3A_651] : memref<10000x128xf32, #tpu.memory_space<vmem_shared>> -> memref<10000x128xf32, #tpu.memory_space<vmem_shared>>
        tpu.wait_indirect_dma semaphore(%run_scoped3A_640 : memref<!tpu.dma_semaphore, #tpu.memory_space<semaphore_mem>>) src(%arg13 : memref<125x128xf32, #tpu.memory_space<vmem>>) dst(%dma_wait3A_652 : memref<10000x128xf32, #tpu.memory_space<vmem_shared>>)
        tpu.yield
      }) : () -> ()
      %lt3A_390 = arith.constant 4 : i32
      %lt3A_391 = arith.cmpi slt, %scan3A_88, %lt3A_390 : i32
      %convert_element_type3A_392 = arith.extui %lt3A_391 : i1 to i32
      %cond3A_393 = arith.constant 0 : i32
      %cond3A_394 = arith.cmpi ne, %convert_element_type3A_392, %cond3A_393 : i32
      scf.if %cond3A_394 {
        %mul3A_640 = arith.constant 2 : i32
        %mul3A_641 = arith.muli %mul3A_640, %scan3A_88 : i32
        %add3A_642 = arith.constant 2 : i32
        %add3A_643 = arith.addi %mul3A_641, %add3A_642 : i32
        %mul3A_644 = arith.constant 8 : i32
        %mul3A_645 = arith.muli %add3A_643, %mul3A_644 : i32
        %add3A_646 = arith.addi %mul3A_2, %mul3A_645 : i32
        %dma_start3A_647 = arith.constant 0 : i32
        %dma_start3A_648 = arith.constant 0 : i32
        %dma_start3A_649 = tpu.memref_slice %arg3[%dma_start3A_647, %add3A_646, %dma_start3A_648] : memref<2x2560x125xi32, #tpu.memory_space<hbm>> -> memref<1x8x125xi32, #tpu.memory_space<hbm>>
        %dma_start3A_650 = tpu.memref_squeeze %dma_start3A_649 : memref<1x8x125xi32, #tpu.memory_space<hbm>> -> memref<8x125xi32, #tpu.memory_space<hbm>>
        %dma_start3A_651 = arith.constant 0 : i32
        %dma_start3A_652 = tpu.memref_slice %arg3[%dma_start3A_647, %add3A_646, %dma_start3A_651] : memref<2x2560x125xi32, #tpu.memory_space<hbm>> -> memref<1x8x125xi32, #tpu.memory_space<hbm>>
        %dma_start3A_653 = tpu.memref_squeeze %dma_start3A_652 : memref<1x8x125xi32, #tpu.memory_space<hbm>> -> memref<8x125xi32, #tpu.memory_space<hbm>>
        tpu.enqueue_dma source(%dma_start3A_653 : memref<8x125xi32, #tpu.memory_space<hbm>>) target(%arg8 : memref<8x125xi32, #tpu.memory_space<vmem>>) target_semaphore(%arg17 : memref<!tpu.dma_semaphore, #tpu.memory_space<semaphore_mem>>)
        %mul3A_654 = arith.constant 8 : i32
        %mul3A_655 = arith.muli %add3A_643, %mul3A_654 : i32
        %add3A_656 = arith.addi %mul3A_2, %mul3A_655 : i32
        %dma_start3A_657 = arith.constant 1 : i32
        %dma_start3A_658 = arith.constant 0 : i32
        %dma_start3A_659 = tpu.memref_slice %arg3[%dma_start3A_657, %add3A_656, %dma_start3A_658] : memref<2x2560x125xi32, #tpu.memory_space<hbm>> -> memref<1x8x125xi32, #tpu.memory_space<hbm>>
        %dma_start3A_660 = tpu.memref_squeeze %dma_start3A_659 : memref<1x8x125xi32, #tpu.memory_space<hbm>> -> memref<8x125xi32, #tpu.memory_space<hbm>>
        %dma_start3A_661 = arith.constant 0 : i32
        %dma_start3A_662 = tpu.memref_slice %arg3[%dma_start3A_657, %add3A_656, %dma_start3A_661] : memref<2x2560x125xi32, #tpu.memory_space<hbm>> -> memref<1x8x125xi32, #tpu.memory_space<hbm>>
        %dma_start3A_663 = tpu.memref_squeeze %dma_start3A_662 : memref<1x8x125xi32, #tpu.memory_space<hbm>> -> memref<8x125xi32, #tpu.memory_space<hbm>>
        tpu.enqueue_dma source(%dma_start3A_663 : memref<8x125xi32, #tpu.memory_space<hbm>>) target(%arg10 : memref<8x125xi32, #tpu.memory_space<vmem>>) target_semaphore(%arg17 : memref<!tpu.dma_semaphore, #tpu.memory_space<semaphore_mem>>)
        %mul3A_664 = arith.constant 8 : i32
        %mul3A_665 = arith.muli %add3A_643, %mul3A_664 : i32
        %add3A_666 = arith.addi %mul3A_2, %mul3A_665 : i32
        %mul3A_667 = arith.constant 125 : i32
        %mul3A_668 = arith.muli %add3A_666, %mul3A_667 : i32
        %add3A_669 = arith.constant 320000 : i32
        %add3A_670 = arith.addi %add3A_669, %mul3A_668 : i32
        %dma_start3A_671 = tpu.memref_slice %arg4[%add3A_670] : memref<640000xi32, #tpu.memory_space<hbm>> -> memref<1000xi32, #tpu.memory_space<hbm>>
        %dma_start3A_672 = tpu.memref_slice %arg4[%add3A_670] : memref<640000xi32, #tpu.memory_space<hbm>> -> memref<1000xi32, #tpu.memory_space<hbm>>
        tpu.enqueue_dma source(%dma_start3A_672 : memref<1000xi32, #tpu.memory_space<hbm>>) target(%arg18 : memref<1000xi32, #tpu.memory_space<vmem>>) target_semaphore(%arg17 : memref<!tpu.dma_semaphore, #tpu.memory_space<semaphore_mem>>)
      } else {
      }
      %dma_start3A_395 = arith.constant 1 : i32
      %dma_start3A_396 = arith.constant 0 : i32
      %dma_start3A_397 = tpu.memref_slice %arg9[%dma_start3A_395, %dma_start3A_396] : memref<8x125xi32, #tpu.memory_space<vmem>> -> memref<1x125xi32, #tpu.memory_space<vmem>>
      %dma_start3A_398 = tpu.memref_squeeze %dma_start3A_397 : memref<1x125xi32, #tpu.memory_space<vmem>> -> memref<125xi32, #tpu.memory_space<vmem>>
      %dma_start3A_399 = arith.constant 0 : i32
      %dma_start3A_400 = arith.constant 0 : i32
      %dma_start3A_401 = tpu.memref_slice %arg2[%dma_start3A_399, %dma_start3A_400] : memref<10000x128xf32, #tpu.memory_space<hbm>> -> memref<10000x128xf32, #tpu.memory_space<hbm>>
      tpu.enqueue_indirect_dma source(%dma_start3A_401 : memref<10000x128xf32, #tpu.memory_space<hbm>>) target(%arg13 : memref<125x128xf32, #tpu.memory_space<vmem>>) offsets(%dma_start3A_398 : memref<125xi32, #tpu.memory_space<vmem>>) semaphore(%arg16 : memref<!tpu.dma_semaphore, #tpu.memory_space<semaphore_mem>>)
      %get3A_402 = arith.constant 0 : index
      %get3A_403 = tpu.vector_load %arg19[%get3A_402] {strides = array<i32>} : memref<1000xi32, #tpu.memory_space<vmem>>, vector<16xi32>,
      tpu.vector_store_idx %arg20[%get3A_403], %broadcast_in_dim3A_3 {add = true} : memref<10000xf32, #tpu.memory_space<vmem>>[vector<16xi32>], vector<16xf32>,
      %get3A_404 = arith.constant 16 : index
      %get3A_405 = tpu.vector_load %arg19[%get3A_404] {strides = array<i32>} : memref<1000xi32, #tpu.memory_space<vmem>>, vector<16xi32>,
      tpu.vector_store_idx %arg20[%get3A_405], %broadcast_in_dim3A_3 {add = true} : memref<10000xf32, #tpu.memory_space<vmem>>[vector<16xi32>], vector<16xf32>,
      %get3A_406 = arith.constant 32 : index
      %get3A_407 = tpu.vector_load %arg19[%get3A_406] {strides = array<i32>} : memref<1000xi32, #tpu.memory_space<vmem>>, vector<16xi32>,
      tpu.vector_store_idx %arg20[%get3A_407], %broadcast_in_dim3A_3 {add = true} : memref<10000xf32, #tpu.memory_space<vmem>>[vector<16xi32>], vector<16xf32>,
      %get3A_408 = arith.constant 48 : index
      %get3A_409 = tpu.vector_load %arg19[%get3A_408] {strides = array<i32>} : memref<1000xi32, #tpu.memory_space<vmem>>, vector<16xi32>,
      tpu.vector_store_idx %arg20[%get3A_409], %broadcast_in_dim3A_3 {add = true} : memref<10000xf32, #tpu.memory_space<vmem>>[vector<16xi32>], vector<16xf32>,
      %get3A_410 = arith.constant 64 : index
      %get3A_411 = tpu.vector_load %arg19[%get3A_410] {strides = array<i32>} : memref<1000xi32, #tpu.memory_space<vmem>>, vector<16xi32>,
      tpu.vector_store_idx %arg20[%get3A_411], %broadcast_in_dim3A_3 {add = true} : memref<10000xf32, #tpu.memory_space<vmem>>[vector<16xi32>], vector<16xf32>,
      %get3A_412 = arith.constant 80 : index
      %get3A_413 = tpu.vector_load %arg19[%get3A_412] {strides = array<i32>} : memref<1000xi32, #tpu.memory_space<vmem>>, vector<16xi32>,
      tpu.vector_store_idx %arg20[%get3A_413], %broadcast_in_dim3A_3 {add = true} : memref<10000xf32, #tpu.memory_space<vmem>>[vector<16xi32>], vector<16xf32>,
      %get3A_414 = arith.constant 96 : index
      %get3A_415 = tpu.vector_load %arg19[%get3A_414] {strides = array<i32>} : memref<1000xi32, #tpu.memory_space<vmem>>, vector<16xi32>,
      tpu.vector_store_idx %arg20[%get3A_415], %broadcast_in_dim3A_3 {add = true} : memref<10000xf32, #tpu.memory_space<vmem>>[vector<16xi32>], vector<16xf32>,
      %get3A_416 = arith.constant 112 : index
      %get3A_417 = tpu.vector_load %arg19[%get3A_416] {strides = array<i32>} : memref<1000xi32, #tpu.memory_space<vmem>>, vector<16xi32>,
      tpu.vector_store_idx %arg20[%get3A_417], %broadcast_in_dim3A_3 {add = true} : memref<10000xf32, #tpu.memory_space<vmem>>[vector<16xi32>], vector<16xf32>,
      %dma_wait3A_418 = arith.constant 0 : i32
      %dma_wait3A_419 = arith.constant 0 : i32
      %dma_wait3A_420 = tpu.memref_slice %arg9[%dma_wait3A_418, %dma_wait3A_419] : memref<8x125xi32, #tpu.memory_space<vmem>> -> memref<1x125xi32, #tpu.memory_space<vmem>>
      %dma_wait3A_421 = tpu.memref_squeeze %dma_wait3A_420 : memref<1x125xi32, #tpu.memory_space<vmem>> -> memref<125xi32, #tpu.memory_space<vmem>>
      %dma_wait3A_422 = arith.constant 0 : i32
      %dma_wait3A_423 = arith.constant 0 : i32
      %dma_wait3A_424 = tpu.memref_slice %arg2[%dma_wait3A_422, %dma_wait3A_423] : memref<10000x128xf32, #tpu.memory_space<hbm>> -> memref<10000x128xf32, #tpu.memory_space<hbm>>
      tpu.wait_indirect_dma semaphore(%arg15 : memref<!tpu.dma_semaphore, #tpu.memory_space<semaphore_mem>>) src(%dma_wait3A_424 : memref<10000x128xf32, #tpu.memory_space<hbm>>) dst(%arg12 : memref<125x128xf32, #tpu.memory_space<vmem>>)
      %run_scoped3A_425 = arith.constant 0 : i32
      "tpu.region"() ({
        %run_scoped3A_640 = tpu.sem_alloc : memref<!tpu.dma_semaphore, #tpu.memory_space<semaphore_mem>>
        %dma_start3A_641 = arith.constant 0 : i32
        %dma_start3A_642 = tpu.memref_slice %arg11[%run_scoped3A_425, %dma_start3A_641] : memref<8x125xi32, #tpu.memory_space<vmem>> -> memref<1x125xi32, #tpu.memory_space<vmem>>
        %dma_start3A_643 = tpu.memref_squeeze %dma_start3A_642 : memref<1x125xi32, #tpu.memory_space<vmem>> -> memref<125xi32, #tpu.memory_space<vmem>>
        %dma_start3A_644 = arith.constant 0 : i32
        %dma_start3A_645 = arith.constant 0 : i32
        %dma_start3A_646 = tpu.memref_slice %arg14[%dma_start3A_644, %dma_start3A_645] : memref<10000x128xf32, #tpu.memory_space<vmem_shared>> -> memref<10000x128xf32, #tpu.memory_space<vmem_shared>>
        tpu.enqueue_indirect_dma source(%arg12 : memref<125x128xf32, #tpu.memory_space<vmem>>) target(%dma_start3A_646 : memref<10000x128xf32, #tpu.memory_space<vmem_shared>>) offsets(%dma_start3A_643 : memref<125xi32, #tpu.memory_space<vmem>>) semaphore(%run_scoped3A_640 : memref<!tpu.dma_semaphore, #tpu.memory_space<semaphore_mem>>) {add = true}
        %dma_wait3A_647 = arith.constant 0 : i32
        %dma_wait3A_648 = tpu.memref_slice %arg11[%run_scoped3A_425, %dma_wait3A_647] : memref<8x125xi32, #tpu.memory_space<vmem>> -> memref<1x125xi32, #tpu.memory_space<vmem>>
        %dma_wait3A_649 = tpu.memref_squeeze %dma_wait3A_648 : memref<1x125xi32, #tpu.memory_space<vmem>> -> memref<125xi32, #tpu.memory_space<vmem>>
        %dma_wait3A_650 = arith.constant 0 : i32
        %dma_wait3A_651 = arith.constant 0 : i32
        %dma_wait3A_652 = tpu.memref_slice %arg14[%dma_wait3A_650, %dma_wait3A_651] : memref<10000x128xf32, #tpu.memory_space<vmem_shared>> -> memref<10000x128xf32, #tpu.memory_space<vmem_shared>>
        tpu.wait_indirect_dma semaphore(%run_scoped3A_640 : memref<!tpu.dma_semaphore, #tpu.memory_space<semaphore_mem>>) src(%arg12 : memref<125x128xf32, #tpu.memory_space<vmem>>) dst(%dma_wait3A_652 : memref<10000x128xf32, #tpu.memory_space<vmem_shared>>)
        tpu.yield
      }) : () -> ()
      %dma_start3A_426 = arith.constant 2 : i32
      %dma_start3A_427 = arith.constant 0 : i32
      %dma_start3A_428 = tpu.memref_slice %arg9[%dma_start3A_426, %dma_start3A_427] : memref<8x125xi32, #tpu.memory_space<vmem>> -> memref<1x125xi32, #tpu.memory_space<vmem>>
      %dma_start3A_429 = tpu.memref_squeeze %dma_start3A_428 : memref<1x125xi32, #tpu.memory_space<vmem>> -> memref<125xi32, #tpu.memory_space<vmem>>
      %dma_start3A_430 = arith.constant 0 : i32
      %dma_start3A_431 = arith.constant 0 : i32
      %dma_start3A_432 = tpu.memref_slice %arg2[%dma_start3A_430, %dma_start3A_431] : memref<10000x128xf32, #tpu.memory_space<hbm>> -> memref<10000x128xf32, #tpu.memory_space<hbm>>
      tpu.enqueue_indirect_dma source(%dma_start3A_432 : memref<10000x128xf32, #tpu.memory_space<hbm>>) target(%arg12 : memref<125x128xf32, #tpu.memory_space<vmem>>) offsets(%dma_start3A_429 : memref<125xi32, #tpu.memory_space<vmem>>) semaphore(%arg15 : memref<!tpu.dma_semaphore, #tpu.memory_space<semaphore_mem>>)
      %get3A_433 = arith.constant 128 : index
      %get3A_434 = tpu.vector_load %arg19[%get3A_433] {strides = array<i32>} : memref<1000xi32, #tpu.memory_space<vmem>>, vector<16xi32>,
      tpu.vector_store_idx %arg20[%get3A_434], %broadcast_in_dim3A_3 {add = true} : memref<10000xf32, #tpu.memory_space<vmem>>[vector<16xi32>], vector<16xf32>,
      %get3A_435 = arith.constant 144 : index
      %get3A_436 = tpu.vector_load %arg19[%get3A_435] {strides = array<i32>} : memref<1000xi32, #tpu.memory_space<vmem>>, vector<16xi32>,
      tpu.vector_store_idx %arg20[%get3A_436], %broadcast_in_dim3A_3 {add = true} : memref<10000xf32, #tpu.memory_space<vmem>>[vector<16xi32>], vector<16xf32>,
      %get3A_437 = arith.constant 160 : index
      %get3A_438 = tpu.vector_load %arg19[%get3A_437] {strides = array<i32>} : memref<1000xi32, #tpu.memory_space<vmem>>, vector<16xi32>,
      tpu.vector_store_idx %arg20[%get3A_438], %broadcast_in_dim3A_3 {add = true} : memref<10000xf32, #tpu.memory_space<vmem>>[vector<16xi32>], vector<16xf32>,
      %get3A_439 = arith.constant 176 : index
      %get3A_440 = tpu.vector_load %arg19[%get3A_439] {strides = array<i32>} : memref<1000xi32, #tpu.memory_space<vmem>>, vector<16xi32>,
      tpu.vector_store_idx %arg20[%get3A_440], %broadcast_in_dim3A_3 {add = true} : memref<10000xf32, #tpu.memory_space<vmem>>[vector<16xi32>], vector<16xf32>,
      %get3A_441 = arith.constant 192 : index
      %get3A_442 = tpu.vector_load %arg19[%get3A_441] {strides = array<i32>} : memref<1000xi32, #tpu.memory_space<vmem>>, vector<16xi32>,
      tpu.vector_store_idx %arg20[%get3A_442], %broadcast_in_dim3A_3 {add = true} : memref<10000xf32, #tpu.memory_space<vmem>>[vector<16xi32>], vector<16xf32>,
      %get3A_443 = arith.constant 208 : index
      %get3A_444 = tpu.vector_load %arg19[%get3A_443] {strides = array<i32>} : memref<1000xi32, #tpu.memory_space<vmem>>, vector<16xi32>,
      tpu.vector_store_idx %arg20[%get3A_444], %broadcast_in_dim3A_3 {add = true} : memref<10000xf32, #tpu.memory_space<vmem>>[vector<16xi32>], vector<16xf32>,
      %get3A_445 = arith.constant 224 : index
      %get3A_446 = tpu.vector_load %arg19[%get3A_445] {strides = array<i32>} : memref<1000xi32, #tpu.memory_space<vmem>>, vector<16xi32>,
      tpu.vector_store_idx %arg20[%get3A_446], %broadcast_in_dim3A_3 {add = true} : memref<10000xf32, #tpu.memory_space<vmem>>[vector<16xi32>], vector<16xf32>,
      %get3A_447 = arith.constant 240 : index
      %get3A_448 = tpu.vector_load %arg19[%get3A_447] {strides = array<i32>} : memref<1000xi32, #tpu.memory_space<vmem>>, vector<16xi32>,
      tpu.vector_store_idx %arg20[%get3A_448], %broadcast_in_dim3A_3 {add = true} : memref<10000xf32, #tpu.memory_space<vmem>>[vector<16xi32>], vector<16xf32>,
      %dma_wait3A_449 = arith.constant 1 : i32
      %dma_wait3A_450 = arith.constant 0 : i32
      %dma_wait3A_451 = tpu.memref_slice %arg9[%dma_wait3A_449, %dma_wait3A_450] : memref<8x125xi32, #tpu.memory_space<vmem>> -> memref<1x125xi32, #tpu.memory_space<vmem>>
      %dma_wait3A_452 = tpu.memref_squeeze %dma_wait3A_451 : memref<1x125xi32, #tpu.memory_space<vmem>> -> memref<125xi32, #tpu.memory_space<vmem>>
      %dma_wait3A_453 = arith.constant 0 : i32
      %dma_wait3A_454 = arith.constant 0 : i32
      %dma_wait3A_455 = tpu.memref_slice %arg2[%dma_wait3A_453, %dma_wait3A_454] : memref<10000x128xf32, #tpu.memory_space<hbm>> -> memref<10000x128xf32, #tpu.memory_space<hbm>>
      tpu.wait_indirect_dma semaphore(%arg16 : memref<!tpu.dma_semaphore, #tpu.memory_space<semaphore_mem>>) src(%dma_wait3A_455 : memref<10000x128xf32, #tpu.memory_space<hbm>>) dst(%arg13 : memref<125x128xf32, #tpu.memory_space<vmem>>)
      %run_scoped3A_456 = arith.constant 1 : i32
      "tpu.region"() ({
        %run_scoped3A_640 = tpu.sem_alloc : memref<!tpu.dma_semaphore, #tpu.memory_space<semaphore_mem>>
        %dma_start3A_641 = arith.constant 0 : i32
        %dma_start3A_642 = tpu.memref_slice %arg11[%run_scoped3A_456, %dma_start3A_641] : memref<8x125xi32, #tpu.memory_space<vmem>> -> memref<1x125xi32, #tpu.memory_space<vmem>>
        %dma_start3A_643 = tpu.memref_squeeze %dma_start3A_642 : memref<1x125xi32, #tpu.memory_space<vmem>> -> memref<125xi32, #tpu.memory_space<vmem>>
        %dma_start3A_644 = arith.constant 0 : i32
        %dma_start3A_645 = arith.constant 0 : i32
        %dma_start3A_646 = tpu.memref_slice %arg14[%dma_start3A_644, %dma_start3A_645] : memref<10000x128xf32, #tpu.memory_space<vmem_shared>> -> memref<10000x128xf32, #tpu.memory_space<vmem_shared>>
        tpu.enqueue_indirect_dma source(%arg13 : memref<125x128xf32, #tpu.memory_space<vmem>>) target(%dma_start3A_646 : memref<10000x128xf32, #tpu.memory_space<vmem_shared>>) offsets(%dma_start3A_643 : memref<125xi32, #tpu.memory_space<vmem>>) semaphore(%run_scoped3A_640 : memref<!tpu.dma_semaphore, #tpu.memory_space<semaphore_mem>>) {add = true}
        %dma_wait3A_647 = arith.constant 0 : i32
        %dma_wait3A_648 = tpu.memref_slice %arg11[%run_scoped3A_456, %dma_wait3A_647] : memref<8x125xi32, #tpu.memory_space<vmem>> -> memref<1x125xi32, #tpu.memory_space<vmem>>
        %dma_wait3A_649 = tpu.memref_squeeze %dma_wait3A_648 : memref<1x125xi32, #tpu.memory_space<vmem>> -> memref<125xi32, #tpu.memory_space<vmem>>
        %dma_wait3A_650 = arith.constant 0 : i32
        %dma_wait3A_651 = arith.constant 0 : i32
        %dma_wait3A_652 = tpu.memref_slice %arg14[%dma_wait3A_650, %dma_wait3A_651] : memref<10000x128xf32, #tpu.memory_space<vmem_shared>> -> memref<10000x128xf32, #tpu.memory_space<vmem_shared>>
        tpu.wait_indirect_dma semaphore(%run_scoped3A_640 : memref<!tpu.dma_semaphore, #tpu.memory_space<semaphore_mem>>) src(%arg13 : memref<125x128xf32, #tpu.memory_space<vmem>>) dst(%dma_wait3A_652 : memref<10000x128xf32, #tpu.memory_space<vmem_shared>>)
        tpu.yield
      }) : () -> ()
      %dma_start3A_457 = arith.constant 3 : i32
      %dma_start3A_458 = arith.constant 0 : i32
      %dma_start3A_459 = tpu.memref_slice %arg9[%dma_start3A_457, %dma_start3A_458] : memref<8x125xi32, #tpu.memory_space<vmem>> -> memref<1x125xi32, #tpu.memory_space<vmem>>
      %dma_start3A_460 = tpu.memref_squeeze %dma_start3A_459 : memref<1x125xi32, #tpu.memory_space<vmem>> -> memref<125xi32, #tpu.memory_space<vmem>>
      %dma_start3A_461 = arith.constant 0 : i32
      %dma_start3A_462 = arith.constant 0 : i32
      %dma_start3A_463 = tpu.memref_slice %arg2[%dma_start3A_461, %dma_start3A_462] : memref<10000x128xf32, #tpu.memory_space<hbm>> -> memref<10000x128xf32, #tpu.memory_space<hbm>>
      tpu.enqueue_indirect_dma source(%dma_start3A_463 : memref<10000x128xf32, #tpu.memory_space<hbm>>) target(%arg13 : memref<125x128xf32, #tpu.memory_space<vmem>>) offsets(%dma_start3A_460 : memref<125xi32, #tpu.memory_space<vmem>>) semaphore(%arg16 : memref<!tpu.dma_semaphore, #tpu.memory_space<semaphore_mem>>)
      %get3A_464 = arith.constant 256 : index
      %get3A_465 = tpu.vector_load %arg19[%get3A_464] {strides = array<i32>} : memref<1000xi32, #tpu.memory_space<vmem>>, vector<16xi32>,
      tpu.vector_store_idx %arg20[%get3A_465], %broadcast_in_dim3A_3 {add = true} : memref<10000xf32, #tpu.memory_space<vmem>>[vector<16xi32>], vector<16xf32>,
      %get3A_466 = arith.constant 272 : index
      %get3A_467 = tpu.vector_load %arg19[%get3A_466] {strides = array<i32>} : memref<1000xi32, #tpu.memory_space<vmem>>, vector<16xi32>,
      tpu.vector_store_idx %arg20[%get3A_467], %broadcast_in_dim3A_3 {add = true} : memref<10000xf32, #tpu.memory_space<vmem>>[vector<16xi32>], vector<16xf32>,
      %get3A_468 = arith.constant 288 : index
      %get3A_469 = tpu.vector_load %arg19[%get3A_468] {strides = array<i32>} : memref<1000xi32, #tpu.memory_space<vmem>>, vector<16xi32>,
      tpu.vector_store_idx %arg20[%get3A_469], %broadcast_in_dim3A_3 {add = true} : memref<10000xf32, #tpu.memory_space<vmem>>[vector<16xi32>], vector<16xf32>,
      %get3A_470 = arith.constant 304 : index
      %get3A_471 = tpu.vector_load %arg19[%get3A_470] {strides = array<i32>} : memref<1000xi32, #tpu.memory_space<vmem>>, vector<16xi32>,
      tpu.vector_store_idx %arg20[%get3A_471], %broadcast_in_dim3A_3 {add = true} : memref<10000xf32, #tpu.memory_space<vmem>>[vector<16xi32>], vector<16xf32>,
      %get3A_472 = arith.constant 320 : index
      %get3A_473 = tpu.vector_load %arg19[%get3A_472] {strides = array<i32>} : memref<1000xi32, #tpu.memory_space<vmem>>, vector<16xi32>,
      tpu.vector_store_idx %arg20[%get3A_473], %broadcast_in_dim3A_3 {add = true} : memref<10000xf32, #tpu.memory_space<vmem>>[vector<16xi32>], vector<16xf32>,
      %get3A_474 = arith.constant 336 : index
      %get3A_475 = tpu.vector_load %arg19[%get3A_474] {strides = array<i32>} : memref<1000xi32, #tpu.memory_space<vmem>>, vector<16xi32>,
      tpu.vector_store_idx %arg20[%get3A_475], %broadcast_in_dim3A_3 {add = true} : memref<10000xf32, #tpu.memory_space<vmem>>[vector<16xi32>], vector<16xf32>,
      %get3A_476 = arith.constant 352 : index
      %get3A_477 = tpu.vector_load %arg19[%get3A_476] {strides = array<i32>} : memref<1000xi32, #tpu.memory_space<vmem>>, vector<16xi32>,
      tpu.vector_store_idx %arg20[%get3A_477], %broadcast_in_dim3A_3 {add = true} : memref<10000xf32, #tpu.memory_space<vmem>>[vector<16xi32>], vector<16xf32>,
      %get3A_478 = arith.constant 368 : index
      %get3A_479 = tpu.vector_load %arg19[%get3A_478] {strides = array<i32>} : memref<1000xi32, #tpu.memory_space<vmem>>, vector<16xi32>,
      tpu.vector_store_idx %arg20[%get3A_479], %broadcast_in_dim3A_3 {add = true} : memref<10000xf32, #tpu.memory_space<vmem>>[vector<16xi32>], vector<16xf32>,
      %dma_wait3A_480 = arith.constant 2 : i32
      %dma_wait3A_481 = arith.constant 0 : i32
      %dma_wait3A_482 = tpu.memref_slice %arg9[%dma_wait3A_480, %dma_wait3A_481] : memref<8x125xi32, #tpu.memory_space<vmem>> -> memref<1x125xi32, #tpu.memory_space<vmem>>
      %dma_wait3A_483 = tpu.memref_squeeze %dma_wait3A_482 : memref<1x125xi32, #tpu.memory_space<vmem>> -> memref<125xi32, #tpu.memory_space<vmem>>
      %dma_wait3A_484 = arith.constant 0 : i32
      %dma_wait3A_485 = arith.constant 0 : i32
      %dma_wait3A_486 = tpu.memref_slice %arg2[%dma_wait3A_484, %dma_wait3A_485] : memref<10000x128xf32, #tpu.memory_space<hbm>> -> memref<10000x128xf32, #tpu.memory_space<hbm>>
      tpu.wait_indirect_dma semaphore(%arg15 : memref<!tpu.dma_semaphore, #tpu.memory_space<semaphore_mem>>) src(%dma_wait3A_486 : memref<10000x128xf32, #tpu.memory_space<hbm>>) dst(%arg12 : memref<125x128xf32, #tpu.memory_space<vmem>>)
      %run_scoped3A_487 = arith.constant 2 : i32
      "tpu.region"() ({
        %run_scoped3A_640 = tpu.sem_alloc : memref<!tpu.dma_semaphore, #tpu.memory_space<semaphore_mem>>
        %dma_start3A_641 = arith.constant 0 : i32
        %dma_start3A_642 = tpu.memref_slice %arg11[%run_scoped3A_487, %dma_start3A_641] : memref<8x125xi32, #tpu.memory_space<vmem>> -> memref<1x125xi32, #tpu.memory_space<vmem>>
        %dma_start3A_643 = tpu.memref_squeeze %dma_start3A_642 : memref<1x125xi32, #tpu.memory_space<vmem>> -> memref<125xi32, #tpu.memory_space<vmem>>
        %dma_start3A_644 = arith.constant 0 : i32
        %dma_start3A_645 = arith.constant 0 : i32
        %dma_start3A_646 = tpu.memref_slice %arg14[%dma_start3A_644, %dma_start3A_645] : memref<10000x128xf32, #tpu.memory_space<vmem_shared>> -> memref<10000x128xf32, #tpu.memory_space<vmem_shared>>
        tpu.enqueue_indirect_dma source(%arg12 : memref<125x128xf32, #tpu.memory_space<vmem>>) target(%dma_start3A_646 : memref<10000x128xf32, #tpu.memory_space<vmem_shared>>) offsets(%dma_start3A_643 : memref<125xi32, #tpu.memory_space<vmem>>) semaphore(%run_scoped3A_640 : memref<!tpu.dma_semaphore, #tpu.memory_space<semaphore_mem>>) {add = true}
        %dma_wait3A_647 = arith.constant 0 : i32
        %dma_wait3A_648 = tpu.memref_slice %arg11[%run_scoped3A_487, %dma_wait3A_647] : memref<8x125xi32, #tpu.memory_space<vmem>> -> memref<1x125xi32, #tpu.memory_space<vmem>>
        %dma_wait3A_649 = tpu.memref_squeeze %dma_wait3A_648 : memref<1x125xi32, #tpu.memory_space<vmem>> -> memref<125xi32, #tpu.memory_space<vmem>>
        %dma_wait3A_650 = arith.constant 0 : i32
        %dma_wait3A_651 = arith.constant 0 : i32
        %dma_wait3A_652 = tpu.memref_slice %arg14[%dma_wait3A_650, %dma_wait3A_651] : memref<10000x128xf32, #tpu.memory_space<vmem_shared>> -> memref<10000x128xf32, #tpu.memory_space<vmem_shared>>
        tpu.wait_indirect_dma semaphore(%run_scoped3A_640 : memref<!tpu.dma_semaphore, #tpu.memory_space<semaphore_mem>>) src(%arg12 : memref<125x128xf32, #tpu.memory_space<vmem>>) dst(%dma_wait3A_652 : memref<10000x128xf32, #tpu.memory_space<vmem_shared>>)
        tpu.yield
      }) : () -> ()
      %dma_start3A_488 = arith.constant 4 : i32
      %dma_start3A_489 = arith.constant 0 : i32
      %dma_start3A_490 = tpu.memref_slice %arg9[%dma_start3A_488, %dma_start3A_489] : memref<8x125xi32, #tpu.memory_space<vmem>> -> memref<1x125xi32, #tpu.memory_space<vmem>>
      %dma_start3A_491 = tpu.memref_squeeze %dma_start3A_490 : memref<1x125xi32, #tpu.memory_space<vmem>> -> memref<125xi32, #tpu.memory_space<vmem>>
      %dma_start3A_492 = arith.constant 0 : i32
      %dma_start3A_493 = arith.constant 0 : i32
      %dma_start3A_494 = tpu.memref_slice %arg2[%dma_start3A_492, %dma_start3A_493] : memref<10000x128xf32, #tpu.memory_space<hbm>> -> memref<10000x128xf32, #tpu.memory_space<hbm>>
      tpu.enqueue_indirect_dma source(%dma_start3A_494 : memref<10000x128xf32, #tpu.memory_space<hbm>>) target(%arg12 : memref<125x128xf32, #tpu.memory_space<vmem>>) offsets(%dma_start3A_491 : memref<125xi32, #tpu.memory_space<vmem>>) semaphore(%arg15 : memref<!tpu.dma_semaphore, #tpu.memory_space<semaphore_mem>>)
      %get3A_495 = arith.constant 384 : index
      %get3A_496 = tpu.vector_load %arg19[%get3A_495] {strides = array<i32>} : memref<1000xi32, #tpu.memory_space<vmem>>, vector<16xi32>,
      tpu.vector_store_idx %arg20[%get3A_496], %broadcast_in_dim3A_3 {add = true} : memref<10000xf32, #tpu.memory_space<vmem>>[vector<16xi32>], vector<16xf32>,
      %get3A_497 = arith.constant 400 : index
      %get3A_498 = tpu.vector_load %arg19[%get3A_497] {strides = array<i32>} : memref<1000xi32, #tpu.memory_space<vmem>>, vector<16xi32>,
      tpu.vector_store_idx %arg20[%get3A_498], %broadcast_in_dim3A_3 {add = true} : memref<10000xf32, #tpu.memory_space<vmem>>[vector<16xi32>], vector<16xf32>,
      %get3A_499 = arith.constant 416 : index
      %get3A_500 = tpu.vector_load %arg19[%get3A_499] {strides = array<i32>} : memref<1000xi32, #tpu.memory_space<vmem>>, vector<16xi32>,
      tpu.vector_store_idx %arg20[%get3A_500], %broadcast_in_dim3A_3 {add = true} : memref<10000xf32, #tpu.memory_space<vmem>>[vector<16xi32>], vector<16xf32>,
      %get3A_501 = arith.constant 432 : index
      %get3A_502 = tpu.vector_load %arg19[%get3A_501] {strides = array<i32>} : memref<1000xi32, #tpu.memory_space<vmem>>, vector<16xi32>,
      tpu.vector_store_idx %arg20[%get3A_502], %broadcast_in_dim3A_3 {add = true} : memref<10000xf32, #tpu.memory_space<vmem>>[vector<16xi32>], vector<16xf32>,
      %get3A_503 = arith.constant 448 : index
      %get3A_504 = tpu.vector_load %arg19[%get3A_503] {strides = array<i32>} : memref<1000xi32, #tpu.memory_space<vmem>>, vector<16xi32>,
      tpu.vector_store_idx %arg20[%get3A_504], %broadcast_in_dim3A_3 {add = true} : memref<10000xf32, #tpu.memory_space<vmem>>[vector<16xi32>], vector<16xf32>,
      %get3A_505 = arith.constant 464 : index
      %get3A_506 = tpu.vector_load %arg19[%get3A_505] {strides = array<i32>} : memref<1000xi32, #tpu.memory_space<vmem>>, vector<16xi32>,
      tpu.vector_store_idx %arg20[%get3A_506], %broadcast_in_dim3A_3 {add = true} : memref<10000xf32, #tpu.memory_space<vmem>>[vector<16xi32>], vector<16xf32>,
      %get3A_507 = arith.constant 480 : index
      %get3A_508 = tpu.vector_load %arg19[%get3A_507] {strides = array<i32>} : memref<1000xi32, #tpu.memory_space<vmem>>, vector<16xi32>,
      tpu.vector_store_idx %arg20[%get3A_508], %broadcast_in_dim3A_3 {add = true} : memref<10000xf32, #tpu.memory_space<vmem>>[vector<16xi32>], vector<16xf32>,
      %get3A_509 = arith.constant 496 : index
      %get3A_510 = tpu.vector_load %arg19[%get3A_509] {strides = array<i32>} : memref<1000xi32, #tpu.memory_space<vmem>>, vector<16xi32>,
      tpu.vector_store_idx %arg20[%get3A_510], %broadcast_in_dim3A_3 {add = true} : memref<10000xf32, #tpu.memory_space<vmem>>[vector<16xi32>], vector<16xf32>,
      %dma_wait3A_511 = arith.constant 3 : i32
      %dma_wait3A_512 = arith.constant 0 : i32
      %dma_wait3A_513 = tpu.memref_slice %arg9[%dma_wait3A_511, %dma_wait3A_512] : memref<8x125xi32, #tpu.memory_space<vmem>> -> memref<1x125xi32, #tpu.memory_space<vmem>>
      %dma_wait3A_514 = tpu.memref_squeeze %dma_wait3A_513 : memref<1x125xi32, #tpu.memory_space<vmem>> -> memref<125xi32, #tpu.memory_space<vmem>>
      %dma_wait3A_515 = arith.constant 0 : i32
      %dma_wait3A_516 = arith.constant 0 : i32
      %dma_wait3A_517 = tpu.memref_slice %arg2[%dma_wait3A_515, %dma_wait3A_516] : memref<10000x128xf32, #tpu.memory_space<hbm>> -> memref<10000x128xf32, #tpu.memory_space<hbm>>
      tpu.wait_indirect_dma semaphore(%arg16 : memref<!tpu.dma_semaphore, #tpu.memory_space<semaphore_mem>>) src(%dma_wait3A_517 : memref<10000x128xf32, #tpu.memory_space<hbm>>) dst(%arg13 : memref<125x128xf32, #tpu.memory_space<vmem>>)
      %run_scoped3A_518 = arith.constant 3 : i32
      "tpu.region"() ({
        %run_scoped3A_640 = tpu.sem_alloc : memref<!tpu.dma_semaphore, #tpu.memory_space<semaphore_mem>>
        %dma_start3A_641 = arith.constant 0 : i32
        %dma_start3A_642 = tpu.memref_slice %arg11[%run_scoped3A_518, %dma_start3A_641] : memref<8x125xi32, #tpu.memory_space<vmem>> -> memref<1x125xi32, #tpu.memory_space<vmem>>
        %dma_start3A_643 = tpu.memref_squeeze %dma_start3A_642 : memref<1x125xi32, #tpu.memory_space<vmem>> -> memref<125xi32, #tpu.memory_space<vmem>>
        %dma_start3A_644 = arith.constant 0 : i32
        %dma_start3A_645 = arith.constant 0 : i32
        %dma_start3A_646 = tpu.memref_slice %arg14[%dma_start3A_644, %dma_start3A_645] : memref<10000x128xf32, #tpu.memory_space<vmem_shared>> -> memref<10000x128xf32, #tpu.memory_space<vmem_shared>>
        tpu.enqueue_indirect_dma source(%arg13 : memref<125x128xf32, #tpu.memory_space<vmem>>) target(%dma_start3A_646 : memref<10000x128xf32, #tpu.memory_space<vmem_shared>>) offsets(%dma_start3A_643 : memref<125xi32, #tpu.memory_space<vmem>>) semaphore(%run_scoped3A_640 : memref<!tpu.dma_semaphore, #tpu.memory_space<semaphore_mem>>) {add = true}
        %dma_wait3A_647 = arith.constant 0 : i32
        %dma_wait3A_648 = tpu.memref_slice %arg11[%run_scoped3A_518, %dma_wait3A_647] : memref<8x125xi32, #tpu.memory_space<vmem>> -> memref<1x125xi32, #tpu.memory_space<vmem>>
        %dma_wait3A_649 = tpu.memref_squeeze %dma_wait3A_648 : memref<1x125xi32, #tpu.memory_space<vmem>> -> memref<125xi32, #tpu.memory_space<vmem>>
        %dma_wait3A_650 = arith.constant 0 : i32
        %dma_wait3A_651 = arith.constant 0 : i32
        %dma_wait3A_652 = tpu.memref_slice %arg14[%dma_wait3A_650, %dma_wait3A_651] : memref<10000x128xf32, #tpu.memory_space<vmem_shared>> -> memref<10000x128xf32, #tpu.memory_space<vmem_shared>>
        tpu.wait_indirect_dma semaphore(%run_scoped3A_640 : memref<!tpu.dma_semaphore, #tpu.memory_space<semaphore_mem>>) src(%arg13 : memref<125x128xf32, #tpu.memory_space<vmem>>) dst(%dma_wait3A_652 : memref<10000x128xf32, #tpu.memory_space<vmem_shared>>)
        tpu.yield
      }) : () -> ()
      %dma_start3A_519 = arith.constant 5 : i32
      %dma_start3A_520 = arith.constant 0 : i32
      %dma_start3A_521 = tpu.memref_slice %arg9[%dma_start3A_519, %dma_start3A_520] : memref<8x125xi32, #tpu.memory_space<vmem>> -> memref<1x125xi32, #tpu.memory_space<vmem>>
      %dma_start3A_522 = tpu.memref_squeeze %dma_start3A_521 : memref<1x125xi32, #tpu.memory_space<vmem>> -> memref<125xi32, #tpu.memory_space<vmem>>
      %dma_start3A_523 = arith.constant 0 : i32
      %dma_start3A_524 = arith.constant 0 : i32
      %dma_start3A_525 = tpu.memref_slice %arg2[%dma_start3A_523, %dma_start3A_524] : memref<10000x128xf32, #tpu.memory_space<hbm>> -> memref<10000x128xf32, #tpu.memory_space<hbm>>
      tpu.enqueue_indirect_dma source(%dma_start3A_525 : memref<10000x128xf32, #tpu.memory_space<hbm>>) target(%arg13 : memref<125x128xf32, #tpu.memory_space<vmem>>) offsets(%dma_start3A_522 : memref<125xi32, #tpu.memory_space<vmem>>) semaphore(%arg16 : memref<!tpu.dma_semaphore, #tpu.memory_space<semaphore_mem>>)
      %get3A_526 = arith.constant 512 : index
      %get3A_527 = tpu.vector_load %arg19[%get3A_526] {strides = array<i32>} : memref<1000xi32, #tpu.memory_space<vmem>>, vector<16xi32>,
      tpu.vector_store_idx %arg20[%get3A_527], %broadcast_in_dim3A_3 {add = true} : memref<10000xf32, #tpu.memory_space<vmem>>[vector<16xi32>], vector<16xf32>,
      %get3A_528 = arith.constant 528 : index
      %get3A_529 = tpu.vector_load %arg19[%get3A_528] {strides = array<i32>} : memref<1000xi32, #tpu.memory_space<vmem>>, vector<16xi32>,
      tpu.vector_store_idx %arg20[%get3A_529], %broadcast_in_dim3A_3 {add = true} : memref<10000xf32, #tpu.memory_space<vmem>>[vector<16xi32>], vector<16xf32>,
      %get3A_530 = arith.constant 544 : index
      %get3A_531 = tpu.vector_load %arg19[%get3A_530] {strides = array<i32>} : memref<1000xi32, #tpu.memory_space<vmem>>, vector<16xi32>,
      tpu.vector_store_idx %arg20[%get3A_531], %broadcast_in_dim3A_3 {add = true} : memref<10000xf32, #tpu.memory_space<vmem>>[vector<16xi32>], vector<16xf32>,
      %get3A_532 = arith.constant 560 : index
      %get3A_533 = tpu.vector_load %arg19[%get3A_532] {strides = array<i32>} : memref<1000xi32, #tpu.memory_space<vmem>>, vector<16xi32>,
      tpu.vector_store_idx %arg20[%get3A_533], %broadcast_in_dim3A_3 {add = true} : memref<10000xf32, #tpu.memory_space<vmem>>[vector<16xi32>], vector<16xf32>,
      %get3A_534 = arith.constant 576 : index
      %get3A_535 = tpu.vector_load %arg19[%get3A_534] {strides = array<i32>} : memref<1000xi32, #tpu.memory_space<vmem>>, vector<16xi32>,
      tpu.vector_store_idx %arg20[%get3A_535], %broadcast_in_dim3A_3 {add = true} : memref<10000xf32, #tpu.memory_space<vmem>>[vector<16xi32>], vector<16xf32>,
      %get3A_536 = arith.constant 592 : index
      %get3A_537 = tpu.vector_load %arg19[%get3A_536] {strides = array<i32>} : memref<1000xi32, #tpu.memory_space<vmem>>, vector<16xi32>,
      tpu.vector_store_idx %arg20[%get3A_537], %broadcast_in_dim3A_3 {add = true} : memref<10000xf32, #tpu.memory_space<vmem>>[vector<16xi32>], vector<16xf32>,
      %get3A_538 = arith.constant 608 : index
      %get3A_539 = tpu.vector_load %arg19[%get3A_538] {strides = array<i32>} : memref<1000xi32, #tpu.memory_space<vmem>>, vector<16xi32>,
      tpu.vector_store_idx %arg20[%get3A_539], %broadcast_in_dim3A_3 {add = true} : memref<10000xf32, #tpu.memory_space<vmem>>[vector<16xi32>], vector<16xf32>,
      %get3A_540 = arith.constant 624 : index
      %get3A_541 = tpu.vector_load %arg19[%get3A_540] {strides = array<i32>} : memref<1000xi32, #tpu.memory_space<vmem>>, vector<16xi32>,
      tpu.vector_store_idx %arg20[%get3A_541], %broadcast_in_dim3A_3 {add = true} : memref<10000xf32, #tpu.memory_space<vmem>>[vector<16xi32>], vector<16xf32>,
      %dma_wait3A_542 = arith.constant 4 : i32
      %dma_wait3A_543 = arith.constant 0 : i32
      %dma_wait3A_544 = tpu.memref_slice %arg9[%dma_wait3A_542, %dma_wait3A_543] : memref<8x125xi32, #tpu.memory_space<vmem>> -> memref<1x125xi32, #tpu.memory_space<vmem>>
      %dma_wait3A_545 = tpu.memref_squeeze %dma_wait3A_544 : memref<1x125xi32, #tpu.memory_space<vmem>> -> memref<125xi32, #tpu.memory_space<vmem>>
      %dma_wait3A_546 = arith.constant 0 : i32
      %dma_wait3A_547 = arith.constant 0 : i32
      %dma_wait3A_548 = tpu.memref_slice %arg2[%dma_wait3A_546, %dma_wait3A_547] : memref<10000x128xf32, #tpu.memory_space<hbm>> -> memref<10000x128xf32, #tpu.memory_space<hbm>>
      tpu.wait_indirect_dma semaphore(%arg15 : memref<!tpu.dma_semaphore, #tpu.memory_space<semaphore_mem>>) src(%dma_wait3A_548 : memref<10000x128xf32, #tpu.memory_space<hbm>>) dst(%arg12 : memref<125x128xf32, #tpu.memory_space<vmem>>)
      %run_scoped3A_549 = arith.constant 4 : i32
      "tpu.region"() ({
        %run_scoped3A_640 = tpu.sem_alloc : memref<!tpu.dma_semaphore, #tpu.memory_space<semaphore_mem>>
        %dma_start3A_641 = arith.constant 0 : i32
        %dma_start3A_642 = tpu.memref_slice %arg11[%run_scoped3A_549, %dma_start3A_641] : memref<8x125xi32, #tpu.memory_space<vmem>> -> memref<1x125xi32, #tpu.memory_space<vmem>>
        %dma_start3A_643 = tpu.memref_squeeze %dma_start3A_642 : memref<1x125xi32, #tpu.memory_space<vmem>> -> memref<125xi32, #tpu.memory_space<vmem>>
        %dma_start3A_644 = arith.constant 0 : i32
        %dma_start3A_645 = arith.constant 0 : i32
        %dma_start3A_646 = tpu.memref_slice %arg14[%dma_start3A_644, %dma_start3A_645] : memref<10000x128xf32, #tpu.memory_space<vmem_shared>> -> memref<10000x128xf32, #tpu.memory_space<vmem_shared>>
        tpu.enqueue_indirect_dma source(%arg12 : memref<125x128xf32, #tpu.memory_space<vmem>>) target(%dma_start3A_646 : memref<10000x128xf32, #tpu.memory_space<vmem_shared>>) offsets(%dma_start3A_643 : memref<125xi32, #tpu.memory_space<vmem>>) semaphore(%run_scoped3A_640 : memref<!tpu.dma_semaphore, #tpu.memory_space<semaphore_mem>>) {add = true}
        %dma_wait3A_647 = arith.constant 0 : i32
        %dma_wait3A_648 = tpu.memref_slice %arg11[%run_scoped3A_549, %dma_wait3A_647] : memref<8x125xi32, #tpu.memory_space<vmem>> -> memref<1x125xi32, #tpu.memory_space<vmem>>
        %dma_wait3A_649 = tpu.memref_squeeze %dma_wait3A_648 : memref<1x125xi32, #tpu.memory_space<vmem>> -> memref<125xi32, #tpu.memory_space<vmem>>
        %dma_wait3A_650 = arith.constant 0 : i32
        %dma_wait3A_651 = arith.constant 0 : i32
        %dma_wait3A_652 = tpu.memref_slice %arg14[%dma_wait3A_650, %dma_wait3A_651] : memref<10000x128xf32, #tpu.memory_space<vmem_shared>> -> memref<10000x128xf32, #tpu.memory_space<vmem_shared>>
        tpu.wait_indirect_dma semaphore(%run_scoped3A_640 : memref<!tpu.dma_semaphore, #tpu.memory_space<semaphore_mem>>) src(%arg12 : memref<125x128xf32, #tpu.memory_space<vmem>>) dst(%dma_wait3A_652 : memref<10000x128xf32, #tpu.memory_space<vmem_shared>>)
        tpu.yield
      }) : () -> ()
      %dma_start3A_550 = arith.constant 6 : i32
      %dma_start3A_551 = arith.constant 0 : i32
      %dma_start3A_552 = tpu.memref_slice %arg9[%dma_start3A_550, %dma_start3A_551] : memref<8x125xi32, #tpu.memory_space<vmem>> -> memref<1x125xi32, #tpu.memory_space<vmem>>
      %dma_start3A_553 = tpu.memref_squeeze %dma_start3A_552 : memref<1x125xi32, #tpu.memory_space<vmem>> -> memref<125xi32, #tpu.memory_space<vmem>>
      %dma_start3A_554 = arith.constant 0 : i32
      %dma_start3A_555 = arith.constant 0 : i32
      %dma_start3A_556 = tpu.memref_slice %arg2[%dma_start3A_554, %dma_start3A_555] : memref<10000x128xf32, #tpu.memory_space<hbm>> -> memref<10000x128xf32, #tpu.memory_space<hbm>>
      tpu.enqueue_indirect_dma source(%dma_start3A_556 : memref<10000x128xf32, #tpu.memory_space<hbm>>) target(%arg12 : memref<125x128xf32, #tpu.memory_space<vmem>>) offsets(%dma_start3A_553 : memref<125xi32, #tpu.memory_space<vmem>>) semaphore(%arg15 : memref<!tpu.dma_semaphore, #tpu.memory_space<semaphore_mem>>)
      %get3A_557 = arith.constant 640 : index
      %get3A_558 = tpu.vector_load %arg19[%get3A_557] {strides = array<i32>} : memref<1000xi32, #tpu.memory_space<vmem>>, vector<16xi32>,
      tpu.vector_store_idx %arg20[%get3A_558], %broadcast_in_dim3A_3 {add = true} : memref<10000xf32, #tpu.memory_space<vmem>>[vector<16xi32>], vector<16xf32>,
      %get3A_559 = arith.constant 656 : index
      %get3A_560 = tpu.vector_load %arg19[%get3A_559] {strides = array<i32>} : memref<1000xi32, #tpu.memory_space<vmem>>, vector<16xi32>,
      tpu.vector_store_idx %arg20[%get3A_560], %broadcast_in_dim3A_3 {add = true} : memref<10000xf32, #tpu.memory_space<vmem>>[vector<16xi32>], vector<16xf32>,
      %get3A_561 = arith.constant 672 : index
      %get3A_562 = tpu.vector_load %arg19[%get3A_561] {strides = array<i32>} : memref<1000xi32, #tpu.memory_space<vmem>>, vector<16xi32>,
      tpu.vector_store_idx %arg20[%get3A_562], %broadcast_in_dim3A_3 {add = true} : memref<10000xf32, #tpu.memory_space<vmem>>[vector<16xi32>], vector<16xf32>,
      %get3A_563 = arith.constant 688 : index
      %get3A_564 = tpu.vector_load %arg19[%get3A_563] {strides = array<i32>} : memref<1000xi32, #tpu.memory_space<vmem>>, vector<16xi32>,
      tpu.vector_store_idx %arg20[%get3A_564], %broadcast_in_dim3A_3 {add = true} : memref<10000xf32, #tpu.memory_space<vmem>>[vector<16xi32>], vector<16xf32>,
      %get3A_565 = arith.constant 704 : index
      %get3A_566 = tpu.vector_load %arg19[%get3A_565] {strides = array<i32>} : memref<1000xi32, #tpu.memory_space<vmem>>, vector<16xi32>,
      tpu.vector_store_idx %arg20[%get3A_566], %broadcast_in_dim3A_3 {add = true} : memref<10000xf32, #tpu.memory_space<vmem>>[vector<16xi32>], vector<16xf32>,
      %get3A_567 = arith.constant 720 : index
      %get3A_568 = tpu.vector_load %arg19[%get3A_567] {strides = array<i32>} : memref<1000xi32, #tpu.memory_space<vmem>>, vector<16xi32>,
      tpu.vector_store_idx %arg20[%get3A_568], %broadcast_in_dim3A_3 {add = true} : memref<10000xf32, #tpu.memory_space<vmem>>[vector<16xi32>], vector<16xf32>,
      %get3A_569 = arith.constant 736 : index
      %get3A_570 = tpu.vector_load %arg19[%get3A_569] {strides = array<i32>} : memref<1000xi32, #tpu.memory_space<vmem>>, vector<16xi32>,
      tpu.vector_store_idx %arg20[%get3A_570], %broadcast_in_dim3A_3 {add = true} : memref<10000xf32, #tpu.memory_space<vmem>>[vector<16xi32>], vector<16xf32>,
      %get3A_571 = arith.constant 752 : index
      %get3A_572 = tpu.vector_load %arg19[%get3A_571] {strides = array<i32>} : memref<1000xi32, #tpu.memory_space<vmem>>, vector<16xi32>,
      tpu.vector_store_idx %arg20[%get3A_572], %broadcast_in_dim3A_3 {add = true} : memref<10000xf32, #tpu.memory_space<vmem>>[vector<16xi32>], vector<16xf32>,
      %dma_wait3A_573 = arith.constant 5 : i32
      %dma_wait3A_574 = arith.constant 0 : i32
      %dma_wait3A_575 = tpu.memref_slice %arg9[%dma_wait3A_573, %dma_wait3A_574] : memref<8x125xi32, #tpu.memory_space<vmem>> -> memref<1x125xi32, #tpu.memory_space<vmem>>
      %dma_wait3A_576 = tpu.memref_squeeze %dma_wait3A_575 : memref<1x125xi32, #tpu.memory_space<vmem>> -> memref<125xi32, #tpu.memory_space<vmem>>
      %dma_wait3A_577 = arith.constant 0 : i32
      %dma_wait3A_578 = arith.constant 0 : i32
      %dma_wait3A_579 = tpu.memref_slice %arg2[%dma_wait3A_577, %dma_wait3A_578] : memref<10000x128xf32, #tpu.memory_space<hbm>> -> memref<10000x128xf32, #tpu.memory_space<hbm>>
      tpu.wait_indirect_dma semaphore(%arg16 : memref<!tpu.dma_semaphore, #tpu.memory_space<semaphore_mem>>) src(%dma_wait3A_579 : memref<10000x128xf32, #tpu.memory_space<hbm>>) dst(%arg13 : memref<125x128xf32, #tpu.memory_space<vmem>>)
      %run_scoped3A_580 = arith.constant 5 : i32
      "tpu.region"() ({
        %run_scoped3A_640 = tpu.sem_alloc : memref<!tpu.dma_semaphore, #tpu.memory_space<semaphore_mem>>
        %dma_start3A_641 = arith.constant 0 : i32
        %dma_start3A_642 = tpu.memref_slice %arg11[%run_scoped3A_580, %dma_start3A_641] : memref<8x125xi32, #tpu.memory_space<vmem>> -> memref<1x125xi32, #tpu.memory_space<vmem>>
        %dma_start3A_643 = tpu.memref_squeeze %dma_start3A_642 : memref<1x125xi32, #tpu.memory_space<vmem>> -> memref<125xi32, #tpu.memory_space<vmem>>
        %dma_start3A_644 = arith.constant 0 : i32
        %dma_start3A_645 = arith.constant 0 : i32
        %dma_start3A_646 = tpu.memref_slice %arg14[%dma_start3A_644, %dma_start3A_645] : memref<10000x128xf32, #tpu.memory_space<vmem_shared>> -> memref<10000x128xf32, #tpu.memory_space<vmem_shared>>
        tpu.enqueue_indirect_dma source(%arg13 : memref<125x128xf32, #tpu.memory_space<vmem>>) target(%dma_start3A_646 : memref<10000x128xf32, #tpu.memory_space<vmem_shared>>) offsets(%dma_start3A_643 : memref<125xi32, #tpu.memory_space<vmem>>) semaphore(%run_scoped3A_640 : memref<!tpu.dma_semaphore, #tpu.memory_space<semaphore_mem>>) {add = true}
        %dma_wait3A_647 = arith.constant 0 : i32
        %dma_wait3A_648 = tpu.memref_slice %arg11[%run_scoped3A_580, %dma_wait3A_647] : memref<8x125xi32, #tpu.memory_space<vmem>> -> memref<1x125xi32, #tpu.memory_space<vmem>>
        %dma_wait3A_649 = tpu.memref_squeeze %dma_wait3A_648 : memref<1x125xi32, #tpu.memory_space<vmem>> -> memref<125xi32, #tpu.memory_space<vmem>>
        %dma_wait3A_650 = arith.constant 0 : i32
        %dma_wait3A_651 = arith.constant 0 : i32
        %dma_wait3A_652 = tpu.memref_slice %arg14[%dma_wait3A_650, %dma_wait3A_651] : memref<10000x128xf32, #tpu.memory_space<vmem_shared>> -> memref<10000x128xf32, #tpu.memory_space<vmem_shared>>
        tpu.wait_indirect_dma semaphore(%run_scoped3A_640 : memref<!tpu.dma_semaphore, #tpu.memory_space<semaphore_mem>>) src(%arg13 : memref<125x128xf32, #tpu.memory_space<vmem>>) dst(%dma_wait3A_652 : memref<10000x128xf32, #tpu.memory_space<vmem_shared>>)
        tpu.yield
      }) : () -> ()
      %dma_start3A_581 = arith.constant 7 : i32
      %dma_start3A_582 = arith.constant 0 : i32
      %dma_start3A_583 = tpu.memref_slice %arg9[%dma_start3A_581, %dma_start3A_582] : memref<8x125xi32, #tpu.memory_space<vmem>> -> memref<1x125xi32, #tpu.memory_space<vmem>>
      %dma_start3A_584 = tpu.memref_squeeze %dma_start3A_583 : memref<1x125xi32, #tpu.memory_space<vmem>> -> memref<125xi32, #tpu.memory_space<vmem>>
      %dma_start3A_585 = arith.constant 0 : i32
      %dma_start3A_586 = arith.constant 0 : i32
      %dma_start3A_587 = tpu.memref_slice %arg2[%dma_start3A_585, %dma_start3A_586] : memref<10000x128xf32, #tpu.memory_space<hbm>> -> memref<10000x128xf32, #tpu.memory_space<hbm>>
      tpu.enqueue_indirect_dma source(%dma_start3A_587 : memref<10000x128xf32, #tpu.memory_space<hbm>>) target(%arg13 : memref<125x128xf32, #tpu.memory_space<vmem>>) offsets(%dma_start3A_584 : memref<125xi32, #tpu.memory_space<vmem>>) semaphore(%arg16 : memref<!tpu.dma_semaphore, #tpu.memory_space<semaphore_mem>>)
      %get3A_588 = arith.constant 768 : index
      %get3A_589 = tpu.vector_load %arg19[%get3A_588] {strides = array<i32>} : memref<1000xi32, #tpu.memory_space<vmem>>, vector<16xi32>,
      tpu.vector_store_idx %arg20[%get3A_589], %broadcast_in_dim3A_3 {add = true} : memref<10000xf32, #tpu.memory_space<vmem>>[vector<16xi32>], vector<16xf32>,
      %get3A_590 = arith.constant 784 : index
      %get3A_591 = tpu.vector_load %arg19[%get3A_590] {strides = array<i32>} : memref<1000xi32, #tpu.memory_space<vmem>>, vector<16xi32>,
      tpu.vector_store_idx %arg20[%get3A_591], %broadcast_in_dim3A_3 {add = true} : memref<10000xf32, #tpu.memory_space<vmem>>[vector<16xi32>], vector<16xf32>,
      %get3A_592 = arith.constant 800 : index
      %get3A_593 = tpu.vector_load %arg19[%get3A_592] {strides = array<i32>} : memref<1000xi32, #tpu.memory_space<vmem>>, vector<16xi32>,
      tpu.vector_store_idx %arg20[%get3A_593], %broadcast_in_dim3A_3 {add = true} : memref<10000xf32, #tpu.memory_space<vmem>>[vector<16xi32>], vector<16xf32>,
      %get3A_594 = arith.constant 816 : index
      %get3A_595 = tpu.vector_load %arg19[%get3A_594] {strides = array<i32>} : memref<1000xi32, #tpu.memory_space<vmem>>, vector<16xi32>,
      tpu.vector_store_idx %arg20[%get3A_595], %broadcast_in_dim3A_3 {add = true} : memref<10000xf32, #tpu.memory_space<vmem>>[vector<16xi32>], vector<16xf32>,
      %get3A_596 = arith.constant 832 : index
      %get3A_597 = tpu.vector_load %arg19[%get3A_596] {strides = array<i32>} : memref<1000xi32, #tpu.memory_space<vmem>>, vector<16xi32>,
      tpu.vector_store_idx %arg20[%get3A_597], %broadcast_in_dim3A_3 {add = true} : memref<10000xf32, #tpu.memory_space<vmem>>[vector<16xi32>], vector<16xf32>,
      %get3A_598 = arith.constant 848 : index
      %get3A_599 = tpu.vector_load %arg19[%get3A_598] {strides = array<i32>} : memref<1000xi32, #tpu.memory_space<vmem>>, vector<16xi32>,
      tpu.vector_store_idx %arg20[%get3A_599], %broadcast_in_dim3A_3 {add = true} : memref<10000xf32, #tpu.memory_space<vmem>>[vector<16xi32>], vector<16xf32>,
      %get3A_600 = arith.constant 864 : index
      %get3A_601 = tpu.vector_load %arg19[%get3A_600] {strides = array<i32>} : memref<1000xi32, #tpu.memory_space<vmem>>, vector<16xi32>,
      tpu.vector_store_idx %arg20[%get3A_601], %broadcast_in_dim3A_3 {add = true} : memref<10000xf32, #tpu.memory_space<vmem>>[vector<16xi32>], vector<16xf32>,
      %get3A_602 = arith.constant 880 : index
      %get3A_603 = tpu.vector_load %arg19[%get3A_602] {strides = array<i32>} : memref<1000xi32, #tpu.memory_space<vmem>>, vector<16xi32>,
      tpu.vector_store_idx %arg20[%get3A_603], %broadcast_in_dim3A_3 {add = true} : memref<10000xf32, #tpu.memory_space<vmem>>[vector<16xi32>], vector<16xf32>,
      %dma_wait3A_604 = arith.constant 6 : i32
      %dma_wait3A_605 = arith.constant 0 : i32
      %dma_wait3A_606 = tpu.memref_slice %arg9[%dma_wait3A_604, %dma_wait3A_605] : memref<8x125xi32, #tpu.memory_space<vmem>> -> memref<1x125xi32, #tpu.memory_space<vmem>>
      %dma_wait3A_607 = tpu.memref_squeeze %dma_wait3A_606 : memref<1x125xi32, #tpu.memory_space<vmem>> -> memref<125xi32, #tpu.memory_space<vmem>>
      %dma_wait3A_608 = arith.constant 0 : i32
      %dma_wait3A_609 = arith.constant 0 : i32
      %dma_wait3A_610 = tpu.memref_slice %arg2[%dma_wait3A_608, %dma_wait3A_609] : memref<10000x128xf32, #tpu.memory_space<hbm>> -> memref<10000x128xf32, #tpu.memory_space<hbm>>
      tpu.wait_indirect_dma semaphore(%arg15 : memref<!tpu.dma_semaphore, #tpu.memory_space<semaphore_mem>>) src(%dma_wait3A_610 : memref<10000x128xf32, #tpu.memory_space<hbm>>) dst(%arg12 : memref<125x128xf32, #tpu.memory_space<vmem>>)
      %run_scoped3A_611 = arith.constant 6 : i32
      "tpu.region"() ({
        %run_scoped3A_640 = tpu.sem_alloc : memref<!tpu.dma_semaphore, #tpu.memory_space<semaphore_mem>>
        %dma_start3A_641 = arith.constant 0 : i32
        %dma_start3A_642 = tpu.memref_slice %arg11[%run_scoped3A_611, %dma_start3A_641] : memref<8x125xi32, #tpu.memory_space<vmem>> -> memref<1x125xi32, #tpu.memory_space<vmem>>
        %dma_start3A_643 = tpu.memref_squeeze %dma_start3A_642 : memref<1x125xi32, #tpu.memory_space<vmem>> -> memref<125xi32, #tpu.memory_space<vmem>>
        %dma_start3A_644 = arith.constant 0 : i32
        %dma_start3A_645 = arith.constant 0 : i32
        %dma_start3A_646 = tpu.memref_slice %arg14[%dma_start3A_644, %dma_start3A_645] : memref<10000x128xf32, #tpu.memory_space<vmem_shared>> -> memref<10000x128xf32, #tpu.memory_space<vmem_shared>>
        tpu.enqueue_indirect_dma source(%arg12 : memref<125x128xf32, #tpu.memory_space<vmem>>) target(%dma_start3A_646 : memref<10000x128xf32, #tpu.memory_space<vmem_shared>>) offsets(%dma_start3A_643 : memref<125xi32, #tpu.memory_space<vmem>>) semaphore(%run_scoped3A_640 : memref<!tpu.dma_semaphore, #tpu.memory_space<semaphore_mem>>) {add = true}
        %dma_wait3A_647 = arith.constant 0 : i32
        %dma_wait3A_648 = tpu.memref_slice %arg11[%run_scoped3A_611, %dma_wait3A_647] : memref<8x125xi32, #tpu.memory_space<vmem>> -> memref<1x125xi32, #tpu.memory_space<vmem>>
        %dma_wait3A_649 = tpu.memref_squeeze %dma_wait3A_648 : memref<1x125xi32, #tpu.memory_space<vmem>> -> memref<125xi32, #tpu.memory_space<vmem>>
        %dma_wait3A_650 = arith.constant 0 : i32
        %dma_wait3A_651 = arith.constant 0 : i32
        %dma_wait3A_652 = tpu.memref_slice %arg14[%dma_wait3A_650, %dma_wait3A_651] : memref<10000x128xf32, #tpu.memory_space<vmem_shared>> -> memref<10000x128xf32, #tpu.memory_space<vmem_shared>>
        tpu.wait_indirect_dma semaphore(%run_scoped3A_640 : memref<!tpu.dma_semaphore, #tpu.memory_space<semaphore_mem>>) src(%arg12 : memref<125x128xf32, #tpu.memory_space<vmem>>) dst(%dma_wait3A_652 : memref<10000x128xf32, #tpu.memory_space<vmem_shared>>)
        tpu.yield
      }) : () -> ()
      %lt3A_612 = arith.constant 4 : i32
      %lt3A_613 = arith.cmpi slt, %scan3A_88, %lt3A_612 : i32
      %convert_element_type3A_614 = arith.extui %lt3A_613 : i1 to i32
      %cond3A_615 = arith.constant 0 : i32
      %cond3A_616 = arith.cmpi ne, %convert_element_type3A_614, %cond3A_615 : i32
      scf.if %cond3A_616 {
        %dma_wait3A_640 = arith.constant 0 : i32
        %dma_wait3A_641 = arith.constant 0 : i32
        %dma_wait3A_642 = arith.constant 0 : i32
        %dma_wait3A_643 = tpu.memref_slice %arg3[%dma_wait3A_640, %dma_wait3A_641, %dma_wait3A_642] : memref<2x2560x125xi32, #tpu.memory_space<hbm>> -> memref<1x8x125xi32, #tpu.memory_space<hbm>>
        %dma_wait3A_644 = tpu.memref_squeeze %dma_wait3A_643 : memref<1x8x125xi32, #tpu.memory_space<hbm>> -> memref<8x125xi32, #tpu.memory_space<hbm>>
        %dma_wait3A_645 = arith.constant 0 : i32
        %dma_wait3A_646 = arith.constant 0 : i32
        %dma_wait3A_647 = tpu.memref_slice %arg3[%dma_wait3A_640, %dma_wait3A_645, %dma_wait3A_646] : memref<2x2560x125xi32, #tpu.memory_space<hbm>> -> memref<1x8x125xi32, #tpu.memory_space<hbm>>
        %dma_wait3A_648 = tpu.memref_squeeze %dma_wait3A_647 : memref<1x8x125xi32, #tpu.memory_space<hbm>> -> memref<8x125xi32, #tpu.memory_space<hbm>>
        tpu.wait_dma2 semaphore(%arg17 : memref<!tpu.dma_semaphore, #tpu.memory_space<semaphore_mem>>) src(%dma_wait3A_648 : memref<8x125xi32, #tpu.memory_space<hbm>>) dst(%arg8 : memref<8x125xi32, #tpu.memory_space<vmem>>)
        %dma_wait3A_649 = arith.constant 1 : i32
        %dma_wait3A_650 = arith.constant 0 : i32
        %dma_wait3A_651 = arith.constant 0 : i32
        %dma_wait3A_652 = tpu.memref_slice %arg3[%dma_wait3A_649, %dma_wait3A_650, %dma_wait3A_651] : memref<2x2560x125xi32, #tpu.memory_space<hbm>> -> memref<1x8x125xi32, #tpu.memory_space<hbm>>
        %dma_wait3A_653 = tpu.memref_squeeze %dma_wait3A_652 : memref<1x8x125xi32, #tpu.memory_space<hbm>> -> memref<8x125xi32, #tpu.memory_space<hbm>>
        %dma_wait3A_654 = arith.constant 0 : i32
        %dma_wait3A_655 = arith.constant 0 : i32
        %dma_wait3A_656 = tpu.memref_slice %arg3[%dma_wait3A_649, %dma_wait3A_654, %dma_wait3A_655] : memref<2x2560x125xi32, #tpu.memory_space<hbm>> -> memref<1x8x125xi32, #tpu.memory_space<hbm>>
        %dma_wait3A_657 = tpu.memref_squeeze %dma_wait3A_656 : memref<1x8x125xi32, #tpu.memory_space<hbm>> -> memref<8x125xi32, #tpu.memory_space<hbm>>
        tpu.wait_dma2 semaphore(%arg17 : memref<!tpu.dma_semaphore, #tpu.memory_space<semaphore_mem>>) src(%dma_wait3A_657 : memref<8x125xi32, #tpu.memory_space<hbm>>) dst(%arg10 : memref<8x125xi32, #tpu.memory_space<vmem>>)
        %dma_wait3A_658 = arith.constant 0 : i32
        %dma_wait3A_659 = tpu.memref_slice %arg4[%dma_wait3A_658] : memref<640000xi32, #tpu.memory_space<hbm>> -> memref<1000xi32, #tpu.memory_space<hbm>>
        %dma_wait3A_660 = arith.constant 0 : i32
        %dma_wait3A_661 = tpu.memref_slice %arg4[%dma_wait3A_660] : memref<640000xi32, #tpu.memory_space<hbm>> -> memref<1000xi32, #tpu.memory_space<hbm>>
        tpu.wait_dma2 semaphore(%arg17 : memref<!tpu.dma_semaphore, #tpu.memory_space<semaphore_mem>>) src(%dma_wait3A_661 : memref<1000xi32, #tpu.memory_space<hbm>>) dst(%arg18 : memref<1000xi32, #tpu.memory_space<vmem>>)
        %dma_start3A_662 = arith.constant 0 : i32
        %dma_start3A_663 = arith.constant 0 : i32
        %dma_start3A_664 = tpu.memref_slice %arg8[%dma_start3A_662, %dma_start3A_663] : memref<8x125xi32, #tpu.memory_space<vmem>> -> memref<1x125xi32, #tpu.memory_space<vmem>>
        %dma_start3A_665 = tpu.memref_squeeze %dma_start3A_664 : memref<1x125xi32, #tpu.memory_space<vmem>> -> memref<125xi32, #tpu.memory_space<vmem>>
        %dma_start3A_666 = arith.constant 0 : i32
        %dma_start3A_667 = arith.constant 0 : i32
        %dma_start3A_668 = tpu.memref_slice %arg2[%dma_start3A_666, %dma_start3A_667] : memref<10000x128xf32, #tpu.memory_space<hbm>> -> memref<10000x128xf32, #tpu.memory_space<hbm>>
        tpu.enqueue_indirect_dma source(%dma_start3A_668 : memref<10000x128xf32, #tpu.memory_space<hbm>>) target(%arg12 : memref<125x128xf32, #tpu.memory_space<vmem>>) offsets(%dma_start3A_665 : memref<125xi32, #tpu.memory_space<vmem>>) semaphore(%arg15 : memref<!tpu.dma_semaphore, #tpu.memory_space<semaphore_mem>>)
      } else {
      }
      %get3A_617 = arith.constant 896 : index
      %get3A_618 = tpu.vector_load %arg19[%get3A_617] {strides = array<i32>} : memref<1000xi32, #tpu.memory_space<vmem>>, vector<16xi32>,
      tpu.vector_store_idx %arg20[%get3A_618], %broadcast_in_dim3A_3 {add = true} : memref<10000xf32, #tpu.memory_space<vmem>>[vector<16xi32>], vector<16xf32>,
      %get3A_619 = arith.constant 912 : index
      %get3A_620 = tpu.vector_load %arg19[%get3A_619] {strides = array<i32>} : memref<1000xi32, #tpu.memory_space<vmem>>, vector<16xi32>,
      tpu.vector_store_idx %arg20[%get3A_620], %broadcast_in_dim3A_3 {add = true} : memref<10000xf32, #tpu.memory_space<vmem>>[vector<16xi32>], vector<16xf32>,
      %get3A_621 = arith.constant 928 : index
      %get3A_622 = tpu.vector_load %arg19[%get3A_621] {strides = array<i32>} : memref<1000xi32, #tpu.memory_space<vmem>>, vector<16xi32>,
      tpu.vector_store_idx %arg20[%get3A_622], %broadcast_in_dim3A_3 {add = true} : memref<10000xf32, #tpu.memory_space<vmem>>[vector<16xi32>], vector<16xf32>,
      %get3A_623 = arith.constant 944 : index
      %get3A_624 = tpu.vector_load %arg19[%get3A_623] {strides = array<i32>} : memref<1000xi32, #tpu.memory_space<vmem>>, vector<16xi32>,
      tpu.vector_store_idx %arg20[%get3A_624], %broadcast_in_dim3A_3 {add = true} : memref<10000xf32, #tpu.memory_space<vmem>>[vector<16xi32>], vector<16xf32>,
      %get3A_625 = arith.constant 960 : index
      %get3A_626 = tpu.vector_load %arg19[%get3A_625] {strides = array<i32>} : memref<1000xi32, #tpu.memory_space<vmem>>, vector<16xi32>,
      tpu.vector_store_idx %arg20[%get3A_626], %broadcast_in_dim3A_3 {add = true} : memref<10000xf32, #tpu.memory_space<vmem>>[vector<16xi32>], vector<16xf32>,
      %get3A_627 = arith.constant 976 : index
      %get3A_628 = tpu.vector_load %arg19[%get3A_627] {strides = array<i32>} : memref<1000xi32, #tpu.memory_space<vmem>>, vector<16xi32>,
      tpu.vector_store_idx %arg20[%get3A_628], %broadcast_in_dim3A_3 {add = true} : memref<10000xf32, #tpu.memory_space<vmem>>[vector<16xi32>], vector<16xf32>,
      %get3A_629 = arith.constant 984 : index
      %get3A_630 = tpu.vector_load %arg19[%get3A_629] {strides = array<i32>} : memref<1000xi32, #tpu.memory_space<vmem>>, vector<16xi32>,
      tpu.vector_store_idx %arg20[%get3A_630], %broadcast_in_dim3A_3 masked %ge3A_5 {add = true} : memref<10000xf32, #tpu.memory_space<vmem>>[vector<16xi32>], vector<16xf32>, vector<16xi1>
      %dma_wait3A_631 = arith.constant 7 : i32
      %dma_wait3A_632 = arith.constant 0 : i32
      %dma_wait3A_633 = tpu.memref_slice %arg9[%dma_wait3A_631, %dma_wait3A_632] : memref<8x125xi32, #tpu.memory_space<vmem>> -> memref<1x125xi32, #tpu.memory_space<vmem>>
      %dma_wait3A_634 = tpu.memref_squeeze %dma_wait3A_633 : memref<1x125xi32, #tpu.memory_space<vmem>> -> memref<125xi32, #tpu.memory_space<vmem>>
      %dma_wait3A_635 = arith.constant 0 : i32
      %dma_wait3A_636 = arith.constant 0 : i32
      %dma_wait3A_637 = tpu.memref_slice %arg2[%dma_wait3A_635, %dma_wait3A_636] : memref<10000x128xf32, #tpu.memory_space<hbm>> -> memref<10000x128xf32, #tpu.memory_space<hbm>>
      tpu.wait_indirect_dma semaphore(%arg16 : memref<!tpu.dma_semaphore, #tpu.memory_space<semaphore_mem>>) src(%dma_wait3A_637 : memref<10000x128xf32, #tpu.memory_space<hbm>>) dst(%arg13 : memref<125x128xf32, #tpu.memory_space<vmem>>)
      %run_scoped3A_638 = arith.constant 7 : i32
      "tpu.region"() ({
        %run_scoped3A_640 = tpu.sem_alloc : memref<!tpu.dma_semaphore, #tpu.memory_space<semaphore_mem>>
        %dma_start3A_641 = arith.constant 0 : i32
        %dma_start3A_642 = tpu.memref_slice %arg11[%run_scoped3A_638, %dma_start3A_641] : memref<8x125xi32, #tpu.memory_space<vmem>> -> memref<1x125xi32, #tpu.memory_space<vmem>>
        %dma_start3A_643 = tpu.memref_squeeze %dma_start3A_642 : memref<1x125xi32, #tpu.memory_space<vmem>> -> memref<125xi32, #tpu.memory_space<vmem>>
        %dma_start3A_644 = arith.constant 0 : i32
        %dma_start3A_645 = arith.constant 0 : i32
        %dma_start3A_646 = tpu.memref_slice %arg14[%dma_start3A_644, %dma_start3A_645] : memref<10000x128xf32, #tpu.memory_space<vmem_shared>> -> memref<10000x128xf32, #tpu.memory_space<vmem_shared>>
        tpu.enqueue_indirect_dma source(%arg13 : memref<125x128xf32, #tpu.memory_space<vmem>>) target(%dma_start3A_646 : memref<10000x128xf32, #tpu.memory_space<vmem_shared>>) offsets(%dma_start3A_643 : memref<125xi32, #tpu.memory_space<vmem>>) semaphore(%run_scoped3A_640 : memref<!tpu.dma_semaphore, #tpu.memory_space<semaphore_mem>>) {add = true}
        %dma_wait3A_647 = arith.constant 0 : i32
        %dma_wait3A_648 = tpu.memref_slice %arg11[%run_scoped3A_638, %dma_wait3A_647] : memref<8x125xi32, #tpu.memory_space<vmem>> -> memref<1x125xi32, #tpu.memory_space<vmem>>
        %dma_wait3A_649 = tpu.memref_squeeze %dma_wait3A_648 : memref<1x125xi32, #tpu.memory_space<vmem>> -> memref<125xi32, #tpu.memory_space<vmem>>
        %dma_wait3A_650 = arith.constant 0 : i32
        %dma_wait3A_651 = arith.constant 0 : i32
        %dma_wait3A_652 = tpu.memref_slice %arg14[%dma_wait3A_650, %dma_wait3A_651] : memref<10000x128xf32, #tpu.memory_space<vmem_shared>> -> memref<10000x128xf32, #tpu.memory_space<vmem_shared>>
        tpu.wait_indirect_dma semaphore(%run_scoped3A_640 : memref<!tpu.dma_semaphore, #tpu.memory_space<semaphore_mem>>) src(%arg13 : memref<125x128xf32, #tpu.memory_space<vmem>>) dst(%dma_wait3A_652 : memref<10000x128xf32, #tpu.memory_space<vmem_shared>>)
        tpu.yield
      }) : () -> ()
      %scan3A_639 = arith.constant 0 : i32
      scf.yield %scan3A_639 : i32
    }
    %scan3A_77 = arith.constant 5 : i32
    %barrier3A_78 = arith.constant 0 : index
    tpu.barrier barrier_id(%barrier3A_78)
    %mul3A_79 = arith.constant 624 : i32
    %mul3A_80 = arith.muli %arg1, %mul3A_79 : i32
    %mul3A_81 = arith.constant 624 : i32
    %mul3A_82 = arith.muli %arg1, %mul3A_81 : i32
    "tpu.region"() ({
      %run_scoped3A_88 = tpu.sem_alloc : memref<!tpu.dma_semaphore, #tpu.memory_space<semaphore_mem>>
      %dma_start3A_89 = arith.constant 0 : i32
      %dma_start3A_90 = tpu.memref_slice %arg6[%arg0, %mul3A_82, %dma_start3A_89] : memref<2x10000x128xf32, #tpu.memory_space<hbm>> -> memref<1x624x128xf32, #tpu.memory_space<hbm>>
      %dma_start3A_91 = tpu.memref_squeeze %dma_start3A_90 : memref<1x624x128xf32, #tpu.memory_space<hbm>> -> memref<624x128xf32, #tpu.memory_space<hbm>>
      %dma_start3A_92 = arith.constant 0 : i32
      %dma_start3A_93 = tpu.memref_slice %arg14[%mul3A_80, %dma_start3A_92] : memref<10000x128xf32, #tpu.memory_space<vmem_shared>> -> memref<624x128xf32, #tpu.memory_space<vmem_shared>>
      tpu.enqueue_dma source(%dma_start3A_93 : memref<624x128xf32, #tpu.memory_space<vmem_shared>>) target(%dma_start3A_91 : memref<624x128xf32, #tpu.memory_space<hbm>>) target_semaphore(%run_scoped3A_88 : memref<!tpu.dma_semaphore, #tpu.memory_space<semaphore_mem>>)
      %dma_wait3A_94 = arith.constant 0 : i32
      %dma_wait3A_95 = tpu.memref_slice %arg6[%arg0, %mul3A_82, %dma_wait3A_94] : memref<2x10000x128xf32, #tpu.memory_space<hbm>> -> memref<1x624x128xf32, #tpu.memory_space<hbm>>
      %dma_wait3A_96 = tpu.memref_squeeze %dma_wait3A_95 : memref<1x624x128xf32, #tpu.memory_space<hbm>> -> memref<624x128xf32, #tpu.memory_space<hbm>>
      %dma_wait3A_97 = arith.constant 0 : i32
      %dma_wait3A_98 = tpu.memref_slice %arg14[%mul3A_80, %dma_wait3A_97] : memref<10000x128xf32, #tpu.memory_space<vmem_shared>> -> memref<624x128xf32, #tpu.memory_space<vmem_shared>>
      tpu.wait_dma2 semaphore(%run_scoped3A_88 : memref<!tpu.dma_semaphore, #tpu.memory_space<semaphore_mem>>) src(%dma_wait3A_98 : memref<624x128xf32, #tpu.memory_space<vmem_shared>>) dst(%dma_wait3A_96 : memref<624x128xf32, #tpu.memory_space<hbm>>)
      tpu.yield
    }) : () -> ()
    %eq3A_83 = arith.constant 15 : i32
    %eq3A_84 = arith.cmpi eq, %arg1, %eq3A_83 : i32
    %convert_element_type3A_85 = arith.extui %eq3A_84 : i1 to i32
    %cond3A_86 = arith.constant 0 : i32
    %cond3A_87 = arith.cmpi ne, %convert_element_type3A_85, %cond3A_86 : i32
    scf.if %cond3A_87 {
      "tpu.region"() ({
        %run_scoped3A_88 = tpu.sem_alloc : memref<!tpu.dma_semaphore, #tpu.memory_space<semaphore_mem>>
        %dma_start3A_89 = arith.constant 9984 : i32
        %dma_start3A_90 = arith.constant 0 : i32
        %dma_start3A_91 = tpu.memref_slice %arg6[%arg0, %dma_start3A_89, %dma_start3A_90] : memref<2x10000x128xf32, #tpu.memory_space<hbm>> -> memref<1x16x128xf32, #tpu.memory_space<hbm>>
        %dma_start3A_92 = tpu.memref_squeeze %dma_start3A_91 : memref<1x16x128xf32, #tpu.memory_space<hbm>> -> memref<16x128xf32, #tpu.memory_space<hbm>>
        %dma_start3A_93 = arith.constant 9984 : i32
        %dma_start3A_94 = arith.constant 0 : i32
        %dma_start3A_95 = tpu.memref_slice %arg14[%dma_start3A_93, %dma_start3A_94] : memref<10000x128xf32, #tpu.memory_space<vmem_shared>> -> memref<16x128xf32, #tpu.memory_space<vmem_shared>>
        tpu.enqueue_dma source(%dma_start3A_95 : memref<16x128xf32, #tpu.memory_space<vmem_shared>>) target(%dma_start3A_92 : memref<16x128xf32, #tpu.memory_space<hbm>>) target_semaphore(%run_scoped3A_88 : memref<!tpu.dma_semaphore, #tpu.memory_space<semaphore_mem>>)
        %dma_wait3A_96 = arith.constant 9984 : i32
        %dma_wait3A_97 = arith.constant 0 : i32
        %dma_wait3A_98 = tpu.memref_slice %arg6[%arg0, %dma_wait3A_96, %dma_wait3A_97] : memref<2x10000x128xf32, #tpu.memory_space<hbm>> -> memref<1x16x128xf32, #tpu.memory_space<hbm>>
        %dma_wait3A_99 = tpu.memref_squeeze %dma_wait3A_98 : memref<1x16x128xf32, #tpu.memory_space<hbm>> -> memref<16x128xf32, #tpu.memory_space<hbm>>
        %dma_wait3A_100 = arith.constant 9984 : i32
        %dma_wait3A_101 = arith.constant 0 : i32
        %dma_wait3A_102 = tpu.memref_slice %arg14[%dma_wait3A_100, %dma_wait3A_101] : memref<10000x128xf32, #tpu.memory_space<vmem_shared>> -> memref<16x128xf32, #tpu.memory_space<vmem_shared>>
        tpu.wait_dma2 semaphore(%run_scoped3A_88 : memref<!tpu.dma_semaphore, #tpu.memory_space<semaphore_mem>>) src(%dma_wait3A_102 : memref<16x128xf32, #tpu.memory_space<vmem_shared>>) dst(%dma_wait3A_99 : memref<16x128xf32, #tpu.memory_space<hbm>>)
        tpu.yield
      }) : () -> ()
    } else {
    }
    %run_scoped3A = arith.constant 0 : i32
    "tpu.region"() ({
      %run_scoped3A_88 = tpu.sem_alloc : memref<!tpu.dma_semaphore, #tpu.memory_space<semaphore_mem>>
      %dma_start3A_89 = arith.constant 0 : i32
      %dma_start3A_90 = tpu.memref_slice %arg7[%add3A, %run_scoped3A, %dma_start3A_89] : memref<32x1x10000xf32, #tpu.memory_space<hbm>> -> memref<1x1x10000xf32, #tpu.memory_space<hbm>>
      %dma_start3A_91 = tpu.memref_squeeze %dma_start3A_90 : memref<1x1x10000xf32, #tpu.memory_space<hbm>> -> memref<10000xf32, #tpu.memory_space<hbm>>
      %dma_start3A_92 = arith.constant 0 : i32
      %dma_start3A_93 = tpu.memref_slice %arg7[%add3A, %run_scoped3A, %dma_start3A_92] : memref<32x1x10000xf32, #tpu.memory_space<hbm>> -> memref<1x1x10000xf32, #tpu.memory_space<hbm>>
      %dma_start3A_94 = tpu.memref_squeeze %dma_start3A_93 : memref<1x1x10000xf32, #tpu.memory_space<hbm>> -> memref<10000xf32, #tpu.memory_space<hbm>>
      tpu.enqueue_dma source(%arg20 : memref<10000xf32, #tpu.memory_space<vmem>>) target(%dma_start3A_94 : memref<10000xf32, #tpu.memory_space<hbm>>) target_semaphore(%run_scoped3A_88 : memref<!tpu.dma_semaphore, #tpu.memory_space<semaphore_mem>>)
      %dma_wait3A_95 = arith.constant 0 : i32
      %dma_wait3A_96 = tpu.memref_slice %arg7[%add3A, %run_scoped3A, %dma_wait3A_95] : memref<32x1x10000xf32, #tpu.memory_space<hbm>> -> memref<1x1x10000xf32, #tpu.memory_space<hbm>>
      %dma_wait3A_97 = tpu.memref_squeeze %dma_wait3A_96 : memref<1x1x10000xf32, #tpu.memory_space<hbm>> -> memref<10000xf32, #tpu.memory_space<hbm>>
      %dma_wait3A_98 = arith.constant 0 : i32
      %dma_wait3A_99 = tpu.memref_slice %arg7[%add3A, %run_scoped3A, %dma_wait3A_98] : memref<32x1x10000xf32, #tpu.memory_space<hbm>> -> memref<1x1x10000xf32, #tpu.memory_space<hbm>>
      %dma_wait3A_100 = tpu.memref_squeeze %dma_wait3A_99 : memref<1x1x10000xf32, #tpu.memory_space<hbm>> -> memref<10000xf32, #tpu.memory_space<hbm>>
      tpu.wait_dma2 semaphore(%run_scoped3A_88 : memref<!tpu.dma_semaphore, #tpu.memory_space<semaphore_mem>>) src(%arg20 : memref<10000xf32, #tpu.memory_space<vmem>>) dst(%dma_wait3A_100 : memref<10000xf32, #tpu.memory_space<hbm>>)
      tpu.yield
    }) : () -> ()
    return
  }
}

#map = affine_map<(d0, d1) -> (0, 0)>
#map1 = affine_map<(d0, d1) -> (0, 0, 0)>
#map2 = affine_map<(d0, d1) -> (0)>
module attributes {stable_mosaic.version = 14 : i64} {
  func.func @agg_kernel(%arg0: i32, %arg1: i32, %arg2: memref<10000x128xf32, #tpu.memory_space<hbm>>, %arg3: memref<2x2560x125xi32, #tpu.memory_space<hbm>>, %arg4: memref<640000xi32, #tpu.memory_space<hbm>>, %arg5: memref<640x128xf32, #tpu.memory_space<hbm>>, %arg6: memref<2x10000x128xf32, #tpu.memory_space<hbm>>, %arg7: memref<8x125xi32, #tpu.memory_space<vmem>>, %arg8: memref<8x125xi32, #tpu.memory_space<vmem>>, %arg9: memref<8x125xi32, #tpu.memory_space<vmem>>, %arg10: memref<8x125xi32, #tpu.memory_space<vmem>>, %arg11: memref<125x128xf32, #tpu.memory_space<vmem>>, %arg12: memref<125x128xf32, #tpu.memory_space<vmem>>, %arg13: memref<10000x128xf32, #tpu.memory_space<vmem_shared>>, %arg14: memref<!tpu.dma_semaphore, #tpu.memory_space<semaphore_mem>>, %arg15: memref<!tpu.dma_semaphore, #tpu.memory_space<semaphore_mem>>, %arg16: memref<!tpu.dma_semaphore, #tpu.memory_space<semaphore_mem>>) attributes {dimension_semantics = [#tpu.dimension_semantics<core_parallel>, #tpu.dimension_semantics<subcore_parallel>], iteration_bounds = array<i64: 2, 16>, scalar_prefetch = 0 : i64, scratch_operands = 10 : i64, tpu.core_type = #tpu.core_type<sc_vector_subcore>, window_params = [{transform_indices = #map}, {transform_indices = #map1}, {transform_indices = #map2}, {transform_indices = #map}, {transform_indices = #map1}]} {
    %mul3A = arith.constant 2 : i32
    %mul3A_0 = arith.muli %arg1, %mul3A : i32
    %add3A = arith.addi %mul3A_0, %arg0 : i32
    %mul3A_1 = arith.constant 80 : i32
    %mul3A_2 = arith.muli %add3A, %mul3A_1 : i32
    %broadcast_in_dim3A = arith.constant 1.000000e+00 : f32
    %broadcast_in_dim3A_3 = vector.broadcast %broadcast_in_dim3A : f32 to vector<16xf32>
    %iota3A = tpu.iota {dimensions = array<i32: 0>} : vector<16xi32>
    %ge3A = arith.constant 8 : i32
    %ge3A_4 = vector.broadcast %ge3A : i32 to vector<16xi32>
    %ge3A_5 = arith.cmpi sge, %iota3A, %ge3A_4 : vector<16xi32>
    %add3A_6 = arith.constant 0 : i32
    %add3A_7 = arith.addi %mul3A_2, %add3A_6 : i32
    %dma_start3A = arith.constant 0 : i32
    %dma_start3A_8 = arith.constant 0 : i32
    %dma_start3A_9 = tpu.memref_slice %arg3[%dma_start3A, %add3A_7, %dma_start3A_8] : memref<2x2560x125xi32, #tpu.memory_space<hbm>> -> memref<1x8x125xi32, #tpu.memory_space<hbm>>
    %dma_start3A_10 = tpu.memref_squeeze %dma_start3A_9 : memref<1x8x125xi32, #tpu.memory_space<hbm>> -> memref<8x125xi32, #tpu.memory_space<hbm>>
    %dma_start3A_11 = arith.constant 0 : i32
    %dma_start3A_12 = tpu.memref_slice %arg3[%dma_start3A, %add3A_7, %dma_start3A_11] : memref<2x2560x125xi32, #tpu.memory_space<hbm>> -> memref<1x8x125xi32, #tpu.memory_space<hbm>>
    %dma_start3A_13 = tpu.memref_squeeze %dma_start3A_12 : memref<1x8x125xi32, #tpu.memory_space<hbm>> -> memref<8x125xi32, #tpu.memory_space<hbm>>
    tpu.enqueue_dma source(%dma_start3A_13 : memref<8x125xi32, #tpu.memory_space<hbm>>) target(%arg7 : memref<8x125xi32, #tpu.memory_space<vmem>>) target_semaphore(%arg16 : memref<!tpu.dma_semaphore, #tpu.memory_space<semaphore_mem>>)
    %add3A_14 = arith.constant 0 : i32
    %add3A_15 = arith.addi %mul3A_2, %add3A_14 : i32
    %dma_start3A_16 = arith.constant 1 : i32
    %dma_start3A_17 = arith.constant 0 : i32
    %dma_start3A_18 = tpu.memref_slice %arg3[%dma_start3A_16, %add3A_15, %dma_start3A_17] : memref<2x2560x125xi32, #tpu.memory_space<hbm>> -> memref<1x8x125xi32, #tpu.memory_space<hbm>>
    %dma_start3A_19 = tpu.memref_squeeze %dma_start3A_18 : memref<1x8x125xi32, #tpu.memory_space<hbm>> -> memref<8x125xi32, #tpu.memory_space<hbm>>
    %dma_start3A_20 = arith.constant 0 : i32
    %dma_start3A_21 = tpu.memref_slice %arg3[%dma_start3A_16, %add3A_15, %dma_start3A_20] : memref<2x2560x125xi32, #tpu.memory_space<hbm>> -> memref<1x8x125xi32, #tpu.memory_space<hbm>>
    %dma_start3A_22 = tpu.memref_squeeze %dma_start3A_21 : memref<1x8x125xi32, #tpu.memory_space<hbm>> -> memref<8x125xi32, #tpu.memory_space<hbm>>
    tpu.enqueue_dma source(%dma_start3A_22 : memref<8x125xi32, #tpu.memory_space<hbm>>) target(%arg9 : memref<8x125xi32, #tpu.memory_space<vmem>>) target_semaphore(%arg16 : memref<!tpu.dma_semaphore, #tpu.memory_space<semaphore_mem>>)
    %lt3A = arith.constant 15 : i32
    %lt3A_23 = arith.cmpi slt, %arg1, %lt3A : i32
    %convert_element_type3A = arith.extui %lt3A_23 : i1 to i32
    %cond3A = arith.constant 0 : i32
    %cond3A_24 = arith.cmpi ne, %convert_element_type3A, %cond3A : i32
    scf.if %cond3A_24 {
      %mul3A_69 = arith.constant 624 : i32
      %mul3A_70 = arith.muli %arg1, %mul3A_69 : i32
      "tpu.region"() ({
        %run_scoped3A = tpu.sem_alloc : memref<!tpu.dma_semaphore, #tpu.memory_space<semaphore_mem>>
        %dma_start3A_71 = arith.constant 0 : i32
        %dma_start3A_72 = tpu.memref_slice %arg13[%mul3A_70, %dma_start3A_71] : memref<10000x128xf32, #tpu.memory_space<vmem_shared>> -> memref<624x128xf32, #tpu.memory_space<vmem_shared>>
        %dma_start3A_73 = arith.constant 0 : i32
        %dma_start3A_74 = arith.constant 0 : i32
        %dma_start3A_75 = tpu.memref_slice %arg5[%dma_start3A_73, %dma_start3A_74] : memref<640x128xf32, #tpu.memory_space<hbm>> -> memref<624x128xf32, #tpu.memory_space<hbm>>
        tpu.enqueue_dma source(%dma_start3A_75 : memref<624x128xf32, #tpu.memory_space<hbm>>) target(%dma_start3A_72 : memref<624x128xf32, #tpu.memory_space<vmem_shared>>) target_semaphore(%run_scoped3A : memref<!tpu.dma_semaphore, #tpu.memory_space<semaphore_mem>>)
        %dma_wait3A_76 = arith.constant 0 : i32
        %dma_wait3A_77 = tpu.memref_slice %arg13[%mul3A_70, %dma_wait3A_76] : memref<10000x128xf32, #tpu.memory_space<vmem_shared>> -> memref<624x128xf32, #tpu.memory_space<vmem_shared>>
        %dma_wait3A_78 = arith.constant 0 : i32
        %dma_wait3A_79 = arith.constant 0 : i32
        %dma_wait3A_80 = tpu.memref_slice %arg5[%dma_wait3A_78, %dma_wait3A_79] : memref<640x128xf32, #tpu.memory_space<hbm>> -> memref<624x128xf32, #tpu.memory_space<hbm>>
        tpu.wait_dma2 semaphore(%run_scoped3A : memref<!tpu.dma_semaphore, #tpu.memory_space<semaphore_mem>>) src(%dma_wait3A_80 : memref<624x128xf32, #tpu.memory_space<hbm>>) dst(%dma_wait3A_77 : memref<624x128xf32, #tpu.memory_space<vmem_shared>>)
        tpu.yield
      }) : () -> ()
    } else {
    }
    %eq3A = arith.constant 15 : i32
    %eq3A_25 = arith.cmpi eq, %arg1, %eq3A : i32
    %convert_element_type3A_26 = arith.extui %eq3A_25 : i1 to i32
    %cond3A_27 = arith.constant 0 : i32
    %cond3A_28 = arith.cmpi ne, %convert_element_type3A_26, %cond3A_27 : i32
    scf.if %cond3A_28 {
      %mul3A_69 = arith.constant 624 : i32
      %mul3A_70 = arith.muli %arg1, %mul3A_69 : i32
      "tpu.region"() ({
        %run_scoped3A = tpu.sem_alloc : memref<!tpu.dma_semaphore, #tpu.memory_space<semaphore_mem>>
        %dma_start3A_71 = arith.constant 0 : i32
        %dma_start3A_72 = tpu.memref_slice %arg13[%mul3A_70, %dma_start3A_71] : memref<10000x128xf32, #tpu.memory_space<vmem_shared>> -> memref<640x128xf32, #tpu.memory_space<vmem_shared>>
        %dma_start3A_73 = arith.constant 0 : i32
        %dma_start3A_74 = arith.constant 0 : i32
        %dma_start3A_75 = tpu.memref_slice %arg5[%dma_start3A_73, %dma_start3A_74] : memref<640x128xf32, #tpu.memory_space<hbm>> -> memref<640x128xf32, #tpu.memory_space<hbm>>
        tpu.enqueue_dma source(%dma_start3A_75 : memref<640x128xf32, #tpu.memory_space<hbm>>) target(%dma_start3A_72 : memref<640x128xf32, #tpu.memory_space<vmem_shared>>) target_semaphore(%run_scoped3A : memref<!tpu.dma_semaphore, #tpu.memory_space<semaphore_mem>>)
        %dma_wait3A_76 = arith.constant 0 : i32
        %dma_wait3A_77 = tpu.memref_slice %arg13[%mul3A_70, %dma_wait3A_76] : memref<10000x128xf32, #tpu.memory_space<vmem_shared>> -> memref<640x128xf32, #tpu.memory_space<vmem_shared>>
        %dma_wait3A_78 = arith.constant 0 : i32
        %dma_wait3A_79 = arith.constant 0 : i32
        %dma_wait3A_80 = tpu.memref_slice %arg5[%dma_wait3A_78, %dma_wait3A_79] : memref<640x128xf32, #tpu.memory_space<hbm>> -> memref<640x128xf32, #tpu.memory_space<hbm>>
        tpu.wait_dma2 semaphore(%run_scoped3A : memref<!tpu.dma_semaphore, #tpu.memory_space<semaphore_mem>>) src(%dma_wait3A_80 : memref<640x128xf32, #tpu.memory_space<hbm>>) dst(%dma_wait3A_77 : memref<640x128xf32, #tpu.memory_space<vmem_shared>>)
        tpu.yield
      }) : () -> ()
    } else {
    }
    %dma_wait3A = arith.constant 0 : i32
    %dma_wait3A_29 = arith.constant 0 : i32
    %dma_wait3A_30 = arith.constant 0 : i32
    %dma_wait3A_31 = tpu.memref_slice %arg3[%dma_wait3A, %dma_wait3A_29, %dma_wait3A_30] : memref<2x2560x125xi32, #tpu.memory_space<hbm>> -> memref<1x8x125xi32, #tpu.memory_space<hbm>>
    %dma_wait3A_32 = tpu.memref_squeeze %dma_wait3A_31 : memref<1x8x125xi32, #tpu.memory_space<hbm>> -> memref<8x125xi32, #tpu.memory_space<hbm>>
    %dma_wait3A_33 = arith.constant 0 : i32
    %dma_wait3A_34 = arith.constant 0 : i32
    %dma_wait3A_35 = tpu.memref_slice %arg3[%dma_wait3A, %dma_wait3A_33, %dma_wait3A_34] : memref<2x2560x125xi32, #tpu.memory_space<hbm>> -> memref<1x8x125xi32, #tpu.memory_space<hbm>>
    %dma_wait3A_36 = tpu.memref_squeeze %dma_wait3A_35 : memref<1x8x125xi32, #tpu.memory_space<hbm>> -> memref<8x125xi32, #tpu.memory_space<hbm>>
    tpu.wait_dma2 semaphore(%arg16 : memref<!tpu.dma_semaphore, #tpu.memory_space<semaphore_mem>>) src(%dma_wait3A_36 : memref<8x125xi32, #tpu.memory_space<hbm>>) dst(%arg7 : memref<8x125xi32, #tpu.memory_space<vmem>>)
    %dma_wait3A_37 = arith.constant 1 : i32
    %dma_wait3A_38 = arith.constant 0 : i32
    %dma_wait3A_39 = arith.constant 0 : i32
    %dma_wait3A_40 = tpu.memref_slice %arg3[%dma_wait3A_37, %dma_wait3A_38, %dma_wait3A_39] : memref<2x2560x125xi32, #tpu.memory_space<hbm>> -> memref<1x8x125xi32, #tpu.memory_space<hbm>>
    %dma_wait3A_41 = tpu.memref_squeeze %dma_wait3A_40 : memref<1x8x125xi32, #tpu.memory_space<hbm>> -> memref<8x125xi32, #tpu.memory_space<hbm>>
    %dma_wait3A_42 = arith.constant 0 : i32
    %dma_wait3A_43 = arith.constant 0 : i32
    %dma_wait3A_44 = tpu.memref_slice %arg3[%dma_wait3A_37, %dma_wait3A_42, %dma_wait3A_43] : memref<2x2560x125xi32, #tpu.memory_space<hbm>> -> memref<1x8x125xi32, #tpu.memory_space<hbm>>
    %dma_wait3A_45 = tpu.memref_squeeze %dma_wait3A_44 : memref<1x8x125xi32, #tpu.memory_space<hbm>> -> memref<8x125xi32, #tpu.memory_space<hbm>>
    tpu.wait_dma2 semaphore(%arg16 : memref<!tpu.dma_semaphore, #tpu.memory_space<semaphore_mem>>) src(%dma_wait3A_45 : memref<8x125xi32, #tpu.memory_space<hbm>>) dst(%arg9 : memref<8x125xi32, #tpu.memory_space<vmem>>)
    %dma_start3A_46 = arith.constant 0 : i32
    %dma_start3A_47 = arith.constant 0 : i32
    %dma_start3A_48 = tpu.memref_slice %arg7[%dma_start3A_46, %dma_start3A_47] : memref<8x125xi32, #tpu.memory_space<vmem>> -> memref<1x125xi32, #tpu.memory_space<vmem>>
    %dma_start3A_49 = tpu.memref_squeeze %dma_start3A_48 : memref<1x125xi32, #tpu.memory_space<vmem>> -> memref<125xi32, #tpu.memory_space<vmem>>
    %dma_start3A_50 = arith.constant 0 : i32
    %dma_start3A_51 = arith.constant 0 : i32
    %dma_start3A_52 = tpu.memref_slice %arg2[%dma_start3A_50, %dma_start3A_51] : memref<10000x128xf32, #tpu.memory_space<hbm>> -> memref<10000x128xf32, #tpu.memory_space<hbm>>
    tpu.enqueue_indirect_dma source(%dma_start3A_52 : memref<10000x128xf32, #tpu.memory_space<hbm>>) target(%arg11 : memref<125x128xf32, #tpu.memory_space<vmem>>) offsets(%dma_start3A_49 : memref<125xi32, #tpu.memory_space<vmem>>) semaphore(%arg14 : memref<!tpu.dma_semaphore, #tpu.memory_space<semaphore_mem>>)
    %barrier3A = arith.constant 0 : index
    tpu.barrier barrier_id(%barrier3A)
    %scan3A = arith.constant 0 : i32
    %scan3A_53 = arith.constant 0 : i32
    %scan3A_54 = arith.constant 5 : i32
    %scan3A_55 = arith.addi %scan3A_53, %scan3A_54 : i32
    %scan3A_56 = arith.constant 1 : i32
    %scan3A_57 = scf.for %scan3A_69 = %scan3A_53 to %scan3A_55 step %scan3A_56 iter_args(%scan3A_70 = %scan3A) -> (i32)  : i32 {
      %mul3A_71 = arith.constant 2 : i32
      %mul3A_72 = arith.muli %mul3A_71, %scan3A_69 : i32
      %add3A_73 = arith.constant 1 : i32
      %add3A_74 = arith.addi %mul3A_72, %add3A_73 : i32
      %mul3A_75 = arith.constant 8 : i32
      %mul3A_76 = arith.muli %add3A_74, %mul3A_75 : i32
      %add3A_77 = arith.addi %mul3A_2, %mul3A_76 : i32
      %dma_start3A_78 = arith.constant 0 : i32
      %dma_start3A_79 = arith.constant 0 : i32
      %dma_start3A_80 = tpu.memref_slice %arg3[%dma_start3A_78, %add3A_77, %dma_start3A_79] : memref<2x2560x125xi32, #tpu.memory_space<hbm>> -> memref<1x8x125xi32, #tpu.memory_space<hbm>>
      %dma_start3A_81 = tpu.memref_squeeze %dma_start3A_80 : memref<1x8x125xi32, #tpu.memory_space<hbm>> -> memref<8x125xi32, #tpu.memory_space<hbm>>
      %dma_start3A_82 = arith.constant 0 : i32
      %dma_start3A_83 = tpu.memref_slice %arg3[%dma_start3A_78, %add3A_77, %dma_start3A_82] : memref<2x2560x125xi32, #tpu.memory_space<hbm>> -> memref<1x8x125xi32, #tpu.memory_space<hbm>>
      %dma_start3A_84 = tpu.memref_squeeze %dma_start3A_83 : memref<1x8x125xi32, #tpu.memory_space<hbm>> -> memref<8x125xi32, #tpu.memory_space<hbm>>
      tpu.enqueue_dma source(%dma_start3A_84 : memref<8x125xi32, #tpu.memory_space<hbm>>) target(%arg8 : memref<8x125xi32, #tpu.memory_space<vmem>>) target_semaphore(%arg16 : memref<!tpu.dma_semaphore, #tpu.memory_space<semaphore_mem>>)
      %mul3A_85 = arith.constant 8 : i32
      %mul3A_86 = arith.muli %add3A_74, %mul3A_85 : i32
      %add3A_87 = arith.addi %mul3A_2, %mul3A_86 : i32
      %dma_start3A_88 = arith.constant 1 : i32
      %dma_start3A_89 = arith.constant 0 : i32
      %dma_start3A_90 = tpu.memref_slice %arg3[%dma_start3A_88, %add3A_87, %dma_start3A_89] : memref<2x2560x125xi32, #tpu.memory_space<hbm>> -> memref<1x8x125xi32, #tpu.memory_space<hbm>>
      %dma_start3A_91 = tpu.memref_squeeze %dma_start3A_90 : memref<1x8x125xi32, #tpu.memory_space<hbm>> -> memref<8x125xi32, #tpu.memory_space<hbm>>
      %dma_start3A_92 = arith.constant 0 : i32
      %dma_start3A_93 = tpu.memref_slice %arg3[%dma_start3A_88, %add3A_87, %dma_start3A_92] : memref<2x2560x125xi32, #tpu.memory_space<hbm>> -> memref<1x8x125xi32, #tpu.memory_space<hbm>>
      %dma_start3A_94 = tpu.memref_squeeze %dma_start3A_93 : memref<1x8x125xi32, #tpu.memory_space<hbm>> -> memref<8x125xi32, #tpu.memory_space<hbm>>
      tpu.enqueue_dma source(%dma_start3A_94 : memref<8x125xi32, #tpu.memory_space<hbm>>) target(%arg10 : memref<8x125xi32, #tpu.memory_space<vmem>>) target_semaphore(%arg16 : memref<!tpu.dma_semaphore, #tpu.memory_space<semaphore_mem>>)
      %dma_start3A_95 = arith.constant 1 : i32
      %dma_start3A_96 = arith.constant 0 : i32
      %dma_start3A_97 = tpu.memref_slice %arg7[%dma_start3A_95, %dma_start3A_96] : memref<8x125xi32, #tpu.memory_space<vmem>> -> memref<1x125xi32, #tpu.memory_space<vmem>>
      %dma_start3A_98 = tpu.memref_squeeze %dma_start3A_97 : memref<1x125xi32, #tpu.memory_space<vmem>> -> memref<125xi32, #tpu.memory_space<vmem>>
      %dma_start3A_99 = arith.constant 0 : i32
      %dma_start3A_100 = arith.constant 0 : i32
      %dma_start3A_101 = tpu.memref_slice %arg2[%dma_start3A_99, %dma_start3A_100] : memref<10000x128xf32, #tpu.memory_space<hbm>> -> memref<10000x128xf32, #tpu.memory_space<hbm>>
      tpu.enqueue_indirect_dma source(%dma_start3A_101 : memref<10000x128xf32, #tpu.memory_space<hbm>>) target(%arg12 : memref<125x128xf32, #tpu.memory_space<vmem>>) offsets(%dma_start3A_98 : memref<125xi32, #tpu.memory_space<vmem>>) semaphore(%arg15 : memref<!tpu.dma_semaphore, #tpu.memory_space<semaphore_mem>>)
      %dma_wait3A_102 = arith.constant 0 : i32
      %dma_wait3A_103 = arith.constant 0 : i32
      %dma_wait3A_104 = tpu.memref_slice %arg7[%dma_wait3A_102, %dma_wait3A_103] : memref<8x125xi32, #tpu.memory_space<vmem>> -> memref<1x125xi32, #tpu.memory_space<vmem>>
      %dma_wait3A_105 = tpu.memref_squeeze %dma_wait3A_104 : memref<1x125xi32, #tpu.memory_space<vmem>> -> memref<125xi32, #tpu.memory_space<vmem>>
      %dma_wait3A_106 = arith.constant 0 : i32
      %dma_wait3A_107 = arith.constant 0 : i32
      %dma_wait3A_108 = tpu.memref_slice %arg2[%dma_wait3A_106, %dma_wait3A_107] : memref<10000x128xf32, #tpu.memory_space<hbm>> -> memref<10000x128xf32, #tpu.memory_space<hbm>>
      tpu.wait_indirect_dma semaphore(%arg14 : memref<!tpu.dma_semaphore, #tpu.memory_space<semaphore_mem>>) src(%dma_wait3A_108 : memref<10000x128xf32, #tpu.memory_space<hbm>>) dst(%arg11 : memref<125x128xf32, #tpu.memory_space<vmem>>)
      %run_scoped3A = arith.constant 0 : i32
      "tpu.region"() ({
        %run_scoped3A_356 = tpu.sem_alloc : memref<!tpu.dma_semaphore, #tpu.memory_space<semaphore_mem>>
        %dma_start3A_357 = arith.constant 0 : i32
        %dma_start3A_358 = tpu.memref_slice %arg9[%run_scoped3A, %dma_start3A_357] : memref<8x125xi32, #tpu.memory_space<vmem>> -> memref<1x125xi32, #tpu.memory_space<vmem>>
        %dma_start3A_359 = tpu.memref_squeeze %dma_start3A_358 : memref<1x125xi32, #tpu.memory_space<vmem>> -> memref<125xi32, #tpu.memory_space<vmem>>
        %dma_start3A_360 = arith.constant 0 : i32
        %dma_start3A_361 = arith.constant 0 : i32
        %dma_start3A_362 = tpu.memref_slice %arg13[%dma_start3A_360, %dma_start3A_361] : memref<10000x128xf32, #tpu.memory_space<vmem_shared>> -> memref<10000x128xf32, #tpu.memory_space<vmem_shared>>
        tpu.enqueue_indirect_dma source(%arg11 : memref<125x128xf32, #tpu.memory_space<vmem>>) target(%dma_start3A_362 : memref<10000x128xf32, #tpu.memory_space<vmem_shared>>) offsets(%dma_start3A_359 : memref<125xi32, #tpu.memory_space<vmem>>) semaphore(%run_scoped3A_356 : memref<!tpu.dma_semaphore, #tpu.memory_space<semaphore_mem>>) {add = true}
        %dma_wait3A_363 = arith.constant 0 : i32
        %dma_wait3A_364 = tpu.memref_slice %arg9[%run_scoped3A, %dma_wait3A_363] : memref<8x125xi32, #tpu.memory_space<vmem>> -> memref<1x125xi32, #tpu.memory_space<vmem>>
        %dma_wait3A_365 = tpu.memref_squeeze %dma_wait3A_364 : memref<1x125xi32, #tpu.memory_space<vmem>> -> memref<125xi32, #tpu.memory_space<vmem>>
        %dma_wait3A_366 = arith.constant 0 : i32
        %dma_wait3A_367 = arith.constant 0 : i32
        %dma_wait3A_368 = tpu.memref_slice %arg13[%dma_wait3A_366, %dma_wait3A_367] : memref<10000x128xf32, #tpu.memory_space<vmem_shared>> -> memref<10000x128xf32, #tpu.memory_space<vmem_shared>>
        tpu.wait_indirect_dma semaphore(%run_scoped3A_356 : memref<!tpu.dma_semaphore, #tpu.memory_space<semaphore_mem>>) src(%arg11 : memref<125x128xf32, #tpu.memory_space<vmem>>) dst(%dma_wait3A_368 : memref<10000x128xf32, #tpu.memory_space<vmem_shared>>)
        tpu.yield
      }) : () -> ()
      %dma_start3A_109 = arith.constant 2 : i32
      %dma_start3A_110 = arith.constant 0 : i32
      %dma_start3A_111 = tpu.memref_slice %arg7[%dma_start3A_109, %dma_start3A_110] : memref<8x125xi32, #tpu.memory_space<vmem>> -> memref<1x125xi32, #tpu.memory_space<vmem>>
      %dma_start3A_112 = tpu.memref_squeeze %dma_start3A_111 : memref<1x125xi32, #tpu.memory_space<vmem>> -> memref<125xi32, #tpu.memory_space<vmem>>
      %dma_start3A_113 = arith.constant 0 : i32
      %dma_start3A_114 = arith.constant 0 : i32
      %dma_start3A_115 = tpu.memref_slice %arg2[%dma_start3A_113, %dma_start3A_114] : memref<10000x128xf32, #tpu.memory_space<hbm>> -> memref<10000x128xf32, #tpu.memory_space<hbm>>
      tpu.enqueue_indirect_dma source(%dma_start3A_115 : memref<10000x128xf32, #tpu.memory_space<hbm>>) target(%arg11 : memref<125x128xf32, #tpu.memory_space<vmem>>) offsets(%dma_start3A_112 : memref<125xi32, #tpu.memory_space<vmem>>) semaphore(%arg14 : memref<!tpu.dma_semaphore, #tpu.memory_space<semaphore_mem>>)
      %dma_wait3A_116 = arith.constant 1 : i32
      %dma_wait3A_117 = arith.constant 0 : i32
      %dma_wait3A_118 = tpu.memref_slice %arg7[%dma_wait3A_116, %dma_wait3A_117] : memref<8x125xi32, #tpu.memory_space<vmem>> -> memref<1x125xi32, #tpu.memory_space<vmem>>
      %dma_wait3A_119 = tpu.memref_squeeze %dma_wait3A_118 : memref<1x125xi32, #tpu.memory_space<vmem>> -> memref<125xi32, #tpu.memory_space<vmem>>
      %dma_wait3A_120 = arith.constant 0 : i32
      %dma_wait3A_121 = arith.constant 0 : i32
      %dma_wait3A_122 = tpu.memref_slice %arg2[%dma_wait3A_120, %dma_wait3A_121] : memref<10000x128xf32, #tpu.memory_space<hbm>> -> memref<10000x128xf32, #tpu.memory_space<hbm>>
      tpu.wait_indirect_dma semaphore(%arg15 : memref<!tpu.dma_semaphore, #tpu.memory_space<semaphore_mem>>) src(%dma_wait3A_122 : memref<10000x128xf32, #tpu.memory_space<hbm>>) dst(%arg12 : memref<125x128xf32, #tpu.memory_space<vmem>>)
      %run_scoped3A_123 = arith.constant 1 : i32
      "tpu.region"() ({
        %run_scoped3A_356 = tpu.sem_alloc : memref<!tpu.dma_semaphore, #tpu.memory_space<semaphore_mem>>
        %dma_start3A_357 = arith.constant 0 : i32
        %dma_start3A_358 = tpu.memref_slice %arg9[%run_scoped3A_123, %dma_start3A_357] : memref<8x125xi32, #tpu.memory_space<vmem>> -> memref<1x125xi32, #tpu.memory_space<vmem>>
        %dma_start3A_359 = tpu.memref_squeeze %dma_start3A_358 : memref<1x125xi32, #tpu.memory_space<vmem>> -> memref<125xi32, #tpu.memory_space<vmem>>
        %dma_start3A_360 = arith.constant 0 : i32
        %dma_start3A_361 = arith.constant 0 : i32
        %dma_start3A_362 = tpu.memref_slice %arg13[%dma_start3A_360, %dma_start3A_361] : memref<10000x128xf32, #tpu.memory_space<vmem_shared>> -> memref<10000x128xf32, #tpu.memory_space<vmem_shared>>
        tpu.enqueue_indirect_dma source(%arg12 : memref<125x128xf32, #tpu.memory_space<vmem>>) target(%dma_start3A_362 : memref<10000x128xf32, #tpu.memory_space<vmem_shared>>) offsets(%dma_start3A_359 : memref<125xi32, #tpu.memory_space<vmem>>) semaphore(%run_scoped3A_356 : memref<!tpu.dma_semaphore, #tpu.memory_space<semaphore_mem>>) {add = true}
        %dma_wait3A_363 = arith.constant 0 : i32
        %dma_wait3A_364 = tpu.memref_slice %arg9[%run_scoped3A_123, %dma_wait3A_363] : memref<8x125xi32, #tpu.memory_space<vmem>> -> memref<1x125xi32, #tpu.memory_space<vmem>>
        %dma_wait3A_365 = tpu.memref_squeeze %dma_wait3A_364 : memref<1x125xi32, #tpu.memory_space<vmem>> -> memref<125xi32, #tpu.memory_space<vmem>>
        %dma_wait3A_366 = arith.constant 0 : i32
        %dma_wait3A_367 = arith.constant 0 : i32
        %dma_wait3A_368 = tpu.memref_slice %arg13[%dma_wait3A_366, %dma_wait3A_367] : memref<10000x128xf32, #tpu.memory_space<vmem_shared>> -> memref<10000x128xf32, #tpu.memory_space<vmem_shared>>
        tpu.wait_indirect_dma semaphore(%run_scoped3A_356 : memref<!tpu.dma_semaphore, #tpu.memory_space<semaphore_mem>>) src(%arg12 : memref<125x128xf32, #tpu.memory_space<vmem>>) dst(%dma_wait3A_368 : memref<10000x128xf32, #tpu.memory_space<vmem_shared>>)
        tpu.yield
      }) : () -> ()
      %dma_start3A_124 = arith.constant 3 : i32
      %dma_start3A_125 = arith.constant 0 : i32
      %dma_start3A_126 = tpu.memref_slice %arg7[%dma_start3A_124, %dma_start3A_125] : memref<8x125xi32, #tpu.memory_space<vmem>> -> memref<1x125xi32, #tpu.memory_space<vmem>>
      %dma_start3A_127 = tpu.memref_squeeze %dma_start3A_126 : memref<1x125xi32, #tpu.memory_space<vmem>> -> memref<125xi32, #tpu.memory_space<vmem>>
      %dma_start3A_128 = arith.constant 0 : i32
      %dma_start3A_129 = arith.constant 0 : i32
      %dma_start3A_130 = tpu.memref_slice %arg2[%dma_start3A_128, %dma_start3A_129] : memref<10000x128xf32, #tpu.memory_space<hbm>> -> memref<10000x128xf32, #tpu.memory_space<hbm>>
      tpu.enqueue_indirect_dma source(%dma_start3A_130 : memref<10000x128xf32, #tpu.memory_space<hbm>>) target(%arg12 : memref<125x128xf32, #tpu.memory_space<vmem>>) offsets(%dma_start3A_127 : memref<125xi32, #tpu.memory_space<vmem>>) semaphore(%arg15 : memref<!tpu.dma_semaphore, #tpu.memory_space<semaphore_mem>>)
      %dma_wait3A_131 = arith.constant 2 : i32
      %dma_wait3A_132 = arith.constant 0 : i32
      %dma_wait3A_133 = tpu.memref_slice %arg7[%dma_wait3A_131, %dma_wait3A_132] : memref<8x125xi32, #tpu.memory_space<vmem>> -> memref<1x125xi32, #tpu.memory_space<vmem>>
      %dma_wait3A_134 = tpu.memref_squeeze %dma_wait3A_133 : memref<1x125xi32, #tpu.memory_space<vmem>> -> memref<125xi32, #tpu.memory_space<vmem>>
      %dma_wait3A_135 = arith.constant 0 : i32
      %dma_wait3A_136 = arith.constant 0 : i32
      %dma_wait3A_137 = tpu.memref_slice %arg2[%dma_wait3A_135, %dma_wait3A_136] : memref<10000x128xf32, #tpu.memory_space<hbm>> -> memref<10000x128xf32, #tpu.memory_space<hbm>>
      tpu.wait_indirect_dma semaphore(%arg14 : memref<!tpu.dma_semaphore, #tpu.memory_space<semaphore_mem>>) src(%dma_wait3A_137 : memref<10000x128xf32, #tpu.memory_space<hbm>>) dst(%arg11 : memref<125x128xf32, #tpu.memory_space<vmem>>)
      %run_scoped3A_138 = arith.constant 2 : i32
      "tpu.region"() ({
        %run_scoped3A_356 = tpu.sem_alloc : memref<!tpu.dma_semaphore, #tpu.memory_space<semaphore_mem>>
        %dma_start3A_357 = arith.constant 0 : i32
        %dma_start3A_358 = tpu.memref_slice %arg9[%run_scoped3A_138, %dma_start3A_357] : memref<8x125xi32, #tpu.memory_space<vmem>> -> memref<1x125xi32, #tpu.memory_space<vmem>>
        %dma_start3A_359 = tpu.memref_squeeze %dma_start3A_358 : memref<1x125xi32, #tpu.memory_space<vmem>> -> memref<125xi32, #tpu.memory_space<vmem>>
        %dma_start3A_360 = arith.constant 0 : i32
        %dma_start3A_361 = arith.constant 0 : i32
        %dma_start3A_362 = tpu.memref_slice %arg13[%dma_start3A_360, %dma_start3A_361] : memref<10000x128xf32, #tpu.memory_space<vmem_shared>> -> memref<10000x128xf32, #tpu.memory_space<vmem_shared>>
        tpu.enqueue_indirect_dma source(%arg11 : memref<125x128xf32, #tpu.memory_space<vmem>>) target(%dma_start3A_362 : memref<10000x128xf32, #tpu.memory_space<vmem_shared>>) offsets(%dma_start3A_359 : memref<125xi32, #tpu.memory_space<vmem>>) semaphore(%run_scoped3A_356 : memref<!tpu.dma_semaphore, #tpu.memory_space<semaphore_mem>>) {add = true}
        %dma_wait3A_363 = arith.constant 0 : i32
        %dma_wait3A_364 = tpu.memref_slice %arg9[%run_scoped3A_138, %dma_wait3A_363] : memref<8x125xi32, #tpu.memory_space<vmem>> -> memref<1x125xi32, #tpu.memory_space<vmem>>
        %dma_wait3A_365 = tpu.memref_squeeze %dma_wait3A_364 : memref<1x125xi32, #tpu.memory_space<vmem>> -> memref<125xi32, #tpu.memory_space<vmem>>
        %dma_wait3A_366 = arith.constant 0 : i32
        %dma_wait3A_367 = arith.constant 0 : i32
        %dma_wait3A_368 = tpu.memref_slice %arg13[%dma_wait3A_366, %dma_wait3A_367] : memref<10000x128xf32, #tpu.memory_space<vmem_shared>> -> memref<10000x128xf32, #tpu.memory_space<vmem_shared>>
        tpu.wait_indirect_dma semaphore(%run_scoped3A_356 : memref<!tpu.dma_semaphore, #tpu.memory_space<semaphore_mem>>) src(%arg11 : memref<125x128xf32, #tpu.memory_space<vmem>>) dst(%dma_wait3A_368 : memref<10000x128xf32, #tpu.memory_space<vmem_shared>>)
        tpu.yield
      }) : () -> ()
      %dma_start3A_139 = arith.constant 4 : i32
      %dma_start3A_140 = arith.constant 0 : i32
      %dma_start3A_141 = tpu.memref_slice %arg7[%dma_start3A_139, %dma_start3A_140] : memref<8x125xi32, #tpu.memory_space<vmem>> -> memref<1x125xi32, #tpu.memory_space<vmem>>
      %dma_start3A_142 = tpu.memref_squeeze %dma_start3A_141 : memref<1x125xi32, #tpu.memory_space<vmem>> -> memref<125xi32, #tpu.memory_space<vmem>>
      %dma_start3A_143 = arith.constant 0 : i32
      %dma_start3A_144 = arith.constant 0 : i32
      %dma_start3A_145 = tpu.memref_slice %arg2[%dma_start3A_143, %dma_start3A_144] : memref<10000x128xf32, #tpu.memory_space<hbm>> -> memref<10000x128xf32, #tpu.memory_space<hbm>>
      tpu.enqueue_indirect_dma source(%dma_start3A_145 : memref<10000x128xf32, #tpu.memory_space<hbm>>) target(%arg11 : memref<125x128xf32, #tpu.memory_space<vmem>>) offsets(%dma_start3A_142 : memref<125xi32, #tpu.memory_space<vmem>>) semaphore(%arg14 : memref<!tpu.dma_semaphore, #tpu.memory_space<semaphore_mem>>)
      %dma_wait3A_146 = arith.constant 3 : i32
      %dma_wait3A_147 = arith.constant 0 : i32
      %dma_wait3A_148 = tpu.memref_slice %arg7[%dma_wait3A_146, %dma_wait3A_147] : memref<8x125xi32, #tpu.memory_space<vmem>> -> memref<1x125xi32, #tpu.memory_space<vmem>>
      %dma_wait3A_149 = tpu.memref_squeeze %dma_wait3A_148 : memref<1x125xi32, #tpu.memory_space<vmem>> -> memref<125xi32, #tpu.memory_space<vmem>>
      %dma_wait3A_150 = arith.constant 0 : i32
      %dma_wait3A_151 = arith.constant 0 : i32
      %dma_wait3A_152 = tpu.memref_slice %arg2[%dma_wait3A_150, %dma_wait3A_151] : memref<10000x128xf32, #tpu.memory_space<hbm>> -> memref<10000x128xf32, #tpu.memory_space<hbm>>
      tpu.wait_indirect_dma semaphore(%arg15 : memref<!tpu.dma_semaphore, #tpu.memory_space<semaphore_mem>>) src(%dma_wait3A_152 : memref<10000x128xf32, #tpu.memory_space<hbm>>) dst(%arg12 : memref<125x128xf32, #tpu.memory_space<vmem>>)
      %run_scoped3A_153 = arith.constant 3 : i32
      "tpu.region"() ({
        %run_scoped3A_356 = tpu.sem_alloc : memref<!tpu.dma_semaphore, #tpu.memory_space<semaphore_mem>>
        %dma_start3A_357 = arith.constant 0 : i32
        %dma_start3A_358 = tpu.memref_slice %arg9[%run_scoped3A_153, %dma_start3A_357] : memref<8x125xi32, #tpu.memory_space<vmem>> -> memref<1x125xi32, #tpu.memory_space<vmem>>
        %dma_start3A_359 = tpu.memref_squeeze %dma_start3A_358 : memref<1x125xi32, #tpu.memory_space<vmem>> -> memref<125xi32, #tpu.memory_space<vmem>>
        %dma_start3A_360 = arith.constant 0 : i32
        %dma_start3A_361 = arith.constant 0 : i32
        %dma_start3A_362 = tpu.memref_slice %arg13[%dma_start3A_360, %dma_start3A_361] : memref<10000x128xf32, #tpu.memory_space<vmem_shared>> -> memref<10000x128xf32, #tpu.memory_space<vmem_shared>>
        tpu.enqueue_indirect_dma source(%arg12 : memref<125x128xf32, #tpu.memory_space<vmem>>) target(%dma_start3A_362 : memref<10000x128xf32, #tpu.memory_space<vmem_shared>>) offsets(%dma_start3A_359 : memref<125xi32, #tpu.memory_space<vmem>>) semaphore(%run_scoped3A_356 : memref<!tpu.dma_semaphore, #tpu.memory_space<semaphore_mem>>) {add = true}
        %dma_wait3A_363 = arith.constant 0 : i32
        %dma_wait3A_364 = tpu.memref_slice %arg9[%run_scoped3A_153, %dma_wait3A_363] : memref<8x125xi32, #tpu.memory_space<vmem>> -> memref<1x125xi32, #tpu.memory_space<vmem>>
        %dma_wait3A_365 = tpu.memref_squeeze %dma_wait3A_364 : memref<1x125xi32, #tpu.memory_space<vmem>> -> memref<125xi32, #tpu.memory_space<vmem>>
        %dma_wait3A_366 = arith.constant 0 : i32
        %dma_wait3A_367 = arith.constant 0 : i32
        %dma_wait3A_368 = tpu.memref_slice %arg13[%dma_wait3A_366, %dma_wait3A_367] : memref<10000x128xf32, #tpu.memory_space<vmem_shared>> -> memref<10000x128xf32, #tpu.memory_space<vmem_shared>>
        tpu.wait_indirect_dma semaphore(%run_scoped3A_356 : memref<!tpu.dma_semaphore, #tpu.memory_space<semaphore_mem>>) src(%arg12 : memref<125x128xf32, #tpu.memory_space<vmem>>) dst(%dma_wait3A_368 : memref<10000x128xf32, #tpu.memory_space<vmem_shared>>)
        tpu.yield
      }) : () -> ()
      %dma_start3A_154 = arith.constant 5 : i32
      %dma_start3A_155 = arith.constant 0 : i32
      %dma_start3A_156 = tpu.memref_slice %arg7[%dma_start3A_154, %dma_start3A_155] : memref<8x125xi32, #tpu.memory_space<vmem>> -> memref<1x125xi32, #tpu.memory_space<vmem>>
      %dma_start3A_157 = tpu.memref_squeeze %dma_start3A_156 : memref<1x125xi32, #tpu.memory_space<vmem>> -> memref<125xi32, #tpu.memory_space<vmem>>
      %dma_start3A_158 = arith.constant 0 : i32
      %dma_start3A_159 = arith.constant 0 : i32
      %dma_start3A_160 = tpu.memref_slice %arg2[%dma_start3A_158, %dma_start3A_159] : memref<10000x128xf32, #tpu.memory_space<hbm>> -> memref<10000x128xf32, #tpu.memory_space<hbm>>
      tpu.enqueue_indirect_dma source(%dma_start3A_160 : memref<10000x128xf32, #tpu.memory_space<hbm>>) target(%arg12 : memref<125x128xf32, #tpu.memory_space<vmem>>) offsets(%dma_start3A_157 : memref<125xi32, #tpu.memory_space<vmem>>) semaphore(%arg15 : memref<!tpu.dma_semaphore, #tpu.memory_space<semaphore_mem>>)
      %dma_wait3A_161 = arith.constant 4 : i32
      %dma_wait3A_162 = arith.constant 0 : i32
      %dma_wait3A_163 = tpu.memref_slice %arg7[%dma_wait3A_161, %dma_wait3A_162] : memref<8x125xi32, #tpu.memory_space<vmem>> -> memref<1x125xi32, #tpu.memory_space<vmem>>
      %dma_wait3A_164 = tpu.memref_squeeze %dma_wait3A_163 : memref<1x125xi32, #tpu.memory_space<vmem>> -> memref<125xi32, #tpu.memory_space<vmem>>
      %dma_wait3A_165 = arith.constant 0 : i32
      %dma_wait3A_166 = arith.constant 0 : i32
      %dma_wait3A_167 = tpu.memref_slice %arg2[%dma_wait3A_165, %dma_wait3A_166] : memref<10000x128xf32, #tpu.memory_space<hbm>> -> memref<10000x128xf32, #tpu.memory_space<hbm>>
      tpu.wait_indirect_dma semaphore(%arg14 : memref<!tpu.dma_semaphore, #tpu.memory_space<semaphore_mem>>) src(%dma_wait3A_167 : memref<10000x128xf32, #tpu.memory_space<hbm>>) dst(%arg11 : memref<125x128xf32, #tpu.memory_space<vmem>>)
      %run_scoped3A_168 = arith.constant 4 : i32
      "tpu.region"() ({
        %run_scoped3A_356 = tpu.sem_alloc : memref<!tpu.dma_semaphore, #tpu.memory_space<semaphore_mem>>
        %dma_start3A_357 = arith.constant 0 : i32
        %dma_start3A_358 = tpu.memref_slice %arg9[%run_scoped3A_168, %dma_start3A_357] : memref<8x125xi32, #tpu.memory_space<vmem>> -> memref<1x125xi32, #tpu.memory_space<vmem>>
        %dma_start3A_359 = tpu.memref_squeeze %dma_start3A_358 : memref<1x125xi32, #tpu.memory_space<vmem>> -> memref<125xi32, #tpu.memory_space<vmem>>
        %dma_start3A_360 = arith.constant 0 : i32
        %dma_start3A_361 = arith.constant 0 : i32
        %dma_start3A_362 = tpu.memref_slice %arg13[%dma_start3A_360, %dma_start3A_361] : memref<10000x128xf32, #tpu.memory_space<vmem_shared>> -> memref<10000x128xf32, #tpu.memory_space<vmem_shared>>
        tpu.enqueue_indirect_dma source(%arg11 : memref<125x128xf32, #tpu.memory_space<vmem>>) target(%dma_start3A_362 : memref<10000x128xf32, #tpu.memory_space<vmem_shared>>) offsets(%dma_start3A_359 : memref<125xi32, #tpu.memory_space<vmem>>) semaphore(%run_scoped3A_356 : memref<!tpu.dma_semaphore, #tpu.memory_space<semaphore_mem>>) {add = true}
        %dma_wait3A_363 = arith.constant 0 : i32
        %dma_wait3A_364 = tpu.memref_slice %arg9[%run_scoped3A_168, %dma_wait3A_363] : memref<8x125xi32, #tpu.memory_space<vmem>> -> memref<1x125xi32, #tpu.memory_space<vmem>>
        %dma_wait3A_365 = tpu.memref_squeeze %dma_wait3A_364 : memref<1x125xi32, #tpu.memory_space<vmem>> -> memref<125xi32, #tpu.memory_space<vmem>>
        %dma_wait3A_366 = arith.constant 0 : i32
        %dma_wait3A_367 = arith.constant 0 : i32
        %dma_wait3A_368 = tpu.memref_slice %arg13[%dma_wait3A_366, %dma_wait3A_367] : memref<10000x128xf32, #tpu.memory_space<vmem_shared>> -> memref<10000x128xf32, #tpu.memory_space<vmem_shared>>
        tpu.wait_indirect_dma semaphore(%run_scoped3A_356 : memref<!tpu.dma_semaphore, #tpu.memory_space<semaphore_mem>>) src(%arg11 : memref<125x128xf32, #tpu.memory_space<vmem>>) dst(%dma_wait3A_368 : memref<10000x128xf32, #tpu.memory_space<vmem_shared>>)
        tpu.yield
      }) : () -> ()
      %dma_start3A_169 = arith.constant 6 : i32
      %dma_start3A_170 = arith.constant 0 : i32
      %dma_start3A_171 = tpu.memref_slice %arg7[%dma_start3A_169, %dma_start3A_170] : memref<8x125xi32, #tpu.memory_space<vmem>> -> memref<1x125xi32, #tpu.memory_space<vmem>>
      %dma_start3A_172 = tpu.memref_squeeze %dma_start3A_171 : memref<1x125xi32, #tpu.memory_space<vmem>> -> memref<125xi32, #tpu.memory_space<vmem>>
      %dma_start3A_173 = arith.constant 0 : i32
      %dma_start3A_174 = arith.constant 0 : i32
      %dma_start3A_175 = tpu.memref_slice %arg2[%dma_start3A_173, %dma_start3A_174] : memref<10000x128xf32, #tpu.memory_space<hbm>> -> memref<10000x128xf32, #tpu.memory_space<hbm>>
      tpu.enqueue_indirect_dma source(%dma_start3A_175 : memref<10000x128xf32, #tpu.memory_space<hbm>>) target(%arg11 : memref<125x128xf32, #tpu.memory_space<vmem>>) offsets(%dma_start3A_172 : memref<125xi32, #tpu.memory_space<vmem>>) semaphore(%arg14 : memref<!tpu.dma_semaphore, #tpu.memory_space<semaphore_mem>>)
      %dma_wait3A_176 = arith.constant 5 : i32
      %dma_wait3A_177 = arith.constant 0 : i32
      %dma_wait3A_178 = tpu.memref_slice %arg7[%dma_wait3A_176, %dma_wait3A_177] : memref<8x125xi32, #tpu.memory_space<vmem>> -> memref<1x125xi32, #tpu.memory_space<vmem>>
      %dma_wait3A_179 = tpu.memref_squeeze %dma_wait3A_178 : memref<1x125xi32, #tpu.memory_space<vmem>> -> memref<125xi32, #tpu.memory_space<vmem>>
      %dma_wait3A_180 = arith.constant 0 : i32
      %dma_wait3A_181 = arith.constant 0 : i32
      %dma_wait3A_182 = tpu.memref_slice %arg2[%dma_wait3A_180, %dma_wait3A_181] : memref<10000x128xf32, #tpu.memory_space<hbm>> -> memref<10000x128xf32, #tpu.memory_space<hbm>>
      tpu.wait_indirect_dma semaphore(%arg15 : memref<!tpu.dma_semaphore, #tpu.memory_space<semaphore_mem>>) src(%dma_wait3A_182 : memref<10000x128xf32, #tpu.memory_space<hbm>>) dst(%arg12 : memref<125x128xf32, #tpu.memory_space<vmem>>)
      %run_scoped3A_183 = arith.constant 5 : i32
      "tpu.region"() ({
        %run_scoped3A_356 = tpu.sem_alloc : memref<!tpu.dma_semaphore, #tpu.memory_space<semaphore_mem>>
        %dma_start3A_357 = arith.constant 0 : i32
        %dma_start3A_358 = tpu.memref_slice %arg9[%run_scoped3A_183, %dma_start3A_357] : memref<8x125xi32, #tpu.memory_space<vmem>> -> memref<1x125xi32, #tpu.memory_space<vmem>>
        %dma_start3A_359 = tpu.memref_squeeze %dma_start3A_358 : memref<1x125xi32, #tpu.memory_space<vmem>> -> memref<125xi32, #tpu.memory_space<vmem>>
        %dma_start3A_360 = arith.constant 0 : i32
        %dma_start3A_361 = arith.constant 0 : i32
        %dma_start3A_362 = tpu.memref_slice %arg13[%dma_start3A_360, %dma_start3A_361] : memref<10000x128xf32, #tpu.memory_space<vmem_shared>> -> memref<10000x128xf32, #tpu.memory_space<vmem_shared>>
        tpu.enqueue_indirect_dma source(%arg12 : memref<125x128xf32, #tpu.memory_space<vmem>>) target(%dma_start3A_362 : memref<10000x128xf32, #tpu.memory_space<vmem_shared>>) offsets(%dma_start3A_359 : memref<125xi32, #tpu.memory_space<vmem>>) semaphore(%run_scoped3A_356 : memref<!tpu.dma_semaphore, #tpu.memory_space<semaphore_mem>>) {add = true}
        %dma_wait3A_363 = arith.constant 0 : i32
        %dma_wait3A_364 = tpu.memref_slice %arg9[%run_scoped3A_183, %dma_wait3A_363] : memref<8x125xi32, #tpu.memory_space<vmem>> -> memref<1x125xi32, #tpu.memory_space<vmem>>
        %dma_wait3A_365 = tpu.memref_squeeze %dma_wait3A_364 : memref<1x125xi32, #tpu.memory_space<vmem>> -> memref<125xi32, #tpu.memory_space<vmem>>
        %dma_wait3A_366 = arith.constant 0 : i32
        %dma_wait3A_367 = arith.constant 0 : i32
        %dma_wait3A_368 = tpu.memref_slice %arg13[%dma_wait3A_366, %dma_wait3A_367] : memref<10000x128xf32, #tpu.memory_space<vmem_shared>> -> memref<10000x128xf32, #tpu.memory_space<vmem_shared>>
        tpu.wait_indirect_dma semaphore(%run_scoped3A_356 : memref<!tpu.dma_semaphore, #tpu.memory_space<semaphore_mem>>) src(%arg12 : memref<125x128xf32, #tpu.memory_space<vmem>>) dst(%dma_wait3A_368 : memref<10000x128xf32, #tpu.memory_space<vmem_shared>>)
        tpu.yield
      }) : () -> ()
      %dma_start3A_184 = arith.constant 7 : i32
      %dma_start3A_185 = arith.constant 0 : i32
      %dma_start3A_186 = tpu.memref_slice %arg7[%dma_start3A_184, %dma_start3A_185] : memref<8x125xi32, #tpu.memory_space<vmem>> -> memref<1x125xi32, #tpu.memory_space<vmem>>
      %dma_start3A_187 = tpu.memref_squeeze %dma_start3A_186 : memref<1x125xi32, #tpu.memory_space<vmem>> -> memref<125xi32, #tpu.memory_space<vmem>>
      %dma_start3A_188 = arith.constant 0 : i32
      %dma_start3A_189 = arith.constant 0 : i32
      %dma_start3A_190 = tpu.memref_slice %arg2[%dma_start3A_188, %dma_start3A_189] : memref<10000x128xf32, #tpu.memory_space<hbm>> -> memref<10000x128xf32, #tpu.memory_space<hbm>>
      tpu.enqueue_indirect_dma source(%dma_start3A_190 : memref<10000x128xf32, #tpu.memory_space<hbm>>) target(%arg12 : memref<125x128xf32, #tpu.memory_space<vmem>>) offsets(%dma_start3A_187 : memref<125xi32, #tpu.memory_space<vmem>>) semaphore(%arg15 : memref<!tpu.dma_semaphore, #tpu.memory_space<semaphore_mem>>)
      %dma_wait3A_191 = arith.constant 6 : i32
      %dma_wait3A_192 = arith.constant 0 : i32
      %dma_wait3A_193 = tpu.memref_slice %arg7[%dma_wait3A_191, %dma_wait3A_192] : memref<8x125xi32, #tpu.memory_space<vmem>> -> memref<1x125xi32, #tpu.memory_space<vmem>>
      %dma_wait3A_194 = tpu.memref_squeeze %dma_wait3A_193 : memref<1x125xi32, #tpu.memory_space<vmem>> -> memref<125xi32, #tpu.memory_space<vmem>>
      %dma_wait3A_195 = arith.constant 0 : i32
      %dma_wait3A_196 = arith.constant 0 : i32
      %dma_wait3A_197 = tpu.memref_slice %arg2[%dma_wait3A_195, %dma_wait3A_196] : memref<10000x128xf32, #tpu.memory_space<hbm>> -> memref<10000x128xf32, #tpu.memory_space<hbm>>
      tpu.wait_indirect_dma semaphore(%arg14 : memref<!tpu.dma_semaphore, #tpu.memory_space<semaphore_mem>>) src(%dma_wait3A_197 : memref<10000x128xf32, #tpu.memory_space<hbm>>) dst(%arg11 : memref<125x128xf32, #tpu.memory_space<vmem>>)
      %run_scoped3A_198 = arith.constant 6 : i32
      "tpu.region"() ({
        %run_scoped3A_356 = tpu.sem_alloc : memref<!tpu.dma_semaphore, #tpu.memory_space<semaphore_mem>>
        %dma_start3A_357 = arith.constant 0 : i32
        %dma_start3A_358 = tpu.memref_slice %arg9[%run_scoped3A_198, %dma_start3A_357] : memref<8x125xi32, #tpu.memory_space<vmem>> -> memref<1x125xi32, #tpu.memory_space<vmem>>
        %dma_start3A_359 = tpu.memref_squeeze %dma_start3A_358 : memref<1x125xi32, #tpu.memory_space<vmem>> -> memref<125xi32, #tpu.memory_space<vmem>>
        %dma_start3A_360 = arith.constant 0 : i32
        %dma_start3A_361 = arith.constant 0 : i32
        %dma_start3A_362 = tpu.memref_slice %arg13[%dma_start3A_360, %dma_start3A_361] : memref<10000x128xf32, #tpu.memory_space<vmem_shared>> -> memref<10000x128xf32, #tpu.memory_space<vmem_shared>>
        tpu.enqueue_indirect_dma source(%arg11 : memref<125x128xf32, #tpu.memory_space<vmem>>) target(%dma_start3A_362 : memref<10000x128xf32, #tpu.memory_space<vmem_shared>>) offsets(%dma_start3A_359 : memref<125xi32, #tpu.memory_space<vmem>>) semaphore(%run_scoped3A_356 : memref<!tpu.dma_semaphore, #tpu.memory_space<semaphore_mem>>) {add = true}
        %dma_wait3A_363 = arith.constant 0 : i32
        %dma_wait3A_364 = tpu.memref_slice %arg9[%run_scoped3A_198, %dma_wait3A_363] : memref<8x125xi32, #tpu.memory_space<vmem>> -> memref<1x125xi32, #tpu.memory_space<vmem>>
        %dma_wait3A_365 = tpu.memref_squeeze %dma_wait3A_364 : memref<1x125xi32, #tpu.memory_space<vmem>> -> memref<125xi32, #tpu.memory_space<vmem>>
        %dma_wait3A_366 = arith.constant 0 : i32
        %dma_wait3A_367 = arith.constant 0 : i32
        %dma_wait3A_368 = tpu.memref_slice %arg13[%dma_wait3A_366, %dma_wait3A_367] : memref<10000x128xf32, #tpu.memory_space<vmem_shared>> -> memref<10000x128xf32, #tpu.memory_space<vmem_shared>>
        tpu.wait_indirect_dma semaphore(%run_scoped3A_356 : memref<!tpu.dma_semaphore, #tpu.memory_space<semaphore_mem>>) src(%arg11 : memref<125x128xf32, #tpu.memory_space<vmem>>) dst(%dma_wait3A_368 : memref<10000x128xf32, #tpu.memory_space<vmem_shared>>)
        tpu.yield
      }) : () -> ()
      %dma_wait3A_199 = arith.constant 0 : i32
      %dma_wait3A_200 = arith.constant 0 : i32
      %dma_wait3A_201 = arith.constant 0 : i32
      %dma_wait3A_202 = tpu.memref_slice %arg3[%dma_wait3A_199, %dma_wait3A_200, %dma_wait3A_201] : memref<2x2560x125xi32, #tpu.memory_space<hbm>> -> memref<1x8x125xi32, #tpu.memory_space<hbm>>
      %dma_wait3A_203 = tpu.memref_squeeze %dma_wait3A_202 : memref<1x8x125xi32, #tpu.memory_space<hbm>> -> memref<8x125xi32, #tpu.memory_space<hbm>>
      %dma_wait3A_204 = arith.constant 0 : i32
      %dma_wait3A_205 = arith.constant 0 : i32
      %dma_wait3A_206 = tpu.memref_slice %arg3[%dma_wait3A_199, %dma_wait3A_204, %dma_wait3A_205] : memref<2x2560x125xi32, #tpu.memory_space<hbm>> -> memref<1x8x125xi32, #tpu.memory_space<hbm>>
      %dma_wait3A_207 = tpu.memref_squeeze %dma_wait3A_206 : memref<1x8x125xi32, #tpu.memory_space<hbm>> -> memref<8x125xi32, #tpu.memory_space<hbm>>
      tpu.wait_dma2 semaphore(%arg16 : memref<!tpu.dma_semaphore, #tpu.memory_space<semaphore_mem>>) src(%dma_wait3A_207 : memref<8x125xi32, #tpu.memory_space<hbm>>) dst(%arg8 : memref<8x125xi32, #tpu.memory_space<vmem>>)
      %dma_wait3A_208 = arith.constant 1 : i32
      %dma_wait3A_209 = arith.constant 0 : i32
      %dma_wait3A_210 = arith.constant 0 : i32
      %dma_wait3A_211 = tpu.memref_slice %arg3[%dma_wait3A_208, %dma_wait3A_209, %dma_wait3A_210] : memref<2x2560x125xi32, #tpu.memory_space<hbm>> -> memref<1x8x125xi32, #tpu.memory_space<hbm>>
      %dma_wait3A_212 = tpu.memref_squeeze %dma_wait3A_211 : memref<1x8x125xi32, #tpu.memory_space<hbm>> -> memref<8x125xi32, #tpu.memory_space<hbm>>
      %dma_wait3A_213 = arith.constant 0 : i32
      %dma_wait3A_214 = arith.constant 0 : i32
      %dma_wait3A_215 = tpu.memref_slice %arg3[%dma_wait3A_208, %dma_wait3A_213, %dma_wait3A_214] : memref<2x2560x125xi32, #tpu.memory_space<hbm>> -> memref<1x8x125xi32, #tpu.memory_space<hbm>>
      %dma_wait3A_216 = tpu.memref_squeeze %dma_wait3A_215 : memref<1x8x125xi32, #tpu.memory_space<hbm>> -> memref<8x125xi32, #tpu.memory_space<hbm>>
      tpu.wait_dma2 semaphore(%arg16 : memref<!tpu.dma_semaphore, #tpu.memory_space<semaphore_mem>>) src(%dma_wait3A_216 : memref<8x125xi32, #tpu.memory_space<hbm>>) dst(%arg10 : memref<8x125xi32, #tpu.memory_space<vmem>>)
      %dma_start3A_217 = arith.constant 0 : i32
      %dma_start3A_218 = arith.constant 0 : i32
      %dma_start3A_219 = tpu.memref_slice %arg8[%dma_start3A_217, %dma_start3A_218] : memref<8x125xi32, #tpu.memory_space<vmem>> -> memref<1x125xi32, #tpu.memory_space<vmem>>
      %dma_start3A_220 = tpu.memref_squeeze %dma_start3A_219 : memref<1x125xi32, #tpu.memory_space<vmem>> -> memref<125xi32, #tpu.memory_space<vmem>>
      %dma_start3A_221 = arith.constant 0 : i32
      %dma_start3A_222 = arith.constant 0 : i32
      %dma_start3A_223 = tpu.memref_slice %arg2[%dma_start3A_221, %dma_start3A_222] : memref<10000x128xf32, #tpu.memory_space<hbm>> -> memref<10000x128xf32, #tpu.memory_space<hbm>>
      tpu.enqueue_indirect_dma source(%dma_start3A_223 : memref<10000x128xf32, #tpu.memory_space<hbm>>) target(%arg11 : memref<125x128xf32, #tpu.memory_space<vmem>>) offsets(%dma_start3A_220 : memref<125xi32, #tpu.memory_space<vmem>>) semaphore(%arg14 : memref<!tpu.dma_semaphore, #tpu.memory_space<semaphore_mem>>)
      %dma_wait3A_224 = arith.constant 7 : i32
      %dma_wait3A_225 = arith.constant 0 : i32
      %dma_wait3A_226 = tpu.memref_slice %arg7[%dma_wait3A_224, %dma_wait3A_225] : memref<8x125xi32, #tpu.memory_space<vmem>> -> memref<1x125xi32, #tpu.memory_space<vmem>>
      %dma_wait3A_227 = tpu.memref_squeeze %dma_wait3A_226 : memref<1x125xi32, #tpu.memory_space<vmem>> -> memref<125xi32, #tpu.memory_space<vmem>>
      %dma_wait3A_228 = arith.constant 0 : i32
      %dma_wait3A_229 = arith.constant 0 : i32
      %dma_wait3A_230 = tpu.memref_slice %arg2[%dma_wait3A_228, %dma_wait3A_229] : memref<10000x128xf32, #tpu.memory_space<hbm>> -> memref<10000x128xf32, #tpu.memory_space<hbm>>
      tpu.wait_indirect_dma semaphore(%arg15 : memref<!tpu.dma_semaphore, #tpu.memory_space<semaphore_mem>>) src(%dma_wait3A_230 : memref<10000x128xf32, #tpu.memory_space<hbm>>) dst(%arg12 : memref<125x128xf32, #tpu.memory_space<vmem>>)
      %run_scoped3A_231 = arith.constant 7 : i32
      "tpu.region"() ({
        %run_scoped3A_356 = tpu.sem_alloc : memref<!tpu.dma_semaphore, #tpu.memory_space<semaphore_mem>>
        %dma_start3A_357 = arith.constant 0 : i32
        %dma_start3A_358 = tpu.memref_slice %arg9[%run_scoped3A_231, %dma_start3A_357] : memref<8x125xi32, #tpu.memory_space<vmem>> -> memref<1x125xi32, #tpu.memory_space<vmem>>
        %dma_start3A_359 = tpu.memref_squeeze %dma_start3A_358 : memref<1x125xi32, #tpu.memory_space<vmem>> -> memref<125xi32, #tpu.memory_space<vmem>>
        %dma_start3A_360 = arith.constant 0 : i32
        %dma_start3A_361 = arith.constant 0 : i32
        %dma_start3A_362 = tpu.memref_slice %arg13[%dma_start3A_360, %dma_start3A_361] : memref<10000x128xf32, #tpu.memory_space<vmem_shared>> -> memref<10000x128xf32, #tpu.memory_space<vmem_shared>>
        tpu.enqueue_indirect_dma source(%arg12 : memref<125x128xf32, #tpu.memory_space<vmem>>) target(%dma_start3A_362 : memref<10000x128xf32, #tpu.memory_space<vmem_shared>>) offsets(%dma_start3A_359 : memref<125xi32, #tpu.memory_space<vmem>>) semaphore(%run_scoped3A_356 : memref<!tpu.dma_semaphore, #tpu.memory_space<semaphore_mem>>) {add = true}
        %dma_wait3A_363 = arith.constant 0 : i32
        %dma_wait3A_364 = tpu.memref_slice %arg9[%run_scoped3A_231, %dma_wait3A_363] : memref<8x125xi32, #tpu.memory_space<vmem>> -> memref<1x125xi32, #tpu.memory_space<vmem>>
        %dma_wait3A_365 = tpu.memref_squeeze %dma_wait3A_364 : memref<1x125xi32, #tpu.memory_space<vmem>> -> memref<125xi32, #tpu.memory_space<vmem>>
        %dma_wait3A_366 = arith.constant 0 : i32
        %dma_wait3A_367 = arith.constant 0 : i32
        %dma_wait3A_368 = tpu.memref_slice %arg13[%dma_wait3A_366, %dma_wait3A_367] : memref<10000x128xf32, #tpu.memory_space<vmem_shared>> -> memref<10000x128xf32, #tpu.memory_space<vmem_shared>>
        tpu.wait_indirect_dma semaphore(%run_scoped3A_356 : memref<!tpu.dma_semaphore, #tpu.memory_space<semaphore_mem>>) src(%arg12 : memref<125x128xf32, #tpu.memory_space<vmem>>) dst(%dma_wait3A_368 : memref<10000x128xf32, #tpu.memory_space<vmem_shared>>)
        tpu.yield
      }) : () -> ()
      %lt3A_232 = arith.constant 4 : i32
      %lt3A_233 = arith.cmpi slt, %scan3A_69, %lt3A_232 : i32
      %convert_element_type3A_234 = arith.extui %lt3A_233 : i1 to i32
      %cond3A_235 = arith.constant 0 : i32
      %cond3A_236 = arith.cmpi ne, %convert_element_type3A_234, %cond3A_235 : i32
      scf.if %cond3A_236 {
        %mul3A_356 = arith.constant 2 : i32
        %mul3A_357 = arith.muli %mul3A_356, %scan3A_69 : i32
        %add3A_358 = arith.constant 2 : i32
        %add3A_359 = arith.addi %mul3A_357, %add3A_358 : i32
        %mul3A_360 = arith.constant 8 : i32
        %mul3A_361 = arith.muli %add3A_359, %mul3A_360 : i32
        %add3A_362 = arith.addi %mul3A_2, %mul3A_361 : i32
        %dma_start3A_363 = arith.constant 0 : i32
        %dma_start3A_364 = arith.constant 0 : i32
        %dma_start3A_365 = tpu.memref_slice %arg3[%dma_start3A_363, %add3A_362, %dma_start3A_364] : memref<2x2560x125xi32, #tpu.memory_space<hbm>> -> memref<1x8x125xi32, #tpu.memory_space<hbm>>
        %dma_start3A_366 = tpu.memref_squeeze %dma_start3A_365 : memref<1x8x125xi32, #tpu.memory_space<hbm>> -> memref<8x125xi32, #tpu.memory_space<hbm>>
        %dma_start3A_367 = arith.constant 0 : i32
        %dma_start3A_368 = tpu.memref_slice %arg3[%dma_start3A_363, %add3A_362, %dma_start3A_367] : memref<2x2560x125xi32, #tpu.memory_space<hbm>> -> memref<1x8x125xi32, #tpu.memory_space<hbm>>
        %dma_start3A_369 = tpu.memref_squeeze %dma_start3A_368 : memref<1x8x125xi32, #tpu.memory_space<hbm>> -> memref<8x125xi32, #tpu.memory_space<hbm>>
        tpu.enqueue_dma source(%dma_start3A_369 : memref<8x125xi32, #tpu.memory_space<hbm>>) target(%arg7 : memref<8x125xi32, #tpu.memory_space<vmem>>) target_semaphore(%arg16 : memref<!tpu.dma_semaphore, #tpu.memory_space<semaphore_mem>>)
        %mul3A_370 = arith.constant 8 : i32
        %mul3A_371 = arith.muli %add3A_359, %mul3A_370 : i32
        %add3A_372 = arith.addi %mul3A_2, %mul3A_371 : i32
        %dma_start3A_373 = arith.constant 1 : i32
        %dma_start3A_374 = arith.constant 0 : i32
        %dma_start3A_375 = tpu.memref_slice %arg3[%dma_start3A_373, %add3A_372, %dma_start3A_374] : memref<2x2560x125xi32, #tpu.memory_space<hbm>> -> memref<1x8x125xi32, #tpu.memory_space<hbm>>
        %dma_start3A_376 = tpu.memref_squeeze %dma_start3A_375 : memref<1x8x125xi32, #tpu.memory_space<hbm>> -> memref<8x125xi32, #tpu.memory_space<hbm>>
        %dma_start3A_377 = arith.constant 0 : i32
        %dma_start3A_378 = tpu.memref_slice %arg3[%dma_start3A_373, %add3A_372, %dma_start3A_377] : memref<2x2560x125xi32, #tpu.memory_space<hbm>> -> memref<1x8x125xi32, #tpu.memory_space<hbm>>
        %dma_start3A_379 = tpu.memref_squeeze %dma_start3A_378 : memref<1x8x125xi32, #tpu.memory_space<hbm>> -> memref<8x125xi32, #tpu.memory_space<hbm>>
        tpu.enqueue_dma source(%dma_start3A_379 : memref<8x125xi32, #tpu.memory_space<hbm>>) target(%arg9 : memref<8x125xi32, #tpu.memory_space<vmem>>) target_semaphore(%arg16 : memref<!tpu.dma_semaphore, #tpu.memory_space<semaphore_mem>>)
      } else {
      }
      %dma_start3A_237 = arith.constant 1 : i32
      %dma_start3A_238 = arith.constant 0 : i32
      %dma_start3A_239 = tpu.memref_slice %arg8[%dma_start3A_237, %dma_start3A_238] : memref<8x125xi32, #tpu.memory_space<vmem>> -> memref<1x125xi32, #tpu.memory_space<vmem>>
      %dma_start3A_240 = tpu.memref_squeeze %dma_start3A_239 : memref<1x125xi32, #tpu.memory_space<vmem>> -> memref<125xi32, #tpu.memory_space<vmem>>
      %dma_start3A_241 = arith.constant 0 : i32
      %dma_start3A_242 = arith.constant 0 : i32
      %dma_start3A_243 = tpu.memref_slice %arg2[%dma_start3A_241, %dma_start3A_242] : memref<10000x128xf32, #tpu.memory_space<hbm>> -> memref<10000x128xf32, #tpu.memory_space<hbm>>
      tpu.enqueue_indirect_dma source(%dma_start3A_243 : memref<10000x128xf32, #tpu.memory_space<hbm>>) target(%arg12 : memref<125x128xf32, #tpu.memory_space<vmem>>) offsets(%dma_start3A_240 : memref<125xi32, #tpu.memory_space<vmem>>) semaphore(%arg15 : memref<!tpu.dma_semaphore, #tpu.memory_space<semaphore_mem>>)
      %dma_wait3A_244 = arith.constant 0 : i32
      %dma_wait3A_245 = arith.constant 0 : i32
      %dma_wait3A_246 = tpu.memref_slice %arg8[%dma_wait3A_244, %dma_wait3A_245] : memref<8x125xi32, #tpu.memory_space<vmem>> -> memref<1x125xi32, #tpu.memory_space<vmem>>
      %dma_wait3A_247 = tpu.memref_squeeze %dma_wait3A_246 : memref<1x125xi32, #tpu.memory_space<vmem>> -> memref<125xi32, #tpu.memory_space<vmem>>
      %dma_wait3A_248 = arith.constant 0 : i32
      %dma_wait3A_249 = arith.constant 0 : i32
      %dma_wait3A_250 = tpu.memref_slice %arg2[%dma_wait3A_248, %dma_wait3A_249] : memref<10000x128xf32, #tpu.memory_space<hbm>> -> memref<10000x128xf32, #tpu.memory_space<hbm>>
      tpu.wait_indirect_dma semaphore(%arg14 : memref<!tpu.dma_semaphore, #tpu.memory_space<semaphore_mem>>) src(%dma_wait3A_250 : memref<10000x128xf32, #tpu.memory_space<hbm>>) dst(%arg11 : memref<125x128xf32, #tpu.memory_space<vmem>>)
      %run_scoped3A_251 = arith.constant 0 : i32
      "tpu.region"() ({
        %run_scoped3A_356 = tpu.sem_alloc : memref<!tpu.dma_semaphore, #tpu.memory_space<semaphore_mem>>
        %dma_start3A_357 = arith.constant 0 : i32
        %dma_start3A_358 = tpu.memref_slice %arg10[%run_scoped3A_251, %dma_start3A_357] : memref<8x125xi32, #tpu.memory_space<vmem>> -> memref<1x125xi32, #tpu.memory_space<vmem>>
        %dma_start3A_359 = tpu.memref_squeeze %dma_start3A_358 : memref<1x125xi32, #tpu.memory_space<vmem>> -> memref<125xi32, #tpu.memory_space<vmem>>
        %dma_start3A_360 = arith.constant 0 : i32
        %dma_start3A_361 = arith.constant 0 : i32
        %dma_start3A_362 = tpu.memref_slice %arg13[%dma_start3A_360, %dma_start3A_361] : memref<10000x128xf32, #tpu.memory_space<vmem_shared>> -> memref<10000x128xf32, #tpu.memory_space<vmem_shared>>
        tpu.enqueue_indirect_dma source(%arg11 : memref<125x128xf32, #tpu.memory_space<vmem>>) target(%dma_start3A_362 : memref<10000x128xf32, #tpu.memory_space<vmem_shared>>) offsets(%dma_start3A_359 : memref<125xi32, #tpu.memory_space<vmem>>) semaphore(%run_scoped3A_356 : memref<!tpu.dma_semaphore, #tpu.memory_space<semaphore_mem>>) {add = true}
        %dma_wait3A_363 = arith.constant 0 : i32
        %dma_wait3A_364 = tpu.memref_slice %arg10[%run_scoped3A_251, %dma_wait3A_363] : memref<8x125xi32, #tpu.memory_space<vmem>> -> memref<1x125xi32, #tpu.memory_space<vmem>>
        %dma_wait3A_365 = tpu.memref_squeeze %dma_wait3A_364 : memref<1x125xi32, #tpu.memory_space<vmem>> -> memref<125xi32, #tpu.memory_space<vmem>>
        %dma_wait3A_366 = arith.constant 0 : i32
        %dma_wait3A_367 = arith.constant 0 : i32
        %dma_wait3A_368 = tpu.memref_slice %arg13[%dma_wait3A_366, %dma_wait3A_367] : memref<10000x128xf32, #tpu.memory_space<vmem_shared>> -> memref<10000x128xf32, #tpu.memory_space<vmem_shared>>
        tpu.wait_indirect_dma semaphore(%run_scoped3A_356 : memref<!tpu.dma_semaphore, #tpu.memory_space<semaphore_mem>>) src(%arg11 : memref<125x128xf32, #tpu.memory_space<vmem>>) dst(%dma_wait3A_368 : memref<10000x128xf32, #tpu.memory_space<vmem_shared>>)
        tpu.yield
      }) : () -> ()
      %dma_start3A_252 = arith.constant 2 : i32
      %dma_start3A_253 = arith.constant 0 : i32
      %dma_start3A_254 = tpu.memref_slice %arg8[%dma_start3A_252, %dma_start3A_253] : memref<8x125xi32, #tpu.memory_space<vmem>> -> memref<1x125xi32, #tpu.memory_space<vmem>>
      %dma_start3A_255 = tpu.memref_squeeze %dma_start3A_254 : memref<1x125xi32, #tpu.memory_space<vmem>> -> memref<125xi32, #tpu.memory_space<vmem>>
      %dma_start3A_256 = arith.constant 0 : i32
      %dma_start3A_257 = arith.constant 0 : i32
      %dma_start3A_258 = tpu.memref_slice %arg2[%dma_start3A_256, %dma_start3A_257] : memref<10000x128xf32, #tpu.memory_space<hbm>> -> memref<10000x128xf32, #tpu.memory_space<hbm>>
      tpu.enqueue_indirect_dma source(%dma_start3A_258 : memref<10000x128xf32, #tpu.memory_space<hbm>>) target(%arg11 : memref<125x128xf32, #tpu.memory_space<vmem>>) offsets(%dma_start3A_255 : memref<125xi32, #tpu.memory_space<vmem>>) semaphore(%arg14 : memref<!tpu.dma_semaphore, #tpu.memory_space<semaphore_mem>>)
      %dma_wait3A_259 = arith.constant 1 : i32
      %dma_wait3A_260 = arith.constant 0 : i32
      %dma_wait3A_261 = tpu.memref_slice %arg8[%dma_wait3A_259, %dma_wait3A_260] : memref<8x125xi32, #tpu.memory_space<vmem>> -> memref<1x125xi32, #tpu.memory_space<vmem>>
      %dma_wait3A_262 = tpu.memref_squeeze %dma_wait3A_261 : memref<1x125xi32, #tpu.memory_space<vmem>> -> memref<125xi32, #tpu.memory_space<vmem>>
      %dma_wait3A_263 = arith.constant 0 : i32
      %dma_wait3A_264 = arith.constant 0 : i32
      %dma_wait3A_265 = tpu.memref_slice %arg2[%dma_wait3A_263, %dma_wait3A_264] : memref<10000x128xf32, #tpu.memory_space<hbm>> -> memref<10000x128xf32, #tpu.memory_space<hbm>>
      tpu.wait_indirect_dma semaphore(%arg15 : memref<!tpu.dma_semaphore, #tpu.memory_space<semaphore_mem>>) src(%dma_wait3A_265 : memref<10000x128xf32, #tpu.memory_space<hbm>>) dst(%arg12 : memref<125x128xf32, #tpu.memory_space<vmem>>)
      %run_scoped3A_266 = arith.constant 1 : i32
      "tpu.region"() ({
        %run_scoped3A_356 = tpu.sem_alloc : memref<!tpu.dma_semaphore, #tpu.memory_space<semaphore_mem>>
        %dma_start3A_357 = arith.constant 0 : i32
        %dma_start3A_358 = tpu.memref_slice %arg10[%run_scoped3A_266, %dma_start3A_357] : memref<8x125xi32, #tpu.memory_space<vmem>> -> memref<1x125xi32, #tpu.memory_space<vmem>>
        %dma_start3A_359 = tpu.memref_squeeze %dma_start3A_358 : memref<1x125xi32, #tpu.memory_space<vmem>> -> memref<125xi32, #tpu.memory_space<vmem>>
        %dma_start3A_360 = arith.constant 0 : i32
        %dma_start3A_361 = arith.constant 0 : i32
        %dma_start3A_362 = tpu.memref_slice %arg13[%dma_start3A_360, %dma_start3A_361] : memref<10000x128xf32, #tpu.memory_space<vmem_shared>> -> memref<10000x128xf32, #tpu.memory_space<vmem_shared>>
        tpu.enqueue_indirect_dma source(%arg12 : memref<125x128xf32, #tpu.memory_space<vmem>>) target(%dma_start3A_362 : memref<10000x128xf32, #tpu.memory_space<vmem_shared>>) offsets(%dma_start3A_359 : memref<125xi32, #tpu.memory_space<vmem>>) semaphore(%run_scoped3A_356 : memref<!tpu.dma_semaphore, #tpu.memory_space<semaphore_mem>>) {add = true}
        %dma_wait3A_363 = arith.constant 0 : i32
        %dma_wait3A_364 = tpu.memref_slice %arg10[%run_scoped3A_266, %dma_wait3A_363] : memref<8x125xi32, #tpu.memory_space<vmem>> -> memref<1x125xi32, #tpu.memory_space<vmem>>
        %dma_wait3A_365 = tpu.memref_squeeze %dma_wait3A_364 : memref<1x125xi32, #tpu.memory_space<vmem>> -> memref<125xi32, #tpu.memory_space<vmem>>
        %dma_wait3A_366 = arith.constant 0 : i32
        %dma_wait3A_367 = arith.constant 0 : i32
        %dma_wait3A_368 = tpu.memref_slice %arg13[%dma_wait3A_366, %dma_wait3A_367] : memref<10000x128xf32, #tpu.memory_space<vmem_shared>> -> memref<10000x128xf32, #tpu.memory_space<vmem_shared>>
        tpu.wait_indirect_dma semaphore(%run_scoped3A_356 : memref<!tpu.dma_semaphore, #tpu.memory_space<semaphore_mem>>) src(%arg12 : memref<125x128xf32, #tpu.memory_space<vmem>>) dst(%dma_wait3A_368 : memref<10000x128xf32, #tpu.memory_space<vmem_shared>>)
        tpu.yield
      }) : () -> ()
      %dma_start3A_267 = arith.constant 3 : i32
      %dma_start3A_268 = arith.constant 0 : i32
      %dma_start3A_269 = tpu.memref_slice %arg8[%dma_start3A_267, %dma_start3A_268] : memref<8x125xi32, #tpu.memory_space<vmem>> -> memref<1x125xi32, #tpu.memory_space<vmem>>
      %dma_start3A_270 = tpu.memref_squeeze %dma_start3A_269 : memref<1x125xi32, #tpu.memory_space<vmem>> -> memref<125xi32, #tpu.memory_space<vmem>>
      %dma_start3A_271 = arith.constant 0 : i32
      %dma_start3A_272 = arith.constant 0 : i32
      %dma_start3A_273 = tpu.memref_slice %arg2[%dma_start3A_271, %dma_start3A_272] : memref<10000x128xf32, #tpu.memory_space<hbm>> -> memref<10000x128xf32, #tpu.memory_space<hbm>>
      tpu.enqueue_indirect_dma source(%dma_start3A_273 : memref<10000x128xf32, #tpu.memory_space<hbm>>) target(%arg12 : memref<125x128xf32, #tpu.memory_space<vmem>>) offsets(%dma_start3A_270 : memref<125xi32, #tpu.memory_space<vmem>>) semaphore(%arg15 : memref<!tpu.dma_semaphore, #tpu.memory_space<semaphore_mem>>)
      %dma_wait3A_274 = arith.constant 2 : i32
      %dma_wait3A_275 = arith.constant 0 : i32
      %dma_wait3A_276 = tpu.memref_slice %arg8[%dma_wait3A_274, %dma_wait3A_275] : memref<8x125xi32, #tpu.memory_space<vmem>> -> memref<1x125xi32, #tpu.memory_space<vmem>>
      %dma_wait3A_277 = tpu.memref_squeeze %dma_wait3A_276 : memref<1x125xi32, #tpu.memory_space<vmem>> -> memref<125xi32, #tpu.memory_space<vmem>>
      %dma_wait3A_278 = arith.constant 0 : i32
      %dma_wait3A_279 = arith.constant 0 : i32
      %dma_wait3A_280 = tpu.memref_slice %arg2[%dma_wait3A_278, %dma_wait3A_279] : memref<10000x128xf32, #tpu.memory_space<hbm>> -> memref<10000x128xf32, #tpu.memory_space<hbm>>
      tpu.wait_indirect_dma semaphore(%arg14 : memref<!tpu.dma_semaphore, #tpu.memory_space<semaphore_mem>>) src(%dma_wait3A_280 : memref<10000x128xf32, #tpu.memory_space<hbm>>) dst(%arg11 : memref<125x128xf32, #tpu.memory_space<vmem>>)
      %run_scoped3A_281 = arith.constant 2 : i32
      "tpu.region"() ({
        %run_scoped3A_356 = tpu.sem_alloc : memref<!tpu.dma_semaphore, #tpu.memory_space<semaphore_mem>>
        %dma_start3A_357 = arith.constant 0 : i32
        %dma_start3A_358 = tpu.memref_slice %arg10[%run_scoped3A_281, %dma_start3A_357] : memref<8x125xi32, #tpu.memory_space<vmem>> -> memref<1x125xi32, #tpu.memory_space<vmem>>
        %dma_start3A_359 = tpu.memref_squeeze %dma_start3A_358 : memref<1x125xi32, #tpu.memory_space<vmem>> -> memref<125xi32, #tpu.memory_space<vmem>>
        %dma_start3A_360 = arith.constant 0 : i32
        %dma_start3A_361 = arith.constant 0 : i32
        %dma_start3A_362 = tpu.memref_slice %arg13[%dma_start3A_360, %dma_start3A_361] : memref<10000x128xf32, #tpu.memory_space<vmem_shared>> -> memref<10000x128xf32, #tpu.memory_space<vmem_shared>>
        tpu.enqueue_indirect_dma source(%arg11 : memref<125x128xf32, #tpu.memory_space<vmem>>) target(%dma_start3A_362 : memref<10000x128xf32, #tpu.memory_space<vmem_shared>>) offsets(%dma_start3A_359 : memref<125xi32, #tpu.memory_space<vmem>>) semaphore(%run_scoped3A_356 : memref<!tpu.dma_semaphore, #tpu.memory_space<semaphore_mem>>) {add = true}
        %dma_wait3A_363 = arith.constant 0 : i32
        %dma_wait3A_364 = tpu.memref_slice %arg10[%run_scoped3A_281, %dma_wait3A_363] : memref<8x125xi32, #tpu.memory_space<vmem>> -> memref<1x125xi32, #tpu.memory_space<vmem>>
        %dma_wait3A_365 = tpu.memref_squeeze %dma_wait3A_364 : memref<1x125xi32, #tpu.memory_space<vmem>> -> memref<125xi32, #tpu.memory_space<vmem>>
        %dma_wait3A_366 = arith.constant 0 : i32
        %dma_wait3A_367 = arith.constant 0 : i32
        %dma_wait3A_368 = tpu.memref_slice %arg13[%dma_wait3A_366, %dma_wait3A_367] : memref<10000x128xf32, #tpu.memory_space<vmem_shared>> -> memref<10000x128xf32, #tpu.memory_space<vmem_shared>>
        tpu.wait_indirect_dma semaphore(%run_scoped3A_356 : memref<!tpu.dma_semaphore, #tpu.memory_space<semaphore_mem>>) src(%arg11 : memref<125x128xf32, #tpu.memory_space<vmem>>) dst(%dma_wait3A_368 : memref<10000x128xf32, #tpu.memory_space<vmem_shared>>)
        tpu.yield
      }) : () -> ()
      %dma_start3A_282 = arith.constant 4 : i32
      %dma_start3A_283 = arith.constant 0 : i32
      %dma_start3A_284 = tpu.memref_slice %arg8[%dma_start3A_282, %dma_start3A_283] : memref<8x125xi32, #tpu.memory_space<vmem>> -> memref<1x125xi32, #tpu.memory_space<vmem>>
      %dma_start3A_285 = tpu.memref_squeeze %dma_start3A_284 : memref<1x125xi32, #tpu.memory_space<vmem>> -> memref<125xi32, #tpu.memory_space<vmem>>
      %dma_start3A_286 = arith.constant 0 : i32
      %dma_start3A_287 = arith.constant 0 : i32
      %dma_start3A_288 = tpu.memref_slice %arg2[%dma_start3A_286, %dma_start3A_287] : memref<10000x128xf32, #tpu.memory_space<hbm>> -> memref<10000x128xf32, #tpu.memory_space<hbm>>
      tpu.enqueue_indirect_dma source(%dma_start3A_288 : memref<10000x128xf32, #tpu.memory_space<hbm>>) target(%arg11 : memref<125x128xf32, #tpu.memory_space<vmem>>) offsets(%dma_start3A_285 : memref<125xi32, #tpu.memory_space<vmem>>) semaphore(%arg14 : memref<!tpu.dma_semaphore, #tpu.memory_space<semaphore_mem>>)
      %dma_wait3A_289 = arith.constant 3 : i32
      %dma_wait3A_290 = arith.constant 0 : i32
      %dma_wait3A_291 = tpu.memref_slice %arg8[%dma_wait3A_289, %dma_wait3A_290] : memref<8x125xi32, #tpu.memory_space<vmem>> -> memref<1x125xi32, #tpu.memory_space<vmem>>
      %dma_wait3A_292 = tpu.memref_squeeze %dma_wait3A_291 : memref<1x125xi32, #tpu.memory_space<vmem>> -> memref<125xi32, #tpu.memory_space<vmem>>
      %dma_wait3A_293 = arith.constant 0 : i32
      %dma_wait3A_294 = arith.constant 0 : i32
      %dma_wait3A_295 = tpu.memref_slice %arg2[%dma_wait3A_293, %dma_wait3A_294] : memref<10000x128xf32, #tpu.memory_space<hbm>> -> memref<10000x128xf32, #tpu.memory_space<hbm>>
      tpu.wait_indirect_dma semaphore(%arg15 : memref<!tpu.dma_semaphore, #tpu.memory_space<semaphore_mem>>) src(%dma_wait3A_295 : memref<10000x128xf32, #tpu.memory_space<hbm>>) dst(%arg12 : memref<125x128xf32, #tpu.memory_space<vmem>>)
      %run_scoped3A_296 = arith.constant 3 : i32
      "tpu.region"() ({
        %run_scoped3A_356 = tpu.sem_alloc : memref<!tpu.dma_semaphore, #tpu.memory_space<semaphore_mem>>
        %dma_start3A_357 = arith.constant 0 : i32
        %dma_start3A_358 = tpu.memref_slice %arg10[%run_scoped3A_296, %dma_start3A_357] : memref<8x125xi32, #tpu.memory_space<vmem>> -> memref<1x125xi32, #tpu.memory_space<vmem>>
        %dma_start3A_359 = tpu.memref_squeeze %dma_start3A_358 : memref<1x125xi32, #tpu.memory_space<vmem>> -> memref<125xi32, #tpu.memory_space<vmem>>
        %dma_start3A_360 = arith.constant 0 : i32
        %dma_start3A_361 = arith.constant 0 : i32
        %dma_start3A_362 = tpu.memref_slice %arg13[%dma_start3A_360, %dma_start3A_361] : memref<10000x128xf32, #tpu.memory_space<vmem_shared>> -> memref<10000x128xf32, #tpu.memory_space<vmem_shared>>
        tpu.enqueue_indirect_dma source(%arg12 : memref<125x128xf32, #tpu.memory_space<vmem>>) target(%dma_start3A_362 : memref<10000x128xf32, #tpu.memory_space<vmem_shared>>) offsets(%dma_start3A_359 : memref<125xi32, #tpu.memory_space<vmem>>) semaphore(%run_scoped3A_356 : memref<!tpu.dma_semaphore, #tpu.memory_space<semaphore_mem>>) {add = true}
        %dma_wait3A_363 = arith.constant 0 : i32
        %dma_wait3A_364 = tpu.memref_slice %arg10[%run_scoped3A_296, %dma_wait3A_363] : memref<8x125xi32, #tpu.memory_space<vmem>> -> memref<1x125xi32, #tpu.memory_space<vmem>>
        %dma_wait3A_365 = tpu.memref_squeeze %dma_wait3A_364 : memref<1x125xi32, #tpu.memory_space<vmem>> -> memref<125xi32, #tpu.memory_space<vmem>>
        %dma_wait3A_366 = arith.constant 0 : i32
        %dma_wait3A_367 = arith.constant 0 : i32
        %dma_wait3A_368 = tpu.memref_slice %arg13[%dma_wait3A_366, %dma_wait3A_367] : memref<10000x128xf32, #tpu.memory_space<vmem_shared>> -> memref<10000x128xf32, #tpu.memory_space<vmem_shared>>
        tpu.wait_indirect_dma semaphore(%run_scoped3A_356 : memref<!tpu.dma_semaphore, #tpu.memory_space<semaphore_mem>>) src(%arg12 : memref<125x128xf32, #tpu.memory_space<vmem>>) dst(%dma_wait3A_368 : memref<10000x128xf32, #tpu.memory_space<vmem_shared>>)
        tpu.yield
      }) : () -> ()
      %dma_start3A_297 = arith.constant 5 : i32
      %dma_start3A_298 = arith.constant 0 : i32
      %dma_start3A_299 = tpu.memref_slice %arg8[%dma_start3A_297, %dma_start3A_298] : memref<8x125xi32, #tpu.memory_space<vmem>> -> memref<1x125xi32, #tpu.memory_space<vmem>>
      %dma_start3A_300 = tpu.memref_squeeze %dma_start3A_299 : memref<1x125xi32, #tpu.memory_space<vmem>> -> memref<125xi32, #tpu.memory_space<vmem>>
      %dma_start3A_301 = arith.constant 0 : i32
      %dma_start3A_302 = arith.constant 0 : i32
      %dma_start3A_303 = tpu.memref_slice %arg2[%dma_start3A_301, %dma_start3A_302] : memref<10000x128xf32, #tpu.memory_space<hbm>> -> memref<10000x128xf32, #tpu.memory_space<hbm>>
      tpu.enqueue_indirect_dma source(%dma_start3A_303 : memref<10000x128xf32, #tpu.memory_space<hbm>>) target(%arg12 : memref<125x128xf32, #tpu.memory_space<vmem>>) offsets(%dma_start3A_300 : memref<125xi32, #tpu.memory_space<vmem>>) semaphore(%arg15 : memref<!tpu.dma_semaphore, #tpu.memory_space<semaphore_mem>>)
      %dma_wait3A_304 = arith.constant 4 : i32
      %dma_wait3A_305 = arith.constant 0 : i32
      %dma_wait3A_306 = tpu.memref_slice %arg8[%dma_wait3A_304, %dma_wait3A_305] : memref<8x125xi32, #tpu.memory_space<vmem>> -> memref<1x125xi32, #tpu.memory_space<vmem>>
      %dma_wait3A_307 = tpu.memref_squeeze %dma_wait3A_306 : memref<1x125xi32, #tpu.memory_space<vmem>> -> memref<125xi32, #tpu.memory_space<vmem>>
      %dma_wait3A_308 = arith.constant 0 : i32
      %dma_wait3A_309 = arith.constant 0 : i32
      %dma_wait3A_310 = tpu.memref_slice %arg2[%dma_wait3A_308, %dma_wait3A_309] : memref<10000x128xf32, #tpu.memory_space<hbm>> -> memref<10000x128xf32, #tpu.memory_space<hbm>>
      tpu.wait_indirect_dma semaphore(%arg14 : memref<!tpu.dma_semaphore, #tpu.memory_space<semaphore_mem>>) src(%dma_wait3A_310 : memref<10000x128xf32, #tpu.memory_space<hbm>>) dst(%arg11 : memref<125x128xf32, #tpu.memory_space<vmem>>)
      %run_scoped3A_311 = arith.constant 4 : i32
      "tpu.region"() ({
        %run_scoped3A_356 = tpu.sem_alloc : memref<!tpu.dma_semaphore, #tpu.memory_space<semaphore_mem>>
        %dma_start3A_357 = arith.constant 0 : i32
        %dma_start3A_358 = tpu.memref_slice %arg10[%run_scoped3A_311, %dma_start3A_357] : memref<8x125xi32, #tpu.memory_space<vmem>> -> memref<1x125xi32, #tpu.memory_space<vmem>>
        %dma_start3A_359 = tpu.memref_squeeze %dma_start3A_358 : memref<1x125xi32, #tpu.memory_space<vmem>> -> memref<125xi32, #tpu.memory_space<vmem>>
        %dma_start3A_360 = arith.constant 0 : i32
        %dma_start3A_361 = arith.constant 0 : i32
        %dma_start3A_362 = tpu.memref_slice %arg13[%dma_start3A_360, %dma_start3A_361] : memref<10000x128xf32, #tpu.memory_space<vmem_shared>> -> memref<10000x128xf32, #tpu.memory_space<vmem_shared>>
        tpu.enqueue_indirect_dma source(%arg11 : memref<125x128xf32, #tpu.memory_space<vmem>>) target(%dma_start3A_362 : memref<10000x128xf32, #tpu.memory_space<vmem_shared>>) offsets(%dma_start3A_359 : memref<125xi32, #tpu.memory_space<vmem>>) semaphore(%run_scoped3A_356 : memref<!tpu.dma_semaphore, #tpu.memory_space<semaphore_mem>>) {add = true}
        %dma_wait3A_363 = arith.constant 0 : i32
        %dma_wait3A_364 = tpu.memref_slice %arg10[%run_scoped3A_311, %dma_wait3A_363] : memref<8x125xi32, #tpu.memory_space<vmem>> -> memref<1x125xi32, #tpu.memory_space<vmem>>
        %dma_wait3A_365 = tpu.memref_squeeze %dma_wait3A_364 : memref<1x125xi32, #tpu.memory_space<vmem>> -> memref<125xi32, #tpu.memory_space<vmem>>
        %dma_wait3A_366 = arith.constant 0 : i32
        %dma_wait3A_367 = arith.constant 0 : i32
        %dma_wait3A_368 = tpu.memref_slice %arg13[%dma_wait3A_366, %dma_wait3A_367] : memref<10000x128xf32, #tpu.memory_space<vmem_shared>> -> memref<10000x128xf32, #tpu.memory_space<vmem_shared>>
        tpu.wait_indirect_dma semaphore(%run_scoped3A_356 : memref<!tpu.dma_semaphore, #tpu.memory_space<semaphore_mem>>) src(%arg11 : memref<125x128xf32, #tpu.memory_space<vmem>>) dst(%dma_wait3A_368 : memref<10000x128xf32, #tpu.memory_space<vmem_shared>>)
        tpu.yield
      }) : () -> ()
      %dma_start3A_312 = arith.constant 6 : i32
      %dma_start3A_313 = arith.constant 0 : i32
      %dma_start3A_314 = tpu.memref_slice %arg8[%dma_start3A_312, %dma_start3A_313] : memref<8x125xi32, #tpu.memory_space<vmem>> -> memref<1x125xi32, #tpu.memory_space<vmem>>
      %dma_start3A_315 = tpu.memref_squeeze %dma_start3A_314 : memref<1x125xi32, #tpu.memory_space<vmem>> -> memref<125xi32, #tpu.memory_space<vmem>>
      %dma_start3A_316 = arith.constant 0 : i32
      %dma_start3A_317 = arith.constant 0 : i32
      %dma_start3A_318 = tpu.memref_slice %arg2[%dma_start3A_316, %dma_start3A_317] : memref<10000x128xf32, #tpu.memory_space<hbm>> -> memref<10000x128xf32, #tpu.memory_space<hbm>>
      tpu.enqueue_indirect_dma source(%dma_start3A_318 : memref<10000x128xf32, #tpu.memory_space<hbm>>) target(%arg11 : memref<125x128xf32, #tpu.memory_space<vmem>>) offsets(%dma_start3A_315 : memref<125xi32, #tpu.memory_space<vmem>>) semaphore(%arg14 : memref<!tpu.dma_semaphore, #tpu.memory_space<semaphore_mem>>)
      %dma_wait3A_319 = arith.constant 5 : i32
      %dma_wait3A_320 = arith.constant 0 : i32
      %dma_wait3A_321 = tpu.memref_slice %arg8[%dma_wait3A_319, %dma_wait3A_320] : memref<8x125xi32, #tpu.memory_space<vmem>> -> memref<1x125xi32, #tpu.memory_space<vmem>>
      %dma_wait3A_322 = tpu.memref_squeeze %dma_wait3A_321 : memref<1x125xi32, #tpu.memory_space<vmem>> -> memref<125xi32, #tpu.memory_space<vmem>>
      %dma_wait3A_323 = arith.constant 0 : i32
      %dma_wait3A_324 = arith.constant 0 : i32
      %dma_wait3A_325 = tpu.memref_slice %arg2[%dma_wait3A_323, %dma_wait3A_324] : memref<10000x128xf32, #tpu.memory_space<hbm>> -> memref<10000x128xf32, #tpu.memory_space<hbm>>
      tpu.wait_indirect_dma semaphore(%arg15 : memref<!tpu.dma_semaphore, #tpu.memory_space<semaphore_mem>>) src(%dma_wait3A_325 : memref<10000x128xf32, #tpu.memory_space<hbm>>) dst(%arg12 : memref<125x128xf32, #tpu.memory_space<vmem>>)
      %run_scoped3A_326 = arith.constant 5 : i32
      "tpu.region"() ({
        %run_scoped3A_356 = tpu.sem_alloc : memref<!tpu.dma_semaphore, #tpu.memory_space<semaphore_mem>>
        %dma_start3A_357 = arith.constant 0 : i32
        %dma_start3A_358 = tpu.memref_slice %arg10[%run_scoped3A_326, %dma_start3A_357] : memref<8x125xi32, #tpu.memory_space<vmem>> -> memref<1x125xi32, #tpu.memory_space<vmem>>
        %dma_start3A_359 = tpu.memref_squeeze %dma_start3A_358 : memref<1x125xi32, #tpu.memory_space<vmem>> -> memref<125xi32, #tpu.memory_space<vmem>>
        %dma_start3A_360 = arith.constant 0 : i32
        %dma_start3A_361 = arith.constant 0 : i32
        %dma_start3A_362 = tpu.memref_slice %arg13[%dma_start3A_360, %dma_start3A_361] : memref<10000x128xf32, #tpu.memory_space<vmem_shared>> -> memref<10000x128xf32, #tpu.memory_space<vmem_shared>>
        tpu.enqueue_indirect_dma source(%arg12 : memref<125x128xf32, #tpu.memory_space<vmem>>) target(%dma_start3A_362 : memref<10000x128xf32, #tpu.memory_space<vmem_shared>>) offsets(%dma_start3A_359 : memref<125xi32, #tpu.memory_space<vmem>>) semaphore(%run_scoped3A_356 : memref<!tpu.dma_semaphore, #tpu.memory_space<semaphore_mem>>) {add = true}
        %dma_wait3A_363 = arith.constant 0 : i32
        %dma_wait3A_364 = tpu.memref_slice %arg10[%run_scoped3A_326, %dma_wait3A_363] : memref<8x125xi32, #tpu.memory_space<vmem>> -> memref<1x125xi32, #tpu.memory_space<vmem>>
        %dma_wait3A_365 = tpu.memref_squeeze %dma_wait3A_364 : memref<1x125xi32, #tpu.memory_space<vmem>> -> memref<125xi32, #tpu.memory_space<vmem>>
        %dma_wait3A_366 = arith.constant 0 : i32
        %dma_wait3A_367 = arith.constant 0 : i32
        %dma_wait3A_368 = tpu.memref_slice %arg13[%dma_wait3A_366, %dma_wait3A_367] : memref<10000x128xf32, #tpu.memory_space<vmem_shared>> -> memref<10000x128xf32, #tpu.memory_space<vmem_shared>>
        tpu.wait_indirect_dma semaphore(%run_scoped3A_356 : memref<!tpu.dma_semaphore, #tpu.memory_space<semaphore_mem>>) src(%arg12 : memref<125x128xf32, #tpu.memory_space<vmem>>) dst(%dma_wait3A_368 : memref<10000x128xf32, #tpu.memory_space<vmem_shared>>)
        tpu.yield
      }) : () -> ()
      %dma_start3A_327 = arith.constant 7 : i32
      %dma_start3A_328 = arith.constant 0 : i32
      %dma_start3A_329 = tpu.memref_slice %arg8[%dma_start3A_327, %dma_start3A_328] : memref<8x125xi32, #tpu.memory_space<vmem>> -> memref<1x125xi32, #tpu.memory_space<vmem>>
      %dma_start3A_330 = tpu.memref_squeeze %dma_start3A_329 : memref<1x125xi32, #tpu.memory_space<vmem>> -> memref<125xi32, #tpu.memory_space<vmem>>
      %dma_start3A_331 = arith.constant 0 : i32
      %dma_start3A_332 = arith.constant 0 : i32
      %dma_start3A_333 = tpu.memref_slice %arg2[%dma_start3A_331, %dma_start3A_332] : memref<10000x128xf32, #tpu.memory_space<hbm>> -> memref<10000x128xf32, #tpu.memory_space<hbm>>
      tpu.enqueue_indirect_dma source(%dma_start3A_333 : memref<10000x128xf32, #tpu.memory_space<hbm>>) target(%arg12 : memref<125x128xf32, #tpu.memory_space<vmem>>) offsets(%dma_start3A_330 : memref<125xi32, #tpu.memory_space<vmem>>) semaphore(%arg15 : memref<!tpu.dma_semaphore, #tpu.memory_space<semaphore_mem>>)
      %dma_wait3A_334 = arith.constant 6 : i32
      %dma_wait3A_335 = arith.constant 0 : i32
      %dma_wait3A_336 = tpu.memref_slice %arg8[%dma_wait3A_334, %dma_wait3A_335] : memref<8x125xi32, #tpu.memory_space<vmem>> -> memref<1x125xi32, #tpu.memory_space<vmem>>
      %dma_wait3A_337 = tpu.memref_squeeze %dma_wait3A_336 : memref<1x125xi32, #tpu.memory_space<vmem>> -> memref<125xi32, #tpu.memory_space<vmem>>
      %dma_wait3A_338 = arith.constant 0 : i32
      %dma_wait3A_339 = arith.constant 0 : i32
      %dma_wait3A_340 = tpu.memref_slice %arg2[%dma_wait3A_338, %dma_wait3A_339] : memref<10000x128xf32, #tpu.memory_space<hbm>> -> memref<10000x128xf32, #tpu.memory_space<hbm>>
      tpu.wait_indirect_dma semaphore(%arg14 : memref<!tpu.dma_semaphore, #tpu.memory_space<semaphore_mem>>) src(%dma_wait3A_340 : memref<10000x128xf32, #tpu.memory_space<hbm>>) dst(%arg11 : memref<125x128xf32, #tpu.memory_space<vmem>>)
      %run_scoped3A_341 = arith.constant 6 : i32
      "tpu.region"() ({
        %run_scoped3A_356 = tpu.sem_alloc : memref<!tpu.dma_semaphore, #tpu.memory_space<semaphore_mem>>
        %dma_start3A_357 = arith.constant 0 : i32
        %dma_start3A_358 = tpu.memref_slice %arg10[%run_scoped3A_341, %dma_start3A_357] : memref<8x125xi32, #tpu.memory_space<vmem>> -> memref<1x125xi32, #tpu.memory_space<vmem>>
        %dma_start3A_359 = tpu.memref_squeeze %dma_start3A_358 : memref<1x125xi32, #tpu.memory_space<vmem>> -> memref<125xi32, #tpu.memory_space<vmem>>
        %dma_start3A_360 = arith.constant 0 : i32
        %dma_start3A_361 = arith.constant 0 : i32
        %dma_start3A_362 = tpu.memref_slice %arg13[%dma_start3A_360, %dma_start3A_361] : memref<10000x128xf32, #tpu.memory_space<vmem_shared>> -> memref<10000x128xf32, #tpu.memory_space<vmem_shared>>
        tpu.enqueue_indirect_dma source(%arg11 : memref<125x128xf32, #tpu.memory_space<vmem>>) target(%dma_start3A_362 : memref<10000x128xf32, #tpu.memory_space<vmem_shared>>) offsets(%dma_start3A_359 : memref<125xi32, #tpu.memory_space<vmem>>) semaphore(%run_scoped3A_356 : memref<!tpu.dma_semaphore, #tpu.memory_space<semaphore_mem>>) {add = true}
        %dma_wait3A_363 = arith.constant 0 : i32
        %dma_wait3A_364 = tpu.memref_slice %arg10[%run_scoped3A_341, %dma_wait3A_363] : memref<8x125xi32, #tpu.memory_space<vmem>> -> memref<1x125xi32, #tpu.memory_space<vmem>>
        %dma_wait3A_365 = tpu.memref_squeeze %dma_wait3A_364 : memref<1x125xi32, #tpu.memory_space<vmem>> -> memref<125xi32, #tpu.memory_space<vmem>>
        %dma_wait3A_366 = arith.constant 0 : i32
        %dma_wait3A_367 = arith.constant 0 : i32
        %dma_wait3A_368 = tpu.memref_slice %arg13[%dma_wait3A_366, %dma_wait3A_367] : memref<10000x128xf32, #tpu.memory_space<vmem_shared>> -> memref<10000x128xf32, #tpu.memory_space<vmem_shared>>
        tpu.wait_indirect_dma semaphore(%run_scoped3A_356 : memref<!tpu.dma_semaphore, #tpu.memory_space<semaphore_mem>>) src(%arg11 : memref<125x128xf32, #tpu.memory_space<vmem>>) dst(%dma_wait3A_368 : memref<10000x128xf32, #tpu.memory_space<vmem_shared>>)
        tpu.yield
      }) : () -> ()
      %lt3A_342 = arith.constant 4 : i32
      %lt3A_343 = arith.cmpi slt, %scan3A_69, %lt3A_342 : i32
      %convert_element_type3A_344 = arith.extui %lt3A_343 : i1 to i32
      %cond3A_345 = arith.constant 0 : i32
      %cond3A_346 = arith.cmpi ne, %convert_element_type3A_344, %cond3A_345 : i32
      scf.if %cond3A_346 {
        %dma_wait3A_356 = arith.constant 0 : i32
        %dma_wait3A_357 = arith.constant 0 : i32
        %dma_wait3A_358 = arith.constant 0 : i32
        %dma_wait3A_359 = tpu.memref_slice %arg3[%dma_wait3A_356, %dma_wait3A_357, %dma_wait3A_358] : memref<2x2560x125xi32, #tpu.memory_space<hbm>> -> memref<1x8x125xi32, #tpu.memory_space<hbm>>
        %dma_wait3A_360 = tpu.memref_squeeze %dma_wait3A_359 : memref<1x8x125xi32, #tpu.memory_space<hbm>> -> memref<8x125xi32, #tpu.memory_space<hbm>>
        %dma_wait3A_361 = arith.constant 0 : i32
        %dma_wait3A_362 = arith.constant 0 : i32
        %dma_wait3A_363 = tpu.memref_slice %arg3[%dma_wait3A_356, %dma_wait3A_361, %dma_wait3A_362] : memref<2x2560x125xi32, #tpu.memory_space<hbm>> -> memref<1x8x125xi32, #tpu.memory_space<hbm>>
        %dma_wait3A_364 = tpu.memref_squeeze %dma_wait3A_363 : memref<1x8x125xi32, #tpu.memory_space<hbm>> -> memref<8x125xi32, #tpu.memory_space<hbm>>
        tpu.wait_dma2 semaphore(%arg16 : memref<!tpu.dma_semaphore, #tpu.memory_space<semaphore_mem>>) src(%dma_wait3A_364 : memref<8x125xi32, #tpu.memory_space<hbm>>) dst(%arg7 : memref<8x125xi32, #tpu.memory_space<vmem>>)
        %dma_wait3A_365 = arith.constant 1 : i32
        %dma_wait3A_366 = arith.constant 0 : i32
        %dma_wait3A_367 = arith.constant 0 : i32
        %dma_wait3A_368 = tpu.memref_slice %arg3[%dma_wait3A_365, %dma_wait3A_366, %dma_wait3A_367] : memref<2x2560x125xi32, #tpu.memory_space<hbm>> -> memref<1x8x125xi32, #tpu.memory_space<hbm>>
        %dma_wait3A_369 = tpu.memref_squeeze %dma_wait3A_368 : memref<1x8x125xi32, #tpu.memory_space<hbm>> -> memref<8x125xi32, #tpu.memory_space<hbm>>
        %dma_wait3A_370 = arith.constant 0 : i32
        %dma_wait3A_371 = arith.constant 0 : i32
        %dma_wait3A_372 = tpu.memref_slice %arg3[%dma_wait3A_365, %dma_wait3A_370, %dma_wait3A_371] : memref<2x2560x125xi32, #tpu.memory_space<hbm>> -> memref<1x8x125xi32, #tpu.memory_space<hbm>>
        %dma_wait3A_373 = tpu.memref_squeeze %dma_wait3A_372 : memref<1x8x125xi32, #tpu.memory_space<hbm>> -> memref<8x125xi32, #tpu.memory_space<hbm>>
        tpu.wait_dma2 semaphore(%arg16 : memref<!tpu.dma_semaphore, #tpu.memory_space<semaphore_mem>>) src(%dma_wait3A_373 : memref<8x125xi32, #tpu.memory_space<hbm>>) dst(%arg9 : memref<8x125xi32, #tpu.memory_space<vmem>>)
        %dma_start3A_374 = arith.constant 0 : i32
        %dma_start3A_375 = arith.constant 0 : i32
        %dma_start3A_376 = tpu.memref_slice %arg7[%dma_start3A_374, %dma_start3A_375] : memref<8x125xi32, #tpu.memory_space<vmem>> -> memref<1x125xi32, #tpu.memory_space<vmem>>
        %dma_start3A_377 = tpu.memref_squeeze %dma_start3A_376 : memref<1x125xi32, #tpu.memory_space<vmem>> -> memref<125xi32, #tpu.memory_space<vmem>>
        %dma_start3A_378 = arith.constant 0 : i32
        %dma_start3A_379 = arith.constant 0 : i32
        %dma_start3A_380 = tpu.memref_slice %arg2[%dma_start3A_378, %dma_start3A_379] : memref<10000x128xf32, #tpu.memory_space<hbm>> -> memref<10000x128xf32, #tpu.memory_space<hbm>>
        tpu.enqueue_indirect_dma source(%dma_start3A_380 : memref<10000x128xf32, #tpu.memory_space<hbm>>) target(%arg11 : memref<125x128xf32, #tpu.memory_space<vmem>>) offsets(%dma_start3A_377 : memref<125xi32, #tpu.memory_space<vmem>>) semaphore(%arg14 : memref<!tpu.dma_semaphore, #tpu.memory_space<semaphore_mem>>)
      } else {
      }
      %dma_wait3A_347 = arith.constant 7 : i32
      %dma_wait3A_348 = arith.constant 0 : i32
      %dma_wait3A_349 = tpu.memref_slice %arg8[%dma_wait3A_347, %dma_wait3A_348] : memref<8x125xi32, #tpu.memory_space<vmem>> -> memref<1x125xi32, #tpu.memory_space<vmem>>
      %dma_wait3A_350 = tpu.memref_squeeze %dma_wait3A_349 : memref<1x125xi32, #tpu.memory_space<vmem>> -> memref<125xi32, #tpu.memory_space<vmem>>
      %dma_wait3A_351 = arith.constant 0 : i32
      %dma_wait3A_352 = arith.constant 0 : i32
      %dma_wait3A_353 = tpu.memref_slice %arg2[%dma_wait3A_351, %dma_wait3A_352] : memref<10000x128xf32, #tpu.memory_space<hbm>> -> memref<10000x128xf32, #tpu.memory_space<hbm>>
      tpu.wait_indirect_dma semaphore(%arg15 : memref<!tpu.dma_semaphore, #tpu.memory_space<semaphore_mem>>) src(%dma_wait3A_353 : memref<10000x128xf32, #tpu.memory_space<hbm>>) dst(%arg12 : memref<125x128xf32, #tpu.memory_space<vmem>>)
      %run_scoped3A_354 = arith.constant 7 : i32
      "tpu.region"() ({
        %run_scoped3A_356 = tpu.sem_alloc : memref<!tpu.dma_semaphore, #tpu.memory_space<semaphore_mem>>
        %dma_start3A_357 = arith.constant 0 : i32
        %dma_start3A_358 = tpu.memref_slice %arg10[%run_scoped3A_354, %dma_start3A_357] : memref<8x125xi32, #tpu.memory_space<vmem>> -> memref<1x125xi32, #tpu.memory_space<vmem>>
        %dma_start3A_359 = tpu.memref_squeeze %dma_start3A_358 : memref<1x125xi32, #tpu.memory_space<vmem>> -> memref<125xi32, #tpu.memory_space<vmem>>
        %dma_start3A_360 = arith.constant 0 : i32
        %dma_start3A_361 = arith.constant 0 : i32
        %dma_start3A_362 = tpu.memref_slice %arg13[%dma_start3A_360, %dma_start3A_361] : memref<10000x128xf32, #tpu.memory_space<vmem_shared>> -> memref<10000x128xf32, #tpu.memory_space<vmem_shared>>
        tpu.enqueue_indirect_dma source(%arg12 : memref<125x128xf32, #tpu.memory_space<vmem>>) target(%dma_start3A_362 : memref<10000x128xf32, #tpu.memory_space<vmem_shared>>) offsets(%dma_start3A_359 : memref<125xi32, #tpu.memory_space<vmem>>) semaphore(%run_scoped3A_356 : memref<!tpu.dma_semaphore, #tpu.memory_space<semaphore_mem>>) {add = true}
        %dma_wait3A_363 = arith.constant 0 : i32
        %dma_wait3A_364 = tpu.memref_slice %arg10[%run_scoped3A_354, %dma_wait3A_363] : memref<8x125xi32, #tpu.memory_space<vmem>> -> memref<1x125xi32, #tpu.memory_space<vmem>>
        %dma_wait3A_365 = tpu.memref_squeeze %dma_wait3A_364 : memref<1x125xi32, #tpu.memory_space<vmem>> -> memref<125xi32, #tpu.memory_space<vmem>>
        %dma_wait3A_366 = arith.constant 0 : i32
        %dma_wait3A_367 = arith.constant 0 : i32
        %dma_wait3A_368 = tpu.memref_slice %arg13[%dma_wait3A_366, %dma_wait3A_367] : memref<10000x128xf32, #tpu.memory_space<vmem_shared>> -> memref<10000x128xf32, #tpu.memory_space<vmem_shared>>
        tpu.wait_indirect_dma semaphore(%run_scoped3A_356 : memref<!tpu.dma_semaphore, #tpu.memory_space<semaphore_mem>>) src(%arg12 : memref<125x128xf32, #tpu.memory_space<vmem>>) dst(%dma_wait3A_368 : memref<10000x128xf32, #tpu.memory_space<vmem_shared>>)
        tpu.yield
      }) : () -> ()
      %scan3A_355 = arith.constant 0 : i32
      scf.yield %scan3A_355 : i32
    }
    %scan3A_58 = arith.constant 5 : i32
    %barrier3A_59 = arith.constant 0 : index
    tpu.barrier barrier_id(%barrier3A_59)
    %mul3A_60 = arith.constant 624 : i32
    %mul3A_61 = arith.muli %arg1, %mul3A_60 : i32
    %mul3A_62 = arith.constant 624 : i32
    %mul3A_63 = arith.muli %arg1, %mul3A_62 : i32
    "tpu.region"() ({
      %run_scoped3A = tpu.sem_alloc : memref<!tpu.dma_semaphore, #tpu.memory_space<semaphore_mem>>
      %dma_start3A_69 = arith.constant 0 : i32
      %dma_start3A_70 = tpu.memref_slice %arg6[%arg0, %mul3A_63, %dma_start3A_69] : memref<2x10000x128xf32, #tpu.memory_space<hbm>> -> memref<1x624x128xf32, #tpu.memory_space<hbm>>
      %dma_start3A_71 = tpu.memref_squeeze %dma_start3A_70 : memref<1x624x128xf32, #tpu.memory_space<hbm>> -> memref<624x128xf32, #tpu.memory_space<hbm>>
      %dma_start3A_72 = arith.constant 0 : i32
      %dma_start3A_73 = tpu.memref_slice %arg13[%mul3A_61, %dma_start3A_72] : memref<10000x128xf32, #tpu.memory_space<vmem_shared>> -> memref<624x128xf32, #tpu.memory_space<vmem_shared>>
      tpu.enqueue_dma source(%dma_start3A_73 : memref<624x128xf32, #tpu.memory_space<vmem_shared>>) target(%dma_start3A_71 : memref<624x128xf32, #tpu.memory_space<hbm>>) target_semaphore(%run_scoped3A : memref<!tpu.dma_semaphore, #tpu.memory_space<semaphore_mem>>)
      %dma_wait3A_74 = arith.constant 0 : i32
      %dma_wait3A_75 = tpu.memref_slice %arg6[%arg0, %mul3A_63, %dma_wait3A_74] : memref<2x10000x128xf32, #tpu.memory_space<hbm>> -> memref<1x624x128xf32, #tpu.memory_space<hbm>>
      %dma_wait3A_76 = tpu.memref_squeeze %dma_wait3A_75 : memref<1x624x128xf32, #tpu.memory_space<hbm>> -> memref<624x128xf32, #tpu.memory_space<hbm>>
      %dma_wait3A_77 = arith.constant 0 : i32
      %dma_wait3A_78 = tpu.memref_slice %arg13[%mul3A_61, %dma_wait3A_77] : memref<10000x128xf32, #tpu.memory_space<vmem_shared>> -> memref<624x128xf32, #tpu.memory_space<vmem_shared>>
      tpu.wait_dma2 semaphore(%run_scoped3A : memref<!tpu.dma_semaphore, #tpu.memory_space<semaphore_mem>>) src(%dma_wait3A_78 : memref<624x128xf32, #tpu.memory_space<vmem_shared>>) dst(%dma_wait3A_76 : memref<624x128xf32, #tpu.memory_space<hbm>>)
      tpu.yield
    }) : () -> ()
    %eq3A_64 = arith.constant 15 : i32
    %eq3A_65 = arith.cmpi eq, %arg1, %eq3A_64 : i32
    %convert_element_type3A_66 = arith.extui %eq3A_65 : i1 to i32
    %cond3A_67 = arith.constant 0 : i32
    %cond3A_68 = arith.cmpi ne, %convert_element_type3A_66, %cond3A_67 : i32
    scf.if %cond3A_68 {
      "tpu.region"() ({
        %run_scoped3A = tpu.sem_alloc : memref<!tpu.dma_semaphore, #tpu.memory_space<semaphore_mem>>
        %dma_start3A_69 = arith.constant 9984 : i32
        %dma_start3A_70 = arith.constant 0 : i32
        %dma_start3A_71 = tpu.memref_slice %arg6[%arg0, %dma_start3A_69, %dma_start3A_70] : memref<2x10000x128xf32, #tpu.memory_space<hbm>> -> memref<1x16x128xf32, #tpu.memory_space<hbm>>
        %dma_start3A_72 = tpu.memref_squeeze %dma_start3A_71 : memref<1x16x128xf32, #tpu.memory_space<hbm>> -> memref<16x128xf32, #tpu.memory_space<hbm>>
        %dma_start3A_73 = arith.constant 9984 : i32
        %dma_start3A_74 = arith.constant 0 : i32
        %dma_start3A_75 = tpu.memref_slice %arg13[%dma_start3A_73, %dma_start3A_74] : memref<10000x128xf32, #tpu.memory_space<vmem_shared>> -> memref<16x128xf32, #tpu.memory_space<vmem_shared>>
        tpu.enqueue_dma source(%dma_start3A_75 : memref<16x128xf32, #tpu.memory_space<vmem_shared>>) target(%dma_start3A_72 : memref<16x128xf32, #tpu.memory_space<hbm>>) target_semaphore(%run_scoped3A : memref<!tpu.dma_semaphore, #tpu.memory_space<semaphore_mem>>)
        %dma_wait3A_76 = arith.constant 9984 : i32
        %dma_wait3A_77 = arith.constant 0 : i32
        %dma_wait3A_78 = tpu.memref_slice %arg6[%arg0, %dma_wait3A_76, %dma_wait3A_77] : memref<2x10000x128xf32, #tpu.memory_space<hbm>> -> memref<1x16x128xf32, #tpu.memory_space<hbm>>
        %dma_wait3A_79 = tpu.memref_squeeze %dma_wait3A_78 : memref<1x16x128xf32, #tpu.memory_space<hbm>> -> memref<16x128xf32, #tpu.memory_space<hbm>>
        %dma_wait3A_80 = arith.constant 9984 : i32
        %dma_wait3A_81 = arith.constant 0 : i32
        %dma_wait3A_82 = tpu.memref_slice %arg13[%dma_wait3A_80, %dma_wait3A_81] : memref<10000x128xf32, #tpu.memory_space<vmem_shared>> -> memref<16x128xf32, #tpu.memory_space<vmem_shared>>
        tpu.wait_dma2 semaphore(%run_scoped3A : memref<!tpu.dma_semaphore, #tpu.memory_space<semaphore_mem>>) src(%dma_wait3A_82 : memref<16x128xf32, #tpu.memory_space<vmem_shared>>) dst(%dma_wait3A_79 : memref<16x128xf32, #tpu.memory_space<hbm>>)
        tpu.yield
      }) : () -> ()
    } else {
    }
    return
  }
}

module attributes {stable_mosaic.version = 14 : i64} {
  func.func @body(%arg0: i32, %arg1: memref<2x1000x128xf32, #tpu.memory_space<vmem>>, %arg2: memref<32x1x1x1000xf32, #tpu.memory_space<vmem>>, %arg3: memref<1000x128xf32, #tpu.memory_space<vmem>>, %arg4: memref<128x128xf32, #tpu.memory_space<vmem>>, %arg5: memref<128xf32, #tpu.memory_space<vmem>>, %arg6: memref<256x128xf32, #tpu.memory_space<vmem>>, %arg7: memref<128xf32, #tpu.memory_space<vmem>>, %arg8: memref<1000x128xf32, #tpu.memory_space<vmem>>) attributes {dimension_semantics = [#tpu.dimension_semantics<arbitrary>], iteration_bounds = array<i64: 10>, scalar_prefetch = 0 : i64, scratch_operands = 0 : i64, tpu.core_type = #tpu.core_type<tc>, window_params = [{transform_indices = @transform_0, window_bounds = array<i64: 2, 1000, 128>}, {transform_indices = @transform_1, window_bounds = array<i64: 32, 1, 1, 1000>}, {transform_indices = @transform_2, window_bounds = array<i64: 1000, 128>}, {pipeline_mode = #tpu.pipeline_mode<synchronous>, transform_indices = @transform_3, window_bounds = array<i64: 128, 128>}, {pipeline_mode = #tpu.pipeline_mode<synchronous>, transform_indices = @transform_4, window_bounds = array<i64: 128>}, {pipeline_mode = #tpu.pipeline_mode<synchronous>, transform_indices = @transform_5, window_bounds = array<i64: 256, 128>}, {pipeline_mode = #tpu.pipeline_mode<synchronous>, transform_indices = @transform_6, window_bounds = array<i64: 128>}, {transform_indices = @transform_7, window_bounds = array<i64: 1000, 128>}]} {
    %get3A = arith.constant 0 : index
    %get3A_0 = arith.constant 0 : index
    %get3A_1 = arith.constant 0 : index
    %get3A_2 = vector.load %arg1[%get3A, %get3A_0, %get3A_1] : memref<2x1000x128xf32, #tpu.memory_space<vmem>>, vector<1x1000x128xf32>
    %get3A_3 = vector.shape_cast %get3A_2 : vector<1x1000x128xf32> to vector<1000x128xf32>
    %get3A_4 = arith.constant 1 : index
    %get3A_5 = arith.constant 0 : index
    %get3A_6 = arith.constant 0 : index
    %get3A_7 = vector.load %arg1[%get3A_4, %get3A_5, %get3A_6] : memref<2x1000x128xf32, #tpu.memory_space<vmem>>, vector<1x1000x128xf32>
    %get3A_8 = vector.shape_cast %get3A_7 : vector<1x1000x128xf32> to vector<1000x128xf32>
    %add3A = arith.addf %get3A_3, %get3A_8 : vector<1000x128xf32>
    %get3A_9 = arith.constant 0 : index
    %get3A_10 = arith.constant 0 : index
    %get3A_11 = arith.constant 0 : index
    %get3A_12 = arith.constant 0 : index
    %get3A_13 = vector.load %arg2[%get3A_9, %get3A_10, %get3A_11, %get3A_12] : memref<32x1x1x1000xf32, #tpu.memory_space<vmem>>, vector<32x1x1x1000xf32>
    %get3A_14 = vector.shape_cast %get3A_13 : vector<32x1x1x1000xf32> to vector<32x1000xf32>
    %reduce_sum3A = arith.constant dense<0.000000e+00> : vector<1000xf32>
    %reduce_sum3A_15 = vector.multi_reduction <add>, %get3A_14, %reduce_sum3A [0] : vector<32x1000xf32> to vector<1000xf32>
    %max3A = arith.constant 1.000000e+00 : f32
    %max3A_16 = vector.broadcast %max3A : f32 to vector<1000xf32>
    %max3A_17 = arith.maximumf %reduce_sum3A_15, %max3A_16 : vector<1000xf32>
    %broadcast_in_dim3A = vector.shape_cast %max3A_17 : vector<1000xf32> to vector<1000x1xf32>
    %div3A = vector.broadcast %broadcast_in_dim3A : vector<1000x1xf32> to vector<1000x128xf32>
    %div3A_18 = arith.divf %add3A, %div3A : vector<1000x128xf32>
    %get3A_19 = arith.constant 0 : index
    %get3A_20 = arith.constant 0 : index
    %get3A_21 = vector.load %arg4[%get3A_19, %get3A_20] : memref<128x128xf32, #tpu.memory_space<vmem>>, vector<128x128xf32>
    %dot_general3A = arith.constant dense<0.000000e+00> : vector<1000x128xf32>
    %dot_general3A_22 = tpu.matmul %div3A_18, %get3A_21, %dot_general3A {dimension_numbers = #tpu.dot_dimension_numbers<[1], [0], [0], [1], [0, 0, 1, 1], [], []>, transpose_lhs_hint = false} : vector<1000x128xf32>, vector<128x128xf32>, vector<1000x128xf32> -> vector<1000x128xf32>
    %get3A_23 = arith.constant 0 : index
    %get3A_24 = vector.load %arg5[%get3A_23] : memref<128xf32, #tpu.memory_space<vmem>>, vector<128xf32>
    %broadcast_in_dim3A_25 = vector.shape_cast %get3A_24 : vector<128xf32> to vector<1x128xf32>
    %add3A_26 = vector.broadcast %broadcast_in_dim3A_25 : vector<1x128xf32> to vector<1000x128xf32>
    %add3A_27 = arith.addf %dot_general3A_22, %add3A_26 : vector<1000x128xf32>
    %max3A_28 = arith.constant 0.000000e+00 : f32
    %max3A_29 = vector.broadcast %max3A_28 : f32 to vector<1000x128xf32>
    %max3A_30 = arith.maximumf %add3A_27, %max3A_29 : vector<1000x128xf32>
    %get3A_31 = arith.constant 0 : index
    %get3A_32 = arith.constant 0 : index
    %get3A_33 = vector.load %arg3[%get3A_31, %get3A_32] : memref<1000x128xf32, #tpu.memory_space<vmem>>, vector<1000x128xf32>
    %get3A_34 = arith.constant 0 : index
    %get3A_35 = arith.constant 0 : index
    %get3A_36 = vector.load %arg6[%get3A_34, %get3A_35] : memref<256x128xf32, #tpu.memory_space<vmem>>, vector<128x128xf32>
    %dot_general3A_37 = arith.constant dense<0.000000e+00> : vector<1000x128xf32>
    %dot_general3A_38 = tpu.matmul %get3A_33, %get3A_36, %dot_general3A_37 {dimension_numbers = #tpu.dot_dimension_numbers<[1], [0], [0], [1], [0, 0, 1, 1], [], []>, transpose_lhs_hint = false} : vector<1000x128xf32>, vector<128x128xf32>, vector<1000x128xf32> -> vector<1000x128xf32>
    %get3A_39 = arith.constant 128 : index
    %get3A_40 = arith.constant 0 : index
    %get3A_41 = vector.load %arg6[%get3A_39, %get3A_40] : memref<256x128xf32, #tpu.memory_space<vmem>>, vector<128x128xf32>
    %dot_general3A_42 = arith.constant dense<0.000000e+00> : vector<1000x128xf32>
    %dot_general3A_43 = tpu.matmul %max3A_30, %get3A_41, %dot_general3A_42 {dimension_numbers = #tpu.dot_dimension_numbers<[1], [0], [0], [1], [0, 0, 1, 1], [], []>, transpose_lhs_hint = false} : vector<1000x128xf32>, vector<128x128xf32>, vector<1000x128xf32> -> vector<1000x128xf32>
    %add3A_44 = arith.addf %dot_general3A_38, %dot_general3A_43 : vector<1000x128xf32>
    %get3A_45 = arith.constant 0 : index
    %get3A_46 = vector.load %arg7[%get3A_45] : memref<128xf32, #tpu.memory_space<vmem>>, vector<128xf32>
    %broadcast_in_dim3A_47 = vector.shape_cast %get3A_46 : vector<128xf32> to vector<1x128xf32>
    %add3A_48 = vector.broadcast %broadcast_in_dim3A_47 : vector<1x128xf32> to vector<1000x128xf32>
    %add3A_49 = arith.addf %add3A_44, %add3A_48 : vector<1000x128xf32>
    %max3A_50 = arith.constant 0.000000e+00 : f32
    %max3A_51 = vector.broadcast %max3A_50 : f32 to vector<1000x128xf32>
    %max3A_52 = arith.maximumf %add3A_49, %max3A_51 : vector<1000x128xf32>
    %mul3A = arith.mulf %max3A_52, %max3A_52 : vector<1000x128xf32>
    %reduce_sum3A_53 = arith.constant dense<0.000000e+00> : vector<1000xf32>
    %reduce_sum3A_54 = vector.multi_reduction <add>, %mul3A, %reduce_sum3A_53 [1] : vector<1000x128xf32> to vector<1000xf32>
    %broadcast_in_dim3A_55 = vector.shape_cast %reduce_sum3A_54 : vector<1000xf32> to vector<1000x1xf32>
    %sqrt3A = math.sqrt %broadcast_in_dim3A_55 : vector<1000x1xf32>
    %max3A_56 = arith.constant 9.99999993E-9 : f32
    %max3A_57 = vector.broadcast %max3A_56 : f32 to vector<1000x1xf32>
    %max3A_58 = arith.maximumf %sqrt3A, %max3A_57 : vector<1000x1xf32>
    %div3A_59 = vector.broadcast %max3A_58 : vector<1000x1xf32> to vector<1000x128xf32>
    %div3A_60 = arith.divf %max3A_52, %div3A_59 : vector<1000x128xf32>
    %swap3A = arith.constant 0 : index
    %swap3A_61 = arith.constant 0 : index
    %swap3A_62 = vector.load %arg8[%swap3A, %swap3A_61] : memref<1000x128xf32, #tpu.memory_space<vmem>>, vector<1000x128xf32>
    tpu.vector_store %arg8[%swap3A, %swap3A_61], %div3A_60 {strides = array<i32>} : memref<1000x128xf32, #tpu.memory_space<vmem>>, vector<1000x128xf32>,
    return
  }
  func.func @transform_0(%arg0: i32) -> (i32, i32, i32) {
    %c0_i32 = arith.constant 0 : i32
    %c0_i32_0 = arith.constant 0 : i32
    %c0_i32_1 = arith.constant 0 : i32
    return %c0_i32, %arg0, %c0_i32_0 : i32, i32, i32
  }
  func.func @transform_1(%arg0: i32) -> (i32, i32, i32, i32) {
    %c0_i32 = arith.constant 0 : i32
    %c0_i32_0 = arith.constant 0 : i32
    %c0_i32_1 = arith.constant 0 : i32
    %c0_i32_2 = arith.constant 0 : i32
    return %c0_i32, %arg0, %c0_i32_0, %c0_i32_1 : i32, i32, i32, i32
  }
  func.func @transform_2(%arg0: i32) -> (i32, i32) {
    %c0_i32 = arith.constant 0 : i32
    %c0_i32_0 = arith.constant 0 : i32
    return %arg0, %c0_i32 : i32, i32
  }
  func.func @transform_3(%arg0: i32) -> (i32, i32) {
    %c0_i32 = arith.constant 0 : i32
    %c0_i32_0 = arith.constant 0 : i32
    %c0_i32_1 = arith.constant 0 : i32
    return %c0_i32, %c0_i32_0 : i32, i32
  }
  func.func @transform_4(%arg0: i32) -> i32 {
    %c0_i32 = arith.constant 0 : i32
    %c0_i32_0 = arith.constant 0 : i32
    return %c0_i32 : i32
  }
  func.func @transform_5(%arg0: i32) -> (i32, i32) {
    %c0_i32 = arith.constant 0 : i32
    %c0_i32_0 = arith.constant 0 : i32
    %c0_i32_1 = arith.constant 0 : i32
    return %c0_i32, %c0_i32_0 : i32, i32
  }
  func.func @transform_6(%arg0: i32) -> i32 {
    %c0_i32 = arith.constant 0 : i32
    %c0_i32_0 = arith.constant 0 : i32
    return %c0_i32 : i32
  }
  func.func @transform_7(%arg0: i32) -> (i32, i32) {
    %c0_i32 = arith.constant 0 : i32
    %c0_i32_0 = arith.constant 0 : i32
    return %arg0, %c0_i32 : i32, i32
  }
}

module attributes {stable_mosaic.version = 14 : i64} {
  func.func @body(%arg0: i32, %arg1: memref<2x1000x128xf32, #tpu.memory_space<vmem>>, %arg2: memref<32x1x1x1000xf32, #tpu.memory_space<vmem>>, %arg3: memref<1000x128xf32, #tpu.memory_space<vmem>>, %arg4: memref<128x128xf32, #tpu.memory_space<vmem>>, %arg5: memref<128xf32, #tpu.memory_space<vmem>>, %arg6: memref<256x128xf32, #tpu.memory_space<vmem>>, %arg7: memref<128xf32, #tpu.memory_space<vmem>>, %arg8: memref<128x128xf32, #tpu.memory_space<vmem>>, %arg9: memref<128xf32, #tpu.memory_space<vmem>>, %arg10: memref<128xf32, #tpu.memory_space<vmem>>, %arg11: memref<128xf32, #tpu.memory_space<vmem>>, %arg12: memref<128xf32, #tpu.memory_space<vmem>>, %arg13: memref<128xf32, #tpu.memory_space<vmem>>, %arg14: memref<10000x128xf32, #tpu.memory_space<vmem>>, %arg15: memref<10000x128xf32, #tpu.memory_space<vmem>>) attributes {dimension_semantics = [#tpu.dimension_semantics<arbitrary>], iteration_bounds = array<i64: 10>, scalar_prefetch = 0 : i64, scratch_operands = 1 : i64, tpu.core_type = #tpu.core_type<tc>, window_params = [{transform_indices = @transform_0, window_bounds = array<i64: 2, 1000, 128>}, {transform_indices = @transform_1, window_bounds = array<i64: 32, 1, 1, 1000>}, {transform_indices = @transform_2, window_bounds = array<i64: 1000, 128>}, {pipeline_mode = #tpu.pipeline_mode<synchronous>, transform_indices = @transform_3, window_bounds = array<i64: 128, 128>}, {pipeline_mode = #tpu.pipeline_mode<synchronous>, transform_indices = @transform_4, window_bounds = array<i64: 128>}, {pipeline_mode = #tpu.pipeline_mode<synchronous>, transform_indices = @transform_5, window_bounds = array<i64: 256, 128>}, {pipeline_mode = #tpu.pipeline_mode<synchronous>, transform_indices = @transform_6, window_bounds = array<i64: 128>}, {pipeline_mode = #tpu.pipeline_mode<synchronous>, transform_indices = @transform_7, window_bounds = array<i64: 128, 128>}, {pipeline_mode = #tpu.pipeline_mode<synchronous>, transform_indices = @transform_8, window_bounds = array<i64: 128>}, {pipeline_mode = #tpu.pipeline_mode<synchronous>, transform_indices = @transform_9, window_bounds = array<i64: 128>}, {pipeline_mode = #tpu.pipeline_mode<synchronous>, transform_indices = @transform_10, window_bounds = array<i64: 128>}, {pipeline_mode = #tpu.pipeline_mode<synchronous>, transform_indices = @transform_11, window_bounds = array<i64: 128>}, {pipeline_mode = #tpu.pipeline_mode<synchronous>, transform_indices = @transform_12, window_bounds = array<i64: 128>}, {pipeline_mode = #tpu.pipeline_mode<synchronous>, transform_indices = @transform_13, window_bounds = array<i64: 10000, 128>}]} {
    %get3A = arith.constant 0 : index
    %get3A_0 = arith.constant 0 : index
    %get3A_1 = arith.constant 0 : index
    %get3A_2 = vector.load %arg1[%get3A, %get3A_0, %get3A_1] : memref<2x1000x128xf32, #tpu.memory_space<vmem>>, vector<1x1000x128xf32>
    %get3A_3 = vector.shape_cast %get3A_2 : vector<1x1000x128xf32> to vector<1000x128xf32>
    %get3A_4 = arith.constant 1 : index
    %get3A_5 = arith.constant 0 : index
    %get3A_6 = arith.constant 0 : index
    %get3A_7 = vector.load %arg1[%get3A_4, %get3A_5, %get3A_6] : memref<2x1000x128xf32, #tpu.memory_space<vmem>>, vector<1x1000x128xf32>
    %get3A_8 = vector.shape_cast %get3A_7 : vector<1x1000x128xf32> to vector<1000x128xf32>
    %add3A = arith.addf %get3A_3, %get3A_8 : vector<1000x128xf32>
    %get3A_9 = arith.constant 0 : index
    %get3A_10 = arith.constant 0 : index
    %get3A_11 = arith.constant 0 : index
    %get3A_12 = arith.constant 0 : index
    %get3A_13 = vector.load %arg2[%get3A_9, %get3A_10, %get3A_11, %get3A_12] : memref<32x1x1x1000xf32, #tpu.memory_space<vmem>>, vector<32x1x1x1000xf32>
    %get3A_14 = vector.shape_cast %get3A_13 : vector<32x1x1x1000xf32> to vector<32x1000xf32>
    %reduce_sum3A = arith.constant dense<0.000000e+00> : vector<1000xf32>
    %reduce_sum3A_15 = vector.multi_reduction <add>, %get3A_14, %reduce_sum3A [0] : vector<32x1000xf32> to vector<1000xf32>
    %max3A = arith.constant 1.000000e+00 : f32
    %max3A_16 = vector.broadcast %max3A : f32 to vector<1000xf32>
    %max3A_17 = arith.maximumf %reduce_sum3A_15, %max3A_16 : vector<1000xf32>
    %broadcast_in_dim3A = vector.shape_cast %max3A_17 : vector<1000xf32> to vector<1000x1xf32>
    %div3A = vector.broadcast %broadcast_in_dim3A : vector<1000x1xf32> to vector<1000x128xf32>
    %div3A_18 = arith.divf %add3A, %div3A : vector<1000x128xf32>
    %get3A_19 = arith.constant 0 : index
    %get3A_20 = arith.constant 0 : index
    %get3A_21 = vector.load %arg4[%get3A_19, %get3A_20] : memref<128x128xf32, #tpu.memory_space<vmem>>, vector<128x128xf32>
    %dot_general3A = arith.constant dense<0.000000e+00> : vector<1000x128xf32>
    %dot_general3A_22 = tpu.matmul %div3A_18, %get3A_21, %dot_general3A {dimension_numbers = #tpu.dot_dimension_numbers<[1], [0], [0], [1], [0, 0, 1, 1], [], []>, transpose_lhs_hint = false} : vector<1000x128xf32>, vector<128x128xf32>, vector<1000x128xf32> -> vector<1000x128xf32>
    %get3A_23 = arith.constant 0 : index
    %get3A_24 = vector.load %arg5[%get3A_23] : memref<128xf32, #tpu.memory_space<vmem>>, vector<128xf32>
    %broadcast_in_dim3A_25 = vector.shape_cast %get3A_24 : vector<128xf32> to vector<1x128xf32>
    %add3A_26 = vector.broadcast %broadcast_in_dim3A_25 : vector<1x128xf32> to vector<1000x128xf32>
    %add3A_27 = arith.addf %dot_general3A_22, %add3A_26 : vector<1000x128xf32>
    %max3A_28 = arith.constant 0.000000e+00 : f32
    %max3A_29 = vector.broadcast %max3A_28 : f32 to vector<1000x128xf32>
    %max3A_30 = arith.maximumf %add3A_27, %max3A_29 : vector<1000x128xf32>
    %get3A_31 = arith.constant 0 : index
    %get3A_32 = arith.constant 0 : index
    %get3A_33 = vector.load %arg3[%get3A_31, %get3A_32] : memref<1000x128xf32, #tpu.memory_space<vmem>>, vector<1000x128xf32>
    %get3A_34 = arith.constant 0 : index
    %get3A_35 = arith.constant 0 : index
    %get3A_36 = vector.load %arg6[%get3A_34, %get3A_35] : memref<256x128xf32, #tpu.memory_space<vmem>>, vector<128x128xf32>
    %dot_general3A_37 = arith.constant dense<0.000000e+00> : vector<1000x128xf32>
    %dot_general3A_38 = tpu.matmul %get3A_33, %get3A_36, %dot_general3A_37 {dimension_numbers = #tpu.dot_dimension_numbers<[1], [0], [0], [1], [0, 0, 1, 1], [], []>, transpose_lhs_hint = false} : vector<1000x128xf32>, vector<128x128xf32>, vector<1000x128xf32> -> vector<1000x128xf32>
    %get3A_39 = arith.constant 128 : index
    %get3A_40 = arith.constant 0 : index
    %get3A_41 = vector.load %arg6[%get3A_39, %get3A_40] : memref<256x128xf32, #tpu.memory_space<vmem>>, vector<128x128xf32>
    %dot_general3A_42 = arith.constant dense<0.000000e+00> : vector<1000x128xf32>
    %dot_general3A_43 = tpu.matmul %max3A_30, %get3A_41, %dot_general3A_42 {dimension_numbers = #tpu.dot_dimension_numbers<[1], [0], [0], [1], [0, 0, 1, 1], [], []>, transpose_lhs_hint = false} : vector<1000x128xf32>, vector<128x128xf32>, vector<1000x128xf32> -> vector<1000x128xf32>
    %add3A_44 = arith.addf %dot_general3A_38, %dot_general3A_43 : vector<1000x128xf32>
    %get3A_45 = arith.constant 0 : index
    %get3A_46 = vector.load %arg7[%get3A_45] : memref<128xf32, #tpu.memory_space<vmem>>, vector<128xf32>
    %broadcast_in_dim3A_47 = vector.shape_cast %get3A_46 : vector<128xf32> to vector<1x128xf32>
    %add3A_48 = vector.broadcast %broadcast_in_dim3A_47 : vector<1x128xf32> to vector<1000x128xf32>
    %add3A_49 = arith.addf %add3A_44, %add3A_48 : vector<1000x128xf32>
    %max3A_50 = arith.constant 0.000000e+00 : f32
    %max3A_51 = vector.broadcast %max3A_50 : f32 to vector<1000x128xf32>
    %max3A_52 = arith.maximumf %add3A_49, %max3A_51 : vector<1000x128xf32>
    %mul3A = arith.mulf %max3A_52, %max3A_52 : vector<1000x128xf32>
    %reduce_sum3A_53 = arith.constant dense<0.000000e+00> : vector<1000xf32>
    %reduce_sum3A_54 = vector.multi_reduction <add>, %mul3A, %reduce_sum3A_53 [1] : vector<1000x128xf32> to vector<1000xf32>
    %broadcast_in_dim3A_55 = vector.shape_cast %reduce_sum3A_54 : vector<1000xf32> to vector<1000x1xf32>
    %sqrt3A = math.sqrt %broadcast_in_dim3A_55 : vector<1000x1xf32>
    %max3A_56 = arith.constant 9.99999993E-9 : f32
    %max3A_57 = vector.broadcast %max3A_56 : f32 to vector<1000x1xf32>
    %max3A_58 = arith.maximumf %sqrt3A, %max3A_57 : vector<1000x1xf32>
    %div3A_59 = vector.broadcast %max3A_58 : vector<1000x1xf32> to vector<1000x128xf32>
    %div3A_60 = arith.divf %max3A_52, %div3A_59 : vector<1000x128xf32>
    %get3A_61 = arith.constant 0 : index
    %get3A_62 = arith.constant 0 : index
    %get3A_63 = vector.load %arg8[%get3A_61, %get3A_62] : memref<128x128xf32, #tpu.memory_space<vmem>>, vector<128x128xf32>
    %dot_general3A_64 = arith.constant dense<0.000000e+00> : vector<1000x128xf32>
    %dot_general3A_65 = tpu.matmul %div3A_60, %get3A_63, %dot_general3A_64 {dimension_numbers = #tpu.dot_dimension_numbers<[1], [0], [0], [1], [0, 0, 1, 1], [], []>, transpose_lhs_hint = false} : vector<1000x128xf32>, vector<128x128xf32>, vector<1000x128xf32> -> vector<1000x128xf32>
    %get3A_66 = arith.constant 0 : index
    %get3A_67 = vector.load %arg9[%get3A_66] : memref<128xf32, #tpu.memory_space<vmem>>, vector<128xf32>
    %broadcast_in_dim3A_68 = vector.shape_cast %get3A_67 : vector<128xf32> to vector<1x128xf32>
    %add3A_69 = vector.broadcast %broadcast_in_dim3A_68 : vector<1x128xf32> to vector<1000x128xf32>
    %add3A_70 = arith.addf %dot_general3A_65, %add3A_69 : vector<1000x128xf32>
    %max3A_71 = arith.constant 0.000000e+00 : f32
    %max3A_72 = vector.broadcast %max3A_71 : f32 to vector<1000x128xf32>
    %max3A_73 = arith.maximumf %add3A_70, %max3A_72 : vector<1000x128xf32>
    %mul3A_74 = arith.constant 1000 : i32
    %mul3A_75 = arith.muli %arg0, %mul3A_74 : i32
    %swap3A = arith.index_cast %mul3A_75 : i32 to index
    %swap3A_76 = arith.constant 0 : index
    %swap3A_77 = vector.load %arg15[%swap3A, %swap3A_76] : memref<10000x128xf32, #tpu.memory_space<vmem>>, vector<1000x128xf32>
    tpu.vector_store %arg15[%swap3A, %swap3A_76], %max3A_73 {strides = array<i32>} : memref<10000x128xf32, #tpu.memory_space<vmem>>, vector<1000x128xf32>,
    %eq3A = arith.constant 9 : i32
    %eq3A_78 = arith.cmpi eq, %arg0, %eq3A : i32
    %convert_element_type3A = arith.extui %eq3A_78 : i1 to i32
    %cond3A = arith.constant 0 : i32
    %cond3A_79 = arith.cmpi ne, %convert_element_type3A, %cond3A : i32
    scf.if %cond3A_79 {
      %get3A_80 = arith.constant 0 : index
      %get3A_81 = arith.constant 0 : index
      %get3A_82 = vector.load %arg15[%get3A_80, %get3A_81] : memref<10000x128xf32, #tpu.memory_space<vmem>>, vector<10000x128xf32>
      %reduce_sum3A_83 = arith.constant dense<0.000000e+00> : vector<128xf32>
      %reduce_sum3A_84 = vector.multi_reduction <add>, %get3A_82, %reduce_sum3A_83 [0] : vector<10000x128xf32> to vector<128xf32>
      %mul3A_85 = arith.constant 9.99999974E-5 : f32
      %mul3A_86 = vector.broadcast %mul3A_85 : f32 to vector<128xf32>
      %mul3A_87 = arith.mulf %reduce_sum3A_84, %mul3A_86 : vector<128xf32>
      %broadcast_in_dim3A_88 = vector.shape_cast %mul3A_87 : vector<128xf32> to vector<1x128xf32>
      %sub3A = vector.broadcast %broadcast_in_dim3A_88 : vector<1x128xf32> to vector<10000x128xf32>
      %sub3A_89 = arith.subf %get3A_82, %sub3A : vector<10000x128xf32>
      %mul3A_90 = arith.mulf %sub3A_89, %sub3A_89 : vector<10000x128xf32>
      %reduce_sum3A_91 = arith.constant dense<0.000000e+00> : vector<128xf32>
      %reduce_sum3A_92 = vector.multi_reduction <add>, %mul3A_90, %reduce_sum3A_91 [0] : vector<10000x128xf32> to vector<128xf32>
      %mul3A_93 = arith.constant 9.99999974E-5 : f32
      %mul3A_94 = vector.broadcast %mul3A_93 : f32 to vector<128xf32>
      %mul3A_95 = arith.mulf %reduce_sum3A_92, %mul3A_94 : vector<128xf32>
      %get3A_96 = arith.constant 0 : index
      %get3A_97 = vector.load %arg10[%get3A_96] : memref<128xf32, #tpu.memory_space<vmem>>, vector<128xf32>
      %add3A_98 = arith.constant 9.99999974E-6 : f32
      %add3A_99 = vector.broadcast %add3A_98 : f32 to vector<128xf32>
      %add3A_100 = arith.addf %mul3A_95, %add3A_99 : vector<128xf32>
      %sqrt3A_101 = math.sqrt %add3A_100 : vector<128xf32>
      %div3A_102 = arith.divf %get3A_97, %sqrt3A_101 : vector<128xf32>
      %get3A_103 = arith.constant 0 : index
      %get3A_104 = vector.load %arg12[%get3A_103] : memref<128xf32, #tpu.memory_space<vmem>>, vector<128xf32>
      %mul3A_105 = arith.mulf %div3A_102, %div3A_102 : vector<128xf32>
      %mul3A_106 = arith.mulf %mul3A_105, %mul3A_95 : vector<128xf32>
      %add3A_107 = arith.constant 9.99999974E-6 : f32
      %add3A_108 = vector.broadcast %add3A_107 : f32 to vector<128xf32>
      %add3A_109 = arith.addf %mul3A_106, %add3A_108 : vector<128xf32>
      %sqrt3A_110 = math.sqrt %add3A_109 : vector<128xf32>
      %div3A_111 = arith.divf %get3A_104, %sqrt3A_110 : vector<128xf32>
      %mul3A_112 = arith.mulf %div3A_111, %div3A_102 : vector<128xf32>
      %broadcast_in_dim3A_113 = vector.shape_cast %mul3A_112 : vector<128xf32> to vector<1x128xf32>
      %mul3A_114 = vector.broadcast %broadcast_in_dim3A_113 : vector<1x128xf32> to vector<10000x128xf32>
      %mul3A_115 = arith.mulf %mul3A_114, %sub3A_89 : vector<10000x128xf32>
      %get3A_116 = arith.constant 0 : index
      %get3A_117 = vector.load %arg13[%get3A_116] : memref<128xf32, #tpu.memory_space<vmem>>, vector<128xf32>
      %broadcast_in_dim3A_118 = vector.shape_cast %get3A_117 : vector<128xf32> to vector<1x128xf32>
      %add3A_119 = vector.broadcast %broadcast_in_dim3A_118 : vector<1x128xf32> to vector<10000x128xf32>
      %add3A_120 = arith.addf %mul3A_115, %add3A_119 : vector<10000x128xf32>
      %swap3A_121 = arith.constant 0 : index
      %swap3A_122 = arith.constant 0 : index
      %swap3A_123 = vector.load %arg14[%swap3A_121, %swap3A_122] : memref<10000x128xf32, #tpu.memory_space<vmem>>, vector<10000x128xf32>
      tpu.vector_store %arg14[%swap3A_121, %swap3A_122], %add3A_120 {strides = array<i32>} : memref<10000x128xf32, #tpu.memory_space<vmem>>, vector<10000x128xf32>,
    } else {
    }
    return
  }
  func.func @transform_0(%arg0: i32) -> (i32, i32, i32) {
    %c0_i32 = arith.constant 0 : i32
    %c0_i32_0 = arith.constant 0 : i32
    %c0_i32_1 = arith.constant 0 : i32
    return %c0_i32, %arg0, %c0_i32_0 : i32, i32, i32
  }
  func.func @transform_1(%arg0: i32) -> (i32, i32, i32, i32) {
    %c0_i32 = arith.constant 0 : i32
    %c0_i32_0 = arith.constant 0 : i32
    %c0_i32_1 = arith.constant 0 : i32
    %c0_i32_2 = arith.constant 0 : i32
    return %c0_i32, %arg0, %c0_i32_0, %c0_i32_1 : i32, i32, i32, i32
  }
  func.func @transform_2(%arg0: i32) -> (i32, i32) {
    %c0_i32 = arith.constant 0 : i32
    %c0_i32_0 = arith.constant 0 : i32
    return %arg0, %c0_i32 : i32, i32
  }
  func.func @transform_3(%arg0: i32) -> (i32, i32) {
    %c0_i32 = arith.constant 0 : i32
    %c0_i32_0 = arith.constant 0 : i32
    %c0_i32_1 = arith.constant 0 : i32
    return %c0_i32, %c0_i32_0 : i32, i32
  }
  func.func @transform_4(%arg0: i32) -> i32 {
    %c0_i32 = arith.constant 0 : i32
    %c0_i32_0 = arith.constant 0 : i32
    return %c0_i32 : i32
  }
  func.func @transform_5(%arg0: i32) -> (i32, i32) {
    %c0_i32 = arith.constant 0 : i32
    %c0_i32_0 = arith.constant 0 : i32
    %c0_i32_1 = arith.constant 0 : i32
    return %c0_i32, %c0_i32_0 : i32, i32
  }
  func.func @transform_6(%arg0: i32) -> i32 {
    %c0_i32 = arith.constant 0 : i32
    %c0_i32_0 = arith.constant 0 : i32
    return %c0_i32 : i32
  }
  func.func @transform_7(%arg0: i32) -> (i32, i32) {
    %c0_i32 = arith.constant 0 : i32
    %c0_i32_0 = arith.constant 0 : i32
    %c0_i32_1 = arith.constant 0 : i32
    return %c0_i32, %c0_i32_0 : i32, i32
  }
  func.func @transform_8(%arg0: i32) -> i32 {
    %c0_i32 = arith.constant 0 : i32
    %c0_i32_0 = arith.constant 0 : i32
    return %c0_i32 : i32
  }
  func.func @transform_9(%arg0: i32) -> i32 {
    %c0_i32 = arith.constant 0 : i32
    %c0_i32_0 = arith.constant 0 : i32
    return %c0_i32 : i32
  }
  func.func @transform_10(%arg0: i32) -> i32 {
    %c0_i32 = arith.constant 0 : i32
    %c0_i32_0 = arith.constant 0 : i32
    return %c0_i32 : i32
  }
  func.func @transform_11(%arg0: i32) -> i32 {
    %c0_i32 = arith.constant 0 : i32
    %c0_i32_0 = arith.constant 0 : i32
    return %c0_i32 : i32
  }
  func.func @transform_12(%arg0: i32) -> i32 {
    %c0_i32 = arith.constant 0 : i32
    %c0_i32_0 = arith.constant 0 : i32
    return %c0_i32 : i32
  }
  func.func @transform_13(%arg0: i32) -> (i32, i32) {
    %c0_i32 = arith.constant 0 : i32
    %c0_i32_0 = arith.constant 0 : i32
    %c0_i32_1 = arith.constant 0 : i32
    return %c0_i32, %c0_i32_0 : i32, i32
  }
}

</mosaic_0001>

<sc_bundles>
// kernel: kernel.6.cloned.1.call-start
scs
__scs_entry_jumppad:
0x0: {  	(pc) =	sbr.rel $0x88, $3  }
0x1: {  	(tag) =	ssettag $0x0;
	lr =	simm.s32 $0x1  }
0x2: {  	[smem:$0x3F90] =	sst lr;
	_ =	strace $0xD0000000  }
0x3: {  	_ = 	snop  }
0x4: {  	_ = 	snop  }
0x5: {  	_ = 	snop  }
0x6: {  	_ = 	snop  }
0x7: {  	_ = 	snop  }
__scs_overlays_trampoline_lowered:
0x8: {  	[smem:$0x3F9F] =	sst s0  }
0x9: {  	[smem:$0x3FA0] =	sst s1  }
0xa: {  	[smem:$0x3FA1] =	sst s2  }
0xb: {  	[smem:$0x3FA2] =	sst s3  }
0xc: {  	[smem:$0x3FA3] =	sst s4  }
0xd: {  	[smem:$0x3FA4] =	sst s5  }
0xe: {  	[smem:$0x3FA5] =	sst s6  }
0xf: {  	[smem:$0x3FA6] =	sst s7  }
0x10: {  	[smem:$0x3FA7] =	sst s8  }
0x11: {  	[smem:$0x3FA8] =	sst s9;
	s0 =	simm.s32 @!p0 $0x0  }
0x12: {  	s1 =	sld [smem:$0x3F8E];
	s0 =	simm.s32 @p0 $0x1  }
0x13: {  	[smem:$0x3FA9] =	sst s0;
	s0 =	simm.s32 @!p1 $0x0  }
0x14: {  	s2 =	sld [smem:$0x3F8D];
	s0 =	simm.s32 @p1 $0x1  }
0x15: {  	[smem:$0x3FAA] =	sst s0;
	s0 =	simm.s32 @!p2 $0x0  }
0x16: {  	s3 =	sld [smem:$0x3FDB];
	s0 =	simm.s32 @p2 $0x1  }
0x17: {  	s4 =	simm.s32 $0x1BF5;
	[smem:$0x3FAC] =	sst s0  }
0x18: {  	s0 =	sld [smem:$0x3F8F];
	_ =	swait.ge [sflag:s4], $0x0  }
0x19: {  	s7 =	sld [smem:$0x3F90]  }
0x1a: {  	s8 =	sadd.s32 $0xFFFFE003, lr  }
0x1b: {  	s9 =	sadd.s32 $0xFFFFFEF7, lr;
	s5 =	simm.s32 $0xFFFFFFFF;
	p2 =	slt.u32 s8, $0xFFFFF086  }
0x1c: {  	p1 =	slt.u32 s9, $0xF7A;
	s5 =	simm.s32 @!p2 $0x0  }
0x1d: {  	s5 =	simm.s32 @p1 $0x1;
	p0 =	seq.s32 s7, s2  }
0x1e: {  	s7 =	smul.u32 @!p0 $0xF7A, s2;
	p2 =	seq.s32 @!p0 s5, $0x0  }
0x1f: {  	s9 =	smul.u32 $0xF7A, s1;
	s8 =	simm.s32 @!p0 $0x1BF5;
	p2 =	por !p2, p0  }
0x20: {  	[sflag:s8] =	ssyncset.s32 @!p0 $0xFFFFF086;
	s6 =	sadd.s32 @!p0 s3, s7;
	s7 =	simm.s32 @!p0 $0x108  }
0x21: {  	s3 =	sadd.s32 s3, s9;
	s6 =	sadd.s32 @!p0 $0x88, s6;
	s7 =	simm.s32 @p2 $0x1082  }
0x22: {  	[simem:s7], [sflag:s8] =	dma.local @!p0 [hbm:s6], $0xF7A  }
0x23: {  	s9 =	sor.u32 $0xD0000000, s2;
	s6 =	simm.s32 $0x108;
	_ =	swait.ge @!p0 [sflag:s8], $0x0  }
0x24: {  	s3 =	sadd.s32 $0x88, s3;
	s6 =	simm.s32 @!p1 $0x1082;
	[sflag:s4] =	ssyncset.s32 $0xFFFFF086  }
0x25: {  	[simem:s6], [sflag:s4] =	dma.local [hbm:s3], $0xF7A  }
0x26: {  	[smem:$0x3F90] =	sst s1;
	(tag) =	ssettag s2;
	_ =	strace s9  }
0x27: {  	s1 =	sld [smem:$0x3FA0]  }
0x28: {  	s2 =	sld [smem:$0x3FA1]  }
0x29: {  	s4 =	sld [smem:$0x3FA3]  }
0x2a: {  	p0 =	seq.s32 s5, $0x0;
	s5 =	sld [smem:$0x3FA4]  }
0x2b: {  	s6 =	sld [smem:$0x3FA5]  }
0x2c: {  	s7 =	sld [smem:$0x3FA6]  }
0x2d: {  	s3 =	simm.s32 $0x108;
	s8 =	sld [smem:$0x3FA7]  }
0x2e: {  	s3 =	simm.s32 @!p0 $0x1082;
	s9 =	sld [smem:$0x3FA8]  }
0x2f: {  	lr =	sadd.s32 s0, s3;
	s0 =	sld [smem:$0x3F9F]  }
0x30: {  	s3 =	sld [smem:$0x3FA2]  }
0x31: {  	[smem:$0x3FAB] =	sst s10  }
0x32: {  	s10 =	sld [smem:$0x3FA9];
	_ =	sdelay $0x3  }
0x33: {  	p0 =	seq.s32 s10, $0x1;
	s10 =	sld [smem:$0x3FAB];
	_ =	sdelay $0x3  }
0x34: {  	[smem:$0x3FAB] =	sst s10  }
0x35: {  	s10 =	sld [smem:$0x3FAA];
	_ =	sdelay $0x3  }
0x36: {  	p1 =	seq.s32 s10, $0x1;
	s10 =	sld [smem:$0x3FAB];
	_ =	sdelay $0x3  }
0x37: {  	[smem:$0x3FAB] =	sst s10  }
0x38: {  	s10 =	sld [smem:$0x3FAC]  }
0x39: {  	_ = 	snop;
	(pc) =	sbr.ind lr, $3  }
0x3a: {  	_ = 	snop  }
0x3b: {  	_ = 	snop  }
0x3c: {  	p2 =	seq.s32 s10, $0x1;
	s10 =	sld [smem:$0x3FAB]  }
0x3d: {  	_ =	shalt  }
0x3e: {  	_ =	shalt  }
0x3f: {  	_ =	shalt  }
0x40: {  	_ =	shalt  }
0x41: {  	_ =	shalt  }
0x42: {  	_ =	shalt  }
0x43: {  	_ =	shalt  }
0x44: {  	_ =	shalt  }
0x45: {  	_ =	shalt  }
0x46: {  	_ =	shalt  }
0x47: {  	_ =	shalt  }
0x48: {  	_ =	shalt  }
0x49: {  	_ =	shalt  }
0x4a: {  	_ =	shalt  }
0x4b: {  	_ =	shalt  }
0x4c: {  	_ =	shalt  }
0x4d: {  	_ =	shalt  }
0x4e: {  	_ =	shalt  }
0x4f: {  	_ =	shalt  }
0x50: {  	_ =	shalt  }
0x51: {  	_ =	shalt  }
0x52: {  	_ =	shalt  }
0x53: {  	_ =	shalt  }
0x54: {  	_ =	shalt  }
0x55: {  	_ =	shalt  }
0x56: {  	_ =	shalt  }
0x57: {  	_ =	shalt  }
0x58: {  	_ =	shalt  }
0x59: {  	_ =	shalt  }
0x5a: {  	_ =	shalt  }
0x5b: {  	_ =	shalt  }
0x5c: {  	_ =	shalt  }
0x5d: {  	_ =	shalt  }
0x5e: {  	_ =	shalt  }
0x5f: {  	_ =	shalt  }
0x60: {  	_ =	shalt  }
0x61: {  	_ =	shalt  }
0x62: {  	_ =	shalt  }
0x63: {  	_ =	shalt  }
0x64: {  	_ =	shalt  }
0x65: {  	_ =	shalt  }
0x66: {  	_ =	shalt  }
0x67: {  	_ =	shalt  }
0x68: {  	_ =	shalt  }
0x69: {  	_ =	shalt  }
0x6a: {  	_ =	shalt  }
0x6b: {  	_ =	shalt  }
0x6c: {  	_ =	shalt  }
0x6d: {  	_ =	shalt  }
0x6e: {  	_ =	shalt  }
0x6f: {  	_ =	shalt  }
0x70: {  	_ =	shalt  }
0x71: {  	_ =	shalt  }
0x72: {  	_ =	shalt  }
0x73: {  	_ =	shalt  }
0x74: {  	_ =	shalt  }
0x75: {  	_ =	shalt  }
0x76: {  	_ =	shalt  }
0x77: {  	_ =	shalt  }
0x78: {  	_ =	shalt  }
0x79: {  	_ =	shalt  }
0x7a: {  	_ =	shalt  }
0x7b: {  	_ =	shalt  }
0x7c: {  	_ =	shalt  }
0x7d: {  	_ =	shalt  }
0x7e: {  	_ =	shalt  }
0x7f: {  	_ =	shalt  }
0x80: {  	_ =	shalt  }
0x81: {  	_ =	shalt  }
0x82: {  	_ =	shalt  }
0x83: {  	_ =	shalt  }
0x84: {  	_ =	shalt  }
0x85: {  	_ =	shalt  }
0x86: {  	_ =	shalt  }
0x87: {  	_ =	shalt  }
.Lfunc_end0:
.L_simem_size_0:
called_computation_lowered:
.L_overlay_start_0:
0x88: {  	s2 =	sld [smem:$0x3FD9]  }
0x89: {  	s3 =	sld [smem:$0x3FFE];
	_ =	sdelay $0x1  }
0x8a: {  	s1 =	srdreg.scid  }
0x8b: {  	s0 =	sand.u32 $0x1, s1  }
0x8c: {  	s17 =	sshll.u32 s0, $0xA;
	s2 =	sadd.s32 s3, s2  }
0x8d: {  	s2 =	sadd.s32 s2, s17  }
0x8e: {  	[smem:$0x3FB7] =	sst s2  }
0x8f: {  	_ = 	snop  }
0x90: {  	s2 =	sld [smem:$0x3FC9]  }
0x91: {  	s18 =	sld [smem:$0x3FD0];
	(tm) =	ssettm $0x1  }
0x92: {  	s4 =	sld [smem:$0x3FFB];
	_ =	sdelay $0x3  }
0x93: {  	_ =	strace s4  }
0x94: {  	s4 =	sld [smem:$0x3FFC];
	_ =	sdelay $0x3  }
0x95: {  	_ =	strace s4  }
0x96: {  	s4 =	sld [smem:$0x3FFD];
	_ =	sdelay $0x3  }
0x97: {  	_ =	strace s4  }
0x98: {  	_ =	strace $0x8FFFFFFF  }
0x99: {  	s19 =	sld [smem:$0x3FDB];
	_ =	sdelay $0x1  }
0x9a: {  	s5 =	simm.s32 $_scs_section_size  }
0x9b: {  	s6 =	simm.s32 $_size__tile_overlayer_lowered;
	s7 =	simm.s32 $_tile_overlayer_lowered  }
0x9c: {  	s22 =	simm.s32 $0x1BFF;
	s21 =	sshll.u32 s7, $0x1;
	s4 =	sadd.s32 s5, s19  }
0x9d: {  	s8 =	simm.s32 $0x0;
	s20 =	sshll.u32 s6, $0x1;
	s6 =	sadd.s32 s21, s4  }
0x9e: {  	[timem:s8], [sflag:s22] =	dma.local [hbm:s6], s20  }
0x9f: {  	_ =	swait.ge [sflag:s22], s20  }
0xa0: {  	s5 =	ssub.s32 $0x0, s20;
	[sflag:s22] =	ssyncset.done $0x0  }
0xa1: {  	[sflag:s22] =	ssyncadd.s32 s5;
	_ =	sdelay $0x1  }
0xa2: {  	s23 =	simm.s32 $0x1B8B  }
0xa3: {  	_ =	swait.ge [sflag:s23], $0x1  }
0xa4: {  	[sflag:s23] =	ssyncset.done $0x0  }
0xa5: {  	s25 =	simm.s32 $0x1B8E;
	s24 =	sld [smem:$0x3FFE];
	[sflag:s23] =	ssyncadd.s32 $0xFFFFFFFF  }
0xa6: {  	s26 =	simm.s32 $execute0_lowered;
	[smem:$0x3FD2] =	sst s25  }
0xa7: {  	s6 =	sshll.u32 s26, $0x1;
	_ =	strace $0x80000046;
	[dreg:$0x1] =	wrdreg $0xFFFFFFFF  }
0xa8: {  	s28 =	simm.s32 $_size_execute0_lowered;
	s4 =	sadd.s32 s4, s6;
	[dreg:$0x0] =	wrdreg $0x0  }
0xa9: {  	s6 =	sshll.u32 s28, $0x1;
	[dreg:$0x2] =	wrdreg s4  }
0xaa: {  	[dreg:$0x3] =	wrdreg s6  }
0xab: {  	[dreg:$0x4] =	wrdreg $0xC0  }
0xac: {  	_ =	task [dreg:s8], $0x5FFFF  }
0xad: {  	[dreg:$0x1] =	wrdreg $0xFFFFFFFF  }
0xae: {  	[dreg:$0x0] =	wrdreg $0x60  }
0xaf: {  	[dreg:$0x2] =	wrdreg s2  }
0xb0: {  	[dreg:$0x3] =	wrdreg s24  }
0xb1: {  	[dreg:$0x4] =	wrdreg s18  }
0xb2: {  	[dreg:$0x5] =	wrdreg $0x90000  }
0xb3: {  	[dreg:$0x6] =	wrdreg $0x9  }
0xb4: {  	_ =	task.clear_ibuf [dreg:s8], $0x7FFFF;
	_ =	strace $0x90000046  }
0xb5: {  	s29 =	simm.s32 $0x9;
	_ =	strace $0x80000048  }
0xb6: {  	_ =	swait.ge [sflag:s29], $0x1  }
0xb7: {  	[sflag:s29] =	ssyncadd.s32 $0xFFFFFFFF  }
0xb8: {  	_ =	strace $0x90000048  }
0xb9: {  	_ =	sfence  }
0xba: {  	s30 =	sld [smem:$0x0];
	_ =	sdelay $0x2  }
0xbb: {  	s31 =	sshll.u32 s1, $0xD;
	s1 =	sshrl.u32 s1, $0x2  }
0xbc: {  	s3 =	sand.u32 $0x4000, s31;
	s1 =	sadd.s32 s1, s30  }
0xbd: {  	s0 =	sor.u32 s3, s0;
	s1 =	sshll.u32 s1, $0x11  }
0xbe: {  	s0 =	sor.u32 s1, s0  }
0xbf: {  	s0 =	sadd.s32 $0x8F2B, s0  }
0xc0: {  	[sflag:s0] =	ssyncadd.remote.s32 $0x1  }
0xc1: {  	_ =	sfence.sel $0xFFFF  }
0xc2: {  	[dreg:$0x0] =	wrdreg $0xFFFFFFFF;
	(pc) =	sbr.abs _section_cstart, $3  }
0xc3: {  	[dreg:$0x1] =	wrdreg $0xFFFFFFFF  }
0xc4: {  	_ =	task.clear_ibuf [dreg:s8], $0x2FFFF;
	_ =	strace $0x9FFFFFFF  }
0xc5: {  	(tm) =	ssettm $0x7FFFFFFF  }
tec
execute0_lowered:
.L_overlay_start_1:
0x0: {  	(tag) =	ssettag $0x1  }
0x1: {  	s1 =	rddreg [dreg:$0x0]  }
0x2: {  	s2 =	rddreg [dreg:$0x1]  }
0x3: {  	s8 =	rddreg [dreg:$0x2]  }
0x4: {  	s3 =	rddreg [dreg:$0x3];
	s0 =	srdreg.scid  }
0x5: {  	s18 =	stileid.u32;
	s4 =	simm.s32 $0x0;
	s19 =	simm.s32 $0x1CC80  }
0x6: {  	s20 =	simm.s32 $0x80;
	s21 =	simm.s32 $0x100;
	s22 =	simm.s32 $0x880  }
0x7: {  	s23 =	simm.s32 $0x180;
	s24 =	simm.s32 $0x900;
	s28 =	simm.s32 $0x5000  }
0x8: {  	s29 =	simm.s32 $0x1D080;
	s30 =	simm.s32 $0x1;
	s31 =	simm.s32 $0x4  }
0x9: {  	s7 =	sand.u32 $0x1, s0;
	s25 =	sshll.u32 s18, $0x1;
	[smem:$0x7FF] =	sst s4  }
0xa: {  	s14 =	sadd.s32 $0x3800, s2;
	_ =	strace $0x80000047;
	[dreg:$0x5] =	wrdreg s19  }
0xb: {  	s0 =	sadd.s32 $0x17800, s2;
	s5 =	sadd.s32 $0x2B200, s2;
	[dreg:$0x6] =	wrdreg s20  }
0xc: {  	s2 =	sadd.s32 $0x2DA00, s2;
	s10 =	smul.u32 $0x4E000, s18;
	[dreg:$0x7] =	wrdreg s21  }
0xd: {  	s16 =	smul.u32 $0x13800, s18;
	p0 =	seq.s32 s18, $0xF;
	[dreg:$0x8] =	wrdreg s22  }
0xe: {  	p1 =	sne.s32 s18, $0xF;
	s12 =	sor.u32 s7, s25;
	[dreg:$0x9] =	wrdreg s23  }
0xf: {  	s11 =	ssub.s32 $0x2, s7;
	[dreg:$0xa] =	wrdreg s24;
	s25 =	simm.s32 $0x200  }
0x10: {  	s13 =	smul.u32 $0x138800, s7;
	s20 =	simm.s32 $0xA80;
	[dreg:$0xb] =	wrdreg s25  }
0x11: {  	s19 =	smul.u32 $0x4E20, s18;
	s21 =	simm.s32 $0x380;
	[dreg:$0x10] =	wrdreg s20  }
0x12: {  	s22 =	simm.s32 $0xB00;
	s6 =	smul.u32 $0x2800, s12;
	[dreg:$0x11] =	wrdreg s21  }
0x13: {  	s23 =	simm.s32 $0xB80;
	s9 =	smul.u32 $0x2710, s12;
	[dreg:$0x12] =	wrdreg s22  }
0x14: {  	s15 =	sshrl.u32 s11, $0x1;
	[dreg:$0x13] =	wrdreg s23;
	s25 =	simm.s32 $0x480  }
0x15: {  	s10 =	sshrl.u32 s10, $0x2;
	s20 =	simm.s32 $0x680;
	[dreg:$0x14] =	wrdreg s25  }
0x16: {  	s12 =	smul.u32 $0x4F0, s12;
	s21 =	simm.s32 $0xE00;
	[dreg:$0x1b] =	wrdreg s20  }
0x17: {  	s22 =	simm.s32 $0x700;
	s23 =	simm.s32 $0xE80;
	[dreg:$0x1c] =	wrdreg s21  }
0x18: {  	s15 =	ssub.s32 s11, s15;
	s26 =	sadd.s32 s16, s13;
	[dreg:$0x1d] =	wrdreg s22  }
0x19: {  	s13 =	sshrl.u32 s13, $0x3;
	[dreg:$0x1e] =	wrdreg s23;
	s21 =	simm.s32 $0x3  }
0x1a: {  	s25 =	simm.s32 $0xF00;
	s22 =	simm.s32 $0x7D;
	s23 =	simm.s32 $0x1000  }
0x1b: {  	s6 =	sshrl.u32 s6, $0x3;
	s9 =	sshrl.u32 s9, $0x3;
	s11 =	sshrl.u32 s26, $0x3  }
0x1c: {  	s12 =	sadd.s32 s8, s12;
	[smem:$0x7FC] =	sst s25;
	s6 =	sadd.s32 s14, s6  }
0x1d: {  	s26 =	smul.u32 $0xA00, s18;
	s17 =	sadd.s32 s2, s11;
	[smem:$0x7F7] =	sst s6  }
0x1e: {  	s2 =	sadd.s32 s2, s13;
	s11 =	simm.s32 $0x280;
	[smem:$0x7FA] =	sst s17  }
0x1f: {  	s13 =	smax.u32 s15, $0x1;
	s15 =	simm.s32 $0xA00;
	[dreg:$0xd] =	wrdreg s11  }
0x20: {  	s9 =	sadd.s32 s0, s9;
	s6 =	sadd.s32 $0xA000, s6;
	[dreg:$0xe] =	wrdreg s15  }
0x21: {  	s16 =	sadd.s32 $0x9C40, s9;
	s9 =	sadd.s32 s10, s3;
	[smem:$0x7F8] =	sst s6  }
0x22: {  	s10 =	sadd.s32 $0x124800, s3;
	s2 =	sadd.s32 $0x27000, s2;
	[smem:$0x7F9] =	sst s16  }
0x23: {  	s14 =	sadd.s32 s26, s14;
	s17 =	simm.s32 $0x300;
	[smem:$0x7FB] =	sst s2  }
0x24: {  	s26 =	simm.s32 $0x500;
	s11 =	simm.s32 $0x580;
	[dreg:$0xf] =	wrdreg s17  }
0x25: {  	s2 =	sadd.s32 $0x138000, s3;
	s16 =	smul.u32 $0x500, s7;
	[dreg:$0x15] =	wrdreg s26  }
0x26: {  	s6 =	simm.s32 $0x980;
	s7 =	smul.u32 $0x2710, s7;
	[dreg:$0x17] =	wrdreg s11  }
0x27: {  	s17 =	simm.s32 $0x600;
	s26 =	simm.s32 $0xF80;
	[dreg:$0xc] =	wrdreg s6  }
0x28: {  	s6 =	simm.s32 $0xC80;
	[dreg:$0x19] =	wrdreg s17;
	s17 =	simm.s32 $0x800  }
0x29: {  	[smem:$0x7FD] =	sst s26;
	s25 =	sshrl.u32 @!p1 s2, $0x3;
	s26 =	simm.s32 $0xC00  }
0x2a: {  	s14 =	sadd.s32 s16, s14;
	[dreg:$0x16] =	wrdreg s6;
	s16 =	simm.s32 $0xD00  }
0x2b: {  	s7 =	sadd.s32 s7, s19;
	s19 =	simm.s32 $0xD80;
	[dreg:$0x18] =	wrdreg s16  }
0x2c: {  	s24 =	sadd.s32 $0x4E9D0, s7;
	s7 =	sadd.s32 $0x4E5E8, s7;
	[dreg:$0x1a] =	wrdreg s19  }
0x2d: {  	s19 =	sshrl.u32 @p0 s10, $0x3;
	s10 =	sshll.u32 @!p0 s18, $0x6;
	s18 =	simm.s32 $0x0  }
0x2e: {  	s15 =	sshrl.u32 s24, $0x3;
	s7 =	sshrl.u32 s7, $0x3;
	s20 =	sor.u32 @!p0 $0x1C04, s10  }
0x2f: {  	s24 =	simm.s32 $0x780;
	s8 =	sadd.s32 s15, s0;
	s7 =	sadd.s32 s7, s0  }
0x30: {  	v0 =	vimm.f32 $0.0e+00;
	v1 =	vimm.f32 $1.000000000e+00;
	vm0 =	vcmask $0x3F20;
	[dreg:$0x1f] =	wrdreg s24;
	s24 =	simm.s32 $0x400;
	s0 =	simm.s32 $0x2  }
.LBB2_1:
0x31: {  	s2 =	sld [smem:$0x7F7];
	_ =	sdelay $0x1  }
0x32: {  	s15 =	sld [smem:$0x7F8]  }
0x33: {  	[tilespmem:s4], [sflag:$0x3] =	stream.linear.gather [hbm4b:s2+s4], $0x400, $0x38;
	[tilespmem:$0x1F800] =	vst v63  }
0x34: {  	s16 =	sld [smem:$0x7F9]  }
0x35: {  	[tilespmem:s17], [sflag:$0x3] =	stream.linear.gather [hbm4b:s15+s4], $0x400, $0x38;
	[tilespmem:$0x1F800] =	vst v63  }
0x36: {  	s6 =	simm.s32 $0x1C880;
	s2 =	simm.s32 @p0 $0x1FC4  }
0x37: {  	[tilespmem:s6], [sflag:$0x3] =	stream.linear.gather [hbm4b:s16+s4], $0x3E8, $0x38;
	[tilespmem:$0x1F800] =	vst v63  }
0x38: {  	[spmem:s19], [sflag:s2] =	dma.local @p0 [hbm:s5], $0x2800  }
0x39: {  	s2 =	simm.s32 @p0 $0x4  }
0x3a: {  	_ =	swait.ge @p0 [sflag:s2], $0x2800  }
0x3b: {  	[sflag:s2] =	ssyncset.done @p0 $0x0  }
0x3c: {  	[sflag:s2] =	ssyncadd.s32 @p0 $0xFFFFD800;
	s2 =	sshrl.u32 @!p0 s9, $0x3  }
0x3d: {  	[spmem:s2], [sflag:s20] =	dma.local @!p0 [hbm:s5], $0x2700  }
0x3e: {  	s2 =	simm.s32 @!p0 $0x4  }
0x3f: {  	_ =	swait.ge @!p0 [sflag:s2], $0x2700  }
0x40: {  	[sflag:s2] =	ssyncset.done @!p0 $0x0  }
0x41: {  	s10 =	simm.s32 $0x0;
	[sflag:s2] =	ssyncadd.s32 @!p0 $0xFFFFD900;
	s2 =	simm.s32 $0x40  }
.LBB2_2:
0x42: {  	p2 =	sne.s32 s2, $0x9C00;
	[tilespmem:s10+$0x1D080] =	vst v0;
	s10 =	smov.u32 s2;
	s2 =	sadd.s32 $0x40, s2  }
.Ltmp0:
0x43: {  	(pc) =	sbr.rel @p2 .LBB2_2-.Ltmp0, $2  }
0x44: {  	_ =	sdelay $0x2  }
0x45: {  	s10 =	sshra.s32 s10, $0x2  }
0x46: {  	[tilespmem:s10+$0x1D080] =	vst v0  }
0x47: {  	_ =	swait.ge [sflag:s21], $0x400  }
0x48: {  	[sflag:s21] =	ssyncset.done $0x0  }
0x49: {  	[sflag:s21] =	ssyncadd.s32 $0xFFFFFC00  }
0x4a: {  	_ =	swait.ge [sflag:s21], $0x400  }
0x4b: {  	[sflag:s21] =	ssyncset.done $0x0  }
0x4c: {  	[sflag:s21] =	ssyncadd.s32 $0xFFFFFC00  }
0x4d: {  	_ =	swait.ge [sflag:s21], $0x3E8  }
0x4e: {  	[sflag:s21] =	ssyncset.done $0x0  }
0x4f: {  	s2 =	simm.s32 $0x0;
	[sflag:s21] =	ssyncadd.s32 $0xFFFFFC18  }
0x50: {  	[tilespmem:s23], [sflag:$0x1] =	stream.indirect.gather [hbm4b:s1+s22], $0x80, s2, s22, $0xb8;
	[tilespmem:$0x1F800] =	vst v63  }
0x51: {  	s16 =	smov.u32 s7;
	s15 =	smov.u32 s8;
	[bflag:$0x0] =	sbarrier.arrive $0xFFFF  }
.LBB2_4:
0x52: {  	s10 =	sadd.s32 s2, s14  }
0x53: {  	s6 =	sadd.s32 $0x80, s10  }
0x54: {  	[tilespmem:s24], [sflag:$0x3] =	stream.linear.gather [hbm4b:s6+s4], $0x400, $0x38;
	[tilespmem:$0x1F800] =	vst v63  }
0x55: {  	s11 =	sadd.s32 $0xA080, s10  }
0x56: {  	[tilespmem:s26], [sflag:$0x3] =	stream.linear.gather [hbm4b:s11+s4], $0x400, $0x38;
	[tilespmem:$0x1F800] =	vst v63  }
0x57: {  	s10 =	rddreg [dreg:$0x5]  }
0x58: {  	[tilespmem:s10], [sflag:$0x3] =	stream.linear.gather [hbm4b:s16+s4], $0x3E8, $0x38;
	[tilespmem:$0x1F800] =	vst v63  }
0x59: {  	s11 =	rddreg [dreg:$0x6]  }
0x5a: {  	[tilespmem:s28], [sflag:$0x2] =	stream.indirect.gather [hbm4b:s1+s22], $0x80, s11, s22, $0xb8;
	[tilespmem:$0x1F800] =	vst v63  }
0x5b: {  	v2 =	vld [tilespmem:$0x1C880];
	_ =	sdelay $0x7  }
0x5c: {  	[tilespmem:v2+s29+$0x0] =	vst.idx.add.f32.msk $0xffff, v1  }
0x5d: {  	v2 =	vld [tilespmem:$0x1C890];
	_ =	sdelay $0x7  }
0x5e: {  	[tilespmem:v2+s29+$0x0] =	vst.idx.add.f32.msk $0xffff, v1  }
0x5f: {  	v2 =	vld [tilespmem:$0x1C8A0];
	_ =	sdelay $0x7  }
0x60: {  	[tilespmem:v2+s29+$0x0] =	vst.idx.add.f32.msk $0xffff, v1  }
0x61: {  	v2 =	vld [tilespmem:$0x1C8B0];
	_ =	sdelay $0x7  }
0x62: {  	[tilespmem:v2+s29+$0x0] =	vst.idx.add.f32.msk $0xffff, v1  }
0x63: {  	v2 =	vld [tilespmem:$0x1C8C0];
	_ =	sdelay $0x7  }
0x64: {  	[tilespmem:v2+s29+$0x0] =	vst.idx.add.f32.msk $0xffff, v1  }
0x65: {  	v2 =	vld [tilespmem:$0x1C8D0];
	_ =	sdelay $0x7  }
0x66: {  	[tilespmem:v2+s29+$0x0] =	vst.idx.add.f32.msk $0xffff, v1  }
0x67: {  	v2 =	vld [tilespmem:$0x1C8E0];
	_ =	sdelay $0x7  }
0x68: {  	[tilespmem:v2+s29+$0x0] =	vst.idx.add.f32.msk $0xffff, v1  }
0x69: {  	v2 =	vld [tilespmem:$0x1C8F0];
	_ =	sdelay $0x7  }
0x6a: {  	[tilespmem:v2+s29+$0x0] =	vst.idx.add.f32.msk $0xffff, v1  }
0x6b: {  	_ =	swait.ge [sflag:s30], $0x3E80  }
0x6c: {  	[sflag:s30] =	ssyncset.done $0x0  }
0x6d: {  	[sflag:s30] =	ssyncadd.s32 $0xFFFFC180  }
0x6e: {  	[spmem:s3] =	stream.indirect.scatter.add.f32 [tilespmem:s23], [sflag:$0x4], $0x80, s17, s22, $0xb8;
	[tilespmem:$0x1F800] =	vst v63  }
0x6f: {  	_ =	swait.ge [sflag:s31], $0x3E80  }
0x70: {  	[sflag:s31] =	ssyncset.done $0x0  }
0x71: {  	s10 =	rddreg [dreg:$0x7];
	[sflag:s31] =	ssyncadd.s32 $0xFFFFC180  }
0x72: {  	[tilespmem:s23], [sflag:$0x1] =	stream.indirect.gather [hbm4b:s1+s22], $0x80, s10, s22, $0xb8;
	[tilespmem:$0x1F800] =	vst v63  }
0x73: {  	v2 =	vld [tilespmem:$0x1C900];
	_ =	sdelay $0x7  }
0x74: {  	[tilespmem:v2+s29+$0x0] =	vst.idx.add.f32.msk $0xffff, v1  }
0x75: {  	v2 =	vld [tilespmem:$0x1C910];
	_ =	sdelay $0x7  }
0x76: {  	[tilespmem:v2+s29+$0x0] =	vst.idx.add.f32.msk $0xffff, v1  }
0x77: {  	v2 =	vld [tilespmem:$0x1C920];
	_ =	sdelay $0x7  }
0x78: {  	[tilespmem:v2+s29+$0x0] =	vst.idx.add.f32.msk $0xffff, v1  }
0x79: {  	v2 =	vld [tilespmem:$0x1C930];
	_ =	sdelay $0x7  }
0x7a: {  	[tilespmem:v2+s29+$0x0] =	vst.idx.add.f32.msk $0xffff, v1  }
0x7b: {  	v2 =	vld [tilespmem:$0x1C940];
	_ =	sdelay $0x7  }
0x7c: {  	[tilespmem:v2+s29+$0x0] =	vst.idx.add.f32.msk $0xffff, v1  }
0x7d: {  	v2 =	vld [tilespmem:$0x1C950];
	_ =	sdelay $0x7  }
0x7e: {  	[tilespmem:v2+s29+$0x0] =	vst.idx.add.f32.msk $0xffff, v1  }
0x7f: {  	v2 =	vld [tilespmem:$0x1C960];
	_ =	sdelay $0x7  }
0x80: {  	[tilespmem:v2+s29+$0x0] =	vst.idx.add.f32.msk $0xffff, v1  }
0x81: {  	v2 =	vld [tilespmem:$0x1C970];
	_ =	sdelay $0x7  }
0x82: {  	[tilespmem:v2+s29+$0x0] =	vst.idx.add.f32.msk $0xffff, v1  }
0x83: {  	_ =	swait.ge [sflag:s0], $0x3E80  }
0x84: {  	[sflag:s0] =	ssyncset.done $0x0  }
0x85: {  	s11 =	rddreg [dreg:$0x8];
	[sflag:s0] =	ssyncadd.s32 $0xFFFFC180  }
0x86: {  	[spmem:s3] =	stream.indirect.scatter.add.f32 [tilespmem:s28], [sflag:$0x4], $0x80, s11, s22, $0xb8;
	[tilespmem:$0x1F800] =	vst v63  }
0x87: {  	_ =	swait.ge [sflag:s31], $0x3E80  }
0x88: {  	[sflag:s31] =	ssyncset.done $0x0  }
0x89: {  	s10 =	rddreg [dreg:$0x9];
	[sflag:s31] =	ssyncadd.s32 $0xFFFFC180  }
0x8a: {  	[tilespmem:s28], [sflag:$0x2] =	stream.indirect.gather [hbm4b:s1+s22], $0x80, s10, s22, $0xb8;
	[tilespmem:$0x1F800] =	vst v63  }
0x8b: {  	v2 =	vld [tilespmem:$0x1C980];
	_ =	sdelay $0x7  }
0x8c: {  	[tilespmem:v2+s29+$0x0] =	vst.idx.add.f32.msk $0xffff, v1  }
0x8d: {  	v2 =	vld [tilespmem:$0x1C990];
	_ =	sdelay $0x7  }
0x8e: {  	[tilespmem:v2+s29+$0x0] =	vst.idx.add.f32.msk $0xffff, v1  }
0x8f: {  	v2 =	vld [tilespmem:$0x1C9A0];
	_ =	sdelay $0x7  }
0x90: {  	[tilespmem:v2+s29+$0x0] =	vst.idx.add.f32.msk $0xffff, v1  }
0x91: {  	v2 =	vld [tilespmem:$0x1C9B0];
	_ =	sdelay $0x7  }
0x92: {  	[tilespmem:v2+s29+$0x0] =	vst.idx.add.f32.msk $0xffff, v1  }
0x93: {  	v2 =	vld [tilespmem:$0x1C9C0];
	_ =	sdelay $0x7  }
0x94: {  	[tilespmem:v2+s29+$0x0] =	vst.idx.add.f32.msk $0xffff, v1  }
0x95: {  	v2 =	vld [tilespmem:$0x1C9D0];
	_ =	sdelay $0x7  }
0x96: {  	[tilespmem:v2+s29+$0x0] =	vst.idx.add.f32.msk $0xffff, v1  }
0x97: {  	v2 =	vld [tilespmem:$0x1C9E0];
	_ =	sdelay $0x7  }
0x98: {  	[tilespmem:v2+s29+$0x0] =	vst.idx.add.f32.msk $0xffff, v1  }
0x99: {  	v2 =	vld [tilespmem:$0x1C9F0];
	_ =	sdelay $0x7  }
0x9a: {  	[tilespmem:v2+s29+$0x0] =	vst.idx.add.f32.msk $0xffff, v1  }
0x9b: {  	_ =	swait.ge [sflag:s30], $0x3E80  }
0x9c: {  	[sflag:s30] =	ssyncset.done $0x0  }
0x9d: {  	s11 =	rddreg [dreg:$0xa];
	[sflag:s30] =	ssyncadd.s32 $0xFFFFC180  }
0x9e: {  	[spmem:s3] =	stream.indirect.scatter.add.f32 [tilespmem:s23], [sflag:$0x4], $0x80, s11, s22, $0xb8;
	[tilespmem:$0x1F800] =	vst v63  }
0x9f: {  	_ =	swait.ge [sflag:s31], $0x3E80  }
0xa0: {  	[sflag:s31] =	ssyncset.done $0x0  }
0xa1: {  	s10 =	rddreg [dreg:$0xb];
	[sflag:s31] =	ssyncadd.s32 $0xFFFFC180  }
0xa2: {  	[tilespmem:s23], [sflag:$0x1] =	stream.indirect.gather [hbm4b:s1+s22], $0x80, s10, s22, $0xb8;
	[tilespmem:$0x1F800] =	vst v63  }
0xa3: {  	v2 =	vld [tilespmem:$0x1CA00];
	_ =	sdelay $0x7  }
0xa4: {  	[tilespmem:v2+s29+$0x0] =	vst.idx.add.f32.msk $0xffff, v1  }
0xa5: {  	v2 =	vld [tilespmem:$0x1CA10];
	_ =	sdelay $0x7  }
0xa6: {  	[tilespmem:v2+s29+$0x0] =	vst.idx.add.f32.msk $0xffff, v1  }
0xa7: {  	v2 =	vld [tilespmem:$0x1CA20];
	_ =	sdelay $0x7  }
0xa8: {  	[tilespmem:v2+s29+$0x0] =	vst.idx.add.f32.msk $0xffff, v1  }
0xa9: {  	v2 =	vld [tilespmem:$0x1CA30];
	_ =	sdelay $0x7  }
0xaa: {  	[tilespmem:v2+s29+$0x0] =	vst.idx.add.f32.msk $0xffff, v1  }
0xab: {  	v2 =	vld [tilespmem:$0x1CA40];
	_ =	sdelay $0x7  }
0xac: {  	[tilespmem:v2+s29+$0x0] =	vst.idx.add.f32.msk $0xffff, v1  }
0xad: {  	v2 =	vld [tilespmem:$0x1CA50];
	_ =	sdelay $0x7  }
0xae: {  	[tilespmem:v2+s29+$0x0] =	vst.idx.add.f32.msk $0xffff, v1  }
0xaf: {  	v2 =	vld [tilespmem:$0x1CA60];
	_ =	sdelay $0x7  }
0xb0: {  	[tilespmem:v2+s29+$0x0] =	vst.idx.add.f32.msk $0xffff, v1  }
0xb1: {  	v2 =	vld [tilespmem:$0x1CA70];
	_ =	sdelay $0x7  }
0xb2: {  	[tilespmem:v2+s29+$0x0] =	vst.idx.add.f32.msk $0xffff, v1  }
0xb3: {  	_ =	swait.ge [sflag:s0], $0x3E80  }
0xb4: {  	[sflag:s0] =	ssyncset.done $0x0  }
0xb5: {  	s11 =	rddreg [dreg:$0xc];
	[sflag:s0] =	ssyncadd.s32 $0xFFFFC180  }
0xb6: {  	[spmem:s3] =	stream.indirect.scatter.add.f32 [tilespmem:s28], [sflag:$0x4], $0x80, s11, s22, $0xb8;
	[tilespmem:$0x1F800] =	vst v63  }
0xb7: {  	_ =	swait.ge [sflag:s31], $0x3E80  }
0xb8: {  	[sflag:s31] =	ssyncset.done $0x0  }
0xb9: {  	s10 =	rddreg [dreg:$0xd];
	[sflag:s31] =	ssyncadd.s32 $0xFFFFC180  }
0xba: {  	[tilespmem:s28], [sflag:$0x2] =	stream.indirect.gather [hbm4b:s1+s22], $0x80, s10, s22, $0xb8;
	[tilespmem:$0x1F800] =	vst v63  }
0xbb: {  	v2 =	vld [tilespmem:$0x1CA80];
	_ =	sdelay $0x7  }
0xbc: {  	[tilespmem:v2+s29+$0x0] =	vst.idx.add.f32.msk $0xffff, v1  }
0xbd: {  	v2 =	vld [tilespmem:$0x1CA90];
	_ =	sdelay $0x7  }
0xbe: {  	[tilespmem:v2+s29+$0x0] =	vst.idx.add.f32.msk $0xffff, v1  }
0xbf: {  	v2 =	vld [tilespmem:$0x1CAA0];
	_ =	sdelay $0x7  }
0xc0: {  	[tilespmem:v2+s29+$0x0] =	vst.idx.add.f32.msk $0xffff, v1  }
0xc1: {  	v2 =	vld [tilespmem:$0x1CAB0];
	_ =	sdelay $0x7  }
0xc2: {  	[tilespmem:v2+s29+$0x0] =	vst.idx.add.f32.msk $0xffff, v1  }
0xc3: {  	v2 =	vld [tilespmem:$0x1CAC0];
	_ =	sdelay $0x7  }
0xc4: {  	[tilespmem:v2+s29+$0x0] =	vst.idx.add.f32.msk $0xffff, v1  }
0xc5: {  	v2 =	vld [tilespmem:$0x1CAD0];
	_ =	sdelay $0x7  }
0xc6: {  	[tilespmem:v2+s29+$0x0] =	vst.idx.add.f32.msk $0xffff, v1  }
0xc7: {  	v2 =	vld [tilespmem:$0x1CAE0];
	_ =	sdelay $0x7  }
0xc8: {  	[tilespmem:v2+s29+$0x0] =	vst.idx.add.f32.msk $0xffff, v1  }
0xc9: {  	v2 =	vld [tilespmem:$0x1CAF0];
	_ =	sdelay $0x7  }
0xca: {  	[tilespmem:v2+s29+$0x0] =	vst.idx.add.f32.msk $0xffff, v1  }
0xcb: {  	_ =	swait.ge [sflag:s30], $0x3E80  }
0xcc: {  	[sflag:s30] =	ssyncset.done $0x0  }
0xcd: {  	s11 =	rddreg [dreg:$0xe];
	[sflag:s30] =	ssyncadd.s32 $0xFFFFC180  }
0xce: {  	[spmem:s3] =	stream.indirect.scatter.add.f32 [tilespmem:s23], [sflag:$0x4], $0x80, s11, s22, $0xb8;
	[tilespmem:$0x1F800] =	vst v63  }
0xcf: {  	_ =	swait.ge [sflag:s31], $0x3E80  }
0xd0: {  	[sflag:s31] =	ssyncset.done $0x0  }
0xd1: {  	s10 =	rddreg [dreg:$0xf];
	[sflag:s31] =	ssyncadd.s32 $0xFFFFC180  }
0xd2: {  	[tilespmem:s23], [sflag:$0x1] =	stream.indirect.gather [hbm4b:s1+s22], $0x80, s10, s22, $0xb8;
	[tilespmem:$0x1F800] =	vst v63  }
0xd3: {  	v2 =	vld [tilespmem:$0x1CB00];
	_ =	sdelay $0x7  }
0xd4: {  	[tilespmem:v2+s29+$0x0] =	vst.idx.add.f32.msk $0xffff, v1  }
0xd5: {  	v2 =	vld [tilespmem:$0x1CB10];
	_ =	sdelay $0x7  }
0xd6: {  	[tilespmem:v2+s29+$0x0] =	vst.idx.add.f32.msk $0xffff, v1  }
0xd7: {  	v2 =	vld [tilespmem:$0x1CB20];
	_ =	sdelay $0x7  }
0xd8: {  	[tilespmem:v2+s29+$0x0] =	vst.idx.add.f32.msk $0xffff, v1  }
0xd9: {  	v2 =	vld [tilespmem:$0x1CB30];
	_ =	sdelay $0x7  }
0xda: {  	[tilespmem:v2+s29+$0x0] =	vst.idx.add.f32.msk $0xffff, v1  }
0xdb: {  	v2 =	vld [tilespmem:$0x1CB40];
	_ =	sdelay $0x7  }
0xdc: {  	[tilespmem:v2+s29+$0x0] =	vst.idx.add.f32.msk $0xffff, v1  }
0xdd: {  	v2 =	vld [tilespmem:$0x1CB50];
	_ =	sdelay $0x7  }
0xde: {  	[tilespmem:v2+s29+$0x0] =	vst.idx.add.f32.msk $0xffff, v1  }
0xdf: {  	v2 =	vld [tilespmem:$0x1CB60];
	_ =	sdelay $0x7  }
0xe0: {  	[tilespmem:v2+s29+$0x0] =	vst.idx.add.f32.msk $0xffff, v1  }
0xe1: {  	v2 =	vld [tilespmem:$0x1CB70];
	_ =	sdelay $0x7  }
0xe2: {  	[tilespmem:v2+s29+$0x0] =	vst.idx.add.f32.msk $0xffff, v1  }
0xe3: {  	_ =	swait.ge [sflag:s0], $0x3E80  }
0xe4: {  	[sflag:s0] =	ssyncset.done $0x0  }
0xe5: {  	s11 =	rddreg [dreg:$0x10];
	[sflag:s0] =	ssyncadd.s32 $0xFFFFC180  }
0xe6: {  	[spmem:s3] =	stream.indirect.scatter.add.f32 [tilespmem:s28], [sflag:$0x4], $0x80, s11, s22, $0xb8;
	[tilespmem:$0x1F800] =	vst v63  }
0xe7: {  	_ =	swait.ge [sflag:s31], $0x3E80  }
0xe8: {  	[sflag:s31] =	ssyncset.done $0x0  }
0xe9: {  	s10 =	rddreg [dreg:$0x11];
	[sflag:s31] =	ssyncadd.s32 $0xFFFFC180  }
0xea: {  	[tilespmem:s28], [sflag:$0x2] =	stream.indirect.gather [hbm4b:s1+s22], $0x80, s10, s22, $0xb8;
	[tilespmem:$0x1F800] =	vst v63  }
0xeb: {  	v2 =	vld [tilespmem:$0x1CB80];
	_ =	sdelay $0x7  }
0xec: {  	[tilespmem:v2+s29+$0x0] =	vst.idx.add.f32.msk $0xffff, v1  }
0xed: {  	v2 =	vld [tilespmem:$0x1CB90];
	_ =	sdelay $0x7  }
0xee: {  	[tilespmem:v2+s29+$0x0] =	vst.idx.add.f32.msk $0xffff, v1  }
0xef: {  	v2 =	vld [tilespmem:$0x1CBA0];
	_ =	sdelay $0x7  }
0xf0: {  	[tilespmem:v2+s29+$0x0] =	vst.idx.add.f32.msk $0xffff, v1  }
0xf1: {  	v2 =	vld [tilespmem:$0x1CBB0];
	_ =	sdelay $0x7  }
0xf2: {  	[tilespmem:v2+s29+$0x0] =	vst.idx.add.f32.msk $0xffff, v1  }
0xf3: {  	v2 =	vld [tilespmem:$0x1CBC0];
	_ =	sdelay $0x7  }
0xf4: {  	[tilespmem:v2+s29+$0x0] =	vst.idx.add.f32.msk $0xffff, v1  }
0xf5: {  	v2 =	vld [tilespmem:$0x1CBD0];
	_ =	sdelay $0x7  }
0xf6: {  	[tilespmem:v2+s29+$0x0] =	vst.idx.add.f32.msk $0xffff, v1  }
0xf7: {  	v2 =	vld [tilespmem:$0x1CBE0];
	_ =	sdelay $0x7  }
0xf8: {  	[tilespmem:v2+s29+$0x0] =	vst.idx.add.f32.msk $0xffff, v1  }
0xf9: {  	v2 =	vld [tilespmem:$0x1CBF0];
	_ =	sdelay $0x7  }
0xfa: {  	[tilespmem:v2+s29+$0x0] =	vst.idx.add.f32.msk $0xffff, v1  }
0xfb: {  	_ =	swait.ge [sflag:s30], $0x3E80  }
0xfc: {  	[sflag:s30] =	ssyncset.done $0x0  }
0xfd: {  	s11 =	rddreg [dreg:$0x12];
	[sflag:s30] =	ssyncadd.s32 $0xFFFFC180  }
0xfe: {  	[spmem:s3] =	stream.indirect.scatter.add.f32 [tilespmem:s23], [sflag:$0x4], $0x80, s11, s22, $0xb8;
	[tilespmem:$0x1F800] =	vst v63  }
0xff: {  	_ =	swait.ge [sflag:s31], $0x3E80  }
0x100: {  	[sflag:s31] =	ssyncset.done $0x0  }
0x101: {  	[sflag:s31] =	ssyncadd.s32 $0xFFFFC180  }
0x102: {  	_ =	swait.ge [sflag:s21], $0x400  }
0x103: {  	[sflag:s21] =	ssyncset.done $0x0  }
0x104: {  	[sflag:s21] =	ssyncadd.s32 $0xFFFFFC00  }
0x105: {  	_ =	swait.ge [sflag:s21], $0x400  }
0x106: {  	[sflag:s21] =	ssyncset.done $0x0  }
0x107: {  	[sflag:s21] =	ssyncadd.s32 $0xFFFFFC00  }
0x108: {  	_ =	swait.ge [sflag:s21], $0x3E8  }
0x109: {  	[sflag:s21] =	ssyncset.done $0x0  }
0x10a: {  	[sflag:s21] =	ssyncadd.s32 $0xFFFFFC18  }
0x10b: {  	[tilespmem:s23], [sflag:$0x1] =	stream.indirect.gather [hbm4b:s1+s22], $0x80, s24, s22, $0xb8;
	[tilespmem:$0x1F800] =	vst v63  }
0x10c: {  	v2 =	vld [tilespmem:$0x1CC00];
	_ =	sdelay $0x7  }
0x10d: {  	[tilespmem:v2+s29+$0x0] =	vst.idx.add.f32.msk $0xffff, v1  }
0x10e: {  	v2 =	vld [tilespmem:$0x1CC10];
	_ =	sdelay $0x7  }
0x10f: {  	[tilespmem:v2+s29+$0x0] =	vst.idx.add.f32.msk $0xffff, v1  }
0x110: {  	v2 =	vld [tilespmem:$0x1CC20];
	_ =	sdelay $0x7  }
0x111: {  	[tilespmem:v2+s29+$0x0] =	vst.idx.add.f32.msk $0xffff, v1  }
0x112: {  	v2 =	vld [tilespmem:$0x1CC30];
	_ =	sdelay $0x7  }
0x113: {  	[tilespmem:v2+s29+$0x0] =	vst.idx.add.f32.msk $0xffff, v1  }
0x114: {  	v2 =	vld [tilespmem:$0x1CC40];
	_ =	sdelay $0x7  }
0x115: {  	[tilespmem:v2+s29+$0x0] =	vst.idx.add.f32.msk $0xffff, v1  }
0x116: {  	v2 =	vld [tilespmem:$0x1CC50];
	_ =	sdelay $0x7  }
0x117: {  	[tilespmem:v2+s29+$0x0] =	vst.idx.add.f32.msk $0xffff, v1  }
0x118: {  	v2 =	vld [tilespmem:$0x1CC58];
	_ =	sdelay $0x7  }
0x119: {  	[tilespmem:v2+s29+$0x0] =	vst.idx.add.f32.msk vm0, v1  }
0x11a: {  	_ =	swait.ge [sflag:s0], $0x3E80  }
0x11b: {  	[sflag:s0] =	ssyncset.done $0x0  }
0x11c: {  	s10 =	rddreg [dreg:$0x13];
	[sflag:s0] =	ssyncadd.s32 $0xFFFFC180  }
0x11d: {  	[spmem:s3] =	stream.indirect.scatter.add.f32 [tilespmem:s28], [sflag:$0x4], $0x80, s10, s22, $0xb8;
	[tilespmem:$0x1F800] =	vst v63  }
0x11e: {  	p2 =	seq.s32 s2, $0x400;
	_ =	swait.ge [sflag:s31], $0x3E80  }
0x11f: {  	s6 =	sadd.s32 @!p2 s2, s14;
	[sflag:s31] =	ssyncset.done $0x0  }
0x120: {  	s11 =	sadd.s32 @!p2 $0x100, s6;
	s10 =	simm.s32 @!p2 $0x0;
	[sflag:s31] =	ssyncadd.s32 $0xFFFFC180  }
0x121: {  	[tilespmem:s10], [sflag:$0x3] =	stream.linear.gather @!p2 [hbm4b:s11+s10], $0x400, $0x38;
	[tilespmem:$0x1F800] =	vst v63  }
0x122: {  	s6 =	sadd.s32 @!p2 $0xA100, s6;
	s11 =	simm.s32 @!p2 $0x800  }
0x123: {  	[tilespmem:s11], [sflag:$0x3] =	stream.linear.gather @!p2 [hbm4b:s6+s10], $0x400, $0x38;
	[tilespmem:$0x1F800] =	vst v63  }
0x124: {  	s6 =	simm.s32 @!p2 $0x1C880  }
0x125: {  	[tilespmem:s6], [sflag:$0x3] =	stream.linear.gather @!p2 [hbm4b:s15+s10], $0x3E8, $0x38;
	[tilespmem:$0x1F800] =	vst v63  }
0x126: {  	s11 =	rddreg [dreg:$0x14]  }
0x127: {  	[tilespmem:s28], [sflag:$0x2] =	stream.indirect.gather [hbm4b:s1+s22], $0x80, s11, s22, $0xb8;
	[tilespmem:$0x1F800] =	vst v63  }
0x128: {  	v2 =	vld [tilespmem:$0x1CC80];
	_ =	sdelay $0x7  }
0x129: {  	[tilespmem:v2+s29+$0x0] =	vst.idx.add.f32.msk $0xffff, v1  }
0x12a: {  	v2 =	vld [tilespmem:$0x1CC90];
	_ =	sdelay $0x7  }
0x12b: {  	[tilespmem:v2+s29+$0x0] =	vst.idx.add.f32.msk $0xffff, v1  }
0x12c: {  	v2 =	vld [tilespmem:$0x1CCA0];
	_ =	sdelay $0x7  }
0x12d: {  	[tilespmem:v2+s29+$0x0] =	vst.idx.add.f32.msk $0xffff, v1  }
0x12e: {  	v2 =	vld [tilespmem:$0x1CCB0];
	_ =	sdelay $0x7  }
0x12f: {  	[tilespmem:v2+s29+$0x0] =	vst.idx.add.f32.msk $0xffff, v1  }
0x130: {  	v2 =	vld [tilespmem:$0x1CCC0];
	_ =	sdelay $0x7  }
0x131: {  	[tilespmem:v2+s29+$0x0] =	vst.idx.add.f32.msk $0xffff, v1  }
0x132: {  	v2 =	vld [tilespmem:$0x1CCD0];
	_ =	sdelay $0x7  }
0x133: {  	[tilespmem:v2+s29+$0x0] =	vst.idx.add.f32.msk $0xffff, v1  }
0x134: {  	v2 =	vld [tilespmem:$0x1CCE0];
	_ =	sdelay $0x7  }
0x135: {  	[tilespmem:v2+s29+$0x0] =	vst.idx.add.f32.msk $0xffff, v1  }
0x136: {  	v2 =	vld [tilespmem:$0x1CCF0];
	_ =	sdelay $0x7  }
0x137: {  	[tilespmem:v2+s29+$0x0] =	vst.idx.add.f32.msk $0xffff, v1  }
0x138: {  	_ =	swait.ge [sflag:s30], $0x3E80  }
0x139: {  	[sflag:s30] =	ssyncset.done $0x0  }
0x13a: {  	[sflag:s30] =	ssyncadd.s32 $0xFFFFC180  }
0x13b: {  	[spmem:s3] =	stream.indirect.scatter.add.f32 [tilespmem:s23], [sflag:$0x4], $0x80, s26, s22, $0xb8;
	[tilespmem:$0x1F800] =	vst v63  }
0x13c: {  	_ =	swait.ge [sflag:s31], $0x3E80  }
0x13d: {  	[sflag:s31] =	ssyncset.done $0x0  }
0x13e: {  	s11 =	rddreg [dreg:$0x15];
	[sflag:s31] =	ssyncadd.s32 $0xFFFFC180  }
0x13f: {  	[tilespmem:s23], [sflag:$0x1] =	stream.indirect.gather [hbm4b:s1+s22], $0x80, s11, s22, $0xb8;
	[tilespmem:$0x1F800] =	vst v63  }
0x140: {  	v2 =	vld [tilespmem:$0x1CD00];
	_ =	sdelay $0x7  }
0x141: {  	[tilespmem:v2+s29+$0x0] =	vst.idx.add.f32.msk $0xffff, v1  }
0x142: {  	v2 =	vld [tilespmem:$0x1CD10];
	_ =	sdelay $0x7  }
0x143: {  	[tilespmem:v2+s29+$0x0] =	vst.idx.add.f32.msk $0xffff, v1  }
0x144: {  	v2 =	vld [tilespmem:$0x1CD20];
	_ =	sdelay $0x7  }
0x145: {  	[tilespmem:v2+s29+$0x0] =	vst.idx.add.f32.msk $0xffff, v1  }
0x146: {  	v2 =	vld [tilespmem:$0x1CD30];
	_ =	sdelay $0x7  }
0x147: {  	[tilespmem:v2+s29+$0x0] =	vst.idx.add.f32.msk $0xffff, v1  }
0x148: {  	v2 =	vld [tilespmem:$0x1CD40];
	_ =	sdelay $0x7  }
0x149: {  	[tilespmem:v2+s29+$0x0] =	vst.idx.add.f32.msk $0xffff, v1  }
0x14a: {  	v2 =	vld [tilespmem:$0x1CD50];
	_ =	sdelay $0x7  }
0x14b: {  	[tilespmem:v2+s29+$0x0] =	vst.idx.add.f32.msk $0xffff, v1  }
0x14c: {  	v2 =	vld [tilespmem:$0x1CD60];
	_ =	sdelay $0x7  }
0x14d: {  	[tilespmem:v2+s29+$0x0] =	vst.idx.add.f32.msk $0xffff, v1  }
0x14e: {  	v2 =	vld [tilespmem:$0x1CD70];
	_ =	sdelay $0x7  }
0x14f: {  	[tilespmem:v2+s29+$0x0] =	vst.idx.add.f32.msk $0xffff, v1  }
0x150: {  	_ =	swait.ge [sflag:s0], $0x3E80  }
0x151: {  	[sflag:s0] =	ssyncset.done $0x0  }
0x152: {  	s11 =	rddreg [dreg:$0x16];
	[sflag:s0] =	ssyncadd.s32 $0xFFFFC180  }
0x153: {  	[spmem:s3] =	stream.indirect.scatter.add.f32 [tilespmem:s28], [sflag:$0x4], $0x80, s11, s22, $0xb8;
	[tilespmem:$0x1F800] =	vst v63  }
0x154: {  	_ =	swait.ge [sflag:s31], $0x3E80  }
0x155: {  	[sflag:s31] =	ssyncset.done $0x0  }
0x156: {  	s11 =	rddreg [dreg:$0x17];
	[sflag:s31] =	ssyncadd.s32 $0xFFFFC180  }
0x157: {  	[tilespmem:s28], [sflag:$0x2] =	stream.indirect.gather [hbm4b:s1+s22], $0x80, s11, s22, $0xb8;
	[tilespmem:$0x1F800] =	vst v63  }
0x158: {  	v2 =	vld [tilespmem:$0x1CD80];
	_ =	sdelay $0x7  }
0x159: {  	[tilespmem:v2+s29+$0x0] =	vst.idx.add.f32.msk $0xffff, v1  }
0x15a: {  	v2 =	vld [tilespmem:$0x1CD90];
	_ =	sdelay $0x7  }
0x15b: {  	[tilespmem:v2+s29+$0x0] =	vst.idx.add.f32.msk $0xffff, v1  }
0x15c: {  	v2 =	vld [tilespmem:$0x1CDA0];
	_ =	sdelay $0x7  }
0x15d: {  	[tilespmem:v2+s29+$0x0] =	vst.idx.add.f32.msk $0xffff, v1  }
0x15e: {  	v2 =	vld [tilespmem:$0x1CDB0];
	_ =	sdelay $0x7  }
0x15f: {  	[tilespmem:v2+s29+$0x0] =	vst.idx.add.f32.msk $0xffff, v1  }
0x160: {  	v2 =	vld [tilespmem:$0x1CDC0];
	_ =	sdelay $0x7  }
0x161: {  	[tilespmem:v2+s29+$0x0] =	vst.idx.add.f32.msk $0xffff, v1  }
0x162: {  	v2 =	vld [tilespmem:$0x1CDD0];
	_ =	sdelay $0x7  }
0x163: {  	[tilespmem:v2+s29+$0x0] =	vst.idx.add.f32.msk $0xffff, v1  }
0x164: {  	v2 =	vld [tilespmem:$0x1CDE0];
	_ =	sdelay $0x7  }
0x165: {  	[tilespmem:v2+s29+$0x0] =	vst.idx.add.f32.msk $0xffff, v1  }
0x166: {  	v2 =	vld [tilespmem:$0x1CDF0];
	_ =	sdelay $0x7  }
0x167: {  	[tilespmem:v2+s29+$0x0] =	vst.idx.add.f32.msk $0xffff, v1  }
0x168: {  	_ =	swait.ge [sflag:s30], $0x3E80  }
0x169: {  	[sflag:s30] =	ssyncset.done $0x0  }
0x16a: {  	s11 =	rddreg [dreg:$0x18];
	[sflag:s30] =	ssyncadd.s32 $0xFFFFC180  }
0x16b: {  	[spmem:s3] =	stream.indirect.scatter.add.f32 [tilespmem:s23], [sflag:$0x4], $0x80, s11, s22, $0xb8;
	[tilespmem:$0x1F800] =	vst v63  }
0x16c: {  	_ =	swait.ge [sflag:s31], $0x3E80  }
0x16d: {  	[sflag:s31] =	ssyncset.done $0x0  }
0x16e: {  	s11 =	rddreg [dreg:$0x19];
	[sflag:s31] =	ssyncadd.s32 $0xFFFFC180  }
0x16f: {  	[tilespmem:s23], [sflag:$0x1] =	stream.indirect.gather [hbm4b:s1+s22], $0x80, s11, s22, $0xb8;
	[tilespmem:$0x1F800] =	vst v63  }
0x170: {  	v2 =	vld [tilespmem:$0x1CE00];
	_ =	sdelay $0x7  }
0x171: {  	[tilespmem:v2+s29+$0x0] =	vst.idx.add.f32.msk $0xffff, v1  }
0x172: {  	v2 =	vld [tilespmem:$0x1CE10];
	_ =	sdelay $0x7  }
0x173: {  	[tilespmem:v2+s29+$0x0] =	vst.idx.add.f32.msk $0xffff, v1  }
0x174: {  	v2 =	vld [tilespmem:$0x1CE20];
	_ =	sdelay $0x7  }
0x175: {  	[tilespmem:v2+s29+$0x0] =	vst.idx.add.f32.msk $0xffff, v1  }
0x176: {  	v2 =	vld [tilespmem:$0x1CE30];
	_ =	sdelay $0x7  }
0x177: {  	[tilespmem:v2+s29+$0x0] =	vst.idx.add.f32.msk $0xffff, v1  }
0x178: {  	v2 =	vld [tilespmem:$0x1CE40];
	_ =	sdelay $0x7  }
0x179: {  	[tilespmem:v2+s29+$0x0] =	vst.idx.add.f32.msk $0xffff, v1  }
0x17a: {  	v2 =	vld [tilespmem:$0x1CE50];
	_ =	sdelay $0x7  }
0x17b: {  	[tilespmem:v2+s29+$0x0] =	vst.idx.add.f32.msk $0xffff, v1  }
0x17c: {  	v2 =	vld [tilespmem:$0x1CE60];
	_ =	sdelay $0x7  }
0x17d: {  	[tilespmem:v2+s29+$0x0] =	vst.idx.add.f32.msk $0xffff, v1  }
0x17e: {  	v2 =	vld [tilespmem:$0x1CE70];
	_ =	sdelay $0x7  }
0x17f: {  	[tilespmem:v2+s29+$0x0] =	vst.idx.add.f32.msk $0xffff, v1  }
0x180: {  	_ =	swait.ge [sflag:s0], $0x3E80  }
0x181: {  	[sflag:s0] =	ssyncset.done $0x0  }
0x182: {  	s11 =	rddreg [dreg:$0x1a];
	[sflag:s0] =	ssyncadd.s32 $0xFFFFC180  }
0x183: {  	[spmem:s3] =	stream.indirect.scatter.add.f32 [tilespmem:s28], [sflag:$0x4], $0x80, s11, s22, $0xb8;
	[tilespmem:$0x1F800] =	vst v63  }
0x184: {  	_ =	swait.ge [sflag:s31], $0x3E80  }
0x185: {  	[sflag:s31] =	ssyncset.done $0x0  }
0x186: {  	s11 =	rddreg [dreg:$0x1b];
	[sflag:s31] =	ssyncadd.s32 $0xFFFFC180  }
0x187: {  	[tilespmem:s28], [sflag:$0x2] =	stream.indirect.gather [hbm4b:s1+s22], $0x80, s11, s22, $0xb8;
	[tilespmem:$0x1F800] =	vst v63  }
0x188: {  	v2 =	vld [tilespmem:$0x1CE80];
	_ =	sdelay $0x7  }
0x189: {  	[tilespmem:v2+s29+$0x0] =	vst.idx.add.f32.msk $0xffff, v1  }
0x18a: {  	v2 =	vld [tilespmem:$0x1CE90];
	_ =	sdelay $0x7  }
0x18b: {  	[tilespmem:v2+s29+$0x0] =	vst.idx.add.f32.msk $0xffff, v1  }
0x18c: {  	v2 =	vld [tilespmem:$0x1CEA0];
	_ =	sdelay $0x7  }
0x18d: {  	[tilespmem:v2+s29+$0x0] =	vst.idx.add.f32.msk $0xffff, v1  }
0x18e: {  	v2 =	vld [tilespmem:$0x1CEB0];
	_ =	sdelay $0x7  }
0x18f: {  	[tilespmem:v2+s29+$0x0] =	vst.idx.add.f32.msk $0xffff, v1  }
0x190: {  	v2 =	vld [tilespmem:$0x1CEC0];
	_ =	sdelay $0x7  }
0x191: {  	[tilespmem:v2+s29+$0x0] =	vst.idx.add.f32.msk $0xffff, v1  }
0x192: {  	v2 =	vld [tilespmem:$0x1CED0];
	_ =	sdelay $0x7  }
0x193: {  	[tilespmem:v2+s29+$0x0] =	vst.idx.add.f32.msk $0xffff, v1  }
0x194: {  	v2 =	vld [tilespmem:$0x1CEE0];
	_ =	sdelay $0x7  }
0x195: {  	[tilespmem:v2+s29+$0x0] =	vst.idx.add.f32.msk $0xffff, v1  }
0x196: {  	v2 =	vld [tilespmem:$0x1CEF0];
	_ =	sdelay $0x7  }
0x197: {  	[tilespmem:v2+s29+$0x0] =	vst.idx.add.f32.msk $0xffff, v1  }
0x198: {  	_ =	swait.ge [sflag:s30], $0x3E80  }
0x199: {  	[sflag:s30] =	ssyncset.done $0x0  }
0x19a: {  	s11 =	rddreg [dreg:$0x1c];
	[sflag:s30] =	ssyncadd.s32 $0xFFFFC180  }
0x19b: {  	[spmem:s3] =	stream.indirect.scatter.add.f32 [tilespmem:s23], [sflag:$0x4], $0x80, s11, s22, $0xb8;
	[tilespmem:$0x1F800] =	vst v63  }
0x19c: {  	_ =	swait.ge [sflag:s31], $0x3E80  }
0x19d: {  	[sflag:s31] =	ssyncset.done $0x0  }
0x19e: {  	s11 =	rddreg [dreg:$0x1d];
	[sflag:s31] =	ssyncadd.s32 $0xFFFFC180  }
0x19f: {  	[tilespmem:s23], [sflag:$0x1] =	stream.indirect.gather [hbm4b:s1+s22], $0x80, s11, s22, $0xb8;
	[tilespmem:$0x1F800] =	vst v63  }
0x1a0: {  	v2 =	vld [tilespmem:$0x1CF00];
	_ =	sdelay $0x7  }
0x1a1: {  	[tilespmem:v2+s29+$0x0] =	vst.idx.add.f32.msk $0xffff, v1  }
0x1a2: {  	v2 =	vld [tilespmem:$0x1CF10];
	_ =	sdelay $0x7  }
0x1a3: {  	[tilespmem:v2+s29+$0x0] =	vst.idx.add.f32.msk $0xffff, v1  }
0x1a4: {  	v2 =	vld [tilespmem:$0x1CF20];
	_ =	sdelay $0x7  }
0x1a5: {  	[tilespmem:v2+s29+$0x0] =	vst.idx.add.f32.msk $0xffff, v1  }
0x1a6: {  	v2 =	vld [tilespmem:$0x1CF30];
	_ =	sdelay $0x7  }
0x1a7: {  	[tilespmem:v2+s29+$0x0] =	vst.idx.add.f32.msk $0xffff, v1  }
0x1a8: {  	v2 =	vld [tilespmem:$0x1CF40];
	_ =	sdelay $0x7  }
0x1a9: {  	[tilespmem:v2+s29+$0x0] =	vst.idx.add.f32.msk $0xffff, v1  }
0x1aa: {  	v2 =	vld [tilespmem:$0x1CF50];
	_ =	sdelay $0x7  }
0x1ab: {  	[tilespmem:v2+s29+$0x0] =	vst.idx.add.f32.msk $0xffff, v1  }
0x1ac: {  	v2 =	vld [tilespmem:$0x1CF60];
	_ =	sdelay $0x7  }
0x1ad: {  	[tilespmem:v2+s29+$0x0] =	vst.idx.add.f32.msk $0xffff, v1  }
0x1ae: {  	v2 =	vld [tilespmem:$0x1CF70];
	_ =	sdelay $0x7  }
0x1af: {  	[tilespmem:v2+s29+$0x0] =	vst.idx.add.f32.msk $0xffff, v1  }
0x1b0: {  	_ =	swait.ge [sflag:s0], $0x3E80  }
0x1b1: {  	[sflag:s0] =	ssyncset.done $0x0  }
0x1b2: {  	s11 =	rddreg [dreg:$0x1e];
	[sflag:s0] =	ssyncadd.s32 $0xFFFFC180  }
0x1b3: {  	[spmem:s3] =	stream.indirect.scatter.add.f32 [tilespmem:s28], [sflag:$0x4], $0x80, s11, s22, $0xb8;
	[tilespmem:$0x1F800] =	vst v63  }
0x1b4: {  	_ =	swait.ge [sflag:s31], $0x3E80  }
0x1b5: {  	[sflag:s31] =	ssyncset.done $0x0  }
0x1b6: {  	s11 =	rddreg [dreg:$0x1f];
	[sflag:s31] =	ssyncadd.s32 $0xFFFFC180  }
0x1b7: {  	[tilespmem:s28], [sflag:$0x2] =	stream.indirect.gather [hbm4b:s1+s22], $0x80, s11, s22, $0xb8;
	[tilespmem:$0x1F800] =	vst v63  }
0x1b8: {  	v2 =	vld [tilespmem:$0x1CF80];
	_ =	sdelay $0x7  }
0x1b9: {  	[tilespmem:v2+s29+$0x0] =	vst.idx.add.f32.msk $0xffff, v1  }
0x1ba: {  	v2 =	vld [tilespmem:$0x1CF90];
	_ =	sdelay $0x7  }
0x1bb: {  	[tilespmem:v2+s29+$0x0] =	vst.idx.add.f32.msk $0xffff, v1  }
0x1bc: {  	v2 =	vld [tilespmem:$0x1CFA0];
	_ =	sdelay $0x7  }
0x1bd: {  	[tilespmem:v2+s29+$0x0] =	vst.idx.add.f32.msk $0xffff, v1  }
0x1be: {  	v2 =	vld [tilespmem:$0x1CFB0];
	_ =	sdelay $0x7  }
0x1bf: {  	[tilespmem:v2+s29+$0x0] =	vst.idx.add.f32.msk $0xffff, v1  }
0x1c0: {  	v2 =	vld [tilespmem:$0x1CFC0];
	_ =	sdelay $0x7  }
0x1c1: {  	[tilespmem:v2+s29+$0x0] =	vst.idx.add.f32.msk $0xffff, v1  }
0x1c2: {  	v2 =	vld [tilespmem:$0x1CFD0];
	_ =	sdelay $0x7  }
0x1c3: {  	[tilespmem:v2+s29+$0x0] =	vst.idx.add.f32.msk $0xffff, v1  }
0x1c4: {  	v2 =	vld [tilespmem:$0x1CFE0];
	_ =	sdelay $0x7  }
0x1c5: {  	[tilespmem:v2+s29+$0x0] =	vst.idx.add.f32.msk $0xffff, v1  }
0x1c6: {  	v2 =	vld [tilespmem:$0x1CFF0];
	_ =	sdelay $0x7  }
0x1c7: {  	[tilespmem:v2+s29+$0x0] =	vst.idx.add.f32.msk $0xffff, v1  }
0x1c8: {  	_ =	swait.ge [sflag:s30], $0x3E80  }
0x1c9: {  	s11 =	sld [smem:$0x7FC]  }
0x1ca: {  	[sflag:s30] =	ssyncset.done $0x0  }
0x1cb: {  	[sflag:s30] =	ssyncadd.s32 $0xFFFFC180  }
0x1cc: {  	[spmem:s3] =	stream.indirect.scatter.add.f32 [tilespmem:s23], [sflag:$0x4], $0x80, s11, s22, $0xb8;
	[tilespmem:$0x1F800] =	vst v63  }
0x1cd: {  	_ =	swait.ge [sflag:s31], $0x3E80  }
0x1ce: {  	[sflag:s31] =	ssyncset.done $0x0  }
0x1cf: {  	s6 =	simm.s32 @!p2 $0x3;
	[sflag:s31] =	ssyncadd.s32 $0xFFFFC180  }
0x1d0: {  	_ =	swait.ge @!p2 [sflag:s6], $0x400  }
0x1d1: {  	[sflag:s6] =	ssyncset.done @!p2 $0x0  }
0x1d2: {  	[sflag:s6] =	ssyncadd.s32 @!p2 $0xFFFFFC00  }
0x1d3: {  	_ =	swait.ge @!p2 [sflag:s6], $0x400  }
0x1d4: {  	[sflag:s6] =	ssyncset.done @!p2 $0x0  }
0x1d5: {  	[sflag:s6] =	ssyncadd.s32 @!p2 $0xFFFFFC00  }
0x1d6: {  	_ =	swait.ge @!p2 [sflag:s6], $0x3E8  }
0x1d7: {  	[sflag:s6] =	ssyncset.done @!p2 $0x0  }
0x1d8: {  	s11 =	simm.s32 @!p2 $0x1000;
	[sflag:s6] =	ssyncadd.s32 @!p2 $0xFFFFFC18;
	s6 =	simm.s32 @!p2 $0x7D  }
0x1d9: {  	[tilespmem:s11], [sflag:$0x1] =	stream.indirect.gather @!p2 [hbm4b:s1+s6], $0x80, s10, s6, $0xb8;
	[tilespmem:$0x1F800] =	vst v63  }
0x1da: {  	v2 =	vld [tilespmem:$0x1D000];
	_ =	sdelay $0x7  }
0x1db: {  	[tilespmem:v2+s29+$0x0] =	vst.idx.add.f32.msk $0xffff, v1  }
0x1dc: {  	v2 =	vld [tilespmem:$0x1D010];
	_ =	sdelay $0x7  }
0x1dd: {  	[tilespmem:v2+s29+$0x0] =	vst.idx.add.f32.msk $0xffff, v1  }
0x1de: {  	v2 =	vld [tilespmem:$0x1D020];
	_ =	sdelay $0x7  }
0x1df: {  	[tilespmem:v2+s29+$0x0] =	vst.idx.add.f32.msk $0xffff, v1  }
0x1e0: {  	v2 =	vld [tilespmem:$0x1D030];
	_ =	sdelay $0x7  }
0x1e1: {  	[tilespmem:v2+s29+$0x0] =	vst.idx.add.f32.msk $0xffff, v1  }
0x1e2: {  	v2 =	vld [tilespmem:$0x1D040];
	_ =	sdelay $0x7  }
0x1e3: {  	[tilespmem:v2+s29+$0x0] =	vst.idx.add.f32.msk $0xffff, v1  }
0x1e4: {  	v2 =	vld [tilespmem:$0x1D050];
	_ =	sdelay $0x7  }
0x1e5: {  	[tilespmem:v2+s29+$0x0] =	vst.idx.add.f32.msk $0xffff, v1  }
0x1e6: {  	v2 =	vld [tilespmem:$0x1D058];
	_ =	sdelay $0x7  }
0x1e7: {  	[tilespmem:v2+s29+$0x0] =	vst.idx.add.f32.msk vm0, v1  }
0x1e8: {  	_ =	swait.ge [sflag:s0], $0x3E80  }
0x1e9: {  	s2 =	sadd.s32 $0x100, s2;
	s11 =	sld [smem:$0x7FD]  }
0x1ea: {  	p2 =	sne.s32 s2, $0x500;
	[sflag:s0] =	ssyncset.done $0x0  }
.Ltmp1:
0x1eb: {  	[sflag:s0] =	ssyncadd.s32 $0xFFFFC180;
	(pc) =	sbr.rel @p2 .LBB2_4-.Ltmp1, $4  }
0x1ec: {  	[spmem:s3] =	stream.indirect.scatter.add.f32 [tilespmem:s28], [sflag:$0x4], $0x80, s11, s22, $0xb8;
	[tilespmem:$0x1F800] =	vst v63  }
0x1ed: {  	_ =	swait.ge [sflag:s31], $0x3E80  }
0x1ee: {  	[sflag:s31] =	ssyncset.done $0x0  }
0x1ef: {  	s16 =	sadd.s32 $0xFA, s16;
	s15 =	sadd.s32 $0xFA, s15;
	[sflag:s31] =	ssyncadd.s32 $0xFFFFC180  }
0x1f0: {  	[bflag:$0x0] =	sbarrier.arrive $0xFFFF  }
0x1f1: {  	s2 =	stileid.u32;
	s10 =	sld [smem:$0x7FA]  }
0x1f2: {  	s2 =	sshll.u32 s2, $0x6  }
0x1f3: {  	s6 =	sshrl.u32 s9, $0x3;
	s2 =	sor.u32 $0x1C04, s2  }
0x1f4: {  	[hbm:s10], [sflag:s2] =	dma.local [spmem:s6], $0x2700  }
0x1f5: {  	_ =	swait.ge [sflag:s31], $0x2700  }
0x1f6: {  	s6 =	sld [smem:$0x7FB]  }
0x1f7: {  	[sflag:s31] =	ssyncset.done $0x0  }
0x1f8: {  	[sflag:s31] =	ssyncadd.s32 $0xFFFFD900  }
0x1f9: {  	[hbm:s6], [sflag:s2] =	dma.local @!p1 [spmem:s25], $0x100  }
0x1fa: {  	s2 =	simm.s32 @!p1 $0x4  }
0x1fb: {  	s18 =	sadd.s32 $0x1, s18;
	_ =	swait.ge @!p1 [sflag:s2], $0x100  }
0x1fc: {  	p2 =	sne.s32 s18, s13;
	[sflag:s2] =	ssyncset.done @!p1 $0x0  }
.Ltmp2:
0x1fd: {  	[sflag:s2] =	ssyncadd.s32 @!p1 $0xFFFFFF00;
	(pc) =	sbr.rel @p2 .LBB2_1-.Ltmp2, $4  }
0x1fe: {  	[hbm4b:s12+s4] =	stream.linear.scatter [tilespmem:s29], [sflag:$0x4], $0x2780, $0x38;
	[tilespmem:$0x1F800] =	vst v63  }
0x1ff: {  	_ =	swait.ge [sflag:s31], $0x2780  }
0x200: {  	[sflag:s31] =	ssyncset.done $0x0  }
0x201: {  	[sflag:s31] =	ssyncadd.s32 $0xFFFFD880  }
0x202: {  	_ =	sfence.sel $0x180000  }
0x203: {  	[bflag:$0x0] =	sbarrier.arrive $0xFFFF  }
0x204: {  	_ =	strace $0x90000047  }
0x205: {  	s0 =	stileid.u32;
	[bflag:$0x2] =	sbarrier.arrive $0xFFFF  }
0x206: {  	p0 =	sne.s32 s0, $0x0;
	s0 =	rddreg [dreg:$0x4]  }
0x207: {  	s0 =	sadd.s32 @!p0 $0x100000, s0  }
0x208: {  	[sflag:s0] =	ssyncadd.tile.s32 @!p0 $0x1;
	_ =	shalt  }
.Lfunc_end2:
_tile_overlayer_lowered:
.L_overlay_start_2:
0x209: {  	(tag) =	ssettag $0x2  }
0x20a: {  	s0 =	rddreg [dreg:$0x0];
	s2 =	stileid.u32  }
0x20b: {  	s1 =	rddreg [dreg:$0x1];
	p0 =	sne.s32 s2, $0x0  }
0x20c: {  	s3 =	rddreg [dreg:$0x2];
	[bflag:$0x3] =	sbarrier.arrive $0xFFFF;
	s2 =	simm.s32 @!p0 $0x1C04  }
0x20d: {  	[timem:s3], [sflag:s2] =	dma.local @!p0 [hbm:s0], s1  }
0x20e: {  	s0 =	simm.s32 @!p0 $0x4  }
0x20f: {  	_ =	swait.ge @!p0 [sflag:s0], s1  }
0x210: {  	s1 =	ssub.s32 @!p0 $0x0, s1;
	[sflag:s0] =	ssyncset.done @!p0 $0x0  }
0x211: {  	[sflag:s0] =	ssyncadd.s32 @!p0 s1  }
0x212: {  	[bflag:$0x3] =	sbarrier.arrive $0xFFFF  }
0x213: {  	_ =	shalt  }

// kernel: kernel.9.cloned.1.call-start
scs
__scs_entry_jumppad:
0x0: {  	(pc) =	sbr.rel $0x88, $3  }
0x1: {  	(tag) =	ssettag $0x0;
	lr =	simm.s32 $0x1  }
0x2: {  	[smem:$0x3F90] =	sst lr;
	_ =	strace $0xD0000000  }
0x3: {  	_ = 	snop  }
0x4: {  	_ = 	snop  }
0x5: {  	_ = 	snop  }
0x6: {  	_ = 	snop  }
0x7: {  	_ = 	snop  }
__scs_overlays_trampoline_lowered:
0x8: {  	[smem:$0x3F9F] =	sst s0  }
0x9: {  	[smem:$0x3FA0] =	sst s1  }
0xa: {  	[smem:$0x3FA1] =	sst s2  }
0xb: {  	[smem:$0x3FA2] =	sst s3  }
0xc: {  	[smem:$0x3FA3] =	sst s4  }
0xd: {  	[smem:$0x3FA4] =	sst s5  }
0xe: {  	[smem:$0x3FA5] =	sst s6  }
0xf: {  	[smem:$0x3FA6] =	sst s7  }
0x10: {  	[smem:$0x3FA7] =	sst s8  }
0x11: {  	[smem:$0x3FA8] =	sst s9;
	s0 =	simm.s32 @!p0 $0x0  }
0x12: {  	s1 =	sld [smem:$0x3F8E];
	s0 =	simm.s32 @p0 $0x1  }
0x13: {  	[smem:$0x3FA9] =	sst s0;
	s0 =	simm.s32 @!p1 $0x0  }
0x14: {  	s2 =	sld [smem:$0x3F8D];
	s0 =	simm.s32 @p1 $0x1  }
0x15: {  	[smem:$0x3FAA] =	sst s0;
	s0 =	simm.s32 @!p2 $0x0  }
0x16: {  	s3 =	sld [smem:$0x3FDB];
	s0 =	simm.s32 @p2 $0x1  }
0x17: {  	s4 =	simm.s32 $0x1BF5;
	[smem:$0x3FAC] =	sst s0  }
0x18: {  	s0 =	sld [smem:$0x3F8F];
	_ =	swait.ge [sflag:s4], $0x0  }
0x19: {  	s7 =	sld [smem:$0x3F90]  }
0x1a: {  	s8 =	sadd.s32 $0xFFFFE003, lr  }
0x1b: {  	s9 =	sadd.s32 $0xFFFFFEF7, lr;
	s5 =	simm.s32 $0xFFFFFFFF;
	p2 =	slt.u32 s8, $0xFFFFF086  }
0x1c: {  	p1 =	slt.u32 s9, $0xF7A;
	s5 =	simm.s32 @!p2 $0x0  }
0x1d: {  	s5 =	simm.s32 @p1 $0x1;
	p0 =	seq.s32 s7, s2  }
0x1e: {  	s7 =	smul.u32 @!p0 $0xF7A, s2;
	p2 =	seq.s32 @!p0 s5, $0x0  }
0x1f: {  	s9 =	smul.u32 $0xF7A, s1;
	s8 =	simm.s32 @!p0 $0x1BF5;
	p2 =	por !p2, p0  }
0x20: {  	[sflag:s8] =	ssyncset.s32 @!p0 $0xFFFFF086;
	s6 =	sadd.s32 @!p0 s3, s7;
	s7 =	simm.s32 @!p0 $0x108  }
0x21: {  	s3 =	sadd.s32 s3, s9;
	s6 =	sadd.s32 @!p0 $0x88, s6;
	s7 =	simm.s32 @p2 $0x1082  }
0x22: {  	[simem:s7], [sflag:s8] =	dma.local @!p0 [hbm:s6], $0xF7A  }
0x23: {  	s9 =	sor.u32 $0xD0000000, s2;
	s6 =	simm.s32 $0x108;
	_ =	swait.ge @!p0 [sflag:s8], $0x0  }
0x24: {  	s3 =	sadd.s32 $0x88, s3;
	s6 =	simm.s32 @!p1 $0x1082;
	[sflag:s4] =	ssyncset.s32 $0xFFFFF086  }
0x25: {  	[simem:s6], [sflag:s4] =	dma.local [hbm:s3], $0xF7A  }
0x26: {  	[smem:$0x3F90] =	sst s1;
	(tag) =	ssettag s2;
	_ =	strace s9  }
0x27: {  	s1 =	sld [smem:$0x3FA0]  }
0x28: {  	s2 =	sld [smem:$0x3FA1]  }
0x29: {  	s4 =	sld [smem:$0x3FA3]  }
0x2a: {  	p0 =	seq.s32 s5, $0x0;
	s5 =	sld [smem:$0x3FA4]  }
0x2b: {  	s6 =	sld [smem:$0x3FA5]  }
0x2c: {  	s7 =	sld [smem:$0x3FA6]  }
0x2d: {  	s3 =	simm.s32 $0x108;
	s8 =	sld [smem:$0x3FA7]  }
0x2e: {  	s3 =	simm.s32 @!p0 $0x1082;
	s9 =	sld [smem:$0x3FA8]  }
0x2f: {  	lr =	sadd.s32 s0, s3;
	s0 =	sld [smem:$0x3F9F]  }
0x30: {  	s3 =	sld [smem:$0x3FA2]  }
0x31: {  	[smem:$0x3FAB] =	sst s10  }
0x32: {  	s10 =	sld [smem:$0x3FA9];
	_ =	sdelay $0x3  }
0x33: {  	p0 =	seq.s32 s10, $0x1;
	s10 =	sld [smem:$0x3FAB];
	_ =	sdelay $0x3  }
0x34: {  	[smem:$0x3FAB] =	sst s10  }
0x35: {  	s10 =	sld [smem:$0x3FAA];
	_ =	sdelay $0x3  }
0x36: {  	p1 =	seq.s32 s10, $0x1;
	s10 =	sld [smem:$0x3FAB];
	_ =	sdelay $0x3  }
0x37: {  	[smem:$0x3FAB] =	sst s10  }
0x38: {  	s10 =	sld [smem:$0x3FAC]  }
0x39: {  	_ = 	snop;
	(pc) =	sbr.ind lr, $3  }
0x3a: {  	_ = 	snop  }
0x3b: {  	_ = 	snop  }
0x3c: {  	p2 =	seq.s32 s10, $0x1;
	s10 =	sld [smem:$0x3FAB]  }
0x3d: {  	_ =	shalt  }
0x3e: {  	_ =	shalt  }
0x3f: {  	_ =	shalt  }
0x40: {  	_ =	shalt  }
0x41: {  	_ =	shalt  }
0x42: {  	_ =	shalt  }
0x43: {  	_ =	shalt  }
0x44: {  	_ =	shalt  }
0x45: {  	_ =	shalt  }
0x46: {  	_ =	shalt  }
0x47: {  	_ =	shalt  }
0x48: {  	_ =	shalt  }
0x49: {  	_ =	shalt  }
0x4a: {  	_ =	shalt  }
0x4b: {  	_ =	shalt  }
0x4c: {  	_ =	shalt  }
0x4d: {  	_ =	shalt  }
0x4e: {  	_ =	shalt  }
0x4f: {  	_ =	shalt  }
0x50: {  	_ =	shalt  }
0x51: {  	_ =	shalt  }
0x52: {  	_ =	shalt  }
0x53: {  	_ =	shalt  }
0x54: {  	_ =	shalt  }
0x55: {  	_ =	shalt  }
0x56: {  	_ =	shalt  }
0x57: {  	_ =	shalt  }
0x58: {  	_ =	shalt  }
0x59: {  	_ =	shalt  }
0x5a: {  	_ =	shalt  }
0x5b: {  	_ =	shalt  }
0x5c: {  	_ =	shalt  }
0x5d: {  	_ =	shalt  }
0x5e: {  	_ =	shalt  }
0x5f: {  	_ =	shalt  }
0x60: {  	_ =	shalt  }
0x61: {  	_ =	shalt  }
0x62: {  	_ =	shalt  }
0x63: {  	_ =	shalt  }
0x64: {  	_ =	shalt  }
0x65: {  	_ =	shalt  }
0x66: {  	_ =	shalt  }
0x67: {  	_ =	shalt  }
0x68: {  	_ =	shalt  }
0x69: {  	_ =	shalt  }
0x6a: {  	_ =	shalt  }
0x6b: {  	_ =	shalt  }
0x6c: {  	_ =	shalt  }
0x6d: {  	_ =	shalt  }
0x6e: {  	_ =	shalt  }
0x6f: {  	_ =	shalt  }
0x70: {  	_ =	shalt  }
0x71: {  	_ =	shalt  }
0x72: {  	_ =	shalt  }
0x73: {  	_ =	shalt  }
0x74: {  	_ =	shalt  }
0x75: {  	_ =	shalt  }
0x76: {  	_ =	shalt  }
0x77: {  	_ =	shalt  }
0x78: {  	_ =	shalt  }
0x79: {  	_ =	shalt  }
0x7a: {  	_ =	shalt  }
0x7b: {  	_ =	shalt  }
0x7c: {  	_ =	shalt  }
0x7d: {  	_ =	shalt  }
0x7e: {  	_ =	shalt  }
0x7f: {  	_ =	shalt  }
0x80: {  	_ =	shalt  }
0x81: {  	_ =	shalt  }
0x82: {  	_ =	shalt  }
0x83: {  	_ =	shalt  }
0x84: {  	_ =	shalt  }
0x85: {  	_ =	shalt  }
0x86: {  	_ =	shalt  }
0x87: {  	_ =	shalt  }
.Lfunc_end0:
.L_simem_size_0:
called_computation.1_lowered:
.L_overlay_start_0:
0x88: {  	s2 =	sld [smem:$0x3FD9]  }
0x89: {  	s3 =	sld [smem:$0x3FFE];
	_ =	sdelay $0x1  }
0x8a: {  	s1 =	srdreg.scid  }
0x8b: {  	s0 =	sand.u32 $0x1, s1  }
0x8c: {  	s17 =	sshll.u32 s0, $0xA;
	s2 =	sadd.s32 s3, s2  }
0x8d: {  	s2 =	sadd.s32 s2, s17  }
0x8e: {  	[smem:$0x3FB7] =	sst s2  }
0x8f: {  	_ = 	snop  }
0x90: {  	s2 =	sld [smem:$0x3FD0];
	(tm) =	ssettm $0x1  }
0x91: {  	s18 =	sld [smem:$0x3FFB];
	_ =	sdelay $0x3  }
0x92: {  	_ =	strace s18  }
0x93: {  	s3 =	sld [smem:$0x3FFC];
	_ =	sdelay $0x3  }
0x94: {  	_ =	strace s3  }
0x95: {  	s3 =	sld [smem:$0x3FFD];
	_ =	sdelay $0x3  }
0x96: {  	_ =	strace s3  }
0x97: {  	_ =	strace $0x8FFFFFFF  }
0x98: {  	s19 =	sld [smem:$0x3FDB];
	_ =	sdelay $0x1  }
0x99: {  	s4 =	simm.s32 $_scs_section_size  }
0x9a: {  	s5 =	simm.s32 $_size__tile_overlayer_lowered;
	s6 =	simm.s32 $_tile_overlayer_lowered  }
0x9b: {  	s22 =	simm.s32 $0x1BFF;
	s21 =	sshll.u32 s6, $0x1;
	s3 =	sadd.s32 s4, s19  }
0x9c: {  	s7 =	simm.s32 $0x0;
	s20 =	sshll.u32 s5, $0x1;
	s5 =	sadd.s32 s21, s3  }
0x9d: {  	[timem:s7], [sflag:s22] =	dma.local [hbm:s5], s20  }
0x9e: {  	_ =	swait.ge [sflag:s22], s20  }
0x9f: {  	s4 =	ssub.s32 $0x0, s20;
	[sflag:s22] =	ssyncset.done $0x0  }
0xa0: {  	[sflag:s22] =	ssyncadd.s32 s4;
	_ =	sdelay $0x1  }
0xa1: {  	s23 =	simm.s32 $0x1B8B  }
0xa2: {  	_ =	swait.ge [sflag:s23], $0x1  }
0xa3: {  	[sflag:s23] =	ssyncset.done $0x0  }
0xa4: {  	s25 =	simm.s32 $0x1B8E;
	s24 =	sld [smem:$0x3FFE];
	[sflag:s23] =	ssyncadd.s32 $0xFFFFFFFF  }
0xa5: {  	s26 =	simm.s32 $execute0_lowered;
	[smem:$0x3FD2] =	sst s25  }
0xa6: {  	s5 =	sshll.u32 s26, $0x1;
	_ =	strace $0x80000049;
	[dreg:$0x1] =	wrdreg $0xFFFFFFFF  }
0xa7: {  	s28 =	simm.s32 $_size_execute0_lowered;
	s3 =	sadd.s32 s3, s5;
	[dreg:$0x0] =	wrdreg $0x0  }
0xa8: {  	s5 =	sshll.u32 s28, $0x1;
	[dreg:$0x2] =	wrdreg s3  }
0xa9: {  	[dreg:$0x3] =	wrdreg s5  }
0xaa: {  	[dreg:$0x4] =	wrdreg $0xC0  }
0xab: {  	_ =	task [dreg:s7], $0x5FFFF  }
0xac: {  	[dreg:$0x1] =	wrdreg $0xFFFFFFFF  }
0xad: {  	[dreg:$0x0] =	wrdreg $0x60  }
0xae: {  	[dreg:$0x2] =	wrdreg s2  }
0xaf: {  	[dreg:$0x3] =	wrdreg s24  }
0xb0: {  	[dreg:$0x4] =	wrdreg $0x90000  }
0xb1: {  	[dreg:$0x5] =	wrdreg $0x9  }
0xb2: {  	_ =	task.clear_ibuf [dreg:s7], $0x6FFFF;
	_ =	strace $0x90000049  }
0xb3: {  	s29 =	simm.s32 $0x9;
	_ =	strace $0x8000004B  }
0xb4: {  	_ =	swait.ge [sflag:s29], $0x1  }
0xb5: {  	[sflag:s29] =	ssyncadd.s32 $0xFFFFFFFF  }
0xb6: {  	_ =	strace $0x9000004B  }
0xb7: {  	_ =	sfence  }
0xb8: {  	s30 =	sld [smem:$0x0];
	_ =	sdelay $0x2  }
0xb9: {  	s31 =	sshll.u32 s1, $0xD;
	s1 =	sshrl.u32 s1, $0x2  }
0xba: {  	s3 =	sand.u32 $0x4000, s31;
	s1 =	sadd.s32 s1, s30  }
0xbb: {  	s0 =	sor.u32 s3, s0;
	s1 =	sshll.u32 s1, $0x11  }
0xbc: {  	s0 =	sor.u32 s1, s0  }
0xbd: {  	s0 =	sadd.s32 $0x8F2B, s0  }
0xbe: {  	[sflag:s0] =	ssyncadd.remote.s32 $0x1  }
0xbf: {  	_ =	sfence.sel $0xFFFF  }
0xc0: {  	[dreg:$0x0] =	wrdreg $0xFFFFFFFF;
	(pc) =	sbr.abs _section_cstart, $3  }
0xc1: {  	[dreg:$0x1] =	wrdreg $0xFFFFFFFF  }
0xc2: {  	_ =	task.clear_ibuf [dreg:s7], $0x2FFFF;
	_ =	strace $0x9FFFFFFF  }
0xc3: {  	(tm) =	ssettm $0x7FFFFFFF  }
tec
execute0_lowered:
.L_overlay_start_1:
0x0: {  	(tag) =	ssettag $0x1  }
0x1: {  	s1 =	rddreg [dreg:$0x0]  }
0x2: {  	s0 =	rddreg [dreg:$0x1]  }
0x3: {  	s2 =	srdreg.scid;
	s14 =	stileid.u32  }
0x4: {  	s3 =	rddreg [dreg:$0x2];
	s4 =	simm.s32 $0x0;
	s18 =	simm.s32 $0x80  }
0x5: {  	s19 =	simm.s32 $0x100;
	s20 =	simm.s32 $0x880;
	s21 =	simm.s32 $0x180  }
0x6: {  	s22 =	simm.s32 $0x900;
	s24 =	simm.s32 $0x200;
	s25 =	simm.s32 $0x980  }
0x7: {  	s26 =	simm.s32 $0x280;
	s13 =	simm.s32 $0x800;
	[smem:$0x7FF] =	sst s4  }
0x8: {  	s15 =	simm.s32 $0xA80;
	_ =	strace $0x8000004A;
	[dreg:$0x4] =	wrdreg s18  }
0x9: {  	s28 =	simm.s32 $0xE00;
	s29 =	simm.s32 $0x700;
	[dreg:$0x5] =	wrdreg s19  }
0xa: {  	s30 =	simm.s32 $0xE80;
	s31 =	simm.s32 $0x780;
	[dreg:$0x6] =	wrdreg s20  }
0xb: {  	s2 =	sand.u32 $0x1, s2;
	s8 =	smul.u32 $0x4E000, s14;
	[dreg:$0x7] =	wrdreg s21  }
0xc: {  	s5 =	sshll.u32 s14, $0x1;
	s12 =	smul.u32 $0x13800, s14;
	[dreg:$0x8] =	wrdreg s22  }
0xd: {  	s7 =	sadd.s32 $0x3800, s0;
	s23 =	smul.u32 $0xA00, s14;
	[dreg:$0x9] =	wrdreg s24  }
0xe: {  	p0 =	seq.s32 s14, $0xF;
	p1 =	sne.s32 s14, $0xF;
	[dreg:$0xa] =	wrdreg s25  }
0xf: {  	s5 =	sor.u32 s2, s5;
	s10 =	smul.u32 $0x138800, s2;
	[dreg:$0xb] =	wrdreg s26  }
0x10: {  	s9 =	ssub.s32 $0x2, s2;
	s2 =	smul.u32 $0x500, s2;
	[dreg:$0xe] =	wrdreg s15  }
0x11: {  	s18 =	simm.s32 $0xB80;
	s19 =	simm.s32 $0x480;
	s20 =	simm.s32 $0x500  }
0x12: {  	s21 =	simm.s32 $0xC80;
	s22 =	simm.s32 $0x580;
	[dreg:$0x11] =	wrdreg s18  }
0x13: {  	s24 =	simm.s32 $0x600;
	s25 =	simm.s32 $0xD80;
	[dreg:$0x12] =	wrdreg s19  }
0x14: {  	s26 =	simm.s32 $0x680;
	s6 =	smul.u32 $0x2800, s5;
	[dreg:$0x13] =	wrdreg s20  }
0x15: {  	s5 =	sadd.s32 $0x2B200, s0;
	s11 =	sshrl.u32 s9, $0x1;
	[dreg:$0x14] =	wrdreg s21  }
0x16: {  	s0 =	sadd.s32 $0x2DA00, s0;
	s16 =	sshrl.u32 s8, $0x2;
	[dreg:$0x15] =	wrdreg s22  }
0x17: {  	s18 =	simm.s32 $0x7D;
	s19 =	simm.s32 $0x1000;
	[dreg:$0x17] =	wrdreg s24  }
0x18: {  	s20 =	simm.s32 $0x400;
	s21 =	simm.s32 $0xC00;
	[dreg:$0x18] =	wrdreg s25  }
0x19: {  	s22 =	simm.s32 $0x5000;
	[dreg:$0x19] =	wrdreg s26;
	s24 =	simm.s32 $0x4  }
0x1a: {  	s26 =	simm.s32 $0x2;
	s9 =	ssub.s32 s9, s11;
	s17 =	sadd.s32 s12, s10  }
0x1b: {  	s8 =	sadd.s32 s16, s3;
	s10 =	sshrl.u32 s10, $0x3;
	s16 =	simm.s32 $0x380  }
0x1c: {  	s6 =	sshrl.u32 s6, $0x3;
	s11 =	sshrl.u32 s17, $0x3;
	s9 =	smax.u32 s9, $0x1  }
0x1d: {  	[dreg:$0xf] =	wrdreg s16;
	s17 =	simm.s32 $0xB00;
	s15 =	smov.u32 s8  }
0x1e: {  	s16 =	sshrl.u32 @!p0 s8, $0x3;
	s6 =	sadd.s32 s7, s6;
	[dreg:$0x1e] =	wrdreg s9  }
0x1f: {  	s11 =	sadd.s32 s0, s11;
	s0 =	sadd.s32 s0, s10;
	[dreg:$0x10] =	wrdreg s17  }
0x20: {  	s10 =	sadd.s32 $0x138000, s3;
	s7 =	sadd.s32 s23, s7;
	[dreg:$0x1a] =	wrdreg s6  }
0x21: {  	s9 =	simm.s32 $0xA00;
	s17 =	simm.s32 $0x3;
	[dreg:$0x1c] =	wrdreg s11  }
0x22: {  	s23 =	simm.s32 $0xD00;
	s6 =	sadd.s32 $0xA000, s6;
	[dreg:$0xc] =	wrdreg s9  }
0x23: {  	s0 =	sadd.s32 $0x27000, s0;
	s12 =	sadd.s32 s2, s7;
	[dreg:$0x16] =	wrdreg s23  }
0x24: {  	s11 =	simm.s32 $0x300;
	[dreg:$0x1b] =	wrdreg s6;
	s6 =	sadd.s32 $0x124800, s3  }
0x25: {  	s23 =	simm.s32 $0x1;
	[dreg:$0x1d] =	wrdreg s0;
	s2 =	sshrl.u32 @p0 s6, $0x3  }
0x26: {  	s25 =	sshrl.u32 @!p1 s10, $0x3;
	[dreg:$0x1f] =	wrdreg s2;
	s2 =	sshll.u32 @!p0 s14, $0x6  }
0x27: {  	s7 =	simm.s32 $0x0;
	[dreg:$0xd] =	wrdreg s11;
	s2 =	sor.u32 @!p0 $0x1C04, s2  }
0x28: {  	s0 =	simm.s32 $0xF80;
	[smem:$0x7FD] =	sst s2;
	s2 =	simm.s32 $0xF00  }
.LBB2_1:
0x29: {  	s6 =	rddreg [dreg:$0x1a]  }
0x2a: {  	s9 =	rddreg [dreg:$0x1b]  }
0x2b: {  	[tilespmem:s4], [sflag:$0x3] =	stream.linear.gather [hbm4b:s6+s4], $0x400, $0x38;
	[tilespmem:$0x1C880] =	vst v63  }
0x2c: {  	s8 =	rddreg [dreg:$0x1f];
	s6 =	simm.s32 @p0 $0x1FC4  }
0x2d: {  	[tilespmem:s13], [sflag:$0x3] =	stream.linear.gather [hbm4b:s9+s4], $0x400, $0x38;
	[tilespmem:$0x1C880] =	vst v63  }
0x2e: {  	[spmem:s8], [sflag:s6] =	dma.local @p0 [hbm:s5], $0x2800  }
0x2f: {  	s6 =	simm.s32 @p0 $0x4  }
0x30: {  	_ =	swait.ge @p0 [sflag:s6], $0x2800  }
0x31: {  	[sflag:s6] =	ssyncset.done @p0 $0x0  }
0x32: {  	[sflag:s6] =	ssyncadd.s32 @p0 $0xFFFFD800;
	s6 =	sld [smem:$0x7FD];
	_ =	sdelay $0x2  }
0x33: {  	[spmem:s16], [sflag:s6] =	dma.local @!p0 [hbm:s5], $0x2700  }
0x34: {  	s6 =	simm.s32 @!p0 $0x4  }
0x35: {  	_ =	swait.ge @!p0 [sflag:s6], $0x2700  }
0x36: {  	[sflag:s6] =	ssyncset.done @!p0 $0x0  }
0x37: {  	[sflag:s6] =	ssyncadd.s32 @!p0 $0xFFFFD900  }
0x38: {  	_ =	swait.ge [sflag:s17], $0x400  }
0x39: {  	[sflag:s17] =	ssyncset.done $0x0  }
0x3a: {  	[sflag:s17] =	ssyncadd.s32 $0xFFFFFC00  }
0x3b: {  	_ =	swait.ge [sflag:s17], $0x400  }
0x3c: {  	[sflag:s17] =	ssyncset.done $0x0  }
0x3d: {  	s10 =	sadd.s32 $0x0, s12;
	[sflag:s17] =	ssyncadd.s32 $0xFFFFFC00  }
0x3e: {  	[tilespmem:s19], [sflag:$0x1] =	stream.indirect.gather [hbm4b:s1+s18], $0x80, s4, s18, $0xb8;
	[tilespmem:$0x1C880] =	vst v63  }
0x3f: {  	s9 =	sadd.s32 $0x80, s10;
	[bflag:$0x0] =	sbarrier.arrive $0xFFFF  }
0x40: {  	[tilespmem:s20], [sflag:$0x3] =	stream.linear.gather [hbm4b:s9+s4], $0x400, $0x38;
	[tilespmem:$0x1C880] =	vst v63  }
0x41: {  	s6 =	sadd.s32 $0xA080, s10  }
0x42: {  	[tilespmem:s21], [sflag:$0x3] =	stream.linear.gather [hbm4b:s6+s4], $0x400, $0x38;
	[tilespmem:$0x1C880] =	vst v63  }
0x43: {  	s11 =	rddreg [dreg:$0x4]  }
0x44: {  	[tilespmem:s22], [sflag:$0x2] =	stream.indirect.gather [hbm4b:s1+s18], $0x80, s11, s18, $0xb8;
	[tilespmem:$0x1C880] =	vst v63  }
0x45: {  	_ =	swait.ge [sflag:s23], $0x3E80  }
0x46: {  	[sflag:s23] =	ssyncset.done $0x0  }
0x47: {  	[sflag:s23] =	ssyncadd.s32 $0xFFFFC180  }
0x48: {  	[spmem:s3] =	stream.indirect.scatter.add.f32 [tilespmem:s19], [sflag:$0x4], $0x80, s13, s18, $0xb8;
	[tilespmem:$0x1C880] =	vst v63  }
0x49: {  	_ =	swait.ge [sflag:s24], $0x3E80  }
0x4a: {  	[sflag:s24] =	ssyncset.done $0x0  }
0x4b: {  	s14 =	rddreg [dreg:$0x5];
	[sflag:s24] =	ssyncadd.s32 $0xFFFFC180  }
0x4c: {  	[tilespmem:s19], [sflag:$0x1] =	stream.indirect.gather [hbm4b:s1+s18], $0x80, s14, s18, $0xb8;
	[tilespmem:$0x1C880] =	vst v63  }
0x4d: {  	_ =	swait.ge [sflag:s26], $0x3E80  }
0x4e: {  	[sflag:s26] =	ssyncset.done $0x0  }
0x4f: {  	s8 =	rddreg [dreg:$0x6];
	[sflag:s26] =	ssyncadd.s32 $0xFFFFC180  }
0x50: {  	[spmem:s3] =	stream.indirect.scatter.add.f32 [tilespmem:s22], [sflag:$0x4], $0x80, s8, s18, $0xb8;
	[tilespmem:$0x1C880] =	vst v63  }
0x51: {  	_ =	swait.ge [sflag:s24], $0x3E80  }
0x52: {  	[sflag:s24] =	ssyncset.done $0x0  }
0x53: {  	s9 =	rddreg [dreg:$0x7];
	[sflag:s24] =	ssyncadd.s32 $0xFFFFC180  }
0x54: {  	[tilespmem:s22], [sflag:$0x2] =	stream.indirect.gather [hbm4b:s1+s18], $0x80, s9, s18, $0xb8;
	[tilespmem:$0x1C880] =	vst v63  }
0x55: {  	_ =	swait.ge [sflag:s23], $0x3E80  }
0x56: {  	[sflag:s23] =	ssyncset.done $0x0  }
0x57: {  	s10 =	rddreg [dreg:$0x8];
	[sflag:s23] =	ssyncadd.s32 $0xFFFFC180  }
0x58: {  	[spmem:s3] =	stream.indirect.scatter.add.f32 [tilespmem:s19], [sflag:$0x4], $0x80, s10, s18, $0xb8;
	[tilespmem:$0x1C880] =	vst v63  }
0x59: {  	_ =	swait.ge [sflag:s24], $0x3E80  }
0x5a: {  	[sflag:s24] =	ssyncset.done $0x0  }
0x5b: {  	s11 =	rddreg [dreg:$0x9];
	[sflag:s24] =	ssyncadd.s32 $0xFFFFC180  }
0x5c: {  	[tilespmem:s19], [sflag:$0x1] =	stream.indirect.gather [hbm4b:s1+s18], $0x80, s11, s18, $0xb8;
	[tilespmem:$0x1C880] =	vst v63  }
0x5d: {  	_ =	swait.ge [sflag:s26], $0x3E80  }
0x5e: {  	[sflag:s26] =	ssyncset.done $0x0  }
0x5f: {  	s14 =	rddreg [dreg:$0xa];
	[sflag:s26] =	ssyncadd.s32 $0xFFFFC180  }
0x60: {  	[spmem:s3] =	stream.indirect.scatter.add.f32 [tilespmem:s22], [sflag:$0x4], $0x80, s14, s18, $0xb8;
	[tilespmem:$0x1C880] =	vst v63  }
0x61: {  	_ =	swait.ge [sflag:s24], $0x3E80  }
0x62: {  	[sflag:s24] =	ssyncset.done $0x0  }
0x63: {  	s8 =	rddreg [dreg:$0xb];
	[sflag:s24] =	ssyncadd.s32 $0xFFFFC180  }
0x64: {  	[tilespmem:s22], [sflag:$0x2] =	stream.indirect.gather [hbm4b:s1+s18], $0x80, s8, s18, $0xb8;
	[tilespmem:$0x1C880] =	vst v63  }
0x65: {  	_ =	swait.ge [sflag:s23], $0x3E80  }
0x66: {  	[sflag:s23] =	ssyncset.done $0x0  }
0x67: {  	s9 =	rddreg [dreg:$0xc];
	[sflag:s23] =	ssyncadd.s32 $0xFFFFC180  }
0x68: {  	[spmem:s3] =	stream.indirect.scatter.add.f32 [tilespmem:s19], [sflag:$0x4], $0x80, s9, s18, $0xb8;
	[tilespmem:$0x1C880] =	vst v63  }
0x69: {  	_ =	swait.ge [sflag:s24], $0x3E80  }
0x6a: {  	[sflag:s24] =	ssyncset.done $0x0  }
0x6b: {  	s10 =	rddreg [dreg:$0xd];
	[sflag:s24] =	ssyncadd.s32 $0xFFFFC180  }
0x6c: {  	[tilespmem:s19], [sflag:$0x1] =	stream.indirect.gather [hbm4b:s1+s18], $0x80, s10, s18, $0xb8;
	[tilespmem:$0x1C880] =	vst v63  }
0x6d: {  	_ =	swait.ge [sflag:s26], $0x3E80  }
0x6e: {  	[sflag:s26] =	ssyncset.done $0x0  }
0x6f: {  	s11 =	rddreg [dreg:$0xe];
	[sflag:s26] =	ssyncadd.s32 $0xFFFFC180  }
0x70: {  	[spmem:s3] =	stream.indirect.scatter.add.f32 [tilespmem:s22], [sflag:$0x4], $0x80, s11, s18, $0xb8;
	[tilespmem:$0x1C880] =	vst v63  }
0x71: {  	_ =	swait.ge [sflag:s24], $0x3E80  }
0x72: {  	[sflag:s24] =	ssyncset.done $0x0  }
0x73: {  	s14 =	rddreg [dreg:$0xf];
	[sflag:s24] =	ssyncadd.s32 $0xFFFFC180  }
0x74: {  	[tilespmem:s22], [sflag:$0x2] =	stream.indirect.gather [hbm4b:s1+s18], $0x80, s14, s18, $0xb8;
	[tilespmem:$0x1C880] =	vst v63  }
0x75: {  	_ =	swait.ge [sflag:s23], $0x3E80  }
0x76: {  	[sflag:s23] =	ssyncset.done $0x0  }
0x77: {  	s8 =	rddreg [dreg:$0x10];
	[sflag:s23] =	ssyncadd.s32 $0xFFFFC180  }
0x78: {  	[spmem:s3] =	stream.indirect.scatter.add.f32 [tilespmem:s19], [sflag:$0x4], $0x80, s8, s18, $0xb8;
	[tilespmem:$0x1C880] =	vst v63  }
0x79: {  	_ =	swait.ge [sflag:s24], $0x3E80  }
0x7a: {  	[sflag:s24] =	ssyncset.done $0x0  }
0x7b: {  	[sflag:s24] =	ssyncadd.s32 $0xFFFFC180  }
0x7c: {  	_ =	swait.ge [sflag:s17], $0x400  }
0x7d: {  	[sflag:s17] =	ssyncset.done $0x0  }
0x7e: {  	[sflag:s17] =	ssyncadd.s32 $0xFFFFFC00  }
0x7f: {  	_ =	swait.ge [sflag:s17], $0x400  }
0x80: {  	[sflag:s17] =	ssyncset.done $0x0  }
0x81: {  	[sflag:s17] =	ssyncadd.s32 $0xFFFFFC00  }
0x82: {  	[tilespmem:s19], [sflag:$0x1] =	stream.indirect.gather [hbm4b:s1+s18], $0x80, s20, s18, $0xb8;
	[tilespmem:$0x1C880] =	vst v63  }
0x83: {  	_ =	swait.ge [sflag:s26], $0x3E80  }
0x84: {  	[sflag:s26] =	ssyncset.done $0x0  }
0x85: {  	s9 =	rddreg [dreg:$0x11];
	[sflag:s26] =	ssyncadd.s32 $0xFFFFC180  }
0x86: {  	[spmem:s3] =	stream.indirect.scatter.add.f32 [tilespmem:s22], [sflag:$0x4], $0x80, s9, s18, $0xb8;
	[tilespmem:$0x1C880] =	vst v63  }
0x87: {  	p2 =	por $0x0, $0x0;
	_ =	swait.ge [sflag:s24], $0x3E80  }
0x88: {  	s6 =	sadd.s32 @!p2 $0x0, s12;
	[sflag:s24] =	ssyncset.done $0x0  }
0x89: {  	s10 =	sadd.s32 @!p2 $0x100, s6;
	s9 =	simm.s32 @!p2 $0x0;
	[sflag:s24] =	ssyncadd.s32 $0xFFFFC180  }
0x8a: {  	[tilespmem:s9], [sflag:$0x3] =	stream.linear.gather @!p2 [hbm4b:s10+s9], $0x400, $0x38;
	[tilespmem:$0x1C880] =	vst v63  }
0x8b: {  	s6 =	sadd.s32 @!p2 $0xA100, s6;
	s10 =	simm.s32 @!p2 $0x800  }
0x8c: {  	[tilespmem:s10], [sflag:$0x3] =	stream.linear.gather @!p2 [hbm4b:s6+s9], $0x400, $0x38;
	[tilespmem:$0x1C880] =	vst v63  }
0x8d: {  	s11 =	rddreg [dreg:$0x12]  }
0x8e: {  	[tilespmem:s22], [sflag:$0x2] =	stream.indirect.gather [hbm4b:s1+s18], $0x80, s11, s18, $0xb8;
	[tilespmem:$0x1C880] =	vst v63  }
0x8f: {  	_ =	swait.ge [sflag:s23], $0x3E80  }
0x90: {  	[sflag:s23] =	ssyncset.done $0x0  }
0x91: {  	[sflag:s23] =	ssyncadd.s32 $0xFFFFC180  }
0x92: {  	[spmem:s3] =	stream.indirect.scatter.add.f32 [tilespmem:s19], [sflag:$0x4], $0x80, s21, s18, $0xb8;
	[tilespmem:$0x1C880] =	vst v63  }
0x93: {  	_ =	swait.ge [sflag:s24], $0x3E80  }
0x94: {  	[sflag:s24] =	ssyncset.done $0x0  }
0x95: {  	s10 =	rddreg [dreg:$0x13];
	[sflag:s24] =	ssyncadd.s32 $0xFFFFC180  }
0x96: {  	[tilespmem:s19], [sflag:$0x1] =	stream.indirect.gather [hbm4b:s1+s18], $0x80, s10, s18, $0xb8;
	[tilespmem:$0x1C880] =	vst v63  }
0x97: {  	_ =	swait.ge [sflag:s26], $0x3E80  }
0x98: {  	[sflag:s26] =	ssyncset.done $0x0  }
0x99: {  	s11 =	rddreg [dreg:$0x14];
	[sflag:s26] =	ssyncadd.s32 $0xFFFFC180  }
0x9a: {  	[spmem:s3] =	stream.indirect.scatter.add.f32 [tilespmem:s22], [sflag:$0x4], $0x80, s11, s18, $0xb8;
	[tilespmem:$0x1C880] =	vst v63  }
0x9b: {  	_ =	swait.ge [sflag:s24], $0x3E80  }
0x9c: {  	[sflag:s24] =	ssyncset.done $0x0  }
0x9d: {  	s14 =	rddreg [dreg:$0x15];
	[sflag:s24] =	ssyncadd.s32 $0xFFFFC180  }
0x9e: {  	[tilespmem:s22], [sflag:$0x2] =	stream.indirect.gather [hbm4b:s1+s18], $0x80, s14, s18, $0xb8;
	[tilespmem:$0x1C880] =	vst v63  }
0x9f: {  	_ =	swait.ge [sflag:s23], $0x3E80  }
0xa0: {  	[sflag:s23] =	ssyncset.done $0x0  }
0xa1: {  	s8 =	rddreg [dreg:$0x16];
	[sflag:s23] =	ssyncadd.s32 $0xFFFFC180  }
0xa2: {  	[spmem:s3] =	stream.indirect.scatter.add.f32 [tilespmem:s19], [sflag:$0x4], $0x80, s8, s18, $0xb8;
	[tilespmem:$0x1C880] =	vst v63  }
0xa3: {  	_ =	swait.ge [sflag:s24], $0x3E80  }
0xa4: {  	[sflag:s24] =	ssyncset.done $0x0  }
0xa5: {  	s10 =	rddreg [dreg:$0x17];
	[sflag:s24] =	ssyncadd.s32 $0xFFFFC180  }
0xa6: {  	[tilespmem:s19], [sflag:$0x1] =	stream.indirect.gather [hbm4b:s1+s18], $0x80, s10, s18, $0xb8;
	[tilespmem:$0x1C880] =	vst v63  }
0xa7: {  	_ =	swait.ge [sflag:s26], $0x3E80  }
0xa8: {  	[sflag:s26] =	ssyncset.done $0x0  }
0xa9: {  	s11 =	rddreg [dreg:$0x18];
	[sflag:s26] =	ssyncadd.s32 $0xFFFFC180  }
0xaa: {  	[spmem:s3] =	stream.indirect.scatter.add.f32 [tilespmem:s22], [sflag:$0x4], $0x80, s11, s18, $0xb8;
	[tilespmem:$0x1C880] =	vst v63  }
0xab: {  	_ =	swait.ge [sflag:s24], $0x3E80  }
0xac: {  	[sflag:s24] =	ssyncset.done $0x0  }
0xad: {  	s14 =	rddreg [dreg:$0x19];
	[sflag:s24] =	ssyncadd.s32 $0xFFFFC180  }
0xae: {  	[tilespmem:s22], [sflag:$0x2] =	stream.indirect.gather [hbm4b:s1+s18], $0x80, s14, s18, $0xb8;
	[tilespmem:$0x1C880] =	vst v63  }
0xaf: {  	_ =	swait.ge [sflag:s23], $0x3E80  }
0xb0: {  	[sflag:s23] =	ssyncset.done $0x0  }
0xb1: {  	[sflag:s23] =	ssyncadd.s32 $0xFFFFC180  }
0xb2: {  	[spmem:s3] =	stream.indirect.scatter.add.f32 [tilespmem:s19], [sflag:$0x4], $0x80, s28, s18, $0xb8;
	[tilespmem:$0x1C880] =	vst v63  }
0xb3: {  	_ =	swait.ge [sflag:s24], $0x3E80  }
0xb4: {  	[sflag:s24] =	ssyncset.done $0x0  }
0xb5: {  	[sflag:s24] =	ssyncadd.s32 $0xFFFFC180  }
0xb6: {  	[tilespmem:s19], [sflag:$0x1] =	stream.indirect.gather [hbm4b:s1+s18], $0x80, s29, s18, $0xb8;
	[tilespmem:$0x1C880] =	vst v63  }
0xb7: {  	_ =	swait.ge [sflag:s26], $0x3E80  }
0xb8: {  	[sflag:s26] =	ssyncset.done $0x0  }
0xb9: {  	[sflag:s26] =	ssyncadd.s32 $0xFFFFC180  }
0xba: {  	[spmem:s3] =	stream.indirect.scatter.add.f32 [tilespmem:s22], [sflag:$0x4], $0x80, s30, s18, $0xb8;
	[tilespmem:$0x1C880] =	vst v63  }
0xbb: {  	_ =	swait.ge [sflag:s24], $0x3E80  }
0xbc: {  	[sflag:s24] =	ssyncset.done $0x0  }
0xbd: {  	[sflag:s24] =	ssyncadd.s32 $0xFFFFC180  }
0xbe: {  	[tilespmem:s22], [sflag:$0x2] =	stream.indirect.gather [hbm4b:s1+s18], $0x80, s31, s18, $0xb8;
	[tilespmem:$0x1C880] =	vst v63  }
0xbf: {  	_ =	swait.ge [sflag:s23], $0x3E80  }
0xc0: {  	[sflag:s23] =	ssyncset.done $0x0  }
0xc1: {  	[sflag:s23] =	ssyncadd.s32 $0xFFFFC180  }
0xc2: {  	[spmem:s3] =	stream.indirect.scatter.add.f32 [tilespmem:s19], [sflag:$0x4], $0x80, s2, s18, $0xb8;
	[tilespmem:$0x1C880] =	vst v63  }
0xc3: {  	_ =	swait.ge [sflag:s24], $0x3E80  }
0xc4: {  	[sflag:s24] =	ssyncset.done $0x0  }
0xc5: {  	s6 =	simm.s32 @!p2 $0x3;
	[sflag:s24] =	ssyncadd.s32 $0xFFFFC180  }
0xc6: {  	_ =	swait.ge @!p2 [sflag:s6], $0x400  }
0xc7: {  	[sflag:s6] =	ssyncset.done @!p2 $0x0  }
0xc8: {  	[sflag:s6] =	ssyncadd.s32 @!p2 $0xFFFFFC00  }
0xc9: {  	_ =	swait.ge @!p2 [sflag:s6], $0x400  }
0xca: {  	[sflag:s6] =	ssyncset.done @!p2 $0x0  }
0xcb: {  	s10 =	simm.s32 @!p2 $0x1000;
	[sflag:s6] =	ssyncadd.s32 @!p2 $0xFFFFFC00;
	s6 =	simm.s32 @!p2 $0x7D  }
0xcc: {  	[tilespmem:s10], [sflag:$0x1] =	stream.indirect.gather @!p2 [hbm4b:s1+s6], $0x80, s9, s6, $0xb8;
	[tilespmem:$0x1C880] =	vst v63  }
0xcd: {  	_ =	swait.ge [sflag:s26], $0x3E80  }
0xce: {  	[sflag:s26] =	ssyncset.done $0x0  }
0xcf: {  	[sflag:s26] =	ssyncadd.s32 $0xFFFFC180  }
0xd0: {  	[spmem:s3] =	stream.indirect.scatter.add.f32 [tilespmem:s22], [sflag:$0x4], $0x80, s0, s18, $0xb8;
	[tilespmem:$0x1C880] =	vst v63  }
0xd1: {  	s9 =	simm.s32 $0x100;
	_ =	swait.ge [sflag:s24], $0x3E80  }
0xd2: {  	s10 =	simm.s32 $0x200;
	s6 =	sadd.s32 $0x100, s12;
	[sflag:s24] =	ssyncset.done $0x0  }
.LBB2_2:
0xd3: {  	s8 =	sadd.s32 $0x80, s6;
	[sflag:s24] =	ssyncadd.s32 $0xFFFFC180  }
0xd4: {  	[tilespmem:s20], [sflag:$0x3] =	stream.linear.gather [hbm4b:s8+s4], $0x400, $0x38;
	[tilespmem:$0x1C880] =	vst v63  }
0xd5: {  	s8 =	sadd.s32 $0xA080, s6  }
0xd6: {  	[tilespmem:s21], [sflag:$0x3] =	stream.linear.gather [hbm4b:s8+s4], $0x400, $0x38;
	[tilespmem:$0x1C880] =	vst v63  }
0xd7: {  	s14 =	rddreg [dreg:$0x4]  }
0xd8: {  	[tilespmem:s22], [sflag:$0x2] =	stream.indirect.gather [hbm4b:s1+s18], $0x80, s14, s18, $0xb8;
	[tilespmem:$0x1C880] =	vst v63  }
0xd9: {  	_ =	swait.ge [sflag:s23], $0x3E80  }
0xda: {  	[sflag:s23] =	ssyncset.done $0x0  }
0xdb: {  	[sflag:s23] =	ssyncadd.s32 $0xFFFFC180  }
0xdc: {  	[spmem:s3] =	stream.indirect.scatter.add.f32 [tilespmem:s19], [sflag:$0x4], $0x80, s13, s18, $0xb8;
	[tilespmem:$0x1C880] =	vst v63  }
0xdd: {  	_ =	swait.ge [sflag:s24], $0x3E80  }
0xde: {  	[sflag:s24] =	ssyncset.done $0x0  }
0xdf: {  	s8 =	rddreg [dreg:$0x5];
	[sflag:s24] =	ssyncadd.s32 $0xFFFFC180  }
0xe0: {  	[tilespmem:s19], [sflag:$0x1] =	stream.indirect.gather [hbm4b:s1+s18], $0x80, s8, s18, $0xb8;
	[tilespmem:$0x1C880] =	vst v63  }
0xe1: {  	_ =	swait.ge [sflag:s26], $0x3E80  }
0xe2: {  	[sflag:s26] =	ssyncset.done $0x0  }
0xe3: {  	s14 =	rddreg [dreg:$0x6];
	[sflag:s26] =	ssyncadd.s32 $0xFFFFC180  }
0xe4: {  	[spmem:s3] =	stream.indirect.scatter.add.f32 [tilespmem:s22], [sflag:$0x4], $0x80, s14, s18, $0xb8;
	[tilespmem:$0x1C880] =	vst v63  }
0xe5: {  	_ =	swait.ge [sflag:s24], $0x3E80  }
0xe6: {  	[sflag:s24] =	ssyncset.done $0x0  }
0xe7: {  	s8 =	rddreg [dreg:$0x7];
	[sflag:s24] =	ssyncadd.s32 $0xFFFFC180  }
0xe8: {  	[tilespmem:s22], [sflag:$0x2] =	stream.indirect.gather [hbm4b:s1+s18], $0x80, s8, s18, $0xb8;
	[tilespmem:$0x1C880] =	vst v63  }
0xe9: {  	_ =	swait.ge [sflag:s23], $0x3E80  }
0xea: {  	[sflag:s23] =	ssyncset.done $0x0  }
0xeb: {  	s14 =	rddreg [dreg:$0x8];
	[sflag:s23] =	ssyncadd.s32 $0xFFFFC180  }
0xec: {  	[spmem:s3] =	stream.indirect.scatter.add.f32 [tilespmem:s19], [sflag:$0x4], $0x80, s14, s18, $0xb8;
	[tilespmem:$0x1C880] =	vst v63  }
0xed: {  	_ =	swait.ge [sflag:s24], $0x3E80  }
0xee: {  	[sflag:s24] =	ssyncset.done $0x0  }
0xef: {  	s8 =	rddreg [dreg:$0x9];
	[sflag:s24] =	ssyncadd.s32 $0xFFFFC180  }
0xf0: {  	[tilespmem:s19], [sflag:$0x1] =	stream.indirect.gather [hbm4b:s1+s18], $0x80, s8, s18, $0xb8;
	[tilespmem:$0x1C880] =	vst v63  }
0xf1: {  	_ =	swait.ge [sflag:s26], $0x3E80  }
0xf2: {  	[sflag:s26] =	ssyncset.done $0x0  }
0xf3: {  	s14 =	rddreg [dreg:$0xa];
	[sflag:s26] =	ssyncadd.s32 $0xFFFFC180  }
0xf4: {  	[spmem:s3] =	stream.indirect.scatter.add.f32 [tilespmem:s22], [sflag:$0x4], $0x80, s14, s18, $0xb8;
	[tilespmem:$0x1C880] =	vst v63  }
0xf5: {  	_ =	swait.ge [sflag:s24], $0x3E80  }
0xf6: {  	[sflag:s24] =	ssyncset.done $0x0  }
0xf7: {  	s8 =	rddreg [dreg:$0xb];
	[sflag:s24] =	ssyncadd.s32 $0xFFFFC180  }
0xf8: {  	[tilespmem:s22], [sflag:$0x2] =	stream.indirect.gather [hbm4b:s1+s18], $0x80, s8, s18, $0xb8;
	[tilespmem:$0x1C880] =	vst v63  }
0xf9: {  	_ =	swait.ge [sflag:s23], $0x3E80  }
0xfa: {  	[sflag:s23] =	ssyncset.done $0x0  }
0xfb: {  	s14 =	rddreg [dreg:$0xc];
	[sflag:s23] =	ssyncadd.s32 $0xFFFFC180  }
0xfc: {  	[spmem:s3] =	stream.indirect.scatter.add.f32 [tilespmem:s19], [sflag:$0x4], $0x80, s14, s18, $0xb8;
	[tilespmem:$0x1C880] =	vst v63  }
0xfd: {  	_ =	swait.ge [sflag:s24], $0x3E80  }
0xfe: {  	[sflag:s24] =	ssyncset.done $0x0  }
0xff: {  	s8 =	rddreg [dreg:$0xd];
	[sflag:s24] =	ssyncadd.s32 $0xFFFFC180  }
0x100: {  	[tilespmem:s19], [sflag:$0x1] =	stream.indirect.gather [hbm4b:s1+s18], $0x80, s8, s18, $0xb8;
	[tilespmem:$0x1C880] =	vst v63  }
0x101: {  	_ =	swait.ge [sflag:s26], $0x3E80  }
0x102: {  	[sflag:s26] =	ssyncset.done $0x0  }
0x103: {  	s14 =	rddreg [dreg:$0xe];
	[sflag:s26] =	ssyncadd.s32 $0xFFFFC180  }
0x104: {  	[spmem:s3] =	stream.indirect.scatter.add.f32 [tilespmem:s22], [sflag:$0x4], $0x80, s14, s18, $0xb8;
	[tilespmem:$0x1C880] =	vst v63  }
0x105: {  	_ =	swait.ge [sflag:s24], $0x3E80  }
0x106: {  	[sflag:s24] =	ssyncset.done $0x0  }
0x107: {  	s8 =	rddreg [dreg:$0xf];
	[sflag:s24] =	ssyncadd.s32 $0xFFFFC180  }
0x108: {  	[tilespmem:s22], [sflag:$0x2] =	stream.indirect.gather [hbm4b:s1+s18], $0x80, s8, s18, $0xb8;
	[tilespmem:$0x1C880] =	vst v63  }
0x109: {  	_ =	swait.ge [sflag:s23], $0x3E80  }
0x10a: {  	[sflag:s23] =	ssyncset.done $0x0  }
0x10b: {  	s14 =	rddreg [dreg:$0x10];
	[sflag:s23] =	ssyncadd.s32 $0xFFFFC180  }
0x10c: {  	[spmem:s3] =	stream.indirect.scatter.add.f32 [tilespmem:s19], [sflag:$0x4], $0x80, s14, s18, $0xb8;
	[tilespmem:$0x1C880] =	vst v63  }
0x10d: {  	_ =	swait.ge [sflag:s24], $0x3E80  }
0x10e: {  	[sflag:s24] =	ssyncset.done $0x0  }
0x10f: {  	[sflag:s24] =	ssyncadd.s32 $0xFFFFC180  }
0x110: {  	_ =	swait.ge [sflag:s17], $0x400  }
0x111: {  	[sflag:s17] =	ssyncset.done $0x0  }
0x112: {  	[sflag:s17] =	ssyncadd.s32 $0xFFFFFC00  }
0x113: {  	_ =	swait.ge [sflag:s17], $0x400  }
0x114: {  	[sflag:s17] =	ssyncset.done $0x0  }
0x115: {  	[sflag:s17] =	ssyncadd.s32 $0xFFFFFC00  }
0x116: {  	[tilespmem:s19], [sflag:$0x1] =	stream.indirect.gather [hbm4b:s1+s18], $0x80, s20, s18, $0xb8;
	[tilespmem:$0x1C880] =	vst v63  }
0x117: {  	_ =	swait.ge [sflag:s26], $0x3E80  }
0x118: {  	[sflag:s26] =	ssyncset.done $0x0  }
0x119: {  	s8 =	rddreg [dreg:$0x11];
	[sflag:s26] =	ssyncadd.s32 $0xFFFFC180  }
0x11a: {  	[spmem:s3] =	stream.indirect.scatter.add.f32 [tilespmem:s22], [sflag:$0x4], $0x80, s8, s18, $0xb8;
	[tilespmem:$0x1C880] =	vst v63  }
0x11b: {  	s11 =	smov.u32 s10;
	p3 =	seq.s32 s9, $0x400;
	_ =	swait.ge [sflag:s24], $0x3E80  }
0x11c: {  	s6 =	sadd.s32 @!p3 s9, s12;
	s9 =	smov.u32 s11;
	[sflag:s24] =	ssyncset.done $0x0  }
0x11d: {  	s11 =	simm.s32 @!p3 $0x0;
	s8 =	sadd.s32 @!p3 $0x100, s6;
	[sflag:s24] =	ssyncadd.s32 $0xFFFFC180  }
0x11e: {  	[tilespmem:s11], [sflag:$0x3] =	stream.linear.gather @!p3 [hbm4b:s8+s11], $0x400, $0x38;
	[tilespmem:$0x1C880] =	vst v63  }
0x11f: {  	s6 =	sadd.s32 @!p3 $0xA100, s6;
	s8 =	simm.s32 @!p3 $0x800  }
0x120: {  	[tilespmem:s8], [sflag:$0x3] =	stream.linear.gather @!p3 [hbm4b:s6+s11], $0x400, $0x38;
	[tilespmem:$0x1C880] =	vst v63  }
0x121: {  	s14 =	rddreg [dreg:$0x12]  }
0x122: {  	[tilespmem:s22], [sflag:$0x2] =	stream.indirect.gather [hbm4b:s1+s18], $0x80, s14, s18, $0xb8;
	[tilespmem:$0x1C880] =	vst v63  }
0x123: {  	_ =	swait.ge [sflag:s23], $0x3E80  }
0x124: {  	[sflag:s23] =	ssyncset.done $0x0  }
0x125: {  	[sflag:s23] =	ssyncadd.s32 $0xFFFFC180  }
0x126: {  	[spmem:s3] =	stream.indirect.scatter.add.f32 [tilespmem:s19], [sflag:$0x4], $0x80, s21, s18, $0xb8;
	[tilespmem:$0x1C880] =	vst v63  }
0x127: {  	_ =	swait.ge [sflag:s24], $0x3E80  }
0x128: {  	[sflag:s24] =	ssyncset.done $0x0  }
0x129: {  	s14 =	rddreg [dreg:$0x13];
	[sflag:s24] =	ssyncadd.s32 $0xFFFFC180  }
0x12a: {  	[tilespmem:s19], [sflag:$0x1] =	stream.indirect.gather [hbm4b:s1+s18], $0x80, s14, s18, $0xb8;
	[tilespmem:$0x1C880] =	vst v63  }
0x12b: {  	_ =	swait.ge [sflag:s26], $0x3E80  }
0x12c: {  	[sflag:s26] =	ssyncset.done $0x0  }
0x12d: {  	s8 =	rddreg [dreg:$0x14];
	[sflag:s26] =	ssyncadd.s32 $0xFFFFC180  }
0x12e: {  	[spmem:s3] =	stream.indirect.scatter.add.f32 [tilespmem:s22], [sflag:$0x4], $0x80, s8, s18, $0xb8;
	[tilespmem:$0x1C880] =	vst v63  }
0x12f: {  	_ =	swait.ge [sflag:s24], $0x3E80  }
0x130: {  	[sflag:s24] =	ssyncset.done $0x0  }
0x131: {  	s14 =	rddreg [dreg:$0x15];
	[sflag:s24] =	ssyncadd.s32 $0xFFFFC180  }
0x132: {  	[tilespmem:s22], [sflag:$0x2] =	stream.indirect.gather [hbm4b:s1+s18], $0x80, s14, s18, $0xb8;
	[tilespmem:$0x1C880] =	vst v63  }
0x133: {  	_ =	swait.ge [sflag:s23], $0x3E80  }
0x134: {  	[sflag:s23] =	ssyncset.done $0x0  }
0x135: {  	s8 =	rddreg [dreg:$0x16];
	[sflag:s23] =	ssyncadd.s32 $0xFFFFC180  }
0x136: {  	[spmem:s3] =	stream.indirect.scatter.add.f32 [tilespmem:s19], [sflag:$0x4], $0x80, s8, s18, $0xb8;
	[tilespmem:$0x1C880] =	vst v63  }
0x137: {  	_ =	swait.ge [sflag:s24], $0x3E80  }
0x138: {  	[sflag:s24] =	ssyncset.done $0x0  }
0x139: {  	s14 =	rddreg [dreg:$0x17];
	[sflag:s24] =	ssyncadd.s32 $0xFFFFC180  }
0x13a: {  	[tilespmem:s19], [sflag:$0x1] =	stream.indirect.gather [hbm4b:s1+s18], $0x80, s14, s18, $0xb8;
	[tilespmem:$0x1C880] =	vst v63  }
0x13b: {  	_ =	swait.ge [sflag:s26], $0x3E80  }
0x13c: {  	[sflag:s26] =	ssyncset.done $0x0  }
0x13d: {  	s8 =	rddreg [dreg:$0x18];
	[sflag:s26] =	ssyncadd.s32 $0xFFFFC180  }
0x13e: {  	[spmem:s3] =	stream.indirect.scatter.add.f32 [tilespmem:s22], [sflag:$0x4], $0x80, s8, s18, $0xb8;
	[tilespmem:$0x1C880] =	vst v63  }
0x13f: {  	_ =	swait.ge [sflag:s24], $0x3E80  }
0x140: {  	[sflag:s24] =	ssyncset.done $0x0  }
0x141: {  	s14 =	rddreg [dreg:$0x19];
	[sflag:s24] =	ssyncadd.s32 $0xFFFFC180  }
0x142: {  	[tilespmem:s22], [sflag:$0x2] =	stream.indirect.gather [hbm4b:s1+s18], $0x80, s14, s18, $0xb8;
	[tilespmem:$0x1C880] =	vst v63  }
0x143: {  	_ =	swait.ge [sflag:s23], $0x3E80  }
0x144: {  	[sflag:s23] =	ssyncset.done $0x0  }
0x145: {  	[sflag:s23] =	ssyncadd.s32 $0xFFFFC180  }
0x146: {  	[spmem:s3] =	stream.indirect.scatter.add.f32 [tilespmem:s19], [sflag:$0x4], $0x80, s28, s18, $0xb8;
	[tilespmem:$0x1C880] =	vst v63  }
0x147: {  	_ =	swait.ge [sflag:s24], $0x3E80  }
0x148: {  	[sflag:s24] =	ssyncset.done $0x0  }
0x149: {  	[sflag:s24] =	ssyncadd.s32 $0xFFFFC180  }
0x14a: {  	[tilespmem:s19], [sflag:$0x1] =	stream.indirect.gather [hbm4b:s1+s18], $0x80, s29, s18, $0xb8;
	[tilespmem:$0x1C880] =	vst v63  }
0x14b: {  	_ =	swait.ge [sflag:s26], $0x3E80  }
0x14c: {  	[sflag:s26] =	ssyncset.done $0x0  }
0x14d: {  	[sflag:s26] =	ssyncadd.s32 $0xFFFFC180  }
0x14e: {  	[spmem:s3] =	stream.indirect.scatter.add.f32 [tilespmem:s22], [sflag:$0x4], $0x80, s30, s18, $0xb8;
	[tilespmem:$0x1C880] =	vst v63  }
0x14f: {  	_ =	swait.ge [sflag:s24], $0x3E80  }
0x150: {  	[sflag:s24] =	ssyncset.done $0x0  }
0x151: {  	[sflag:s24] =	ssyncadd.s32 $0xFFFFC180  }
0x152: {  	[tilespmem:s22], [sflag:$0x2] =	stream.indirect.gather [hbm4b:s1+s18], $0x80, s31, s18, $0xb8;
	[tilespmem:$0x1C880] =	vst v63  }
0x153: {  	_ =	swait.ge [sflag:s23], $0x3E80  }
0x154: {  	[sflag:s23] =	ssyncset.done $0x0  }
0x155: {  	[sflag:s23] =	ssyncadd.s32 $0xFFFFC180  }
0x156: {  	[spmem:s3] =	stream.indirect.scatter.add.f32 [tilespmem:s19], [sflag:$0x4], $0x80, s2, s18, $0xb8;
	[tilespmem:$0x1C880] =	vst v63  }
0x157: {  	_ =	swait.ge [sflag:s24], $0x3E80  }
0x158: {  	[sflag:s24] =	ssyncset.done $0x0  }
0x159: {  	s6 =	simm.s32 @!p3 $0x3;
	[sflag:s24] =	ssyncadd.s32 $0xFFFFC180  }
0x15a: {  	_ =	swait.ge @!p3 [sflag:s6], $0x400  }
0x15b: {  	[sflag:s6] =	ssyncset.done @!p3 $0x0  }
0x15c: {  	[sflag:s6] =	ssyncadd.s32 @!p3 $0xFFFFFC00  }
0x15d: {  	_ =	swait.ge @!p3 [sflag:s6], $0x400  }
0x15e: {  	s10 =	sadd.s32 $0x100, s10;
	[sflag:s6] =	ssyncset.done @!p3 $0x0  }
0x15f: {  	s8 =	simm.s32 @!p3 $0x1000;
	[sflag:s6] =	ssyncadd.s32 @!p3 $0xFFFFFC00;
	s6 =	simm.s32 @!p3 $0x7D  }
0x160: {  	[tilespmem:s8], [sflag:$0x1] =	stream.indirect.gather @!p3 [hbm4b:s1+s6], $0x80, s11, s6, $0xb8;
	[tilespmem:$0x1C880] =	vst v63  }
0x161: {  	p2 =	sne.s32 s10, $0x500;
	_ =	swait.ge [sflag:s26], $0x3E80  }
.Ltmp0:
0x162: {  	[sflag:s26] =	ssyncset.done $0x0;
	(pc) =	sbr.rel @p2 .LBB2_2-.Ltmp0, $4  }
0x163: {  	[sflag:s26] =	ssyncadd.s32 $0xFFFFC180  }
0x164: {  	[spmem:s3] =	stream.indirect.scatter.add.f32 [tilespmem:s22], [sflag:$0x4], $0x80, s0, s18, $0xb8;
	[tilespmem:$0x1C880] =	vst v63  }
0x165: {  	_ =	swait.ge [sflag:s24], $0x3E80  }
0x166: {  	s6 =	sadd.s32 s9, s12;
	[sflag:s24] =	ssyncset.done $0x0  }
0x167: {  	s8 =	sadd.s32 $0x80, s6;
	[sflag:s24] =	ssyncadd.s32 $0xFFFFC180  }
0x168: {  	[tilespmem:s20], [sflag:$0x3] =	stream.linear.gather [hbm4b:s8+s4], $0x400, $0x38;
	[tilespmem:$0x1C880] =	vst v63  }
0x169: {  	s11 =	sadd.s32 $0xA080, s6  }
0x16a: {  	[tilespmem:s21], [sflag:$0x3] =	stream.linear.gather [hbm4b:s11+s4], $0x400, $0x38;
	[tilespmem:$0x1C880] =	vst v63  }
0x16b: {  	s14 =	rddreg [dreg:$0x4]  }
0x16c: {  	[tilespmem:s22], [sflag:$0x2] =	stream.indirect.gather [hbm4b:s1+s18], $0x80, s14, s18, $0xb8;
	[tilespmem:$0x1C880] =	vst v63  }
0x16d: {  	_ =	swait.ge [sflag:s23], $0x3E80  }
0x16e: {  	[sflag:s23] =	ssyncset.done $0x0  }
0x16f: {  	[sflag:s23] =	ssyncadd.s32 $0xFFFFC180  }
0x170: {  	[spmem:s3] =	stream.indirect.scatter.add.f32 [tilespmem:s19], [sflag:$0x4], $0x80, s13, s18, $0xb8;
	[tilespmem:$0x1C880] =	vst v63  }
0x171: {  	_ =	swait.ge [sflag:s24], $0x3E80  }
0x172: {  	[sflag:s24] =	ssyncset.done $0x0  }
0x173: {  	s10 =	rddreg [dreg:$0x5];
	[sflag:s24] =	ssyncadd.s32 $0xFFFFC180  }
0x174: {  	[tilespmem:s19], [sflag:$0x1] =	stream.indirect.gather [hbm4b:s1+s18], $0x80, s10, s18, $0xb8;
	[tilespmem:$0x1C880] =	vst v63  }
0x175: {  	_ =	swait.ge [sflag:s26], $0x3E80  }
0x176: {  	[sflag:s26] =	ssyncset.done $0x0  }
0x177: {  	s11 =	rddreg [dreg:$0x6];
	[sflag:s26] =	ssyncadd.s32 $0xFFFFC180  }
0x178: {  	[spmem:s3] =	stream.indirect.scatter.add.f32 [tilespmem:s22], [sflag:$0x4], $0x80, s11, s18, $0xb8;
	[tilespmem:$0x1C880] =	vst v63  }
0x179: {  	_ =	swait.ge [sflag:s24], $0x3E80  }
0x17a: {  	[sflag:s24] =	ssyncset.done $0x0  }
0x17b: {  	s14 =	rddreg [dreg:$0x7];
	[sflag:s24] =	ssyncadd.s32 $0xFFFFC180  }
0x17c: {  	[tilespmem:s22], [sflag:$0x2] =	stream.indirect.gather [hbm4b:s1+s18], $0x80, s14, s18, $0xb8;
	[tilespmem:$0x1C880] =	vst v63  }
0x17d: {  	_ =	swait.ge [sflag:s23], $0x3E80  }
0x17e: {  	[sflag:s23] =	ssyncset.done $0x0  }
0x17f: {  	s8 =	rddreg [dreg:$0x8];
	[sflag:s23] =	ssyncadd.s32 $0xFFFFC180  }
0x180: {  	[spmem:s3] =	stream.indirect.scatter.add.f32 [tilespmem:s19], [sflag:$0x4], $0x80, s8, s18, $0xb8;
	[tilespmem:$0x1C880] =	vst v63  }
0x181: {  	_ =	swait.ge [sflag:s24], $0x3E80  }
0x182: {  	[sflag:s24] =	ssyncset.done $0x0  }
0x183: {  	s10 =	rddreg [dreg:$0x9];
	[sflag:s24] =	ssyncadd.s32 $0xFFFFC180  }
0x184: {  	[tilespmem:s19], [sflag:$0x1] =	stream.indirect.gather [hbm4b:s1+s18], $0x80, s10, s18, $0xb8;
	[tilespmem:$0x1C880] =	vst v63  }
0x185: {  	_ =	swait.ge [sflag:s26], $0x3E80  }
0x186: {  	[sflag:s26] =	ssyncset.done $0x0  }
0x187: {  	s11 =	rddreg [dreg:$0xa];
	[sflag:s26] =	ssyncadd.s32 $0xFFFFC180  }
0x188: {  	[spmem:s3] =	stream.indirect.scatter.add.f32 [tilespmem:s22], [sflag:$0x4], $0x80, s11, s18, $0xb8;
	[tilespmem:$0x1C880] =	vst v63  }
0x189: {  	_ =	swait.ge [sflag:s24], $0x3E80  }
0x18a: {  	[sflag:s24] =	ssyncset.done $0x0  }
0x18b: {  	s14 =	rddreg [dreg:$0xb];
	[sflag:s24] =	ssyncadd.s32 $0xFFFFC180  }
0x18c: {  	[tilespmem:s22], [sflag:$0x2] =	stream.indirect.gather [hbm4b:s1+s18], $0x80, s14, s18, $0xb8;
	[tilespmem:$0x1C880] =	vst v63  }
0x18d: {  	_ =	swait.ge [sflag:s23], $0x3E80  }
0x18e: {  	[sflag:s23] =	ssyncset.done $0x0  }
0x18f: {  	s8 =	rddreg [dreg:$0xc];
	[sflag:s23] =	ssyncadd.s32 $0xFFFFC180  }
0x190: {  	[spmem:s3] =	stream.indirect.scatter.add.f32 [tilespmem:s19], [sflag:$0x4], $0x80, s8, s18, $0xb8;
	[tilespmem:$0x1C880] =	vst v63  }
0x191: {  	_ =	swait.ge [sflag:s24], $0x3E80  }
0x192: {  	[sflag:s24] =	ssyncset.done $0x0  }
0x193: {  	s10 =	rddreg [dreg:$0xd];
	[sflag:s24] =	ssyncadd.s32 $0xFFFFC180  }
0x194: {  	[tilespmem:s19], [sflag:$0x1] =	stream.indirect.gather [hbm4b:s1+s18], $0x80, s10, s18, $0xb8;
	[tilespmem:$0x1C880] =	vst v63  }
0x195: {  	_ =	swait.ge [sflag:s26], $0x3E80  }
0x196: {  	[sflag:s26] =	ssyncset.done $0x0  }
0x197: {  	s11 =	rddreg [dreg:$0xe];
	[sflag:s26] =	ssyncadd.s32 $0xFFFFC180  }
0x198: {  	[spmem:s3] =	stream.indirect.scatter.add.f32 [tilespmem:s22], [sflag:$0x4], $0x80, s11, s18, $0xb8;
	[tilespmem:$0x1C880] =	vst v63  }
0x199: {  	_ =	swait.ge [sflag:s24], $0x3E80  }
0x19a: {  	[sflag:s24] =	ssyncset.done $0x0  }
0x19b: {  	s14 =	rddreg [dreg:$0xf];
	[sflag:s24] =	ssyncadd.s32 $0xFFFFC180  }
0x19c: {  	[tilespmem:s22], [sflag:$0x2] =	stream.indirect.gather [hbm4b:s1+s18], $0x80, s14, s18, $0xb8;
	[tilespmem:$0x1C880] =	vst v63  }
0x19d: {  	_ =	swait.ge [sflag:s23], $0x3E80  }
0x19e: {  	[sflag:s23] =	ssyncset.done $0x0  }
0x19f: {  	s8 =	rddreg [dreg:$0x10];
	[sflag:s23] =	ssyncadd.s32 $0xFFFFC180  }
0x1a0: {  	[spmem:s3] =	stream.indirect.scatter.add.f32 [tilespmem:s19], [sflag:$0x4], $0x80, s8, s18, $0xb8;
	[tilespmem:$0x1C880] =	vst v63  }
0x1a1: {  	_ =	swait.ge [sflag:s24], $0x3E80  }
0x1a2: {  	[sflag:s24] =	ssyncset.done $0x0  }
0x1a3: {  	[sflag:s24] =	ssyncadd.s32 $0xFFFFC180  }
0x1a4: {  	_ =	swait.ge [sflag:s17], $0x400  }
0x1a5: {  	[sflag:s17] =	ssyncset.done $0x0  }
0x1a6: {  	[sflag:s17] =	ssyncadd.s32 $0xFFFFFC00  }
0x1a7: {  	_ =	swait.ge [sflag:s17], $0x400  }
0x1a8: {  	[sflag:s17] =	ssyncset.done $0x0  }
0x1a9: {  	[sflag:s17] =	ssyncadd.s32 $0xFFFFFC00  }
0x1aa: {  	[tilespmem:s19], [sflag:$0x1] =	stream.indirect.gather [hbm4b:s1+s18], $0x80, s20, s18, $0xb8;
	[tilespmem:$0x1C880] =	vst v63  }
0x1ab: {  	_ =	swait.ge [sflag:s26], $0x3E80  }
0x1ac: {  	[sflag:s26] =	ssyncset.done $0x0  }
0x1ad: {  	s10 =	rddreg [dreg:$0x11];
	[sflag:s26] =	ssyncadd.s32 $0xFFFFC180  }
0x1ae: {  	[spmem:s3] =	stream.indirect.scatter.add.f32 [tilespmem:s22], [sflag:$0x4], $0x80, s10, s18, $0xb8;
	[tilespmem:$0x1C880] =	vst v63  }
0x1af: {  	p2 =	seq.s32 s9, $0x400;
	_ =	swait.ge [sflag:s24], $0x3E80  }
0x1b0: {  	s6 =	sadd.s32 @!p2 s9, s12;
	[sflag:s24] =	ssyncset.done $0x0  }
0x1b1: {  	s9 =	simm.s32 @!p2 $0x0;
	s8 =	sadd.s32 @!p2 $0x100, s6;
	[sflag:s24] =	ssyncadd.s32 $0xFFFFC180  }
0x1b2: {  	[tilespmem:s9], [sflag:$0x3] =	stream.linear.gather @!p2 [hbm4b:s8+s9], $0x400, $0x38;
	[tilespmem:$0x1C880] =	vst v63  }
0x1b3: {  	s6 =	sadd.s32 @!p2 $0xA100, s6;
	s8 =	simm.s32 @!p2 $0x800  }
0x1b4: {  	[tilespmem:s8], [sflag:$0x3] =	stream.linear.gather @!p2 [hbm4b:s6+s9], $0x400, $0x38;
	[tilespmem:$0x1C880] =	vst v63  }
0x1b5: {  	s10 =	rddreg [dreg:$0x12]  }
0x1b6: {  	[tilespmem:s22], [sflag:$0x2] =	stream.indirect.gather [hbm4b:s1+s18], $0x80, s10, s18, $0xb8;
	[tilespmem:$0x1C880] =	vst v63  }
0x1b7: {  	_ =	swait.ge [sflag:s23], $0x3E80  }
0x1b8: {  	[sflag:s23] =	ssyncset.done $0x0  }
0x1b9: {  	[sflag:s23] =	ssyncadd.s32 $0xFFFFC180  }
0x1ba: {  	[spmem:s3] =	stream.indirect.scatter.add.f32 [tilespmem:s19], [sflag:$0x4], $0x80, s21, s18, $0xb8;
	[tilespmem:$0x1C880] =	vst v63  }
0x1bb: {  	_ =	swait.ge [sflag:s24], $0x3E80  }
0x1bc: {  	[sflag:s24] =	ssyncset.done $0x0  }
0x1bd: {  	s11 =	rddreg [dreg:$0x13];
	[sflag:s24] =	ssyncadd.s32 $0xFFFFC180  }
0x1be: {  	[tilespmem:s19], [sflag:$0x1] =	stream.indirect.gather [hbm4b:s1+s18], $0x80, s11, s18, $0xb8;
	[tilespmem:$0x1C880] =	vst v63  }
0x1bf: {  	_ =	swait.ge [sflag:s26], $0x3E80  }
0x1c0: {  	[sflag:s26] =	ssyncset.done $0x0  }
0x1c1: {  	s14 =	rddreg [dreg:$0x14];
	[sflag:s26] =	ssyncadd.s32 $0xFFFFC180  }
0x1c2: {  	[spmem:s3] =	stream.indirect.scatter.add.f32 [tilespmem:s22], [sflag:$0x4], $0x80, s14, s18, $0xb8;
	[tilespmem:$0x1C880] =	vst v63  }
0x1c3: {  	_ =	swait.ge [sflag:s24], $0x3E80  }
0x1c4: {  	[sflag:s24] =	ssyncset.done $0x0  }
0x1c5: {  	s8 =	rddreg [dreg:$0x15];
	[sflag:s24] =	ssyncadd.s32 $0xFFFFC180  }
0x1c6: {  	[tilespmem:s22], [sflag:$0x2] =	stream.indirect.gather [hbm4b:s1+s18], $0x80, s8, s18, $0xb8;
	[tilespmem:$0x1C880] =	vst v63  }
0x1c7: {  	_ =	swait.ge [sflag:s23], $0x3E80  }
0x1c8: {  	[sflag:s23] =	ssyncset.done $0x0  }
0x1c9: {  	s10 =	rddreg [dreg:$0x16];
	[sflag:s23] =	ssyncadd.s32 $0xFFFFC180  }
0x1ca: {  	[spmem:s3] =	stream.indirect.scatter.add.f32 [tilespmem:s19], [sflag:$0x4], $0x80, s10, s18, $0xb8;
	[tilespmem:$0x1C880] =	vst v63  }
0x1cb: {  	_ =	swait.ge [sflag:s24], $0x3E80  }
0x1cc: {  	[sflag:s24] =	ssyncset.done $0x0  }
0x1cd: {  	s11 =	rddreg [dreg:$0x17];
	[sflag:s24] =	ssyncadd.s32 $0xFFFFC180  }
0x1ce: {  	[tilespmem:s19], [sflag:$0x1] =	stream.indirect.gather [hbm4b:s1+s18], $0x80, s11, s18, $0xb8;
	[tilespmem:$0x1C880] =	vst v63  }
0x1cf: {  	_ =	swait.ge [sflag:s26], $0x3E80  }
0x1d0: {  	[sflag:s26] =	ssyncset.done $0x0  }
0x1d1: {  	s14 =	rddreg [dreg:$0x18];
	[sflag:s26] =	ssyncadd.s32 $0xFFFFC180  }
0x1d2: {  	[spmem:s3] =	stream.indirect.scatter.add.f32 [tilespmem:s22], [sflag:$0x4], $0x80, s14, s18, $0xb8;
	[tilespmem:$0x1C880] =	vst v63  }
0x1d3: {  	_ =	swait.ge [sflag:s24], $0x3E80  }
0x1d4: {  	[sflag:s24] =	ssyncset.done $0x0  }
0x1d5: {  	s8 =	rddreg [dreg:$0x19];
	[sflag:s24] =	ssyncadd.s32 $0xFFFFC180  }
0x1d6: {  	[tilespmem:s22], [sflag:$0x2] =	stream.indirect.gather [hbm4b:s1+s18], $0x80, s8, s18, $0xb8;
	[tilespmem:$0x1C880] =	vst v63  }
0x1d7: {  	_ =	swait.ge [sflag:s23], $0x3E80  }
0x1d8: {  	[sflag:s23] =	ssyncset.done $0x0  }
0x1d9: {  	[sflag:s23] =	ssyncadd.s32 $0xFFFFC180  }
0x1da: {  	[spmem:s3] =	stream.indirect.scatter.add.f32 [tilespmem:s19], [sflag:$0x4], $0x80, s28, s18, $0xb8;
	[tilespmem:$0x1C880] =	vst v63  }
0x1db: {  	_ =	swait.ge [sflag:s24], $0x3E80  }
0x1dc: {  	[sflag:s24] =	ssyncset.done $0x0  }
0x1dd: {  	[sflag:s24] =	ssyncadd.s32 $0xFFFFC180  }
0x1de: {  	[tilespmem:s19], [sflag:$0x1] =	stream.indirect.gather [hbm4b:s1+s18], $0x80, s29, s18, $0xb8;
	[tilespmem:$0x1C880] =	vst v63  }
0x1df: {  	_ =	swait.ge [sflag:s26], $0x3E80  }
0x1e0: {  	[sflag:s26] =	ssyncset.done $0x0  }
0x1e1: {  	[sflag:s26] =	ssyncadd.s32 $0xFFFFC180  }
0x1e2: {  	[spmem:s3] =	stream.indirect.scatter.add.f32 [tilespmem:s22], [sflag:$0x4], $0x80, s30, s18, $0xb8;
	[tilespmem:$0x1C880] =	vst v63  }
0x1e3: {  	_ =	swait.ge [sflag:s24], $0x3E80  }
0x1e4: {  	[sflag:s24] =	ssyncset.done $0x0  }
0x1e5: {  	[sflag:s24] =	ssyncadd.s32 $0xFFFFC180  }
0x1e6: {  	[tilespmem:s22], [sflag:$0x2] =	stream.indirect.gather [hbm4b:s1+s18], $0x80, s31, s18, $0xb8;
	[tilespmem:$0x1C880] =	vst v63  }
0x1e7: {  	_ =	swait.ge [sflag:s23], $0x3E80  }
0x1e8: {  	[sflag:s23] =	ssyncset.done $0x0  }
0x1e9: {  	[sflag:s23] =	ssyncadd.s32 $0xFFFFC180  }
0x1ea: {  	[spmem:s3] =	stream.indirect.scatter.add.f32 [tilespmem:s19], [sflag:$0x4], $0x80, s2, s18, $0xb8;
	[tilespmem:$0x1C880] =	vst v63  }
0x1eb: {  	_ =	swait.ge [sflag:s24], $0x3E80  }
0x1ec: {  	[sflag:s24] =	ssyncset.done $0x0  }
0x1ed: {  	s6 =	simm.s32 @!p2 $0x3;
	[sflag:s24] =	ssyncadd.s32 $0xFFFFC180  }
0x1ee: {  	_ =	swait.ge @!p2 [sflag:s6], $0x400  }
0x1ef: {  	[sflag:s6] =	ssyncset.done @!p2 $0x0  }
0x1f0: {  	[sflag:s6] =	ssyncadd.s32 @!p2 $0xFFFFFC00  }
0x1f1: {  	_ =	swait.ge @!p2 [sflag:s6], $0x400  }
0x1f2: {  	[sflag:s6] =	ssyncset.done @!p2 $0x0  }
0x1f3: {  	s8 =	simm.s32 @!p2 $0x1000;
	[sflag:s6] =	ssyncadd.s32 @!p2 $0xFFFFFC00;
	s6 =	simm.s32 @!p2 $0x7D  }
0x1f4: {  	[tilespmem:s8], [sflag:$0x1] =	stream.indirect.gather @!p2 [hbm4b:s1+s6], $0x80, s9, s6, $0xb8;
	[tilespmem:$0x1C880] =	vst v63  }
0x1f5: {  	_ =	swait.ge [sflag:s26], $0x3E80  }
0x1f6: {  	[sflag:s26] =	ssyncset.done $0x0  }
0x1f7: {  	[sflag:s26] =	ssyncadd.s32 $0xFFFFC180  }
0x1f8: {  	[spmem:s3] =	stream.indirect.scatter.add.f32 [tilespmem:s22], [sflag:$0x4], $0x80, s0, s18, $0xb8;
	[tilespmem:$0x1C880] =	vst v63  }
0x1f9: {  	_ =	swait.ge [sflag:s24], $0x3E80  }
0x1fa: {  	[sflag:s24] =	ssyncset.done $0x0  }
0x1fb: {  	s9 =	stileid.u32;
	[sflag:s24] =	ssyncadd.s32 $0xFFFFC180  }
0x1fc: {  	s6 =	sshll.u32 s9, $0x6;
	[bflag:$0x0] =	sbarrier.arrive $0xFFFF  }
0x1fd: {  	s10 =	sshrl.u32 s15, $0x3;
	s6 =	sor.u32 $0x1C04, s6;
	s11 =	rddreg [dreg:$0x1c]  }
0x1fe: {  	[hbm:s11], [sflag:s6] =	dma.local [spmem:s10], $0x2700  }
0x1ff: {  	_ =	swait.ge [sflag:s24], $0x2700  }
0x200: {  	[sflag:s24] =	ssyncset.done $0x0  }
0x201: {  	s8 =	rddreg [dreg:$0x1d];
	[sflag:s24] =	ssyncadd.s32 $0xFFFFD900  }
0x202: {  	[hbm:s8], [sflag:s6] =	dma.local @!p1 [spmem:s25], $0x100  }
0x203: {  	s6 =	simm.s32 @!p1 $0x4  }
0x204: {  	_ =	swait.ge @!p1 [sflag:s6], $0x100  }
0x205: {  	s7 =	sadd.s32 $0x1, s7;
	s14 =	rddreg [dreg:$0x1e]  }
0x206: {  	p2 =	sne.s32 s7, s14  }
.Ltmp1:
0x207: {  	_ = 	snop;
	(pc) =	sbr.rel @p2 .LBB2_1-.Ltmp1, $3  }
0x208: {  	_ =	sdelay $0x1  }
0x209: {  	[sflag:s6] =	ssyncset.done @!p1 $0x0  }
0x20a: {  	[sflag:s6] =	ssyncadd.s32 @!p1 $0xFFFFFF00  }
0x20b: {  	_ =	sfence.sel $0x180000  }
0x20c: {  	[bflag:$0x0] =	sbarrier.arrive $0xFFFF  }
0x20d: {  	_ =	strace $0x9000004A  }
0x20e: {  	s0 =	stileid.u32;
	[bflag:$0x2] =	sbarrier.arrive $0xFFFF  }
0x20f: {  	p0 =	sne.s32 s0, $0x0;
	s0 =	rddreg [dreg:$0x3]  }
0x210: {  	s0 =	sadd.s32 @!p0 $0x100000, s0  }
0x211: {  	[sflag:s0] =	ssyncadd.tile.s32 @!p0 $0x1;
	_ =	shalt  }
.Lfunc_end2:
_tile_overlayer_lowered:
.L_overlay_start_2:
0x212: {  	(tag) =	ssettag $0x2  }
0x213: {  	s0 =	rddreg [dreg:$0x0];
	s2 =	stileid.u32  }
0x214: {  	s1 =	rddreg [dreg:$0x1];
	p0 =	sne.s32 s2, $0x0  }
0x215: {  	s3 =	rddreg [dreg:$0x2];
	[bflag:$0x3] =	sbarrier.arrive $0xFFFF;
	s2 =	simm.s32 @!p0 $0x1C04  }
0x216: {  	[timem:s3], [sflag:s2] =	dma.local @!p0 [hbm:s0], s1  }
0x217: {  	s0 =	simm.s32 @!p0 $0x4  }
0x218: {  	_ =	swait.ge @!p0 [sflag:s0], s1  }
0x219: {  	s1 =	ssub.s32 @!p0 $0x0, s1;
	[sflag:s0] =	ssyncset.done @!p0 $0x0  }
0x21a: {  	[sflag:s0] =	ssyncadd.s32 @!p0 s1  }
0x21b: {  	[bflag:$0x3] =	sbarrier.arrive $0xFFFF  }
0x21c: {  	_ =	shalt  }

</sc_bundles>
